<compile_context>
chip_gen: v7x
topology: tpu7x:2x2x1
jax: 0.10.2.dev20260603
libtpu: 0.0.44.dev20260713+nightly
codegen_flags: <defaults>
</compile_context>

<pallas_src>
import functools

import jax
import jax.numpy as jnp
from jax import lax
from jax.experimental import pallas as pl
from jax.experimental.pallas import tpu as pltpu
from jax.experimental.pallas import tpu_sc as plsc

N = 10000
E = 320000
F = 128
NC = 2
NS = 16
NW = NC * NS
ACC = 10240
RPT = ACC // NS
CH = 64
TOTCH = 5120
SAFCH = 32
NCH = 160
NPH = 5
CPPB = NCH // NPH
DCH = 128
EPT = 10240
DNCHUNK = EPT // DCH
BR = 1000

_mesh = plsc.VectorSubcoreMesh(core_axis_name="c", subcore_axis_name="s",
                               num_cores=NC, num_subcores=NS)


@functools.partial(
    pl.kernel,
    out_type=jax.ShapeDtypeStruct((NC, ACC), jnp.float32),
    mesh=_mesh,
    scratch_types=[
        pltpu.VMEM((DNCHUNK, DCH), jnp.int32),
        pltpu.VMEM((RPT,), jnp.float32),
        pltpu.VMEM_SHARED((ACC,), jnp.float32),
    ],
)
def _deg_kernel(dst_hbm, out_hbm, dst_v, vals, deg_sh):
    cid = lax.axis_index("c")
    sid = lax.axis_index("s")
    wid = cid * NS + sid
    row0 = pl.multiple_of(sid * RPT, 8)

    def zrow(i, carry):
        vals[pl.ds(i * 16, 16)] = jnp.zeros((16,), jnp.float32)
        return carry

    lax.fori_loop(0, RPT // 16, zrow, 0)
    pltpu.sync_copy(vals, deg_sh.at[pl.ds(row0, RPT)])
    pltpu.sync_copy(dst_hbm.at[wid], dst_v)

    def orow(i, carry):
        vals[pl.ds(i * 16, 16)] = jnp.ones((16,), jnp.float32)
        return carry

    lax.fori_loop(0, DCH // 16, orow, 0)
    plsc.subcore_barrier()

    def chunk(j, carry):
        pltpu.sync_copy(vals.at[pl.ds(0, DCH)], deg_sh.at[dst_v.at[j]], add=True)
        return carry

    lax.fori_loop(0, DNCHUNK, chunk, 0)
    plsc.subcore_barrier()
    pltpu.sync_copy(deg_sh.at[pl.ds(row0, RPT)],
                    out_hbm.at[cid, pl.ds(row0, RPT)])


@functools.partial(
    pl.kernel,
    out_type=jax.ShapeDtypeStruct((NC, ACC, F), jnp.float32),
    mesh=_mesh,
    scratch_types=[
        pltpu.VMEM((CPPB, CH), jnp.int32),
        pltpu.VMEM((CPPB, CH), jnp.int32),
        pltpu.VMEM((CH, F), jnp.float32),
        pltpu.VMEM((CH, F), jnp.float32),
        pltpu.VMEM((CH, F), jnp.float32),
        pltpu.VMEM((CH, F), jnp.float32),
        pltpu.VMEM_SHARED((ACC, F), jnp.float32),
        pltpu.SemaphoreType.DMA,
        pltpu.SemaphoreType.DMA,
        pltpu.SemaphoreType.DMA,
        pltpu.SemaphoreType.DMA,
    ],
)
def _spmv_kernel(x_hbm, src_hbm, dst_hbm, out_hbm,
                 src_v, dst_v, rows_a, rows_b, rows_c, rows_d, acc_sh,
                 sem_a, sem_b, sem_c, sem_d):
    cid = lax.axis_index("c")
    sid = lax.axis_index("s")
    row0 = pl.multiple_of(sid * RPT, 8)

    def zrow(i, carry):
        for l in range(F // 16):
            rows_a[i, pl.ds(l * 16, 16)] = jnp.zeros((16,), jnp.float32)
        return carry

    lax.fori_loop(0, CH, zrow, 0)

    def zcp(k, carry):
        pltpu.sync_copy(
            rows_a, acc_sh.at[pl.ds(pl.multiple_of(row0 + k * CH, 8), CH)])
        return carry

    lax.fori_loop(0, RPT // CH, zcp, 0)
    bufs = [(rows_a, sem_a), (rows_b, sem_b), (rows_c, sem_c), (rows_d, sem_d)]
    plsc.subcore_barrier()

    CPP = NCH // NPH
    wid = cid * NS + sid

    for ph in range(NPH):
        base_ch = wid * NCH + ph * CPP
        pltpu.sync_copy(src_hbm.at[pl.ds(base_ch, CPPB)], src_v)
        pltpu.sync_copy(dst_hbm.at[pl.ds(base_ch, CPPB)], dst_v)
        for k in range(3):
            pltpu.async_copy(x_hbm.at[src_v.at[k]], bufs[k][0], bufs[k][1])

        def quad(g, carry):
            j0 = g * 4
            for k in range(4):
                rows_k, sem_k = bufs[k]
                rows_n, sem_n = bufs[(k + 3) % 4]

                @pl.when(j0 + k + 3 < CPP)
                def _start():
                    pltpu.async_copy(x_hbm.at[src_v.at[j0 + k + 3]],
                                     rows_n, sem_n)

                pltpu.make_async_copy(x_hbm.at[src_v.at[j0 + k]],
                                      rows_k, sem_k).wait()
                pltpu.sync_copy(rows_k, acc_sh.at[dst_v.at[j0 + k]], add=True)
            return carry

        lax.fori_loop(0, CPP // 4, quad, 0)

    plsc.subcore_barrier()
    pltpu.sync_copy(acc_sh.at[pl.ds(row0, RPT)],
                    out_hbm.at[cid, pl.ds(row0, RPT)])


def _prescale_body(deg_ref, feat_ref, y_ref):
    d = deg_ref[:, 0:1] + deg_ref[:, 1:2]
    nrm = lax.rsqrt(jnp.maximum(d, 1.0))
    y_ref[...] = feat_ref[...] * nrm


def _mid_body(deg_ref, g_ref, y_ref):
    d = deg_ref[:, 0:1] + deg_ref[:, 1:2]
    n2 = 1.0 / jnp.maximum(d, 1.0)
    g = g_ref[0] + g_ref[1]
    y_ref[...] = g * n2


def _final_body(deg_ref, feat_ref, y2_ref, g2_ref, w_ref, bias_ref, o_ref):
    d = jnp.maximum(deg_ref[:, 0:1] + deg_ref[:, 1:2], 1.0)
    s = jnp.sqrt(d)
    n = lax.rsqrt(d)
    a = feat_ref[...]
    t1 = -(y2_ref[...] * s)
    t2 = (g2_ref[0] + g2_ref[1]) * n
    w0 = w_ref[0]
    w1 = w_ref[1]
    w2 = w_ref[2]
    acc = jnp.dot(a, w0 - w2, preferred_element_type=jnp.float32)
    acc = acc + jnp.dot(t1, w1, preferred_element_type=jnp.float32)
    acc = acc + jnp.dot(t2, 2.0 * w2, preferred_element_type=jnp.float32)
    o_ref[...] = acc + bias_ref[...]


_GRID = N // BR


def _prescale(deg, feat):
    return pl.pallas_call(
        _prescale_body,
        grid=(_GRID,),
        in_specs=[pl.BlockSpec((BR, NC), lambda i: (i, 0)),
                  pl.BlockSpec((BR, F), lambda i: (i, 0))],
        out_specs=pl.BlockSpec((BR, F), lambda i: (i, 0)),
        out_shape=jax.ShapeDtypeStruct((N, F), jnp.float32),
    )(deg, feat)


def _mid(deg, g1):
    return pl.pallas_call(
        _mid_body,
        grid=(_GRID,),
        in_specs=[pl.BlockSpec((BR, NC), lambda i: (i, 0)),
                  pl.BlockSpec((NC, BR, F), lambda i: (0, i, 0))],
        out_specs=pl.BlockSpec((BR, F), lambda i: (i, 0)),
        out_shape=jax.ShapeDtypeStruct((N, F), jnp.float32),
    )(deg, g1)


def _final(deg, feat, y2, g2, W, bias2d):
    return pl.pallas_call(
        _final_body,
        grid=(_GRID,),
        in_specs=[pl.BlockSpec((BR, NC), lambda i: (i, 0)),
                  pl.BlockSpec((BR, F), lambda i: (i, 0)),
                  pl.BlockSpec((BR, F), lambda i: (i, 0)),
                  pl.BlockSpec((NC, BR, F), lambda i: (0, i, 0)),
                  pl.BlockSpec((3, F, F), lambda i: (0, 0, 0)),
                  pl.BlockSpec((1, F), lambda i: (0, 0))],
        out_specs=pl.BlockSpec((BR, F), lambda i: (i, 0)),
        out_shape=jax.ShapeDtypeStruct((N, F), jnp.float32),
    )(deg, feat, y2, g2, W, bias2d)


@jax.jit
def kernel(feat, edge_index, W, bias):
    src = edge_index[0].astype(jnp.int32)
    dst = edge_index[1].astype(jnp.int32)
    npadded = (TOTCH + SAFCH) * CH
    npad = npadded - E
    pad_iota = jnp.arange(npad, dtype=jnp.int32)
    src_p = jnp.concatenate([src, pad_iota % N]).reshape(TOTCH + SAFCH, CH)
    dst_pad = jnp.concatenate([dst, N + pad_iota % (ACC - N)])
    dst_p = dst_pad.reshape(TOTCH + SAFCH, CH)
    dst_d = dst_pad[:NW * EPT].reshape(NW, DNCHUNK, DCH)

    deg = _deg_kernel(dst_d).T
    y1 = _prescale(deg, feat)
    g1 = _spmv_kernel(y1, src_p, dst_p)
    y2 = _mid(deg, g1)
    g2 = _spmv_kernel(y2, src_p, dst_p)
    return _final(deg, feat, y2, g2, W, bias.reshape(1, F))

# --- scband reference (transcript-rebuilt; emitter-appended) ---
"""Pipeline reference for scband-dgl-cheb-conv-82772609728706 (READ-ONLY COPY).

The authoritative reference and input builder live on the scoring server;
editing this copy changes nothing except your own understanding.
"""

import jax, jax.numpy as jnp
import numpy as np

N_NODES = 10000
N_EDGES = 320000
IN_FEATS = 128
OUT_FEATS = 128
K = 3


def setup_inputs(seed: int = 0) -> dict:
    key = jax.random.key(seed)
    k1, k2, k3, k4 = jax.random.split(key, 4)
    feat = jax.random.normal(k1, (N_NODES, IN_FEATS), dtype=jnp.float32)
    edge_index = jax.random.randint(k2, (2, N_EDGES), 0, N_NODES, dtype=jnp.int64)
    # stacked Linear weights for the K Chebyshev terms, stored as [K, in, out]
    W = jax.random.normal(k3, (K, IN_FEATS, OUT_FEATS), dtype=jnp.float32) * (1.0 / np.sqrt(IN_FEATS))
    bias = jnp.zeros((OUT_FEATS,), dtype=jnp.float32)
    return {"feat": feat, "edge_index": edge_index, "W": W, "bias": bias}


def reference(feat, edge_index, W, bias):
    N = feat.shape[0]
    src = edge_index[0]
    dst = edge_index[1]
    # in-degree based symmetric normalization
    deg = jax.ops.segment_sum(jnp.ones_like(dst, dtype=jnp.float32), dst, num_segments=N)
    norm = jnp.power(jnp.maximum(deg, 1.0), -0.5)
    lam = 2.0  # lambda_max default for normalized Laplacian

    def spmv(x):
        # copy_u -> sum message passing: gather from src, scatter-add to dst
        h_src = (x * norm[:, None])[src]
        agg = jax.ops.segment_sum(h_src, dst, num_segments=N)
        return agg * norm[:, None]

    k = W.shape[0]
    Tx_0 = feat
    rst = Tx_0 @ W[0]
    Tx_1 = Tx_0
    if k > 1:
        h = spmv(Tx_0)
        Tx_1 = -2.0 * h / lam + Tx_0 * (2.0 / lam - 1.0)
        rst = rst + Tx_1 @ W[1]
    for i in range(2, k):
        h = spmv(Tx_1)
        Tx_2 = -4.0 * h / lam + Tx_1 * (4.0 / lam - 2.0) - Tx_0
        rst = rst + Tx_2 @ W[i]
        Tx_1, Tx_0 = Tx_2, Tx_1
    rst = rst + bias
    return rst

if __name__ == "__main__":
    import jax
    _d = setup_inputs()
    print(jax.jit(kernel)(*tuple(_d.values())))

</pallas_src>

<mosaic_0001>
#map = affine_map<(d0, d1) -> (0, 0, 0)>
#map1 = affine_map<(d0, d1) -> (0, 0)>
module attributes {stable_mosaic.version = 14 : i64} {
  func.func @_deg_kernel(%arg0: i32, %arg1: i32, %arg2: memref<32x80x128xi32, #tpu.memory_space<hbm>>, %arg3: memref<2x10240xf32, #tpu.memory_space<hbm>>, %arg4: memref<80x128xi32, #tpu.memory_space<vmem>>, %arg5: memref<640xf32, #tpu.memory_space<vmem>>, %arg6: memref<10240xf32, #tpu.memory_space<vmem_shared>>) attributes {dimension_semantics = [#tpu.dimension_semantics<core_parallel>, #tpu.dimension_semantics<subcore_parallel>], iteration_bounds = array<i64: 2, 16>, scalar_prefetch = 0 : i64, scratch_operands = 3 : i64, tpu.core_type = #tpu.core_type<sc_vector_subcore>, window_params = [{transform_indices = #map}, {transform_indices = #map1}]} {
    %mul3A = arith.constant 16 : i32
    %mul3A_0 = arith.muli %arg0, %mul3A : i32
    %add3A = arith.addi %mul3A_0, %arg1 : i32
    %mul3A_1 = arith.constant 640 : i32
    %mul3A_2 = arith.muli %arg1, %mul3A_1 : i32
    %multiple_of3A = tpu.assume_multiple %mul3A_2, 8 : i32
    %scan3A = arith.constant 0 : i32
    %scan3A_3 = arith.constant 0 : i32
    %scan3A_4 = arith.constant 40 : i32
    %scan3A_5 = arith.addi %scan3A_3, %scan3A_4 : i32
    %scan3A_6 = arith.constant 1 : i32
    scf.for %scan3A_21 = %scan3A_3 to %scan3A_5 step %scan3A_6  : i32 {
      %broadcast_in_dim3A = arith.constant 0.000000e+00 : f32
      %broadcast_in_dim3A_22 = vector.broadcast %broadcast_in_dim3A : f32 to vector<16xf32>
      %mul3A_23 = arith.constant 16 : i32
      %mul3A_24 = arith.muli %scan3A_21, %mul3A_23 : i32
      %swap3A = arith.index_cast %mul3A_24 : i32 to index
      %swap3A_25 = tpu.vector_load %arg5[%swap3A] {strides = array<i32>} : memref<640xf32, #tpu.memory_space<vmem>>, vector<16xf32>,
      %swap3A_26 = vector.shape_cast %swap3A_25 : vector<16xf32> to vector<16xf32>
      %swap3A_27 = vector.shape_cast %broadcast_in_dim3A_22 : vector<16xf32> to vector<16xf32>
      tpu.vector_store %arg5[%swap3A], %swap3A_27 {strides = array<i32>} : memref<640xf32, #tpu.memory_space<vmem>>, vector<16xf32>,
    }
    %scan3A_7 = arith.constant 40 : i32
    "tpu.region"() ({
      %run_scoped3A = tpu.sem_alloc : memref<!tpu.dma_semaphore, #tpu.memory_space<semaphore_mem>>
      %dma_start3A = tpu.memref_slice %arg6[%multiple_of3A] : memref<10240xf32, #tpu.memory_space<vmem_shared>> -> memref<640xf32, #tpu.memory_space<vmem_shared>>
      %dma_start3A_21 = tpu.memref_slice %arg6[%multiple_of3A] : memref<10240xf32, #tpu.memory_space<vmem_shared>> -> memref<640xf32, #tpu.memory_space<vmem_shared>>
      tpu.enqueue_dma source(%arg5 : memref<640xf32, #tpu.memory_space<vmem>>) target(%dma_start3A_21 : memref<640xf32, #tpu.memory_space<vmem_shared>>) target_semaphore(%run_scoped3A : memref<!tpu.dma_semaphore, #tpu.memory_space<semaphore_mem>>)
      %dma_wait3A = tpu.memref_slice %arg6[%multiple_of3A] : memref<10240xf32, #tpu.memory_space<vmem_shared>> -> memref<640xf32, #tpu.memory_space<vmem_shared>>
      %dma_wait3A_22 = tpu.memref_slice %arg6[%multiple_of3A] : memref<10240xf32, #tpu.memory_space<vmem_shared>> -> memref<640xf32, #tpu.memory_space<vmem_shared>>
      tpu.wait_dma2 semaphore(%run_scoped3A : memref<!tpu.dma_semaphore, #tpu.memory_space<semaphore_mem>>) src(%arg5 : memref<640xf32, #tpu.memory_space<vmem>>) dst(%dma_wait3A_22 : memref<640xf32, #tpu.memory_space<vmem_shared>>)
      tpu.yield
    }) : () -> ()
    "tpu.region"() ({
      %run_scoped3A = tpu.sem_alloc : memref<!tpu.dma_semaphore, #tpu.memory_space<semaphore_mem>>
      %dma_start3A = arith.constant 0 : i32
      %dma_start3A_21 = arith.constant 0 : i32
      %dma_start3A_22 = tpu.memref_slice %arg2[%add3A, %dma_start3A, %dma_start3A_21] : memref<32x80x128xi32, #tpu.memory_space<hbm>> -> memref<1x80x128xi32, #tpu.memory_space<hbm>>
      %dma_start3A_23 = tpu.memref_squeeze %dma_start3A_22 : memref<1x80x128xi32, #tpu.memory_space<hbm>> -> memref<80x128xi32, #tpu.memory_space<hbm>>
      %dma_start3A_24 = arith.constant 0 : i32
      %dma_start3A_25 = arith.constant 0 : i32
      %dma_start3A_26 = tpu.memref_slice %arg2[%add3A, %dma_start3A_24, %dma_start3A_25] : memref<32x80x128xi32, #tpu.memory_space<hbm>> -> memref<1x80x128xi32, #tpu.memory_space<hbm>>
      %dma_start3A_27 = tpu.memref_squeeze %dma_start3A_26 : memref<1x80x128xi32, #tpu.memory_space<hbm>> -> memref<80x128xi32, #tpu.memory_space<hbm>>
      tpu.enqueue_dma source(%dma_start3A_27 : memref<80x128xi32, #tpu.memory_space<hbm>>) target(%arg4 : memref<80x128xi32, #tpu.memory_space<vmem>>) target_semaphore(%run_scoped3A : memref<!tpu.dma_semaphore, #tpu.memory_space<semaphore_mem>>)
      %dma_wait3A = arith.constant 0 : i32
      %dma_wait3A_28 = arith.constant 0 : i32
      %dma_wait3A_29 = tpu.memref_slice %arg2[%add3A, %dma_wait3A, %dma_wait3A_28] : memref<32x80x128xi32, #tpu.memory_space<hbm>> -> memref<1x80x128xi32, #tpu.memory_space<hbm>>
      %dma_wait3A_30 = tpu.memref_squeeze %dma_wait3A_29 : memref<1x80x128xi32, #tpu.memory_space<hbm>> -> memref<80x128xi32, #tpu.memory_space<hbm>>
      %dma_wait3A_31 = arith.constant 0 : i32
      %dma_wait3A_32 = arith.constant 0 : i32
      %dma_wait3A_33 = tpu.memref_slice %arg2[%add3A, %dma_wait3A_31, %dma_wait3A_32] : memref<32x80x128xi32, #tpu.memory_space<hbm>> -> memref<1x80x128xi32, #tpu.memory_space<hbm>>
      %dma_wait3A_34 = tpu.memref_squeeze %dma_wait3A_33 : memref<1x80x128xi32, #tpu.memory_space<hbm>> -> memref<80x128xi32, #tpu.memory_space<hbm>>
      tpu.wait_dma2 semaphore(%run_scoped3A : memref<!tpu.dma_semaphore, #tpu.memory_space<semaphore_mem>>) src(%dma_wait3A_34 : memref<80x128xi32, #tpu.memory_space<hbm>>) dst(%arg4 : memref<80x128xi32, #tpu.memory_space<vmem>>)
      tpu.yield
    }) : () -> ()
    %scan3A_8 = arith.constant 0 : i32
    %scan3A_9 = arith.constant 0 : i32
    %scan3A_10 = arith.constant 8 : i32
    %scan3A_11 = arith.addi %scan3A_9, %scan3A_10 : i32
    %scan3A_12 = arith.constant 1 : i32
    scf.for %scan3A_21 = %scan3A_9 to %scan3A_11 step %scan3A_12  : i32 {
      %broadcast_in_dim3A = arith.constant 1.000000e+00 : f32
      %broadcast_in_dim3A_22 = vector.broadcast %broadcast_in_dim3A : f32 to vector<16xf32>
      %mul3A_23 = arith.constant 16 : i32
      %mul3A_24 = arith.muli %scan3A_21, %mul3A_23 : i32
      %swap3A = arith.index_cast %mul3A_24 : i32 to index
      %swap3A_25 = tpu.vector_load %arg5[%swap3A] {strides = array<i32>} : memref<640xf32, #tpu.memory_space<vmem>>, vector<16xf32>,
      %swap3A_26 = vector.shape_cast %swap3A_25 : vector<16xf32> to vector<16xf32>
      %swap3A_27 = vector.shape_cast %broadcast_in_dim3A_22 : vector<16xf32> to vector<16xf32>
      tpu.vector_store %arg5[%swap3A], %swap3A_27 {strides = array<i32>} : memref<640xf32, #tpu.memory_space<vmem>>, vector<16xf32>,
    }
    %scan3A_13 = arith.constant 8 : i32
    %barrier3A = arith.constant 0 : index
    tpu.barrier barrier_id(%barrier3A)
    %scan3A_14 = arith.constant 0 : i32
    %scan3A_15 = arith.constant 0 : i32
    %scan3A_16 = arith.constant 80 : i32
    %scan3A_17 = arith.addi %scan3A_15, %scan3A_16 : i32
    %scan3A_18 = arith.constant 1 : i32
    scf.for %scan3A_21 = %scan3A_15 to %scan3A_17 step %scan3A_18  : i32 {
      "tpu.region"() ({
        %run_scoped3A = tpu.sem_alloc : memref<!tpu.dma_semaphore, #tpu.memory_space<semaphore_mem>>
        %dma_start3A = arith.constant 0 : i32
        %dma_start3A_22 = tpu.memref_slice %arg5[%dma_start3A] : memref<640xf32, #tpu.memory_space<vmem>> -> memref<128xf32, #tpu.memory_space<vmem>>
        %dma_start3A_23 = arith.constant 0 : i32
        %dma_start3A_24 = tpu.memref_slice %arg4[%scan3A_21, %dma_start3A_23] : memref<80x128xi32, #tpu.memory_space<vmem>> -> memref<1x128xi32, #tpu.memory_space<vmem>>
        %dma_start3A_25 = tpu.memref_squeeze %dma_start3A_24 : memref<1x128xi32, #tpu.memory_space<vmem>> -> memref<128xi32, #tpu.memory_space<vmem>>
        %dma_start3A_26 = arith.constant 0 : i32
        %dma_start3A_27 = tpu.memref_slice %arg6[%dma_start3A_26] : memref<10240xf32, #tpu.memory_space<vmem_shared>> -> memref<10240xf32, #tpu.memory_space<vmem_shared>>
        tpu.enqueue_indirect_dma source(%dma_start3A_22 : memref<128xf32, #tpu.memory_space<vmem>>) target(%dma_start3A_27 : memref<10240xf32, #tpu.memory_space<vmem_shared>>) offsets(%dma_start3A_25 : memref<128xi32, #tpu.memory_space<vmem>>) semaphore(%run_scoped3A : memref<!tpu.dma_semaphore, #tpu.memory_space<semaphore_mem>>) {add = true}
        %dma_wait3A = arith.constant 0 : i32
        %dma_wait3A_28 = tpu.memref_slice %arg5[%dma_wait3A] : memref<640xf32, #tpu.memory_space<vmem>> -> memref<128xf32, #tpu.memory_space<vmem>>
        %dma_wait3A_29 = arith.constant 0 : i32
        %dma_wait3A_30 = tpu.memref_slice %arg4[%scan3A_21, %dma_wait3A_29] : memref<80x128xi32, #tpu.memory_space<vmem>> -> memref<1x128xi32, #tpu.memory_space<vmem>>
        %dma_wait3A_31 = tpu.memref_squeeze %dma_wait3A_30 : memref<1x128xi32, #tpu.memory_space<vmem>> -> memref<128xi32, #tpu.memory_space<vmem>>
        %dma_wait3A_32 = arith.constant 0 : i32
        %dma_wait3A_33 = tpu.memref_slice %arg6[%dma_wait3A_32] : memref<10240xf32, #tpu.memory_space<vmem_shared>> -> memref<10240xf32, #tpu.memory_space<vmem_shared>>
        tpu.wait_indirect_dma semaphore(%run_scoped3A : memref<!tpu.dma_semaphore, #tpu.memory_space<semaphore_mem>>) src(%dma_wait3A_28 : memref<128xf32, #tpu.memory_space<vmem>>) dst(%dma_wait3A_33 : memref<10240xf32, #tpu.memory_space<vmem_shared>>)
        tpu.yield
      }) : () -> ()
    }
    %scan3A_19 = arith.constant 80 : i32
    %barrier3A_20 = arith.constant 0 : index
    tpu.barrier barrier_id(%barrier3A_20)
    "tpu.region"() ({
      %run_scoped3A = tpu.sem_alloc : memref<!tpu.dma_semaphore, #tpu.memory_space<semaphore_mem>>
      %dma_start3A = tpu.memref_slice %arg3[%arg0, %multiple_of3A] : memref<2x10240xf32, #tpu.memory_space<hbm>> -> memref<1x640xf32, #tpu.memory_space<hbm>>
      %dma_start3A_21 = tpu.memref_squeeze %dma_start3A : memref<1x640xf32, #tpu.memory_space<hbm>> -> memref<640xf32, #tpu.memory_space<hbm>>
      %dma_start3A_22 = tpu.memref_slice %arg6[%multiple_of3A] : memref<10240xf32, #tpu.memory_space<vmem_shared>> -> memref<640xf32, #tpu.memory_space<vmem_shared>>
      tpu.enqueue_dma source(%dma_start3A_22 : memref<640xf32, #tpu.memory_space<vmem_shared>>) target(%dma_start3A_21 : memref<640xf32, #tpu.memory_space<hbm>>) target_semaphore(%run_scoped3A : memref<!tpu.dma_semaphore, #tpu.memory_space<semaphore_mem>>)
      %dma_wait3A = tpu.memref_slice %arg3[%arg0, %multiple_of3A] : memref<2x10240xf32, #tpu.memory_space<hbm>> -> memref<1x640xf32, #tpu.memory_space<hbm>>
      %dma_wait3A_23 = tpu.memref_squeeze %dma_wait3A : memref<1x640xf32, #tpu.memory_space<hbm>> -> memref<640xf32, #tpu.memory_space<hbm>>
      %dma_wait3A_24 = tpu.memref_slice %arg6[%multiple_of3A] : memref<10240xf32, #tpu.memory_space<vmem_shared>> -> memref<640xf32, #tpu.memory_space<vmem_shared>>
      tpu.wait_dma2 semaphore(%run_scoped3A : memref<!tpu.dma_semaphore, #tpu.memory_space<semaphore_mem>>) src(%dma_wait3A_24 : memref<640xf32, #tpu.memory_space<vmem_shared>>) dst(%dma_wait3A_23 : memref<640xf32, #tpu.memory_space<hbm>>)
      tpu.yield
    }) : () -> ()
    return
  }
}

#map = affine_map<(d0, d1) -> (0, 0)>
#map1 = affine_map<(d0, d1) -> (0, 0, 0)>
module attributes {stable_mosaic.version = 14 : i64} {
  func.func @_spmv_kernel(%arg0: i32, %arg1: i32, %arg2: memref<10000x128xf32, #tpu.memory_space<hbm>>, %arg3: memref<5152x64xi32, #tpu.memory_space<hbm>>, %arg4: memref<5152x64xi32, #tpu.memory_space<hbm>>, %arg5: memref<2x10240x128xf32, #tpu.memory_space<hbm>>, %arg6: memref<32x64xi32, #tpu.memory_space<vmem>>, %arg7: memref<32x64xi32, #tpu.memory_space<vmem>>, %arg8: memref<64x128xf32, #tpu.memory_space<vmem>>, %arg9: memref<64x128xf32, #tpu.memory_space<vmem>>, %arg10: memref<64x128xf32, #tpu.memory_space<vmem>>, %arg11: memref<64x128xf32, #tpu.memory_space<vmem>>, %arg12: memref<10240x128xf32, #tpu.memory_space<vmem_shared>>, %arg13: memref<!tpu.dma_semaphore, #tpu.memory_space<semaphore_mem>>, %arg14: memref<!tpu.dma_semaphore, #tpu.memory_space<semaphore_mem>>, %arg15: memref<!tpu.dma_semaphore, #tpu.memory_space<semaphore_mem>>, %arg16: memref<!tpu.dma_semaphore, #tpu.memory_space<semaphore_mem>>) attributes {dimension_semantics = [#tpu.dimension_semantics<core_parallel>, #tpu.dimension_semantics<subcore_parallel>], iteration_bounds = array<i64: 2, 16>, scalar_prefetch = 0 : i64, scratch_operands = 11 : i64, tpu.core_type = #tpu.core_type<sc_vector_subcore>, window_params = [{transform_indices = #map}, {transform_indices = #map}, {transform_indices = #map}, {transform_indices = #map1}]} {
    %mul3A = arith.constant 640 : i32
    %mul3A_0 = arith.muli %arg1, %mul3A : i32
    %multiple_of3A = tpu.assume_multiple %mul3A_0, 8 : i32
    %scan3A = arith.constant 0 : i32
    %scan3A_1 = arith.constant 0 : i32
    %scan3A_2 = arith.constant 64 : i32
    %scan3A_3 = arith.addi %scan3A_1, %scan3A_2 : i32
    %scan3A_4 = arith.constant 1 : i32
    scf.for %scan3A_169 = %scan3A_1 to %scan3A_3 step %scan3A_4  : i32 {
      %broadcast_in_dim3A = arith.constant 0.000000e+00 : f32
      %broadcast_in_dim3A_170 = vector.broadcast %broadcast_in_dim3A : f32 to vector<16xf32>
      %swap3A = arith.index_cast %scan3A_169 : i32 to index
      %swap3A_171 = arith.constant 0 : index
      %swap3A_172 = tpu.vector_load %arg8[%swap3A, %swap3A_171] {strides = array<i32>} : memref<64x128xf32, #tpu.memory_space<vmem>>, vector<1x16xf32>,
      %swap3A_173 = vector.shape_cast %swap3A_172 : vector<1x16xf32> to vector<16xf32>
      %swap3A_174 = vector.shape_cast %broadcast_in_dim3A_170 : vector<16xf32> to vector<1x16xf32>
      tpu.vector_store %arg8[%swap3A, %swap3A_171], %swap3A_174 {strides = array<i32>} : memref<64x128xf32, #tpu.memory_space<vmem>>, vector<1x16xf32>,
      %broadcast_in_dim3A_175 = arith.constant 0.000000e+00 : f32
      %broadcast_in_dim3A_176 = vector.broadcast %broadcast_in_dim3A_175 : f32 to vector<16xf32>
      %swap3A_177 = arith.index_cast %scan3A_169 : i32 to index
      %swap3A_178 = arith.constant 16 : index
      %swap3A_179 = tpu.vector_load %arg8[%swap3A_177, %swap3A_178] {strides = array<i32>} : memref<64x128xf32, #tpu.memory_space<vmem>>, vector<1x16xf32>,
      %swap3A_180 = vector.shape_cast %swap3A_179 : vector<1x16xf32> to vector<16xf32>
      %swap3A_181 = vector.shape_cast %broadcast_in_dim3A_176 : vector<16xf32> to vector<1x16xf32>
      tpu.vector_store %arg8[%swap3A_177, %swap3A_178], %swap3A_181 {strides = array<i32>} : memref<64x128xf32, #tpu.memory_space<vmem>>, vector<1x16xf32>,
      %broadcast_in_dim3A_182 = arith.constant 0.000000e+00 : f32
      %broadcast_in_dim3A_183 = vector.broadcast %broadcast_in_dim3A_182 : f32 to vector<16xf32>
      %swap3A_184 = arith.index_cast %scan3A_169 : i32 to index
      %swap3A_185 = arith.constant 32 : index
      %swap3A_186 = tpu.vector_load %arg8[%swap3A_184, %swap3A_185] {strides = array<i32>} : memref<64x128xf32, #tpu.memory_space<vmem>>, vector<1x16xf32>,
      %swap3A_187 = vector.shape_cast %swap3A_186 : vector<1x16xf32> to vector<16xf32>
      %swap3A_188 = vector.shape_cast %broadcast_in_dim3A_183 : vector<16xf32> to vector<1x16xf32>
      tpu.vector_store %arg8[%swap3A_184, %swap3A_185], %swap3A_188 {strides = array<i32>} : memref<64x128xf32, #tpu.memory_space<vmem>>, vector<1x16xf32>,
      %broadcast_in_dim3A_189 = arith.constant 0.000000e+00 : f32
      %broadcast_in_dim3A_190 = vector.broadcast %broadcast_in_dim3A_189 : f32 to vector<16xf32>
      %swap3A_191 = arith.index_cast %scan3A_169 : i32 to index
      %swap3A_192 = arith.constant 48 : index
      %swap3A_193 = tpu.vector_load %arg8[%swap3A_191, %swap3A_192] {strides = array<i32>} : memref<64x128xf32, #tpu.memory_space<vmem>>, vector<1x16xf32>,
      %swap3A_194 = vector.shape_cast %swap3A_193 : vector<1x16xf32> to vector<16xf32>
      %swap3A_195 = vector.shape_cast %broadcast_in_dim3A_190 : vector<16xf32> to vector<1x16xf32>
      tpu.vector_store %arg8[%swap3A_191, %swap3A_192], %swap3A_195 {strides = array<i32>} : memref<64x128xf32, #tpu.memory_space<vmem>>, vector<1x16xf32>,
      %broadcast_in_dim3A_196 = arith.constant 0.000000e+00 : f32
      %broadcast_in_dim3A_197 = vector.broadcast %broadcast_in_dim3A_196 : f32 to vector<16xf32>
      %swap3A_198 = arith.index_cast %scan3A_169 : i32 to index
      %swap3A_199 = arith.constant 64 : index
      %swap3A_200 = tpu.vector_load %arg8[%swap3A_198, %swap3A_199] {strides = array<i32>} : memref<64x128xf32, #tpu.memory_space<vmem>>, vector<1x16xf32>,
      %swap3A_201 = vector.shape_cast %swap3A_200 : vector<1x16xf32> to vector<16xf32>
      %swap3A_202 = vector.shape_cast %broadcast_in_dim3A_197 : vector<16xf32> to vector<1x16xf32>
      tpu.vector_store %arg8[%swap3A_198, %swap3A_199], %swap3A_202 {strides = array<i32>} : memref<64x128xf32, #tpu.memory_space<vmem>>, vector<1x16xf32>,
      %broadcast_in_dim3A_203 = arith.constant 0.000000e+00 : f32
      %broadcast_in_dim3A_204 = vector.broadcast %broadcast_in_dim3A_203 : f32 to vector<16xf32>
      %swap3A_205 = arith.index_cast %scan3A_169 : i32 to index
      %swap3A_206 = arith.constant 80 : index
      %swap3A_207 = tpu.vector_load %arg8[%swap3A_205, %swap3A_206] {strides = array<i32>} : memref<64x128xf32, #tpu.memory_space<vmem>>, vector<1x16xf32>,
      %swap3A_208 = vector.shape_cast %swap3A_207 : vector<1x16xf32> to vector<16xf32>
      %swap3A_209 = vector.shape_cast %broadcast_in_dim3A_204 : vector<16xf32> to vector<1x16xf32>
      tpu.vector_store %arg8[%swap3A_205, %swap3A_206], %swap3A_209 {strides = array<i32>} : memref<64x128xf32, #tpu.memory_space<vmem>>, vector<1x16xf32>,
      %broadcast_in_dim3A_210 = arith.constant 0.000000e+00 : f32
      %broadcast_in_dim3A_211 = vector.broadcast %broadcast_in_dim3A_210 : f32 to vector<16xf32>
      %swap3A_212 = arith.index_cast %scan3A_169 : i32 to index
      %swap3A_213 = arith.constant 96 : index
      %swap3A_214 = tpu.vector_load %arg8[%swap3A_212, %swap3A_213] {strides = array<i32>} : memref<64x128xf32, #tpu.memory_space<vmem>>, vector<1x16xf32>,
      %swap3A_215 = vector.shape_cast %swap3A_214 : vector<1x16xf32> to vector<16xf32>
      %swap3A_216 = vector.shape_cast %broadcast_in_dim3A_211 : vector<16xf32> to vector<1x16xf32>
      tpu.vector_store %arg8[%swap3A_212, %swap3A_213], %swap3A_216 {strides = array<i32>} : memref<64x128xf32, #tpu.memory_space<vmem>>, vector<1x16xf32>,
      %broadcast_in_dim3A_217 = arith.constant 0.000000e+00 : f32
      %broadcast_in_dim3A_218 = vector.broadcast %broadcast_in_dim3A_217 : f32 to vector<16xf32>
      %swap3A_219 = arith.index_cast %scan3A_169 : i32 to index
      %swap3A_220 = arith.constant 112 : index
      %swap3A_221 = tpu.vector_load %arg8[%swap3A_219, %swap3A_220] {strides = array<i32>} : memref<64x128xf32, #tpu.memory_space<vmem>>, vector<1x16xf32>,
      %swap3A_222 = vector.shape_cast %swap3A_221 : vector<1x16xf32> to vector<16xf32>
      %swap3A_223 = vector.shape_cast %broadcast_in_dim3A_218 : vector<16xf32> to vector<1x16xf32>
      tpu.vector_store %arg8[%swap3A_219, %swap3A_220], %swap3A_223 {strides = array<i32>} : memref<64x128xf32, #tpu.memory_space<vmem>>, vector<1x16xf32>,
    }
    %scan3A_5 = arith.constant 64 : i32
    %scan3A_6 = arith.constant 0 : i32
    %scan3A_7 = arith.constant 0 : i32
    %scan3A_8 = arith.constant 10 : i32
    %scan3A_9 = arith.addi %scan3A_7, %scan3A_8 : i32
    %scan3A_10 = arith.constant 1 : i32
    scf.for %scan3A_169 = %scan3A_7 to %scan3A_9 step %scan3A_10  : i32 {
      %mul3A_170 = arith.constant 64 : i32
      %mul3A_171 = arith.muli %scan3A_169, %mul3A_170 : i32
      %add3A_172 = arith.addi %multiple_of3A, %mul3A_171 : i32
      %multiple_of3A_173 = tpu.assume_multiple %add3A_172, 8 : i32
      "tpu.region"() ({
        %run_scoped3A = tpu.sem_alloc : memref<!tpu.dma_semaphore, #tpu.memory_space<semaphore_mem>>
        %dma_start3A_174 = arith.constant 0 : i32
        %dma_start3A_175 = tpu.memref_slice %arg12[%multiple_of3A_173, %dma_start3A_174] : memref<10240x128xf32, #tpu.memory_space<vmem_shared>> -> memref<64x128xf32, #tpu.memory_space<vmem_shared>>
        %dma_start3A_176 = arith.constant 0 : i32
        %dma_start3A_177 = tpu.memref_slice %arg12[%multiple_of3A_173, %dma_start3A_176] : memref<10240x128xf32, #tpu.memory_space<vmem_shared>> -> memref<64x128xf32, #tpu.memory_space<vmem_shared>>
        tpu.enqueue_dma source(%arg8 : memref<64x128xf32, #tpu.memory_space<vmem>>) target(%dma_start3A_177 : memref<64x128xf32, #tpu.memory_space<vmem_shared>>) target_semaphore(%run_scoped3A : memref<!tpu.dma_semaphore, #tpu.memory_space<semaphore_mem>>)
        %dma_wait3A = arith.constant 0 : i32
        %dma_wait3A_178 = tpu.memref_slice %arg12[%multiple_of3A_173, %dma_wait3A] : memref<10240x128xf32, #tpu.memory_space<vmem_shared>> -> memref<64x128xf32, #tpu.memory_space<vmem_shared>>
        %dma_wait3A_179 = arith.constant 0 : i32
        %dma_wait3A_180 = tpu.memref_slice %arg12[%multiple_of3A_173, %dma_wait3A_179] : memref<10240x128xf32, #tpu.memory_space<vmem_shared>> -> memref<64x128xf32, #tpu.memory_space<vmem_shared>>
        tpu.wait_dma2 semaphore(%run_scoped3A : memref<!tpu.dma_semaphore, #tpu.memory_space<semaphore_mem>>) src(%arg8 : memref<64x128xf32, #tpu.memory_space<vmem>>) dst(%dma_wait3A_180 : memref<64x128xf32, #tpu.memory_space<vmem_shared>>)
        tpu.yield
      }) : () -> ()
    }
    %scan3A_11 = arith.constant 10 : i32
    %barrier3A = arith.constant 0 : index
    tpu.barrier barrier_id(%barrier3A)
    %mul3A_12 = arith.constant 16 : i32
    %mul3A_13 = arith.muli %arg0, %mul3A_12 : i32
    %add3A = arith.addi %mul3A_13, %arg1 : i32
    %mul3A_14 = arith.constant 160 : i32
    %mul3A_15 = arith.muli %add3A, %mul3A_14 : i32
    %add3A_16 = arith.constant 0 : i32
    %add3A_17 = arith.addi %mul3A_15, %add3A_16 : i32
    "tpu.region"() ({
      %run_scoped3A = tpu.sem_alloc : memref<!tpu.dma_semaphore, #tpu.memory_space<semaphore_mem>>
      %dma_start3A_169 = arith.constant 0 : i32
      %dma_start3A_170 = tpu.memref_slice %arg3[%add3A_17, %dma_start3A_169] : memref<5152x64xi32, #tpu.memory_space<hbm>> -> memref<32x64xi32, #tpu.memory_space<hbm>>
      %dma_start3A_171 = arith.constant 0 : i32
      %dma_start3A_172 = tpu.memref_slice %arg3[%add3A_17, %dma_start3A_171] : memref<5152x64xi32, #tpu.memory_space<hbm>> -> memref<32x64xi32, #tpu.memory_space<hbm>>
      tpu.enqueue_dma source(%dma_start3A_172 : memref<32x64xi32, #tpu.memory_space<hbm>>) target(%arg6 : memref<32x64xi32, #tpu.memory_space<vmem>>) target_semaphore(%run_scoped3A : memref<!tpu.dma_semaphore, #tpu.memory_space<semaphore_mem>>)
      %dma_wait3A = arith.constant 0 : i32
      %dma_wait3A_173 = tpu.memref_slice %arg3[%add3A_17, %dma_wait3A] : memref<5152x64xi32, #tpu.memory_space<hbm>> -> memref<32x64xi32, #tpu.memory_space<hbm>>
      %dma_wait3A_174 = arith.constant 0 : i32
      %dma_wait3A_175 = tpu.memref_slice %arg3[%add3A_17, %dma_wait3A_174] : memref<5152x64xi32, #tpu.memory_space<hbm>> -> memref<32x64xi32, #tpu.memory_space<hbm>>
      tpu.wait_dma2 semaphore(%run_scoped3A : memref<!tpu.dma_semaphore, #tpu.memory_space<semaphore_mem>>) src(%dma_wait3A_175 : memref<32x64xi32, #tpu.memory_space<hbm>>) dst(%arg6 : memref<32x64xi32, #tpu.memory_space<vmem>>)
      tpu.yield
    }) : () -> ()
    "tpu.region"() ({
      %run_scoped3A = tpu.sem_alloc : memref<!tpu.dma_semaphore, #tpu.memory_space<semaphore_mem>>
      %dma_start3A_169 = arith.constant 0 : i32
      %dma_start3A_170 = tpu.memref_slice %arg4[%add3A_17, %dma_start3A_169] : memref<5152x64xi32, #tpu.memory_space<hbm>> -> memref<32x64xi32, #tpu.memory_space<hbm>>
      %dma_start3A_171 = arith.constant 0 : i32
      %dma_start3A_172 = tpu.memref_slice %arg4[%add3A_17, %dma_start3A_171] : memref<5152x64xi32, #tpu.memory_space<hbm>> -> memref<32x64xi32, #tpu.memory_space<hbm>>
      tpu.enqueue_dma source(%dma_start3A_172 : memref<32x64xi32, #tpu.memory_space<hbm>>) target(%arg7 : memref<32x64xi32, #tpu.memory_space<vmem>>) target_semaphore(%run_scoped3A : memref<!tpu.dma_semaphore, #tpu.memory_space<semaphore_mem>>)
      %dma_wait3A = arith.constant 0 : i32
      %dma_wait3A_173 = tpu.memref_slice %arg4[%add3A_17, %dma_wait3A] : memref<5152x64xi32, #tpu.memory_space<hbm>> -> memref<32x64xi32, #tpu.memory_space<hbm>>
      %dma_wait3A_174 = arith.constant 0 : i32
      %dma_wait3A_175 = tpu.memref_slice %arg4[%add3A_17, %dma_wait3A_174] : memref<5152x64xi32, #tpu.memory_space<hbm>> -> memref<32x64xi32, #tpu.memory_space<hbm>>
      tpu.wait_dma2 semaphore(%run_scoped3A : memref<!tpu.dma_semaphore, #tpu.memory_space<semaphore_mem>>) src(%dma_wait3A_175 : memref<32x64xi32, #tpu.memory_space<hbm>>) dst(%arg7 : memref<32x64xi32, #tpu.memory_space<vmem>>)
      tpu.yield
    }) : () -> ()
    %dma_start3A = arith.constant 0 : i32
    %dma_start3A_18 = arith.constant 0 : i32
    %dma_start3A_19 = tpu.memref_slice %arg6[%dma_start3A, %dma_start3A_18] : memref<32x64xi32, #tpu.memory_space<vmem>> -> memref<1x64xi32, #tpu.memory_space<vmem>>
    %dma_start3A_20 = tpu.memref_squeeze %dma_start3A_19 : memref<1x64xi32, #tpu.memory_space<vmem>> -> memref<64xi32, #tpu.memory_space<vmem>>
    %dma_start3A_21 = arith.constant 0 : i32
    %dma_start3A_22 = arith.constant 0 : i32
    %dma_start3A_23 = tpu.memref_slice %arg2[%dma_start3A_21, %dma_start3A_22] : memref<10000x128xf32, #tpu.memory_space<hbm>> -> memref<10000x128xf32, #tpu.memory_space<hbm>>
    tpu.enqueue_indirect_dma source(%dma_start3A_23 : memref<10000x128xf32, #tpu.memory_space<hbm>>) target(%arg8 : memref<64x128xf32, #tpu.memory_space<vmem>>) offsets(%dma_start3A_20 : memref<64xi32, #tpu.memory_space<vmem>>) semaphore(%arg13 : memref<!tpu.dma_semaphore, #tpu.memory_space<semaphore_mem>>)
    %dma_start3A_24 = arith.constant 1 : i32
    %dma_start3A_25 = arith.constant 0 : i32
    %dma_start3A_26 = tpu.memref_slice %arg6[%dma_start3A_24, %dma_start3A_25] : memref<32x64xi32, #tpu.memory_space<vmem>> -> memref<1x64xi32, #tpu.memory_space<vmem>>
    %dma_start3A_27 = tpu.memref_squeeze %dma_start3A_26 : memref<1x64xi32, #tpu.memory_space<vmem>> -> memref<64xi32, #tpu.memory_space<vmem>>
    %dma_start3A_28 = arith.constant 0 : i32
    %dma_start3A_29 = arith.constant 0 : i32
    %dma_start3A_30 = tpu.memref_slice %arg2[%dma_start3A_28, %dma_start3A_29] : memref<10000x128xf32, #tpu.memory_space<hbm>> -> memref<10000x128xf32, #tpu.memory_space<hbm>>
    tpu.enqueue_indirect_dma source(%dma_start3A_30 : memref<10000x128xf32, #tpu.memory_space<hbm>>) target(%arg9 : memref<64x128xf32, #tpu.memory_space<vmem>>) offsets(%dma_start3A_27 : memref<64xi32, #tpu.memory_space<vmem>>) semaphore(%arg14 : memref<!tpu.dma_semaphore, #tpu.memory_space<semaphore_mem>>)
    %dma_start3A_31 = arith.constant 2 : i32
    %dma_start3A_32 = arith.constant 0 : i32
    %dma_start3A_33 = tpu.memref_slice %arg6[%dma_start3A_31, %dma_start3A_32] : memref<32x64xi32, #tpu.memory_space<vmem>> -> memref<1x64xi32, #tpu.memory_space<vmem>>
    %dma_start3A_34 = tpu.memref_squeeze %dma_start3A_33 : memref<1x64xi32, #tpu.memory_space<vmem>> -> memref<64xi32, #tpu.memory_space<vmem>>
    %dma_start3A_35 = arith.constant 0 : i32
    %dma_start3A_36 = arith.constant 0 : i32
    %dma_start3A_37 = tpu.memref_slice %arg2[%dma_start3A_35, %dma_start3A_36] : memref<10000x128xf32, #tpu.memory_space<hbm>> -> memref<10000x128xf32, #tpu.memory_space<hbm>>
    tpu.enqueue_indirect_dma source(%dma_start3A_37 : memref<10000x128xf32, #tpu.memory_space<hbm>>) target(%arg10 : memref<64x128xf32, #tpu.memory_space<vmem>>) offsets(%dma_start3A_34 : memref<64xi32, #tpu.memory_space<vmem>>) semaphore(%arg15 : memref<!tpu.dma_semaphore, #tpu.memory_space<semaphore_mem>>)
    %scan3A_38 = arith.constant 0 : i32
    %scan3A_39 = arith.constant 0 : i32
    %scan3A_40 = arith.constant 8 : i32
    %scan3A_41 = arith.addi %scan3A_39, %scan3A_40 : i32
    %scan3A_42 = arith.constant 1 : i32
    scf.for %scan3A_169 = %scan3A_39 to %scan3A_41 step %scan3A_42  : i32 {
      %mul3A_170 = arith.constant 4 : i32
      %mul3A_171 = arith.muli %scan3A_169, %mul3A_170 : i32
      %add3A_172 = arith.constant 0 : i32
      %add3A_173 = arith.addi %mul3A_171, %add3A_172 : i32
      %add3A_174 = arith.constant 3 : i32
      %add3A_175 = arith.addi %add3A_173, %add3A_174 : i32
      %lt3A = arith.constant 32 : i32
      %lt3A_176 = arith.cmpi slt, %add3A_175, %lt3A : i32
      %convert_element_type3A = arith.extui %lt3A_176 : i1 to i32
      %cond3A = arith.constant 0 : i32
      %cond3A_177 = arith.cmpi ne, %convert_element_type3A, %cond3A : i32
      scf.if %cond3A_177 {
        %add3A_244 = arith.constant 0 : i32
        %add3A_245 = arith.addi %mul3A_171, %add3A_244 : i32
        %add3A_246 = arith.constant 3 : i32
        %add3A_247 = arith.addi %add3A_245, %add3A_246 : i32
        %dma_start3A_248 = arith.constant 0 : i32
        %dma_start3A_249 = tpu.memref_slice %arg6[%add3A_247, %dma_start3A_248] : memref<32x64xi32, #tpu.memory_space<vmem>> -> memref<1x64xi32, #tpu.memory_space<vmem>>
        %dma_start3A_250 = tpu.memref_squeeze %dma_start3A_249 : memref<1x64xi32, #tpu.memory_space<vmem>> -> memref<64xi32, #tpu.memory_space<vmem>>
        %dma_start3A_251 = arith.constant 0 : i32
        %dma_start3A_252 = arith.constant 0 : i32
        %dma_start3A_253 = tpu.memref_slice %arg2[%dma_start3A_251, %dma_start3A_252] : memref<10000x128xf32, #tpu.memory_space<hbm>> -> memref<10000x128xf32, #tpu.memory_space<hbm>>
        tpu.enqueue_indirect_dma source(%dma_start3A_253 : memref<10000x128xf32, #tpu.memory_space<hbm>>) target(%arg11 : memref<64x128xf32, #tpu.memory_space<vmem>>) offsets(%dma_start3A_250 : memref<64xi32, #tpu.memory_space<vmem>>) semaphore(%arg16 : memref<!tpu.dma_semaphore, #tpu.memory_space<semaphore_mem>>)
      } else {
      }
      %add3A_178 = arith.constant 0 : i32
      %add3A_179 = arith.addi %mul3A_171, %add3A_178 : i32
      %dma_wait3A = arith.constant 0 : i32
      %dma_wait3A_180 = tpu.memref_slice %arg6[%add3A_179, %dma_wait3A] : memref<32x64xi32, #tpu.memory_space<vmem>> -> memref<1x64xi32, #tpu.memory_space<vmem>>
      %dma_wait3A_181 = tpu.memref_squeeze %dma_wait3A_180 : memref<1x64xi32, #tpu.memory_space<vmem>> -> memref<64xi32, #tpu.memory_space<vmem>>
      %dma_wait3A_182 = arith.constant 0 : i32
      %dma_wait3A_183 = arith.constant 0 : i32
      %dma_wait3A_184 = tpu.memref_slice %arg2[%dma_wait3A_182, %dma_wait3A_183] : memref<10000x128xf32, #tpu.memory_space<hbm>> -> memref<10000x128xf32, #tpu.memory_space<hbm>>
      tpu.wait_indirect_dma semaphore(%arg13 : memref<!tpu.dma_semaphore, #tpu.memory_space<semaphore_mem>>) src(%dma_wait3A_184 : memref<10000x128xf32, #tpu.memory_space<hbm>>) dst(%arg8 : memref<64x128xf32, #tpu.memory_space<vmem>>)
      %add3A_185 = arith.constant 0 : i32
      %add3A_186 = arith.addi %mul3A_171, %add3A_185 : i32
      "tpu.region"() ({
        %run_scoped3A = tpu.sem_alloc : memref<!tpu.dma_semaphore, #tpu.memory_space<semaphore_mem>>
        %dma_start3A_244 = arith.constant 0 : i32
        %dma_start3A_245 = tpu.memref_slice %arg7[%add3A_186, %dma_start3A_244] : memref<32x64xi32, #tpu.memory_space<vmem>> -> memref<1x64xi32, #tpu.memory_space<vmem>>
        %dma_start3A_246 = tpu.memref_squeeze %dma_start3A_245 : memref<1x64xi32, #tpu.memory_space<vmem>> -> memref<64xi32, #tpu.memory_space<vmem>>
        %dma_start3A_247 = arith.constant 0 : i32
        %dma_start3A_248 = arith.constant 0 : i32
        %dma_start3A_249 = tpu.memref_slice %arg12[%dma_start3A_247, %dma_start3A_248] : memref<10240x128xf32, #tpu.memory_space<vmem_shared>> -> memref<10240x128xf32, #tpu.memory_space<vmem_shared>>
        tpu.enqueue_indirect_dma source(%arg8 : memref<64x128xf32, #tpu.memory_space<vmem>>) target(%dma_start3A_249 : memref<10240x128xf32, #tpu.memory_space<vmem_shared>>) offsets(%dma_start3A_246 : memref<64xi32, #tpu.memory_space<vmem>>) semaphore(%run_scoped3A : memref<!tpu.dma_semaphore, #tpu.memory_space<semaphore_mem>>) {add = true}
        %dma_wait3A_250 = arith.constant 0 : i32
        %dma_wait3A_251 = tpu.memref_slice %arg7[%add3A_186, %dma_wait3A_250] : memref<32x64xi32, #tpu.memory_space<vmem>> -> memref<1x64xi32, #tpu.memory_space<vmem>>
        %dma_wait3A_252 = tpu.memref_squeeze %dma_wait3A_251 : memref<1x64xi32, #tpu.memory_space<vmem>> -> memref<64xi32, #tpu.memory_space<vmem>>
        %dma_wait3A_253 = arith.constant 0 : i32
        %dma_wait3A_254 = arith.constant 0 : i32
        %dma_wait3A_255 = tpu.memref_slice %arg12[%dma_wait3A_253, %dma_wait3A_254] : memref<10240x128xf32, #tpu.memory_space<vmem_shared>> -> memref<10240x128xf32, #tpu.memory_space<vmem_shared>>
        tpu.wait_indirect_dma semaphore(%run_scoped3A : memref<!tpu.dma_semaphore, #tpu.memory_space<semaphore_mem>>) src(%arg8 : memref<64x128xf32, #tpu.memory_space<vmem>>) dst(%dma_wait3A_255 : memref<10240x128xf32, #tpu.memory_space<vmem_shared>>)
        tpu.yield
      }) : () -> ()
      %add3A_187 = arith.constant 1 : i32
      %add3A_188 = arith.addi %mul3A_171, %add3A_187 : i32
      %add3A_189 = arith.constant 3 : i32
      %add3A_190 = arith.addi %add3A_188, %add3A_189 : i32
      %lt3A_191 = arith.constant 32 : i32
      %lt3A_192 = arith.cmpi slt, %add3A_190, %lt3A_191 : i32
      %convert_element_type3A_193 = arith.extui %lt3A_192 : i1 to i32
      %cond3A_194 = arith.constant 0 : i32
      %cond3A_195 = arith.cmpi ne, %convert_element_type3A_193, %cond3A_194 : i32
      scf.if %cond3A_195 {
        %add3A_244 = arith.constant 1 : i32
        %add3A_245 = arith.addi %mul3A_171, %add3A_244 : i32
        %add3A_246 = arith.constant 3 : i32
        %add3A_247 = arith.addi %add3A_245, %add3A_246 : i32
        %dma_start3A_248 = arith.constant 0 : i32
        %dma_start3A_249 = tpu.memref_slice %arg6[%add3A_247, %dma_start3A_248] : memref<32x64xi32, #tpu.memory_space<vmem>> -> memref<1x64xi32, #tpu.memory_space<vmem>>
        %dma_start3A_250 = tpu.memref_squeeze %dma_start3A_249 : memref<1x64xi32, #tpu.memory_space<vmem>> -> memref<64xi32, #tpu.memory_space<vmem>>
        %dma_start3A_251 = arith.constant 0 : i32
        %dma_start3A_252 = arith.constant 0 : i32
        %dma_start3A_253 = tpu.memref_slice %arg2[%dma_start3A_251, %dma_start3A_252] : memref<10000x128xf32, #tpu.memory_space<hbm>> -> memref<10000x128xf32, #tpu.memory_space<hbm>>
        tpu.enqueue_indirect_dma source(%dma_start3A_253 : memref<10000x128xf32, #tpu.memory_space<hbm>>) target(%arg8 : memref<64x128xf32, #tpu.memory_space<vmem>>) offsets(%dma_start3A_250 : memref<64xi32, #tpu.memory_space<vmem>>) semaphore(%arg13 : memref<!tpu.dma_semaphore, #tpu.memory_space<semaphore_mem>>)
      } else {
      }
      %add3A_196 = arith.constant 1 : i32
      %add3A_197 = arith.addi %mul3A_171, %add3A_196 : i32
      %dma_wait3A_198 = arith.constant 0 : i32
      %dma_wait3A_199 = tpu.memref_slice %arg6[%add3A_197, %dma_wait3A_198] : memref<32x64xi32, #tpu.memory_space<vmem>> -> memref<1x64xi32, #tpu.memory_space<vmem>>
      %dma_wait3A_200 = tpu.memref_squeeze %dma_wait3A_199 : memref<1x64xi32, #tpu.memory_space<vmem>> -> memref<64xi32, #tpu.memory_space<vmem>>
      %dma_wait3A_201 = arith.constant 0 : i32
      %dma_wait3A_202 = arith.constant 0 : i32
      %dma_wait3A_203 = tpu.memref_slice %arg2[%dma_wait3A_201, %dma_wait3A_202] : memref<10000x128xf32, #tpu.memory_space<hbm>> -> memref<10000x128xf32, #tpu.memory_space<hbm>>
      tpu.wait_indirect_dma semaphore(%arg14 : memref<!tpu.dma_semaphore, #tpu.memory_space<semaphore_mem>>) src(%dma_wait3A_203 : memref<10000x128xf32, #tpu.memory_space<hbm>>) dst(%arg9 : memref<64x128xf32, #tpu.memory_space<vmem>>)
      %add3A_204 = arith.constant 1 : i32
      %add3A_205 = arith.addi %mul3A_171, %add3A_204 : i32
      "tpu.region"() ({
        %run_scoped3A = tpu.sem_alloc : memref<!tpu.dma_semaphore, #tpu.memory_space<semaphore_mem>>
        %dma_start3A_244 = arith.constant 0 : i32
        %dma_start3A_245 = tpu.memref_slice %arg7[%add3A_205, %dma_start3A_244] : memref<32x64xi32, #tpu.memory_space<vmem>> -> memref<1x64xi32, #tpu.memory_space<vmem>>
        %dma_start3A_246 = tpu.memref_squeeze %dma_start3A_245 : memref<1x64xi32, #tpu.memory_space<vmem>> -> memref<64xi32, #tpu.memory_space<vmem>>
        %dma_start3A_247 = arith.constant 0 : i32
        %dma_start3A_248 = arith.constant 0 : i32
        %dma_start3A_249 = tpu.memref_slice %arg12[%dma_start3A_247, %dma_start3A_248] : memref<10240x128xf32, #tpu.memory_space<vmem_shared>> -> memref<10240x128xf32, #tpu.memory_space<vmem_shared>>
        tpu.enqueue_indirect_dma source(%arg9 : memref<64x128xf32, #tpu.memory_space<vmem>>) target(%dma_start3A_249 : memref<10240x128xf32, #tpu.memory_space<vmem_shared>>) offsets(%dma_start3A_246 : memref<64xi32, #tpu.memory_space<vmem>>) semaphore(%run_scoped3A : memref<!tpu.dma_semaphore, #tpu.memory_space<semaphore_mem>>) {add = true}
        %dma_wait3A_250 = arith.constant 0 : i32
        %dma_wait3A_251 = tpu.memref_slice %arg7[%add3A_205, %dma_wait3A_250] : memref<32x64xi32, #tpu.memory_space<vmem>> -> memref<1x64xi32, #tpu.memory_space<vmem>>
        %dma_wait3A_252 = tpu.memref_squeeze %dma_wait3A_251 : memref<1x64xi32, #tpu.memory_space<vmem>> -> memref<64xi32, #tpu.memory_space<vmem>>
        %dma_wait3A_253 = arith.constant 0 : i32
        %dma_wait3A_254 = arith.constant 0 : i32
        %dma_wait3A_255 = tpu.memref_slice %arg12[%dma_wait3A_253, %dma_wait3A_254] : memref<10240x128xf32, #tpu.memory_space<vmem_shared>> -> memref<10240x128xf32, #tpu.memory_space<vmem_shared>>
        tpu.wait_indirect_dma semaphore(%run_scoped3A : memref<!tpu.dma_semaphore, #tpu.memory_space<semaphore_mem>>) src(%arg9 : memref<64x128xf32, #tpu.memory_space<vmem>>) dst(%dma_wait3A_255 : memref<10240x128xf32, #tpu.memory_space<vmem_shared>>)
        tpu.yield
      }) : () -> ()
      %add3A_206 = arith.constant 2 : i32
      %add3A_207 = arith.addi %mul3A_171, %add3A_206 : i32
      %add3A_208 = arith.constant 3 : i32
      %add3A_209 = arith.addi %add3A_207, %add3A_208 : i32
      %lt3A_210 = arith.constant 32 : i32
      %lt3A_211 = arith.cmpi slt, %add3A_209, %lt3A_210 : i32
      %convert_element_type3A_212 = arith.extui %lt3A_211 : i1 to i32
      %cond3A_213 = arith.constant 0 : i32
      %cond3A_214 = arith.cmpi ne, %convert_element_type3A_212, %cond3A_213 : i32
      scf.if %cond3A_214 {
        %add3A_244 = arith.constant 2 : i32
        %add3A_245 = arith.addi %mul3A_171, %add3A_244 : i32
        %add3A_246 = arith.constant 3 : i32
        %add3A_247 = arith.addi %add3A_245, %add3A_246 : i32
        %dma_start3A_248 = arith.constant 0 : i32
        %dma_start3A_249 = tpu.memref_slice %arg6[%add3A_247, %dma_start3A_248] : memref<32x64xi32, #tpu.memory_space<vmem>> -> memref<1x64xi32, #tpu.memory_space<vmem>>
        %dma_start3A_250 = tpu.memref_squeeze %dma_start3A_249 : memref<1x64xi32, #tpu.memory_space<vmem>> -> memref<64xi32, #tpu.memory_space<vmem>>
        %dma_start3A_251 = arith.constant 0 : i32
        %dma_start3A_252 = arith.constant 0 : i32
        %dma_start3A_253 = tpu.memref_slice %arg2[%dma_start3A_251, %dma_start3A_252] : memref<10000x128xf32, #tpu.memory_space<hbm>> -> memref<10000x128xf32, #tpu.memory_space<hbm>>
        tpu.enqueue_indirect_dma source(%dma_start3A_253 : memref<10000x128xf32, #tpu.memory_space<hbm>>) target(%arg9 : memref<64x128xf32, #tpu.memory_space<vmem>>) offsets(%dma_start3A_250 : memref<64xi32, #tpu.memory_space<vmem>>) semaphore(%arg14 : memref<!tpu.dma_semaphore, #tpu.memory_space<semaphore_mem>>)
      } else {
      }
      %add3A_215 = arith.constant 2 : i32
      %add3A_216 = arith.addi %mul3A_171, %add3A_215 : i32
      %dma_wait3A_217 = arith.constant 0 : i32
      %dma_wait3A_218 = tpu.memref_slice %arg6[%add3A_216, %dma_wait3A_217] : memref<32x64xi32, #tpu.memory_space<vmem>> -> memref<1x64xi32, #tpu.memory_space<vmem>>
      %dma_wait3A_219 = tpu.memref_squeeze %dma_wait3A_218 : memref<1x64xi32, #tpu.memory_space<vmem>> -> memref<64xi32, #tpu.memory_space<vmem>>
      %dma_wait3A_220 = arith.constant 0 : i32
      %dma_wait3A_221 = arith.constant 0 : i32
      %dma_wait3A_222 = tpu.memref_slice %arg2[%dma_wait3A_220, %dma_wait3A_221] : memref<10000x128xf32, #tpu.memory_space<hbm>> -> memref<10000x128xf32, #tpu.memory_space<hbm>>
      tpu.wait_indirect_dma semaphore(%arg15 : memref<!tpu.dma_semaphore, #tpu.memory_space<semaphore_mem>>) src(%dma_wait3A_222 : memref<10000x128xf32, #tpu.memory_space<hbm>>) dst(%arg10 : memref<64x128xf32, #tpu.memory_space<vmem>>)
      %add3A_223 = arith.constant 2 : i32
      %add3A_224 = arith.addi %mul3A_171, %add3A_223 : i32
      "tpu.region"() ({
        %run_scoped3A = tpu.sem_alloc : memref<!tpu.dma_semaphore, #tpu.memory_space<semaphore_mem>>
        %dma_start3A_244 = arith.constant 0 : i32
        %dma_start3A_245 = tpu.memref_slice %arg7[%add3A_224, %dma_start3A_244] : memref<32x64xi32, #tpu.memory_space<vmem>> -> memref<1x64xi32, #tpu.memory_space<vmem>>
        %dma_start3A_246 = tpu.memref_squeeze %dma_start3A_245 : memref<1x64xi32, #tpu.memory_space<vmem>> -> memref<64xi32, #tpu.memory_space<vmem>>
        %dma_start3A_247 = arith.constant 0 : i32
        %dma_start3A_248 = arith.constant 0 : i32
        %dma_start3A_249 = tpu.memref_slice %arg12[%dma_start3A_247, %dma_start3A_248] : memref<10240x128xf32, #tpu.memory_space<vmem_shared>> -> memref<10240x128xf32, #tpu.memory_space<vmem_shared>>
        tpu.enqueue_indirect_dma source(%arg10 : memref<64x128xf32, #tpu.memory_space<vmem>>) target(%dma_start3A_249 : memref<10240x128xf32, #tpu.memory_space<vmem_shared>>) offsets(%dma_start3A_246 : memref<64xi32, #tpu.memory_space<vmem>>) semaphore(%run_scoped3A : memref<!tpu.dma_semaphore, #tpu.memory_space<semaphore_mem>>) {add = true}
        %dma_wait3A_250 = arith.constant 0 : i32
        %dma_wait3A_251 = tpu.memref_slice %arg7[%add3A_224, %dma_wait3A_250] : memref<32x64xi32, #tpu.memory_space<vmem>> -> memref<1x64xi32, #tpu.memory_space<vmem>>
        %dma_wait3A_252 = tpu.memref_squeeze %dma_wait3A_251 : memref<1x64xi32, #tpu.memory_space<vmem>> -> memref<64xi32, #tpu.memory_space<vmem>>
        %dma_wait3A_253 = arith.constant 0 : i32
        %dma_wait3A_254 = arith.constant 0 : i32
        %dma_wait3A_255 = tpu.memref_slice %arg12[%dma_wait3A_253, %dma_wait3A_254] : memref<10240x128xf32, #tpu.memory_space<vmem_shared>> -> memref<10240x128xf32, #tpu.memory_space<vmem_shared>>
        tpu.wait_indirect_dma semaphore(%run_scoped3A : memref<!tpu.dma_semaphore, #tpu.memory_space<semaphore_mem>>) src(%arg10 : memref<64x128xf32, #tpu.memory_space<vmem>>) dst(%dma_wait3A_255 : memref<10240x128xf32, #tpu.memory_space<vmem_shared>>)
        tpu.yield
      }) : () -> ()
      %add3A_225 = arith.constant 3 : i32
      %add3A_226 = arith.addi %mul3A_171, %add3A_225 : i32
      %add3A_227 = arith.constant 3 : i32
      %add3A_228 = arith.addi %add3A_226, %add3A_227 : i32
      %lt3A_229 = arith.constant 32 : i32
      %lt3A_230 = arith.cmpi slt, %add3A_228, %lt3A_229 : i32
      %convert_element_type3A_231 = arith.extui %lt3A_230 : i1 to i32
      %cond3A_232 = arith.constant 0 : i32
      %cond3A_233 = arith.cmpi ne, %convert_element_type3A_231, %cond3A_232 : i32
      scf.if %cond3A_233 {
        %add3A_244 = arith.constant 3 : i32
        %add3A_245 = arith.addi %mul3A_171, %add3A_244 : i32
        %add3A_246 = arith.constant 3 : i32
        %add3A_247 = arith.addi %add3A_245, %add3A_246 : i32
        %dma_start3A_248 = arith.constant 0 : i32
        %dma_start3A_249 = tpu.memref_slice %arg6[%add3A_247, %dma_start3A_248] : memref<32x64xi32, #tpu.memory_space<vmem>> -> memref<1x64xi32, #tpu.memory_space<vmem>>
        %dma_start3A_250 = tpu.memref_squeeze %dma_start3A_249 : memref<1x64xi32, #tpu.memory_space<vmem>> -> memref<64xi32, #tpu.memory_space<vmem>>
        %dma_start3A_251 = arith.constant 0 : i32
        %dma_start3A_252 = arith.constant 0 : i32
        %dma_start3A_253 = tpu.memref_slice %arg2[%dma_start3A_251, %dma_start3A_252] : memref<10000x128xf32, #tpu.memory_space<hbm>> -> memref<10000x128xf32, #tpu.memory_space<hbm>>
        tpu.enqueue_indirect_dma source(%dma_start3A_253 : memref<10000x128xf32, #tpu.memory_space<hbm>>) target(%arg10 : memref<64x128xf32, #tpu.memory_space<vmem>>) offsets(%dma_start3A_250 : memref<64xi32, #tpu.memory_space<vmem>>) semaphore(%arg15 : memref<!tpu.dma_semaphore, #tpu.memory_space<semaphore_mem>>)
      } else {
      }
      %add3A_234 = arith.constant 3 : i32
      %add3A_235 = arith.addi %mul3A_171, %add3A_234 : i32
      %dma_wait3A_236 = arith.constant 0 : i32
      %dma_wait3A_237 = tpu.memref_slice %arg6[%add3A_235, %dma_wait3A_236] : memref<32x64xi32, #tpu.memory_space<vmem>> -> memref<1x64xi32, #tpu.memory_space<vmem>>
      %dma_wait3A_238 = tpu.memref_squeeze %dma_wait3A_237 : memref<1x64xi32, #tpu.memory_space<vmem>> -> memref<64xi32, #tpu.memory_space<vmem>>
      %dma_wait3A_239 = arith.constant 0 : i32
      %dma_wait3A_240 = arith.constant 0 : i32
      %dma_wait3A_241 = tpu.memref_slice %arg2[%dma_wait3A_239, %dma_wait3A_240] : memref<10000x128xf32, #tpu.memory_space<hbm>> -> memref<10000x128xf32, #tpu.memory_space<hbm>>
      tpu.wait_indirect_dma semaphore(%arg16 : memref<!tpu.dma_semaphore, #tpu.memory_space<semaphore_mem>>) src(%dma_wait3A_241 : memref<10000x128xf32, #tpu.memory_space<hbm>>) dst(%arg11 : memref<64x128xf32, #tpu.memory_space<vmem>>)
      %add3A_242 = arith.constant 3 : i32
      %add3A_243 = arith.addi %mul3A_171, %add3A_242 : i32
      "tpu.region"() ({
        %run_scoped3A = tpu.sem_alloc : memref<!tpu.dma_semaphore, #tpu.memory_space<semaphore_mem>>
        %dma_start3A_244 = arith.constant 0 : i32
        %dma_start3A_245 = tpu.memref_slice %arg7[%add3A_243, %dma_start3A_244] : memref<32x64xi32, #tpu.memory_space<vmem>> -> memref<1x64xi32, #tpu.memory_space<vmem>>
        %dma_start3A_246 = tpu.memref_squeeze %dma_start3A_245 : memref<1x64xi32, #tpu.memory_space<vmem>> -> memref<64xi32, #tpu.memory_space<vmem>>
        %dma_start3A_247 = arith.constant 0 : i32
        %dma_start3A_248 = arith.constant 0 : i32
        %dma_start3A_249 = tpu.memref_slice %arg12[%dma_start3A_247, %dma_start3A_248] : memref<10240x128xf32, #tpu.memory_space<vmem_shared>> -> memref<10240x128xf32, #tpu.memory_space<vmem_shared>>
        tpu.enqueue_indirect_dma source(%arg11 : memref<64x128xf32, #tpu.memory_space<vmem>>) target(%dma_start3A_249 : memref<10240x128xf32, #tpu.memory_space<vmem_shared>>) offsets(%dma_start3A_246 : memref<64xi32, #tpu.memory_space<vmem>>) semaphore(%run_scoped3A : memref<!tpu.dma_semaphore, #tpu.memory_space<semaphore_mem>>) {add = true}
        %dma_wait3A_250 = arith.constant 0 : i32
        %dma_wait3A_251 = tpu.memref_slice %arg7[%add3A_243, %dma_wait3A_250] : memref<32x64xi32, #tpu.memory_space<vmem>> -> memref<1x64xi32, #tpu.memory_space<vmem>>
        %dma_wait3A_252 = tpu.memref_squeeze %dma_wait3A_251 : memref<1x64xi32, #tpu.memory_space<vmem>> -> memref<64xi32, #tpu.memory_space<vmem>>
        %dma_wait3A_253 = arith.constant 0 : i32
        %dma_wait3A_254 = arith.constant 0 : i32
        %dma_wait3A_255 = tpu.memref_slice %arg12[%dma_wait3A_253, %dma_wait3A_254] : memref<10240x128xf32, #tpu.memory_space<vmem_shared>> -> memref<10240x128xf32, #tpu.memory_space<vmem_shared>>
        tpu.wait_indirect_dma semaphore(%run_scoped3A : memref<!tpu.dma_semaphore, #tpu.memory_space<semaphore_mem>>) src(%arg11 : memref<64x128xf32, #tpu.memory_space<vmem>>) dst(%dma_wait3A_255 : memref<10240x128xf32, #tpu.memory_space<vmem_shared>>)
        tpu.yield
      }) : () -> ()
    }
    %scan3A_43 = arith.constant 8 : i32
    %mul3A_44 = arith.constant 160 : i32
    %mul3A_45 = arith.muli %add3A, %mul3A_44 : i32
    %add3A_46 = arith.constant 32 : i32
    %add3A_47 = arith.addi %mul3A_45, %add3A_46 : i32
    "tpu.region"() ({
      %run_scoped3A = tpu.sem_alloc : memref<!tpu.dma_semaphore, #tpu.memory_space<semaphore_mem>>
      %dma_start3A_169 = arith.constant 0 : i32
      %dma_start3A_170 = tpu.memref_slice %arg3[%add3A_47, %dma_start3A_169] : memref<5152x64xi32, #tpu.memory_space<hbm>> -> memref<32x64xi32, #tpu.memory_space<hbm>>
      %dma_start3A_171 = arith.constant 0 : i32
      %dma_start3A_172 = tpu.memref_slice %arg3[%add3A_47, %dma_start3A_171] : memref<5152x64xi32, #tpu.memory_space<hbm>> -> memref<32x64xi32, #tpu.memory_space<hbm>>
      tpu.enqueue_dma source(%dma_start3A_172 : memref<32x64xi32, #tpu.memory_space<hbm>>) target(%arg6 : memref<32x64xi32, #tpu.memory_space<vmem>>) target_semaphore(%run_scoped3A : memref<!tpu.dma_semaphore, #tpu.memory_space<semaphore_mem>>)
      %dma_wait3A = arith.constant 0 : i32
      %dma_wait3A_173 = tpu.memref_slice %arg3[%add3A_47, %dma_wait3A] : memref<5152x64xi32, #tpu.memory_space<hbm>> -> memref<32x64xi32, #tpu.memory_space<hbm>>
      %dma_wait3A_174 = arith.constant 0 : i32
      %dma_wait3A_175 = tpu.memref_slice %arg3[%add3A_47, %dma_wait3A_174] : memref<5152x64xi32, #tpu.memory_space<hbm>> -> memref<32x64xi32, #tpu.memory_space<hbm>>
      tpu.wait_dma2 semaphore(%run_scoped3A : memref<!tpu.dma_semaphore, #tpu.memory_space<semaphore_mem>>) src(%dma_wait3A_175 : memref<32x64xi32, #tpu.memory_space<hbm>>) dst(%arg6 : memref<32x64xi32, #tpu.memory_space<vmem>>)
      tpu.yield
    }) : () -> ()
    "tpu.region"() ({
      %run_scoped3A = tpu.sem_alloc : memref<!tpu.dma_semaphore, #tpu.memory_space<semaphore_mem>>
      %dma_start3A_169 = arith.constant 0 : i32
      %dma_start3A_170 = tpu.memref_slice %arg4[%add3A_47, %dma_start3A_169] : memref<5152x64xi32, #tpu.memory_space<hbm>> -> memref<32x64xi32, #tpu.memory_space<hbm>>
      %dma_start3A_171 = arith.constant 0 : i32
      %dma_start3A_172 = tpu.memref_slice %arg4[%add3A_47, %dma_start3A_171] : memref<5152x64xi32, #tpu.memory_space<hbm>> -> memref<32x64xi32, #tpu.memory_space<hbm>>
      tpu.enqueue_dma source(%dma_start3A_172 : memref<32x64xi32, #tpu.memory_space<hbm>>) target(%arg7 : memref<32x64xi32, #tpu.memory_space<vmem>>) target_semaphore(%run_scoped3A : memref<!tpu.dma_semaphore, #tpu.memory_space<semaphore_mem>>)
      %dma_wait3A = arith.constant 0 : i32
      %dma_wait3A_173 = tpu.memref_slice %arg4[%add3A_47, %dma_wait3A] : memref<5152x64xi32, #tpu.memory_space<hbm>> -> memref<32x64xi32, #tpu.memory_space<hbm>>
      %dma_wait3A_174 = arith.constant 0 : i32
      %dma_wait3A_175 = tpu.memref_slice %arg4[%add3A_47, %dma_wait3A_174] : memref<5152x64xi32, #tpu.memory_space<hbm>> -> memref<32x64xi32, #tpu.memory_space<hbm>>
      tpu.wait_dma2 semaphore(%run_scoped3A : memref<!tpu.dma_semaphore, #tpu.memory_space<semaphore_mem>>) src(%dma_wait3A_175 : memref<32x64xi32, #tpu.memory_space<hbm>>) dst(%arg7 : memref<32x64xi32, #tpu.memory_space<vmem>>)
      tpu.yield
    }) : () -> ()
    %dma_start3A_48 = arith.constant 0 : i32
    %dma_start3A_49 = arith.constant 0 : i32
    %dma_start3A_50 = tpu.memref_slice %arg6[%dma_start3A_48, %dma_start3A_49] : memref<32x64xi32, #tpu.memory_space<vmem>> -> memref<1x64xi32, #tpu.memory_space<vmem>>
    %dma_start3A_51 = tpu.memref_squeeze %dma_start3A_50 : memref<1x64xi32, #tpu.memory_space<vmem>> -> memref<64xi32, #tpu.memory_space<vmem>>
    %dma_start3A_52 = arith.constant 0 : i32
    %dma_start3A_53 = arith.constant 0 : i32
    %dma_start3A_54 = tpu.memref_slice %arg2[%dma_start3A_52, %dma_start3A_53] : memref<10000x128xf32, #tpu.memory_space<hbm>> -> memref<10000x128xf32, #tpu.memory_space<hbm>>
    tpu.enqueue_indirect_dma source(%dma_start3A_54 : memref<10000x128xf32, #tpu.memory_space<hbm>>) target(%arg8 : memref<64x128xf32, #tpu.memory_space<vmem>>) offsets(%dma_start3A_51 : memref<64xi32, #tpu.memory_space<vmem>>) semaphore(%arg13 : memref<!tpu.dma_semaphore, #tpu.memory_space<semaphore_mem>>)
    %dma_start3A_55 = arith.constant 1 : i32
    %dma_start3A_56 = arith.constant 0 : i32
    %dma_start3A_57 = tpu.memref_slice %arg6[%dma_start3A_55, %dma_start3A_56] : memref<32x64xi32, #tpu.memory_space<vmem>> -> memref<1x64xi32, #tpu.memory_space<vmem>>
    %dma_start3A_58 = tpu.memref_squeeze %dma_start3A_57 : memref<1x64xi32, #tpu.memory_space<vmem>> -> memref<64xi32, #tpu.memory_space<vmem>>
    %dma_start3A_59 = arith.constant 0 : i32
    %dma_start3A_60 = arith.constant 0 : i32
    %dma_start3A_61 = tpu.memref_slice %arg2[%dma_start3A_59, %dma_start3A_60] : memref<10000x128xf32, #tpu.memory_space<hbm>> -> memref<10000x128xf32, #tpu.memory_space<hbm>>
    tpu.enqueue_indirect_dma source(%dma_start3A_61 : memref<10000x128xf32, #tpu.memory_space<hbm>>) target(%arg9 : memref<64x128xf32, #tpu.memory_space<vmem>>) offsets(%dma_start3A_58 : memref<64xi32, #tpu.memory_space<vmem>>) semaphore(%arg14 : memref<!tpu.dma_semaphore, #tpu.memory_space<semaphore_mem>>)
    %dma_start3A_62 = arith.constant 2 : i32
    %dma_start3A_63 = arith.constant 0 : i32
    %dma_start3A_64 = tpu.memref_slice %arg6[%dma_start3A_62, %dma_start3A_63] : memref<32x64xi32, #tpu.memory_space<vmem>> -> memref<1x64xi32, #tpu.memory_space<vmem>>
    %dma_start3A_65 = tpu.memref_squeeze %dma_start3A_64 : memref<1x64xi32, #tpu.memory_space<vmem>> -> memref<64xi32, #tpu.memory_space<vmem>>
    %dma_start3A_66 = arith.constant 0 : i32
    %dma_start3A_67 = arith.constant 0 : i32
    %dma_start3A_68 = tpu.memref_slice %arg2[%dma_start3A_66, %dma_start3A_67] : memref<10000x128xf32, #tpu.memory_space<hbm>> -> memref<10000x128xf32, #tpu.memory_space<hbm>>
    tpu.enqueue_indirect_dma source(%dma_start3A_68 : memref<10000x128xf32, #tpu.memory_space<hbm>>) target(%arg10 : memref<64x128xf32, #tpu.memory_space<vmem>>) offsets(%dma_start3A_65 : memref<64xi32, #tpu.memory_space<vmem>>) semaphore(%arg15 : memref<!tpu.dma_semaphore, #tpu.memory_space<semaphore_mem>>)
    %scan3A_69 = arith.constant 0 : i32
    %scan3A_70 = arith.constant 0 : i32
    %scan3A_71 = arith.constant 8 : i32
    %scan3A_72 = arith.addi %scan3A_70, %scan3A_71 : i32
    %scan3A_73 = arith.constant 1 : i32
    scf.for %scan3A_169 = %scan3A_70 to %scan3A_72 step %scan3A_73  : i32 {
      %mul3A_170 = arith.constant 4 : i32
      %mul3A_171 = arith.muli %scan3A_169, %mul3A_170 : i32
      %add3A_172 = arith.constant 0 : i32
      %add3A_173 = arith.addi %mul3A_171, %add3A_172 : i32
      %add3A_174 = arith.constant 3 : i32
      %add3A_175 = arith.addi %add3A_173, %add3A_174 : i32
      %lt3A = arith.constant 32 : i32
      %lt3A_176 = arith.cmpi slt, %add3A_175, %lt3A : i32
      %convert_element_type3A = arith.extui %lt3A_176 : i1 to i32
      %cond3A = arith.constant 0 : i32
      %cond3A_177 = arith.cmpi ne, %convert_element_type3A, %cond3A : i32
      scf.if %cond3A_177 {
        %add3A_244 = arith.constant 0 : i32
        %add3A_245 = arith.addi %mul3A_171, %add3A_244 : i32
        %add3A_246 = arith.constant 3 : i32
        %add3A_247 = arith.addi %add3A_245, %add3A_246 : i32
        %dma_start3A_248 = arith.constant 0 : i32
        %dma_start3A_249 = tpu.memref_slice %arg6[%add3A_247, %dma_start3A_248] : memref<32x64xi32, #tpu.memory_space<vmem>> -> memref<1x64xi32, #tpu.memory_space<vmem>>
        %dma_start3A_250 = tpu.memref_squeeze %dma_start3A_249 : memref<1x64xi32, #tpu.memory_space<vmem>> -> memref<64xi32, #tpu.memory_space<vmem>>
        %dma_start3A_251 = arith.constant 0 : i32
        %dma_start3A_252 = arith.constant 0 : i32
        %dma_start3A_253 = tpu.memref_slice %arg2[%dma_start3A_251, %dma_start3A_252] : memref<10000x128xf32, #tpu.memory_space<hbm>> -> memref<10000x128xf32, #tpu.memory_space<hbm>>
        tpu.enqueue_indirect_dma source(%dma_start3A_253 : memref<10000x128xf32, #tpu.memory_space<hbm>>) target(%arg11 : memref<64x128xf32, #tpu.memory_space<vmem>>) offsets(%dma_start3A_250 : memref<64xi32, #tpu.memory_space<vmem>>) semaphore(%arg16 : memref<!tpu.dma_semaphore, #tpu.memory_space<semaphore_mem>>)
      } else {
      }
      %add3A_178 = arith.constant 0 : i32
      %add3A_179 = arith.addi %mul3A_171, %add3A_178 : i32
      %dma_wait3A = arith.constant 0 : i32
      %dma_wait3A_180 = tpu.memref_slice %arg6[%add3A_179, %dma_wait3A] : memref<32x64xi32, #tpu.memory_space<vmem>> -> memref<1x64xi32, #tpu.memory_space<vmem>>
      %dma_wait3A_181 = tpu.memref_squeeze %dma_wait3A_180 : memref<1x64xi32, #tpu.memory_space<vmem>> -> memref<64xi32, #tpu.memory_space<vmem>>
      %dma_wait3A_182 = arith.constant 0 : i32
      %dma_wait3A_183 = arith.constant 0 : i32
      %dma_wait3A_184 = tpu.memref_slice %arg2[%dma_wait3A_182, %dma_wait3A_183] : memref<10000x128xf32, #tpu.memory_space<hbm>> -> memref<10000x128xf32, #tpu.memory_space<hbm>>
      tpu.wait_indirect_dma semaphore(%arg13 : memref<!tpu.dma_semaphore, #tpu.memory_space<semaphore_mem>>) src(%dma_wait3A_184 : memref<10000x128xf32, #tpu.memory_space<hbm>>) dst(%arg8 : memref<64x128xf32, #tpu.memory_space<vmem>>)
      %add3A_185 = arith.constant 0 : i32
      %add3A_186 = arith.addi %mul3A_171, %add3A_185 : i32
      "tpu.region"() ({
        %run_scoped3A = tpu.sem_alloc : memref<!tpu.dma_semaphore, #tpu.memory_space<semaphore_mem>>
        %dma_start3A_244 = arith.constant 0 : i32
        %dma_start3A_245 = tpu.memref_slice %arg7[%add3A_186, %dma_start3A_244] : memref<32x64xi32, #tpu.memory_space<vmem>> -> memref<1x64xi32, #tpu.memory_space<vmem>>
        %dma_start3A_246 = tpu.memref_squeeze %dma_start3A_245 : memref<1x64xi32, #tpu.memory_space<vmem>> -> memref<64xi32, #tpu.memory_space<vmem>>
        %dma_start3A_247 = arith.constant 0 : i32
        %dma_start3A_248 = arith.constant 0 : i32
        %dma_start3A_249 = tpu.memref_slice %arg12[%dma_start3A_247, %dma_start3A_248] : memref<10240x128xf32, #tpu.memory_space<vmem_shared>> -> memref<10240x128xf32, #tpu.memory_space<vmem_shared>>
        tpu.enqueue_indirect_dma source(%arg8 : memref<64x128xf32, #tpu.memory_space<vmem>>) target(%dma_start3A_249 : memref<10240x128xf32, #tpu.memory_space<vmem_shared>>) offsets(%dma_start3A_246 : memref<64xi32, #tpu.memory_space<vmem>>) semaphore(%run_scoped3A : memref<!tpu.dma_semaphore, #tpu.memory_space<semaphore_mem>>) {add = true}
        %dma_wait3A_250 = arith.constant 0 : i32
        %dma_wait3A_251 = tpu.memref_slice %arg7[%add3A_186, %dma_wait3A_250] : memref<32x64xi32, #tpu.memory_space<vmem>> -> memref<1x64xi32, #tpu.memory_space<vmem>>
        %dma_wait3A_252 = tpu.memref_squeeze %dma_wait3A_251 : memref<1x64xi32, #tpu.memory_space<vmem>> -> memref<64xi32, #tpu.memory_space<vmem>>
        %dma_wait3A_253 = arith.constant 0 : i32
        %dma_wait3A_254 = arith.constant 0 : i32
        %dma_wait3A_255 = tpu.memref_slice %arg12[%dma_wait3A_253, %dma_wait3A_254] : memref<10240x128xf32, #tpu.memory_space<vmem_shared>> -> memref<10240x128xf32, #tpu.memory_space<vmem_shared>>
        tpu.wait_indirect_dma semaphore(%run_scoped3A : memref<!tpu.dma_semaphore, #tpu.memory_space<semaphore_mem>>) src(%arg8 : memref<64x128xf32, #tpu.memory_space<vmem>>) dst(%dma_wait3A_255 : memref<10240x128xf32, #tpu.memory_space<vmem_shared>>)
        tpu.yield
      }) : () -> ()
      %add3A_187 = arith.constant 1 : i32
      %add3A_188 = arith.addi %mul3A_171, %add3A_187 : i32
      %add3A_189 = arith.constant 3 : i32
      %add3A_190 = arith.addi %add3A_188, %add3A_189 : i32
      %lt3A_191 = arith.constant 32 : i32
      %lt3A_192 = arith.cmpi slt, %add3A_190, %lt3A_191 : i32
      %convert_element_type3A_193 = arith.extui %lt3A_192 : i1 to i32
      %cond3A_194 = arith.constant 0 : i32
      %cond3A_195 = arith.cmpi ne, %convert_element_type3A_193, %cond3A_194 : i32
      scf.if %cond3A_195 {
        %add3A_244 = arith.constant 1 : i32
        %add3A_245 = arith.addi %mul3A_171, %add3A_244 : i32
        %add3A_246 = arith.constant 3 : i32
        %add3A_247 = arith.addi %add3A_245, %add3A_246 : i32
        %dma_start3A_248 = arith.constant 0 : i32
        %dma_start3A_249 = tpu.memref_slice %arg6[%add3A_247, %dma_start3A_248] : memref<32x64xi32, #tpu.memory_space<vmem>> -> memref<1x64xi32, #tpu.memory_space<vmem>>
        %dma_start3A_250 = tpu.memref_squeeze %dma_start3A_249 : memref<1x64xi32, #tpu.memory_space<vmem>> -> memref<64xi32, #tpu.memory_space<vmem>>
        %dma_start3A_251 = arith.constant 0 : i32
        %dma_start3A_252 = arith.constant 0 : i32
        %dma_start3A_253 = tpu.memref_slice %arg2[%dma_start3A_251, %dma_start3A_252] : memref<10000x128xf32, #tpu.memory_space<hbm>> -> memref<10000x128xf32, #tpu.memory_space<hbm>>
        tpu.enqueue_indirect_dma source(%dma_start3A_253 : memref<10000x128xf32, #tpu.memory_space<hbm>>) target(%arg8 : memref<64x128xf32, #tpu.memory_space<vmem>>) offsets(%dma_start3A_250 : memref<64xi32, #tpu.memory_space<vmem>>) semaphore(%arg13 : memref<!tpu.dma_semaphore, #tpu.memory_space<semaphore_mem>>)
      } else {
      }
      %add3A_196 = arith.constant 1 : i32
      %add3A_197 = arith.addi %mul3A_171, %add3A_196 : i32
      %dma_wait3A_198 = arith.constant 0 : i32
      %dma_wait3A_199 = tpu.memref_slice %arg6[%add3A_197, %dma_wait3A_198] : memref<32x64xi32, #tpu.memory_space<vmem>> -> memref<1x64xi32, #tpu.memory_space<vmem>>
      %dma_wait3A_200 = tpu.memref_squeeze %dma_wait3A_199 : memref<1x64xi32, #tpu.memory_space<vmem>> -> memref<64xi32, #tpu.memory_space<vmem>>
      %dma_wait3A_201 = arith.constant 0 : i32
      %dma_wait3A_202 = arith.constant 0 : i32
      %dma_wait3A_203 = tpu.memref_slice %arg2[%dma_wait3A_201, %dma_wait3A_202] : memref<10000x128xf32, #tpu.memory_space<hbm>> -> memref<10000x128xf32, #tpu.memory_space<hbm>>
      tpu.wait_indirect_dma semaphore(%arg14 : memref<!tpu.dma_semaphore, #tpu.memory_space<semaphore_mem>>) src(%dma_wait3A_203 : memref<10000x128xf32, #tpu.memory_space<hbm>>) dst(%arg9 : memref<64x128xf32, #tpu.memory_space<vmem>>)
      %add3A_204 = arith.constant 1 : i32
      %add3A_205 = arith.addi %mul3A_171, %add3A_204 : i32
      "tpu.region"() ({
        %run_scoped3A = tpu.sem_alloc : memref<!tpu.dma_semaphore, #tpu.memory_space<semaphore_mem>>
        %dma_start3A_244 = arith.constant 0 : i32
        %dma_start3A_245 = tpu.memref_slice %arg7[%add3A_205, %dma_start3A_244] : memref<32x64xi32, #tpu.memory_space<vmem>> -> memref<1x64xi32, #tpu.memory_space<vmem>>
        %dma_start3A_246 = tpu.memref_squeeze %dma_start3A_245 : memref<1x64xi32, #tpu.memory_space<vmem>> -> memref<64xi32, #tpu.memory_space<vmem>>
        %dma_start3A_247 = arith.constant 0 : i32
        %dma_start3A_248 = arith.constant 0 : i32
        %dma_start3A_249 = tpu.memref_slice %arg12[%dma_start3A_247, %dma_start3A_248] : memref<10240x128xf32, #tpu.memory_space<vmem_shared>> -> memref<10240x128xf32, #tpu.memory_space<vmem_shared>>
        tpu.enqueue_indirect_dma source(%arg9 : memref<64x128xf32, #tpu.memory_space<vmem>>) target(%dma_start3A_249 : memref<10240x128xf32, #tpu.memory_space<vmem_shared>>) offsets(%dma_start3A_246 : memref<64xi32, #tpu.memory_space<vmem>>) semaphore(%run_scoped3A : memref<!tpu.dma_semaphore, #tpu.memory_space<semaphore_mem>>) {add = true}
        %dma_wait3A_250 = arith.constant 0 : i32
        %dma_wait3A_251 = tpu.memref_slice %arg7[%add3A_205, %dma_wait3A_250] : memref<32x64xi32, #tpu.memory_space<vmem>> -> memref<1x64xi32, #tpu.memory_space<vmem>>
        %dma_wait3A_252 = tpu.memref_squeeze %dma_wait3A_251 : memref<1x64xi32, #tpu.memory_space<vmem>> -> memref<64xi32, #tpu.memory_space<vmem>>
        %dma_wait3A_253 = arith.constant 0 : i32
        %dma_wait3A_254 = arith.constant 0 : i32
        %dma_wait3A_255 = tpu.memref_slice %arg12[%dma_wait3A_253, %dma_wait3A_254] : memref<10240x128xf32, #tpu.memory_space<vmem_shared>> -> memref<10240x128xf32, #tpu.memory_space<vmem_shared>>
        tpu.wait_indirect_dma semaphore(%run_scoped3A : memref<!tpu.dma_semaphore, #tpu.memory_space<semaphore_mem>>) src(%arg9 : memref<64x128xf32, #tpu.memory_space<vmem>>) dst(%dma_wait3A_255 : memref<10240x128xf32, #tpu.memory_space<vmem_shared>>)
        tpu.yield
      }) : () -> ()
      %add3A_206 = arith.constant 2 : i32
      %add3A_207 = arith.addi %mul3A_171, %add3A_206 : i32
      %add3A_208 = arith.constant 3 : i32
      %add3A_209 = arith.addi %add3A_207, %add3A_208 : i32
      %lt3A_210 = arith.constant 32 : i32
      %lt3A_211 = arith.cmpi slt, %add3A_209, %lt3A_210 : i32
      %convert_element_type3A_212 = arith.extui %lt3A_211 : i1 to i32
      %cond3A_213 = arith.constant 0 : i32
      %cond3A_214 = arith.cmpi ne, %convert_element_type3A_212, %cond3A_213 : i32
      scf.if %cond3A_214 {
        %add3A_244 = arith.constant 2 : i32
        %add3A_245 = arith.addi %mul3A_171, %add3A_244 : i32
        %add3A_246 = arith.constant 3 : i32
        %add3A_247 = arith.addi %add3A_245, %add3A_246 : i32
        %dma_start3A_248 = arith.constant 0 : i32
        %dma_start3A_249 = tpu.memref_slice %arg6[%add3A_247, %dma_start3A_248] : memref<32x64xi32, #tpu.memory_space<vmem>> -> memref<1x64xi32, #tpu.memory_space<vmem>>
        %dma_start3A_250 = tpu.memref_squeeze %dma_start3A_249 : memref<1x64xi32, #tpu.memory_space<vmem>> -> memref<64xi32, #tpu.memory_space<vmem>>
        %dma_start3A_251 = arith.constant 0 : i32
        %dma_start3A_252 = arith.constant 0 : i32
        %dma_start3A_253 = tpu.memref_slice %arg2[%dma_start3A_251, %dma_start3A_252] : memref<10000x128xf32, #tpu.memory_space<hbm>> -> memref<10000x128xf32, #tpu.memory_space<hbm>>
        tpu.enqueue_indirect_dma source(%dma_start3A_253 : memref<10000x128xf32, #tpu.memory_space<hbm>>) target(%arg9 : memref<64x128xf32, #tpu.memory_space<vmem>>) offsets(%dma_start3A_250 : memref<64xi32, #tpu.memory_space<vmem>>) semaphore(%arg14 : memref<!tpu.dma_semaphore, #tpu.memory_space<semaphore_mem>>)
      } else {
      }
      %add3A_215 = arith.constant 2 : i32
      %add3A_216 = arith.addi %mul3A_171, %add3A_215 : i32
      %dma_wait3A_217 = arith.constant 0 : i32
      %dma_wait3A_218 = tpu.memref_slice %arg6[%add3A_216, %dma_wait3A_217] : memref<32x64xi32, #tpu.memory_space<vmem>> -> memref<1x64xi32, #tpu.memory_space<vmem>>
      %dma_wait3A_219 = tpu.memref_squeeze %dma_wait3A_218 : memref<1x64xi32, #tpu.memory_space<vmem>> -> memref<64xi32, #tpu.memory_space<vmem>>
      %dma_wait3A_220 = arith.constant 0 : i32
      %dma_wait3A_221 = arith.constant 0 : i32
      %dma_wait3A_222 = tpu.memref_slice %arg2[%dma_wait3A_220, %dma_wait3A_221] : memref<10000x128xf32, #tpu.memory_space<hbm>> -> memref<10000x128xf32, #tpu.memory_space<hbm>>
      tpu.wait_indirect_dma semaphore(%arg15 : memref<!tpu.dma_semaphore, #tpu.memory_space<semaphore_mem>>) src(%dma_wait3A_222 : memref<10000x128xf32, #tpu.memory_space<hbm>>) dst(%arg10 : memref<64x128xf32, #tpu.memory_space<vmem>>)
      %add3A_223 = arith.constant 2 : i32
      %add3A_224 = arith.addi %mul3A_171, %add3A_223 : i32
      "tpu.region"() ({
        %run_scoped3A = tpu.sem_alloc : memref<!tpu.dma_semaphore, #tpu.memory_space<semaphore_mem>>
        %dma_start3A_244 = arith.constant 0 : i32
        %dma_start3A_245 = tpu.memref_slice %arg7[%add3A_224, %dma_start3A_244] : memref<32x64xi32, #tpu.memory_space<vmem>> -> memref<1x64xi32, #tpu.memory_space<vmem>>
        %dma_start3A_246 = tpu.memref_squeeze %dma_start3A_245 : memref<1x64xi32, #tpu.memory_space<vmem>> -> memref<64xi32, #tpu.memory_space<vmem>>
        %dma_start3A_247 = arith.constant 0 : i32
        %dma_start3A_248 = arith.constant 0 : i32
        %dma_start3A_249 = tpu.memref_slice %arg12[%dma_start3A_247, %dma_start3A_248] : memref<10240x128xf32, #tpu.memory_space<vmem_shared>> -> memref<10240x128xf32, #tpu.memory_space<vmem_shared>>
        tpu.enqueue_indirect_dma source(%arg10 : memref<64x128xf32, #tpu.memory_space<vmem>>) target(%dma_start3A_249 : memref<10240x128xf32, #tpu.memory_space<vmem_shared>>) offsets(%dma_start3A_246 : memref<64xi32, #tpu.memory_space<vmem>>) semaphore(%run_scoped3A : memref<!tpu.dma_semaphore, #tpu.memory_space<semaphore_mem>>) {add = true}
        %dma_wait3A_250 = arith.constant 0 : i32
        %dma_wait3A_251 = tpu.memref_slice %arg7[%add3A_224, %dma_wait3A_250] : memref<32x64xi32, #tpu.memory_space<vmem>> -> memref<1x64xi32, #tpu.memory_space<vmem>>
        %dma_wait3A_252 = tpu.memref_squeeze %dma_wait3A_251 : memref<1x64xi32, #tpu.memory_space<vmem>> -> memref<64xi32, #tpu.memory_space<vmem>>
        %dma_wait3A_253 = arith.constant 0 : i32
        %dma_wait3A_254 = arith.constant 0 : i32
        %dma_wait3A_255 = tpu.memref_slice %arg12[%dma_wait3A_253, %dma_wait3A_254] : memref<10240x128xf32, #tpu.memory_space<vmem_shared>> -> memref<10240x128xf32, #tpu.memory_space<vmem_shared>>
        tpu.wait_indirect_dma semaphore(%run_scoped3A : memref<!tpu.dma_semaphore, #tpu.memory_space<semaphore_mem>>) src(%arg10 : memref<64x128xf32, #tpu.memory_space<vmem>>) dst(%dma_wait3A_255 : memref<10240x128xf32, #tpu.memory_space<vmem_shared>>)
        tpu.yield
      }) : () -> ()
      %add3A_225 = arith.constant 3 : i32
      %add3A_226 = arith.addi %mul3A_171, %add3A_225 : i32
      %add3A_227 = arith.constant 3 : i32
      %add3A_228 = arith.addi %add3A_226, %add3A_227 : i32
      %lt3A_229 = arith.constant 32 : i32
      %lt3A_230 = arith.cmpi slt, %add3A_228, %lt3A_229 : i32
      %convert_element_type3A_231 = arith.extui %lt3A_230 : i1 to i32
      %cond3A_232 = arith.constant 0 : i32
      %cond3A_233 = arith.cmpi ne, %convert_element_type3A_231, %cond3A_232 : i32
      scf.if %cond3A_233 {
        %add3A_244 = arith.constant 3 : i32
        %add3A_245 = arith.addi %mul3A_171, %add3A_244 : i32
        %add3A_246 = arith.constant 3 : i32
        %add3A_247 = arith.addi %add3A_245, %add3A_246 : i32
        %dma_start3A_248 = arith.constant 0 : i32
        %dma_start3A_249 = tpu.memref_slice %arg6[%add3A_247, %dma_start3A_248] : memref<32x64xi32, #tpu.memory_space<vmem>> -> memref<1x64xi32, #tpu.memory_space<vmem>>
        %dma_start3A_250 = tpu.memref_squeeze %dma_start3A_249 : memref<1x64xi32, #tpu.memory_space<vmem>> -> memref<64xi32, #tpu.memory_space<vmem>>
        %dma_start3A_251 = arith.constant 0 : i32
        %dma_start3A_252 = arith.constant 0 : i32
        %dma_start3A_253 = tpu.memref_slice %arg2[%dma_start3A_251, %dma_start3A_252] : memref<10000x128xf32, #tpu.memory_space<hbm>> -> memref<10000x128xf32, #tpu.memory_space<hbm>>
        tpu.enqueue_indirect_dma source(%dma_start3A_253 : memref<10000x128xf32, #tpu.memory_space<hbm>>) target(%arg10 : memref<64x128xf32, #tpu.memory_space<vmem>>) offsets(%dma_start3A_250 : memref<64xi32, #tpu.memory_space<vmem>>) semaphore(%arg15 : memref<!tpu.dma_semaphore, #tpu.memory_space<semaphore_mem>>)
      } else {
      }
      %add3A_234 = arith.constant 3 : i32
      %add3A_235 = arith.addi %mul3A_171, %add3A_234 : i32
      %dma_wait3A_236 = arith.constant 0 : i32
      %dma_wait3A_237 = tpu.memref_slice %arg6[%add3A_235, %dma_wait3A_236] : memref<32x64xi32, #tpu.memory_space<vmem>> -> memref<1x64xi32, #tpu.memory_space<vmem>>
      %dma_wait3A_238 = tpu.memref_squeeze %dma_wait3A_237 : memref<1x64xi32, #tpu.memory_space<vmem>> -> memref<64xi32, #tpu.memory_space<vmem>>
      %dma_wait3A_239 = arith.constant 0 : i32
      %dma_wait3A_240 = arith.constant 0 : i32
      %dma_wait3A_241 = tpu.memref_slice %arg2[%dma_wait3A_239, %dma_wait3A_240] : memref<10000x128xf32, #tpu.memory_space<hbm>> -> memref<10000x128xf32, #tpu.memory_space<hbm>>
      tpu.wait_indirect_dma semaphore(%arg16 : memref<!tpu.dma_semaphore, #tpu.memory_space<semaphore_mem>>) src(%dma_wait3A_241 : memref<10000x128xf32, #tpu.memory_space<hbm>>) dst(%arg11 : memref<64x128xf32, #tpu.memory_space<vmem>>)
      %add3A_242 = arith.constant 3 : i32
      %add3A_243 = arith.addi %mul3A_171, %add3A_242 : i32
      "tpu.region"() ({
        %run_scoped3A = tpu.sem_alloc : memref<!tpu.dma_semaphore, #tpu.memory_space<semaphore_mem>>
        %dma_start3A_244 = arith.constant 0 : i32
        %dma_start3A_245 = tpu.memref_slice %arg7[%add3A_243, %dma_start3A_244] : memref<32x64xi32, #tpu.memory_space<vmem>> -> memref<1x64xi32, #tpu.memory_space<vmem>>
        %dma_start3A_246 = tpu.memref_squeeze %dma_start3A_245 : memref<1x64xi32, #tpu.memory_space<vmem>> -> memref<64xi32, #tpu.memory_space<vmem>>
        %dma_start3A_247 = arith.constant 0 : i32
        %dma_start3A_248 = arith.constant 0 : i32
        %dma_start3A_249 = tpu.memref_slice %arg12[%dma_start3A_247, %dma_start3A_248] : memref<10240x128xf32, #tpu.memory_space<vmem_shared>> -> memref<10240x128xf32, #tpu.memory_space<vmem_shared>>
        tpu.enqueue_indirect_dma source(%arg11 : memref<64x128xf32, #tpu.memory_space<vmem>>) target(%dma_start3A_249 : memref<10240x128xf32, #tpu.memory_space<vmem_shared>>) offsets(%dma_start3A_246 : memref<64xi32, #tpu.memory_space<vmem>>) semaphore(%run_scoped3A : memref<!tpu.dma_semaphore, #tpu.memory_space<semaphore_mem>>) {add = true}
        %dma_wait3A_250 = arith.constant 0 : i32
        %dma_wait3A_251 = tpu.memref_slice %arg7[%add3A_243, %dma_wait3A_250] : memref<32x64xi32, #tpu.memory_space<vmem>> -> memref<1x64xi32, #tpu.memory_space<vmem>>
        %dma_wait3A_252 = tpu.memref_squeeze %dma_wait3A_251 : memref<1x64xi32, #tpu.memory_space<vmem>> -> memref<64xi32, #tpu.memory_space<vmem>>
        %dma_wait3A_253 = arith.constant 0 : i32
        %dma_wait3A_254 = arith.constant 0 : i32
        %dma_wait3A_255 = tpu.memref_slice %arg12[%dma_wait3A_253, %dma_wait3A_254] : memref<10240x128xf32, #tpu.memory_space<vmem_shared>> -> memref<10240x128xf32, #tpu.memory_space<vmem_shared>>
        tpu.wait_indirect_dma semaphore(%run_scoped3A : memref<!tpu.dma_semaphore, #tpu.memory_space<semaphore_mem>>) src(%arg11 : memref<64x128xf32, #tpu.memory_space<vmem>>) dst(%dma_wait3A_255 : memref<10240x128xf32, #tpu.memory_space<vmem_shared>>)
        tpu.yield
      }) : () -> ()
    }
    %scan3A_74 = arith.constant 8 : i32
    %mul3A_75 = arith.constant 160 : i32
    %mul3A_76 = arith.muli %add3A, %mul3A_75 : i32
    %add3A_77 = arith.constant 64 : i32
    %add3A_78 = arith.addi %mul3A_76, %add3A_77 : i32
    "tpu.region"() ({
      %run_scoped3A = tpu.sem_alloc : memref<!tpu.dma_semaphore, #tpu.memory_space<semaphore_mem>>
      %dma_start3A_169 = arith.constant 0 : i32
      %dma_start3A_170 = tpu.memref_slice %arg3[%add3A_78, %dma_start3A_169] : memref<5152x64xi32, #tpu.memory_space<hbm>> -> memref<32x64xi32, #tpu.memory_space<hbm>>
      %dma_start3A_171 = arith.constant 0 : i32
      %dma_start3A_172 = tpu.memref_slice %arg3[%add3A_78, %dma_start3A_171] : memref<5152x64xi32, #tpu.memory_space<hbm>> -> memref<32x64xi32, #tpu.memory_space<hbm>>
      tpu.enqueue_dma source(%dma_start3A_172 : memref<32x64xi32, #tpu.memory_space<hbm>>) target(%arg6 : memref<32x64xi32, #tpu.memory_space<vmem>>) target_semaphore(%run_scoped3A : memref<!tpu.dma_semaphore, #tpu.memory_space<semaphore_mem>>)
      %dma_wait3A = arith.constant 0 : i32
      %dma_wait3A_173 = tpu.memref_slice %arg3[%add3A_78, %dma_wait3A] : memref<5152x64xi32, #tpu.memory_space<hbm>> -> memref<32x64xi32, #tpu.memory_space<hbm>>
      %dma_wait3A_174 = arith.constant 0 : i32
      %dma_wait3A_175 = tpu.memref_slice %arg3[%add3A_78, %dma_wait3A_174] : memref<5152x64xi32, #tpu.memory_space<hbm>> -> memref<32x64xi32, #tpu.memory_space<hbm>>
      tpu.wait_dma2 semaphore(%run_scoped3A : memref<!tpu.dma_semaphore, #tpu.memory_space<semaphore_mem>>) src(%dma_wait3A_175 : memref<32x64xi32, #tpu.memory_space<hbm>>) dst(%arg6 : memref<32x64xi32, #tpu.memory_space<vmem>>)
      tpu.yield
    }) : () -> ()
    "tpu.region"() ({
      %run_scoped3A = tpu.sem_alloc : memref<!tpu.dma_semaphore, #tpu.memory_space<semaphore_mem>>
      %dma_start3A_169 = arith.constant 0 : i32
      %dma_start3A_170 = tpu.memref_slice %arg4[%add3A_78, %dma_start3A_169] : memref<5152x64xi32, #tpu.memory_space<hbm>> -> memref<32x64xi32, #tpu.memory_space<hbm>>
      %dma_start3A_171 = arith.constant 0 : i32
      %dma_start3A_172 = tpu.memref_slice %arg4[%add3A_78, %dma_start3A_171] : memref<5152x64xi32, #tpu.memory_space<hbm>> -> memref<32x64xi32, #tpu.memory_space<hbm>>
      tpu.enqueue_dma source(%dma_start3A_172 : memref<32x64xi32, #tpu.memory_space<hbm>>) target(%arg7 : memref<32x64xi32, #tpu.memory_space<vmem>>) target_semaphore(%run_scoped3A : memref<!tpu.dma_semaphore, #tpu.memory_space<semaphore_mem>>)
      %dma_wait3A = arith.constant 0 : i32
      %dma_wait3A_173 = tpu.memref_slice %arg4[%add3A_78, %dma_wait3A] : memref<5152x64xi32, #tpu.memory_space<hbm>> -> memref<32x64xi32, #tpu.memory_space<hbm>>
      %dma_wait3A_174 = arith.constant 0 : i32
      %dma_wait3A_175 = tpu.memref_slice %arg4[%add3A_78, %dma_wait3A_174] : memref<5152x64xi32, #tpu.memory_space<hbm>> -> memref<32x64xi32, #tpu.memory_space<hbm>>
      tpu.wait_dma2 semaphore(%run_scoped3A : memref<!tpu.dma_semaphore, #tpu.memory_space<semaphore_mem>>) src(%dma_wait3A_175 : memref<32x64xi32, #tpu.memory_space<hbm>>) dst(%arg7 : memref<32x64xi32, #tpu.memory_space<vmem>>)
      tpu.yield
    }) : () -> ()
    %dma_start3A_79 = arith.constant 0 : i32
    %dma_start3A_80 = arith.constant 0 : i32
    %dma_start3A_81 = tpu.memref_slice %arg6[%dma_start3A_79, %dma_start3A_80] : memref<32x64xi32, #tpu.memory_space<vmem>> -> memref<1x64xi32, #tpu.memory_space<vmem>>
    %dma_start3A_82 = tpu.memref_squeeze %dma_start3A_81 : memref<1x64xi32, #tpu.memory_space<vmem>> -> memref<64xi32, #tpu.memory_space<vmem>>
    %dma_start3A_83 = arith.constant 0 : i32
    %dma_start3A_84 = arith.constant 0 : i32
    %dma_start3A_85 = tpu.memref_slice %arg2[%dma_start3A_83, %dma_start3A_84] : memref<10000x128xf32, #tpu.memory_space<hbm>> -> memref<10000x128xf32, #tpu.memory_space<hbm>>
    tpu.enqueue_indirect_dma source(%dma_start3A_85 : memref<10000x128xf32, #tpu.memory_space<hbm>>) target(%arg8 : memref<64x128xf32, #tpu.memory_space<vmem>>) offsets(%dma_start3A_82 : memref<64xi32, #tpu.memory_space<vmem>>) semaphore(%arg13 : memref<!tpu.dma_semaphore, #tpu.memory_space<semaphore_mem>>)
    %dma_start3A_86 = arith.constant 1 : i32
    %dma_start3A_87 = arith.constant 0 : i32
    %dma_start3A_88 = tpu.memref_slice %arg6[%dma_start3A_86, %dma_start3A_87] : memref<32x64xi32, #tpu.memory_space<vmem>> -> memref<1x64xi32, #tpu.memory_space<vmem>>
    %dma_start3A_89 = tpu.memref_squeeze %dma_start3A_88 : memref<1x64xi32, #tpu.memory_space<vmem>> -> memref<64xi32, #tpu.memory_space<vmem>>
    %dma_start3A_90 = arith.constant 0 : i32
    %dma_start3A_91 = arith.constant 0 : i32
    %dma_start3A_92 = tpu.memref_slice %arg2[%dma_start3A_90, %dma_start3A_91] : memref<10000x128xf32, #tpu.memory_space<hbm>> -> memref<10000x128xf32, #tpu.memory_space<hbm>>
    tpu.enqueue_indirect_dma source(%dma_start3A_92 : memref<10000x128xf32, #tpu.memory_space<hbm>>) target(%arg9 : memref<64x128xf32, #tpu.memory_space<vmem>>) offsets(%dma_start3A_89 : memref<64xi32, #tpu.memory_space<vmem>>) semaphore(%arg14 : memref<!tpu.dma_semaphore, #tpu.memory_space<semaphore_mem>>)
    %dma_start3A_93 = arith.constant 2 : i32
    %dma_start3A_94 = arith.constant 0 : i32
    %dma_start3A_95 = tpu.memref_slice %arg6[%dma_start3A_93, %dma_start3A_94] : memref<32x64xi32, #tpu.memory_space<vmem>> -> memref<1x64xi32, #tpu.memory_space<vmem>>
    %dma_start3A_96 = tpu.memref_squeeze %dma_start3A_95 : memref<1x64xi32, #tpu.memory_space<vmem>> -> memref<64xi32, #tpu.memory_space<vmem>>
    %dma_start3A_97 = arith.constant 0 : i32
    %dma_start3A_98 = arith.constant 0 : i32
    %dma_start3A_99 = tpu.memref_slice %arg2[%dma_start3A_97, %dma_start3A_98] : memref<10000x128xf32, #tpu.memory_space<hbm>> -> memref<10000x128xf32, #tpu.memory_space<hbm>>
    tpu.enqueue_indirect_dma source(%dma_start3A_99 : memref<10000x128xf32, #tpu.memory_space<hbm>>) target(%arg10 : memref<64x128xf32, #tpu.memory_space<vmem>>) offsets(%dma_start3A_96 : memref<64xi32, #tpu.memory_space<vmem>>) semaphore(%arg15 : memref<!tpu.dma_semaphore, #tpu.memory_space<semaphore_mem>>)
    %scan3A_100 = arith.constant 0 : i32
    %scan3A_101 = arith.constant 0 : i32
    %scan3A_102 = arith.constant 8 : i32
    %scan3A_103 = arith.addi %scan3A_101, %scan3A_102 : i32
    %scan3A_104 = arith.constant 1 : i32
    scf.for %scan3A_169 = %scan3A_101 to %scan3A_103 step %scan3A_104  : i32 {
      %mul3A_170 = arith.constant 4 : i32
      %mul3A_171 = arith.muli %scan3A_169, %mul3A_170 : i32
      %add3A_172 = arith.constant 0 : i32
      %add3A_173 = arith.addi %mul3A_171, %add3A_172 : i32
      %add3A_174 = arith.constant 3 : i32
      %add3A_175 = arith.addi %add3A_173, %add3A_174 : i32
      %lt3A = arith.constant 32 : i32
      %lt3A_176 = arith.cmpi slt, %add3A_175, %lt3A : i32
      %convert_element_type3A = arith.extui %lt3A_176 : i1 to i32
      %cond3A = arith.constant 0 : i32
      %cond3A_177 = arith.cmpi ne, %convert_element_type3A, %cond3A : i32
      scf.if %cond3A_177 {
        %add3A_244 = arith.constant 0 : i32
        %add3A_245 = arith.addi %mul3A_171, %add3A_244 : i32
        %add3A_246 = arith.constant 3 : i32
        %add3A_247 = arith.addi %add3A_245, %add3A_246 : i32
        %dma_start3A_248 = arith.constant 0 : i32
        %dma_start3A_249 = tpu.memref_slice %arg6[%add3A_247, %dma_start3A_248] : memref<32x64xi32, #tpu.memory_space<vmem>> -> memref<1x64xi32, #tpu.memory_space<vmem>>
        %dma_start3A_250 = tpu.memref_squeeze %dma_start3A_249 : memref<1x64xi32, #tpu.memory_space<vmem>> -> memref<64xi32, #tpu.memory_space<vmem>>
        %dma_start3A_251 = arith.constant 0 : i32
        %dma_start3A_252 = arith.constant 0 : i32
        %dma_start3A_253 = tpu.memref_slice %arg2[%dma_start3A_251, %dma_start3A_252] : memref<10000x128xf32, #tpu.memory_space<hbm>> -> memref<10000x128xf32, #tpu.memory_space<hbm>>
        tpu.enqueue_indirect_dma source(%dma_start3A_253 : memref<10000x128xf32, #tpu.memory_space<hbm>>) target(%arg11 : memref<64x128xf32, #tpu.memory_space<vmem>>) offsets(%dma_start3A_250 : memref<64xi32, #tpu.memory_space<vmem>>) semaphore(%arg16 : memref<!tpu.dma_semaphore, #tpu.memory_space<semaphore_mem>>)
      } else {
      }
      %add3A_178 = arith.constant 0 : i32
      %add3A_179 = arith.addi %mul3A_171, %add3A_178 : i32
      %dma_wait3A = arith.constant 0 : i32
      %dma_wait3A_180 = tpu.memref_slice %arg6[%add3A_179, %dma_wait3A] : memref<32x64xi32, #tpu.memory_space<vmem>> -> memref<1x64xi32, #tpu.memory_space<vmem>>
      %dma_wait3A_181 = tpu.memref_squeeze %dma_wait3A_180 : memref<1x64xi32, #tpu.memory_space<vmem>> -> memref<64xi32, #tpu.memory_space<vmem>>
      %dma_wait3A_182 = arith.constant 0 : i32
      %dma_wait3A_183 = arith.constant 0 : i32
      %dma_wait3A_184 = tpu.memref_slice %arg2[%dma_wait3A_182, %dma_wait3A_183] : memref<10000x128xf32, #tpu.memory_space<hbm>> -> memref<10000x128xf32, #tpu.memory_space<hbm>>
      tpu.wait_indirect_dma semaphore(%arg13 : memref<!tpu.dma_semaphore, #tpu.memory_space<semaphore_mem>>) src(%dma_wait3A_184 : memref<10000x128xf32, #tpu.memory_space<hbm>>) dst(%arg8 : memref<64x128xf32, #tpu.memory_space<vmem>>)
      %add3A_185 = arith.constant 0 : i32
      %add3A_186 = arith.addi %mul3A_171, %add3A_185 : i32
      "tpu.region"() ({
        %run_scoped3A = tpu.sem_alloc : memref<!tpu.dma_semaphore, #tpu.memory_space<semaphore_mem>>
        %dma_start3A_244 = arith.constant 0 : i32
        %dma_start3A_245 = tpu.memref_slice %arg7[%add3A_186, %dma_start3A_244] : memref<32x64xi32, #tpu.memory_space<vmem>> -> memref<1x64xi32, #tpu.memory_space<vmem>>
        %dma_start3A_246 = tpu.memref_squeeze %dma_start3A_245 : memref<1x64xi32, #tpu.memory_space<vmem>> -> memref<64xi32, #tpu.memory_space<vmem>>
        %dma_start3A_247 = arith.constant 0 : i32
        %dma_start3A_248 = arith.constant 0 : i32
        %dma_start3A_249 = tpu.memref_slice %arg12[%dma_start3A_247, %dma_start3A_248] : memref<10240x128xf32, #tpu.memory_space<vmem_shared>> -> memref<10240x128xf32, #tpu.memory_space<vmem_shared>>
        tpu.enqueue_indirect_dma source(%arg8 : memref<64x128xf32, #tpu.memory_space<vmem>>) target(%dma_start3A_249 : memref<10240x128xf32, #tpu.memory_space<vmem_shared>>) offsets(%dma_start3A_246 : memref<64xi32, #tpu.memory_space<vmem>>) semaphore(%run_scoped3A : memref<!tpu.dma_semaphore, #tpu.memory_space<semaphore_mem>>) {add = true}
        %dma_wait3A_250 = arith.constant 0 : i32
        %dma_wait3A_251 = tpu.memref_slice %arg7[%add3A_186, %dma_wait3A_250] : memref<32x64xi32, #tpu.memory_space<vmem>> -> memref<1x64xi32, #tpu.memory_space<vmem>>
        %dma_wait3A_252 = tpu.memref_squeeze %dma_wait3A_251 : memref<1x64xi32, #tpu.memory_space<vmem>> -> memref<64xi32, #tpu.memory_space<vmem>>
        %dma_wait3A_253 = arith.constant 0 : i32
        %dma_wait3A_254 = arith.constant 0 : i32
        %dma_wait3A_255 = tpu.memref_slice %arg12[%dma_wait3A_253, %dma_wait3A_254] : memref<10240x128xf32, #tpu.memory_space<vmem_shared>> -> memref<10240x128xf32, #tpu.memory_space<vmem_shared>>
        tpu.wait_indirect_dma semaphore(%run_scoped3A : memref<!tpu.dma_semaphore, #tpu.memory_space<semaphore_mem>>) src(%arg8 : memref<64x128xf32, #tpu.memory_space<vmem>>) dst(%dma_wait3A_255 : memref<10240x128xf32, #tpu.memory_space<vmem_shared>>)
        tpu.yield
      }) : () -> ()
      %add3A_187 = arith.constant 1 : i32
      %add3A_188 = arith.addi %mul3A_171, %add3A_187 : i32
      %add3A_189 = arith.constant 3 : i32
      %add3A_190 = arith.addi %add3A_188, %add3A_189 : i32
      %lt3A_191 = arith.constant 32 : i32
      %lt3A_192 = arith.cmpi slt, %add3A_190, %lt3A_191 : i32
      %convert_element_type3A_193 = arith.extui %lt3A_192 : i1 to i32
      %cond3A_194 = arith.constant 0 : i32
      %cond3A_195 = arith.cmpi ne, %convert_element_type3A_193, %cond3A_194 : i32
      scf.if %cond3A_195 {
        %add3A_244 = arith.constant 1 : i32
        %add3A_245 = arith.addi %mul3A_171, %add3A_244 : i32
        %add3A_246 = arith.constant 3 : i32
        %add3A_247 = arith.addi %add3A_245, %add3A_246 : i32
        %dma_start3A_248 = arith.constant 0 : i32
        %dma_start3A_249 = tpu.memref_slice %arg6[%add3A_247, %dma_start3A_248] : memref<32x64xi32, #tpu.memory_space<vmem>> -> memref<1x64xi32, #tpu.memory_space<vmem>>
        %dma_start3A_250 = tpu.memref_squeeze %dma_start3A_249 : memref<1x64xi32, #tpu.memory_space<vmem>> -> memref<64xi32, #tpu.memory_space<vmem>>
        %dma_start3A_251 = arith.constant 0 : i32
        %dma_start3A_252 = arith.constant 0 : i32
        %dma_start3A_253 = tpu.memref_slice %arg2[%dma_start3A_251, %dma_start3A_252] : memref<10000x128xf32, #tpu.memory_space<hbm>> -> memref<10000x128xf32, #tpu.memory_space<hbm>>
        tpu.enqueue_indirect_dma source(%dma_start3A_253 : memref<10000x128xf32, #tpu.memory_space<hbm>>) target(%arg8 : memref<64x128xf32, #tpu.memory_space<vmem>>) offsets(%dma_start3A_250 : memref<64xi32, #tpu.memory_space<vmem>>) semaphore(%arg13 : memref<!tpu.dma_semaphore, #tpu.memory_space<semaphore_mem>>)
      } else {
      }
      %add3A_196 = arith.constant 1 : i32
      %add3A_197 = arith.addi %mul3A_171, %add3A_196 : i32
      %dma_wait3A_198 = arith.constant 0 : i32
      %dma_wait3A_199 = tpu.memref_slice %arg6[%add3A_197, %dma_wait3A_198] : memref<32x64xi32, #tpu.memory_space<vmem>> -> memref<1x64xi32, #tpu.memory_space<vmem>>
      %dma_wait3A_200 = tpu.memref_squeeze %dma_wait3A_199 : memref<1x64xi32, #tpu.memory_space<vmem>> -> memref<64xi32, #tpu.memory_space<vmem>>
      %dma_wait3A_201 = arith.constant 0 : i32
      %dma_wait3A_202 = arith.constant 0 : i32
      %dma_wait3A_203 = tpu.memref_slice %arg2[%dma_wait3A_201, %dma_wait3A_202] : memref<10000x128xf32, #tpu.memory_space<hbm>> -> memref<10000x128xf32, #tpu.memory_space<hbm>>
      tpu.wait_indirect_dma semaphore(%arg14 : memref<!tpu.dma_semaphore, #tpu.memory_space<semaphore_mem>>) src(%dma_wait3A_203 : memref<10000x128xf32, #tpu.memory_space<hbm>>) dst(%arg9 : memref<64x128xf32, #tpu.memory_space<vmem>>)
      %add3A_204 = arith.constant 1 : i32
      %add3A_205 = arith.addi %mul3A_171, %add3A_204 : i32
      "tpu.region"() ({
        %run_scoped3A = tpu.sem_alloc : memref<!tpu.dma_semaphore, #tpu.memory_space<semaphore_mem>>
        %dma_start3A_244 = arith.constant 0 : i32
        %dma_start3A_245 = tpu.memref_slice %arg7[%add3A_205, %dma_start3A_244] : memref<32x64xi32, #tpu.memory_space<vmem>> -> memref<1x64xi32, #tpu.memory_space<vmem>>
        %dma_start3A_246 = tpu.memref_squeeze %dma_start3A_245 : memref<1x64xi32, #tpu.memory_space<vmem>> -> memref<64xi32, #tpu.memory_space<vmem>>
        %dma_start3A_247 = arith.constant 0 : i32
        %dma_start3A_248 = arith.constant 0 : i32
        %dma_start3A_249 = tpu.memref_slice %arg12[%dma_start3A_247, %dma_start3A_248] : memref<10240x128xf32, #tpu.memory_space<vmem_shared>> -> memref<10240x128xf32, #tpu.memory_space<vmem_shared>>
        tpu.enqueue_indirect_dma source(%arg9 : memref<64x128xf32, #tpu.memory_space<vmem>>) target(%dma_start3A_249 : memref<10240x128xf32, #tpu.memory_space<vmem_shared>>) offsets(%dma_start3A_246 : memref<64xi32, #tpu.memory_space<vmem>>) semaphore(%run_scoped3A : memref<!tpu.dma_semaphore, #tpu.memory_space<semaphore_mem>>) {add = true}
        %dma_wait3A_250 = arith.constant 0 : i32
        %dma_wait3A_251 = tpu.memref_slice %arg7[%add3A_205, %dma_wait3A_250] : memref<32x64xi32, #tpu.memory_space<vmem>> -> memref<1x64xi32, #tpu.memory_space<vmem>>
        %dma_wait3A_252 = tpu.memref_squeeze %dma_wait3A_251 : memref<1x64xi32, #tpu.memory_space<vmem>> -> memref<64xi32, #tpu.memory_space<vmem>>
        %dma_wait3A_253 = arith.constant 0 : i32
        %dma_wait3A_254 = arith.constant 0 : i32
        %dma_wait3A_255 = tpu.memref_slice %arg12[%dma_wait3A_253, %dma_wait3A_254] : memref<10240x128xf32, #tpu.memory_space<vmem_shared>> -> memref<10240x128xf32, #tpu.memory_space<vmem_shared>>
        tpu.wait_indirect_dma semaphore(%run_scoped3A : memref<!tpu.dma_semaphore, #tpu.memory_space<semaphore_mem>>) src(%arg9 : memref<64x128xf32, #tpu.memory_space<vmem>>) dst(%dma_wait3A_255 : memref<10240x128xf32, #tpu.memory_space<vmem_shared>>)
        tpu.yield
      }) : () -> ()
      %add3A_206 = arith.constant 2 : i32
      %add3A_207 = arith.addi %mul3A_171, %add3A_206 : i32
      %add3A_208 = arith.constant 3 : i32
      %add3A_209 = arith.addi %add3A_207, %add3A_208 : i32
      %lt3A_210 = arith.constant 32 : i32
      %lt3A_211 = arith.cmpi slt, %add3A_209, %lt3A_210 : i32
      %convert_element_type3A_212 = arith.extui %lt3A_211 : i1 to i32
      %cond3A_213 = arith.constant 0 : i32
      %cond3A_214 = arith.cmpi ne, %convert_element_type3A_212, %cond3A_213 : i32
      scf.if %cond3A_214 {
        %add3A_244 = arith.constant 2 : i32
        %add3A_245 = arith.addi %mul3A_171, %add3A_244 : i32
        %add3A_246 = arith.constant 3 : i32
        %add3A_247 = arith.addi %add3A_245, %add3A_246 : i32
        %dma_start3A_248 = arith.constant 0 : i32
        %dma_start3A_249 = tpu.memref_slice %arg6[%add3A_247, %dma_start3A_248] : memref<32x64xi32, #tpu.memory_space<vmem>> -> memref<1x64xi32, #tpu.memory_space<vmem>>
        %dma_start3A_250 = tpu.memref_squeeze %dma_start3A_249 : memref<1x64xi32, #tpu.memory_space<vmem>> -> memref<64xi32, #tpu.memory_space<vmem>>
        %dma_start3A_251 = arith.constant 0 : i32
        %dma_start3A_252 = arith.constant 0 : i32
        %dma_start3A_253 = tpu.memref_slice %arg2[%dma_start3A_251, %dma_start3A_252] : memref<10000x128xf32, #tpu.memory_space<hbm>> -> memref<10000x128xf32, #tpu.memory_space<hbm>>
        tpu.enqueue_indirect_dma source(%dma_start3A_253 : memref<10000x128xf32, #tpu.memory_space<hbm>>) target(%arg9 : memref<64x128xf32, #tpu.memory_space<vmem>>) offsets(%dma_start3A_250 : memref<64xi32, #tpu.memory_space<vmem>>) semaphore(%arg14 : memref<!tpu.dma_semaphore, #tpu.memory_space<semaphore_mem>>)
      } else {
      }
      %add3A_215 = arith.constant 2 : i32
      %add3A_216 = arith.addi %mul3A_171, %add3A_215 : i32
      %dma_wait3A_217 = arith.constant 0 : i32
      %dma_wait3A_218 = tpu.memref_slice %arg6[%add3A_216, %dma_wait3A_217] : memref<32x64xi32, #tpu.memory_space<vmem>> -> memref<1x64xi32, #tpu.memory_space<vmem>>
      %dma_wait3A_219 = tpu.memref_squeeze %dma_wait3A_218 : memref<1x64xi32, #tpu.memory_space<vmem>> -> memref<64xi32, #tpu.memory_space<vmem>>
      %dma_wait3A_220 = arith.constant 0 : i32
      %dma_wait3A_221 = arith.constant 0 : i32
      %dma_wait3A_222 = tpu.memref_slice %arg2[%dma_wait3A_220, %dma_wait3A_221] : memref<10000x128xf32, #tpu.memory_space<hbm>> -> memref<10000x128xf32, #tpu.memory_space<hbm>>
      tpu.wait_indirect_dma semaphore(%arg15 : memref<!tpu.dma_semaphore, #tpu.memory_space<semaphore_mem>>) src(%dma_wait3A_222 : memref<10000x128xf32, #tpu.memory_space<hbm>>) dst(%arg10 : memref<64x128xf32, #tpu.memory_space<vmem>>)
      %add3A_223 = arith.constant 2 : i32
      %add3A_224 = arith.addi %mul3A_171, %add3A_223 : i32
      "tpu.region"() ({
        %run_scoped3A = tpu.sem_alloc : memref<!tpu.dma_semaphore, #tpu.memory_space<semaphore_mem>>
        %dma_start3A_244 = arith.constant 0 : i32
        %dma_start3A_245 = tpu.memref_slice %arg7[%add3A_224, %dma_start3A_244] : memref<32x64xi32, #tpu.memory_space<vmem>> -> memref<1x64xi32, #tpu.memory_space<vmem>>
        %dma_start3A_246 = tpu.memref_squeeze %dma_start3A_245 : memref<1x64xi32, #tpu.memory_space<vmem>> -> memref<64xi32, #tpu.memory_space<vmem>>
        %dma_start3A_247 = arith.constant 0 : i32
        %dma_start3A_248 = arith.constant 0 : i32
        %dma_start3A_249 = tpu.memref_slice %arg12[%dma_start3A_247, %dma_start3A_248] : memref<10240x128xf32, #tpu.memory_space<vmem_shared>> -> memref<10240x128xf32, #tpu.memory_space<vmem_shared>>
        tpu.enqueue_indirect_dma source(%arg10 : memref<64x128xf32, #tpu.memory_space<vmem>>) target(%dma_start3A_249 : memref<10240x128xf32, #tpu.memory_space<vmem_shared>>) offsets(%dma_start3A_246 : memref<64xi32, #tpu.memory_space<vmem>>) semaphore(%run_scoped3A : memref<!tpu.dma_semaphore, #tpu.memory_space<semaphore_mem>>) {add = true}
        %dma_wait3A_250 = arith.constant 0 : i32
        %dma_wait3A_251 = tpu.memref_slice %arg7[%add3A_224, %dma_wait3A_250] : memref<32x64xi32, #tpu.memory_space<vmem>> -> memref<1x64xi32, #tpu.memory_space<vmem>>
        %dma_wait3A_252 = tpu.memref_squeeze %dma_wait3A_251 : memref<1x64xi32, #tpu.memory_space<vmem>> -> memref<64xi32, #tpu.memory_space<vmem>>
        %dma_wait3A_253 = arith.constant 0 : i32
        %dma_wait3A_254 = arith.constant 0 : i32
        %dma_wait3A_255 = tpu.memref_slice %arg12[%dma_wait3A_253, %dma_wait3A_254] : memref<10240x128xf32, #tpu.memory_space<vmem_shared>> -> memref<10240x128xf32, #tpu.memory_space<vmem_shared>>
        tpu.wait_indirect_dma semaphore(%run_scoped3A : memref<!tpu.dma_semaphore, #tpu.memory_space<semaphore_mem>>) src(%arg10 : memref<64x128xf32, #tpu.memory_space<vmem>>) dst(%dma_wait3A_255 : memref<10240x128xf32, #tpu.memory_space<vmem_shared>>)
        tpu.yield
      }) : () -> ()
      %add3A_225 = arith.constant 3 : i32
      %add3A_226 = arith.addi %mul3A_171, %add3A_225 : i32
      %add3A_227 = arith.constant 3 : i32
      %add3A_228 = arith.addi %add3A_226, %add3A_227 : i32
      %lt3A_229 = arith.constant 32 : i32
      %lt3A_230 = arith.cmpi slt, %add3A_228, %lt3A_229 : i32
      %convert_element_type3A_231 = arith.extui %lt3A_230 : i1 to i32
      %cond3A_232 = arith.constant 0 : i32
      %cond3A_233 = arith.cmpi ne, %convert_element_type3A_231, %cond3A_232 : i32
      scf.if %cond3A_233 {
        %add3A_244 = arith.constant 3 : i32
        %add3A_245 = arith.addi %mul3A_171, %add3A_244 : i32
        %add3A_246 = arith.constant 3 : i32
        %add3A_247 = arith.addi %add3A_245, %add3A_246 : i32
        %dma_start3A_248 = arith.constant 0 : i32
        %dma_start3A_249 = tpu.memref_slice %arg6[%add3A_247, %dma_start3A_248] : memref<32x64xi32, #tpu.memory_space<vmem>> -> memref<1x64xi32, #tpu.memory_space<vmem>>
        %dma_start3A_250 = tpu.memref_squeeze %dma_start3A_249 : memref<1x64xi32, #tpu.memory_space<vmem>> -> memref<64xi32, #tpu.memory_space<vmem>>
        %dma_start3A_251 = arith.constant 0 : i32
        %dma_start3A_252 = arith.constant 0 : i32
        %dma_start3A_253 = tpu.memref_slice %arg2[%dma_start3A_251, %dma_start3A_252] : memref<10000x128xf32, #tpu.memory_space<hbm>> -> memref<10000x128xf32, #tpu.memory_space<hbm>>
        tpu.enqueue_indirect_dma source(%dma_start3A_253 : memref<10000x128xf32, #tpu.memory_space<hbm>>) target(%arg10 : memref<64x128xf32, #tpu.memory_space<vmem>>) offsets(%dma_start3A_250 : memref<64xi32, #tpu.memory_space<vmem>>) semaphore(%arg15 : memref<!tpu.dma_semaphore, #tpu.memory_space<semaphore_mem>>)
      } else {
      }
      %add3A_234 = arith.constant 3 : i32
      %add3A_235 = arith.addi %mul3A_171, %add3A_234 : i32
      %dma_wait3A_236 = arith.constant 0 : i32
      %dma_wait3A_237 = tpu.memref_slice %arg6[%add3A_235, %dma_wait3A_236] : memref<32x64xi32, #tpu.memory_space<vmem>> -> memref<1x64xi32, #tpu.memory_space<vmem>>
      %dma_wait3A_238 = tpu.memref_squeeze %dma_wait3A_237 : memref<1x64xi32, #tpu.memory_space<vmem>> -> memref<64xi32, #tpu.memory_space<vmem>>
      %dma_wait3A_239 = arith.constant 0 : i32
      %dma_wait3A_240 = arith.constant 0 : i32
      %dma_wait3A_241 = tpu.memref_slice %arg2[%dma_wait3A_239, %dma_wait3A_240] : memref<10000x128xf32, #tpu.memory_space<hbm>> -> memref<10000x128xf32, #tpu.memory_space<hbm>>
      tpu.wait_indirect_dma semaphore(%arg16 : memref<!tpu.dma_semaphore, #tpu.memory_space<semaphore_mem>>) src(%dma_wait3A_241 : memref<10000x128xf32, #tpu.memory_space<hbm>>) dst(%arg11 : memref<64x128xf32, #tpu.memory_space<vmem>>)
      %add3A_242 = arith.constant 3 : i32
      %add3A_243 = arith.addi %mul3A_171, %add3A_242 : i32
      "tpu.region"() ({
        %run_scoped3A = tpu.sem_alloc : memref<!tpu.dma_semaphore, #tpu.memory_space<semaphore_mem>>
        %dma_start3A_244 = arith.constant 0 : i32
        %dma_start3A_245 = tpu.memref_slice %arg7[%add3A_243, %dma_start3A_244] : memref<32x64xi32, #tpu.memory_space<vmem>> -> memref<1x64xi32, #tpu.memory_space<vmem>>
        %dma_start3A_246 = tpu.memref_squeeze %dma_start3A_245 : memref<1x64xi32, #tpu.memory_space<vmem>> -> memref<64xi32, #tpu.memory_space<vmem>>
        %dma_start3A_247 = arith.constant 0 : i32
        %dma_start3A_248 = arith.constant 0 : i32
        %dma_start3A_249 = tpu.memref_slice %arg12[%dma_start3A_247, %dma_start3A_248] : memref<10240x128xf32, #tpu.memory_space<vmem_shared>> -> memref<10240x128xf32, #tpu.memory_space<vmem_shared>>
        tpu.enqueue_indirect_dma source(%arg11 : memref<64x128xf32, #tpu.memory_space<vmem>>) target(%dma_start3A_249 : memref<10240x128xf32, #tpu.memory_space<vmem_shared>>) offsets(%dma_start3A_246 : memref<64xi32, #tpu.memory_space<vmem>>) semaphore(%run_scoped3A : memref<!tpu.dma_semaphore, #tpu.memory_space<semaphore_mem>>) {add = true}
        %dma_wait3A_250 = arith.constant 0 : i32
        %dma_wait3A_251 = tpu.memref_slice %arg7[%add3A_243, %dma_wait3A_250] : memref<32x64xi32, #tpu.memory_space<vmem>> -> memref<1x64xi32, #tpu.memory_space<vmem>>
        %dma_wait3A_252 = tpu.memref_squeeze %dma_wait3A_251 : memref<1x64xi32, #tpu.memory_space<vmem>> -> memref<64xi32, #tpu.memory_space<vmem>>
        %dma_wait3A_253 = arith.constant 0 : i32
        %dma_wait3A_254 = arith.constant 0 : i32
        %dma_wait3A_255 = tpu.memref_slice %arg12[%dma_wait3A_253, %dma_wait3A_254] : memref<10240x128xf32, #tpu.memory_space<vmem_shared>> -> memref<10240x128xf32, #tpu.memory_space<vmem_shared>>
        tpu.wait_indirect_dma semaphore(%run_scoped3A : memref<!tpu.dma_semaphore, #tpu.memory_space<semaphore_mem>>) src(%arg11 : memref<64x128xf32, #tpu.memory_space<vmem>>) dst(%dma_wait3A_255 : memref<10240x128xf32, #tpu.memory_space<vmem_shared>>)
        tpu.yield
      }) : () -> ()
    }
    %scan3A_105 = arith.constant 8 : i32
    %mul3A_106 = arith.constant 160 : i32
    %mul3A_107 = arith.muli %add3A, %mul3A_106 : i32
    %add3A_108 = arith.constant 96 : i32
    %add3A_109 = arith.addi %mul3A_107, %add3A_108 : i32
    "tpu.region"() ({
      %run_scoped3A = tpu.sem_alloc : memref<!tpu.dma_semaphore, #tpu.memory_space<semaphore_mem>>
      %dma_start3A_169 = arith.constant 0 : i32
      %dma_start3A_170 = tpu.memref_slice %arg3[%add3A_109, %dma_start3A_169] : memref<5152x64xi32, #tpu.memory_space<hbm>> -> memref<32x64xi32, #tpu.memory_space<hbm>>
      %dma_start3A_171 = arith.constant 0 : i32
      %dma_start3A_172 = tpu.memref_slice %arg3[%add3A_109, %dma_start3A_171] : memref<5152x64xi32, #tpu.memory_space<hbm>> -> memref<32x64xi32, #tpu.memory_space<hbm>>
      tpu.enqueue_dma source(%dma_start3A_172 : memref<32x64xi32, #tpu.memory_space<hbm>>) target(%arg6 : memref<32x64xi32, #tpu.memory_space<vmem>>) target_semaphore(%run_scoped3A : memref<!tpu.dma_semaphore, #tpu.memory_space<semaphore_mem>>)
      %dma_wait3A = arith.constant 0 : i32
      %dma_wait3A_173 = tpu.memref_slice %arg3[%add3A_109, %dma_wait3A] : memref<5152x64xi32, #tpu.memory_space<hbm>> -> memref<32x64xi32, #tpu.memory_space<hbm>>
      %dma_wait3A_174 = arith.constant 0 : i32
      %dma_wait3A_175 = tpu.memref_slice %arg3[%add3A_109, %dma_wait3A_174] : memref<5152x64xi32, #tpu.memory_space<hbm>> -> memref<32x64xi32, #tpu.memory_space<hbm>>
      tpu.wait_dma2 semaphore(%run_scoped3A : memref<!tpu.dma_semaphore, #tpu.memory_space<semaphore_mem>>) src(%dma_wait3A_175 : memref<32x64xi32, #tpu.memory_space<hbm>>) dst(%arg6 : memref<32x64xi32, #tpu.memory_space<vmem>>)
      tpu.yield
    }) : () -> ()
    "tpu.region"() ({
      %run_scoped3A = tpu.sem_alloc : memref<!tpu.dma_semaphore, #tpu.memory_space<semaphore_mem>>
      %dma_start3A_169 = arith.constant 0 : i32
      %dma_start3A_170 = tpu.memref_slice %arg4[%add3A_109, %dma_start3A_169] : memref<5152x64xi32, #tpu.memory_space<hbm>> -> memref<32x64xi32, #tpu.memory_space<hbm>>
      %dma_start3A_171 = arith.constant 0 : i32
      %dma_start3A_172 = tpu.memref_slice %arg4[%add3A_109, %dma_start3A_171] : memref<5152x64xi32, #tpu.memory_space<hbm>> -> memref<32x64xi32, #tpu.memory_space<hbm>>
      tpu.enqueue_dma source(%dma_start3A_172 : memref<32x64xi32, #tpu.memory_space<hbm>>) target(%arg7 : memref<32x64xi32, #tpu.memory_space<vmem>>) target_semaphore(%run_scoped3A : memref<!tpu.dma_semaphore, #tpu.memory_space<semaphore_mem>>)
      %dma_wait3A = arith.constant 0 : i32
      %dma_wait3A_173 = tpu.memref_slice %arg4[%add3A_109, %dma_wait3A] : memref<5152x64xi32, #tpu.memory_space<hbm>> -> memref<32x64xi32, #tpu.memory_space<hbm>>
      %dma_wait3A_174 = arith.constant 0 : i32
      %dma_wait3A_175 = tpu.memref_slice %arg4[%add3A_109, %dma_wait3A_174] : memref<5152x64xi32, #tpu.memory_space<hbm>> -> memref<32x64xi32, #tpu.memory_space<hbm>>
      tpu.wait_dma2 semaphore(%run_scoped3A : memref<!tpu.dma_semaphore, #tpu.memory_space<semaphore_mem>>) src(%dma_wait3A_175 : memref<32x64xi32, #tpu.memory_space<hbm>>) dst(%arg7 : memref<32x64xi32, #tpu.memory_space<vmem>>)
      tpu.yield
    }) : () -> ()
    %dma_start3A_110 = arith.constant 0 : i32
    %dma_start3A_111 = arith.constant 0 : i32
    %dma_start3A_112 = tpu.memref_slice %arg6[%dma_start3A_110, %dma_start3A_111] : memref<32x64xi32, #tpu.memory_space<vmem>> -> memref<1x64xi32, #tpu.memory_space<vmem>>
    %dma_start3A_113 = tpu.memref_squeeze %dma_start3A_112 : memref<1x64xi32, #tpu.memory_space<vmem>> -> memref<64xi32, #tpu.memory_space<vmem>>
    %dma_start3A_114 = arith.constant 0 : i32
    %dma_start3A_115 = arith.constant 0 : i32
    %dma_start3A_116 = tpu.memref_slice %arg2[%dma_start3A_114, %dma_start3A_115] : memref<10000x128xf32, #tpu.memory_space<hbm>> -> memref<10000x128xf32, #tpu.memory_space<hbm>>
    tpu.enqueue_indirect_dma source(%dma_start3A_116 : memref<10000x128xf32, #tpu.memory_space<hbm>>) target(%arg8 : memref<64x128xf32, #tpu.memory_space<vmem>>) offsets(%dma_start3A_113 : memref<64xi32, #tpu.memory_space<vmem>>) semaphore(%arg13 : memref<!tpu.dma_semaphore, #tpu.memory_space<semaphore_mem>>)
    %dma_start3A_117 = arith.constant 1 : i32
    %dma_start3A_118 = arith.constant 0 : i32
    %dma_start3A_119 = tpu.memref_slice %arg6[%dma_start3A_117, %dma_start3A_118] : memref<32x64xi32, #tpu.memory_space<vmem>> -> memref<1x64xi32, #tpu.memory_space<vmem>>
    %dma_start3A_120 = tpu.memref_squeeze %dma_start3A_119 : memref<1x64xi32, #tpu.memory_space<vmem>> -> memref<64xi32, #tpu.memory_space<vmem>>
    %dma_start3A_121 = arith.constant 0 : i32
    %dma_start3A_122 = arith.constant 0 : i32
    %dma_start3A_123 = tpu.memref_slice %arg2[%dma_start3A_121, %dma_start3A_122] : memref<10000x128xf32, #tpu.memory_space<hbm>> -> memref<10000x128xf32, #tpu.memory_space<hbm>>
    tpu.enqueue_indirect_dma source(%dma_start3A_123 : memref<10000x128xf32, #tpu.memory_space<hbm>>) target(%arg9 : memref<64x128xf32, #tpu.memory_space<vmem>>) offsets(%dma_start3A_120 : memref<64xi32, #tpu.memory_space<vmem>>) semaphore(%arg14 : memref<!tpu.dma_semaphore, #tpu.memory_space<semaphore_mem>>)
    %dma_start3A_124 = arith.constant 2 : i32
    %dma_start3A_125 = arith.constant 0 : i32
    %dma_start3A_126 = tpu.memref_slice %arg6[%dma_start3A_124, %dma_start3A_125] : memref<32x64xi32, #tpu.memory_space<vmem>> -> memref<1x64xi32, #tpu.memory_space<vmem>>
    %dma_start3A_127 = tpu.memref_squeeze %dma_start3A_126 : memref<1x64xi32, #tpu.memory_space<vmem>> -> memref<64xi32, #tpu.memory_space<vmem>>
    %dma_start3A_128 = arith.constant 0 : i32
    %dma_start3A_129 = arith.constant 0 : i32
    %dma_start3A_130 = tpu.memref_slice %arg2[%dma_start3A_128, %dma_start3A_129] : memref<10000x128xf32, #tpu.memory_space<hbm>> -> memref<10000x128xf32, #tpu.memory_space<hbm>>
    tpu.enqueue_indirect_dma source(%dma_start3A_130 : memref<10000x128xf32, #tpu.memory_space<hbm>>) target(%arg10 : memref<64x128xf32, #tpu.memory_space<vmem>>) offsets(%dma_start3A_127 : memref<64xi32, #tpu.memory_space<vmem>>) semaphore(%arg15 : memref<!tpu.dma_semaphore, #tpu.memory_space<semaphore_mem>>)
    %scan3A_131 = arith.constant 0 : i32
    %scan3A_132 = arith.constant 0 : i32
    %scan3A_133 = arith.constant 8 : i32
    %scan3A_134 = arith.addi %scan3A_132, %scan3A_133 : i32
    %scan3A_135 = arith.constant 1 : i32
    scf.for %scan3A_169 = %scan3A_132 to %scan3A_134 step %scan3A_135  : i32 {
      %mul3A_170 = arith.constant 4 : i32
      %mul3A_171 = arith.muli %scan3A_169, %mul3A_170 : i32
      %add3A_172 = arith.constant 0 : i32
      %add3A_173 = arith.addi %mul3A_171, %add3A_172 : i32
      %add3A_174 = arith.constant 3 : i32
      %add3A_175 = arith.addi %add3A_173, %add3A_174 : i32
      %lt3A = arith.constant 32 : i32
      %lt3A_176 = arith.cmpi slt, %add3A_175, %lt3A : i32
      %convert_element_type3A = arith.extui %lt3A_176 : i1 to i32
      %cond3A = arith.constant 0 : i32
      %cond3A_177 = arith.cmpi ne, %convert_element_type3A, %cond3A : i32
      scf.if %cond3A_177 {
        %add3A_244 = arith.constant 0 : i32
        %add3A_245 = arith.addi %mul3A_171, %add3A_244 : i32
        %add3A_246 = arith.constant 3 : i32
        %add3A_247 = arith.addi %add3A_245, %add3A_246 : i32
        %dma_start3A_248 = arith.constant 0 : i32
        %dma_start3A_249 = tpu.memref_slice %arg6[%add3A_247, %dma_start3A_248] : memref<32x64xi32, #tpu.memory_space<vmem>> -> memref<1x64xi32, #tpu.memory_space<vmem>>
        %dma_start3A_250 = tpu.memref_squeeze %dma_start3A_249 : memref<1x64xi32, #tpu.memory_space<vmem>> -> memref<64xi32, #tpu.memory_space<vmem>>
        %dma_start3A_251 = arith.constant 0 : i32
        %dma_start3A_252 = arith.constant 0 : i32
        %dma_start3A_253 = tpu.memref_slice %arg2[%dma_start3A_251, %dma_start3A_252] : memref<10000x128xf32, #tpu.memory_space<hbm>> -> memref<10000x128xf32, #tpu.memory_space<hbm>>
        tpu.enqueue_indirect_dma source(%dma_start3A_253 : memref<10000x128xf32, #tpu.memory_space<hbm>>) target(%arg11 : memref<64x128xf32, #tpu.memory_space<vmem>>) offsets(%dma_start3A_250 : memref<64xi32, #tpu.memory_space<vmem>>) semaphore(%arg16 : memref<!tpu.dma_semaphore, #tpu.memory_space<semaphore_mem>>)
      } else {
      }
      %add3A_178 = arith.constant 0 : i32
      %add3A_179 = arith.addi %mul3A_171, %add3A_178 : i32
      %dma_wait3A = arith.constant 0 : i32
      %dma_wait3A_180 = tpu.memref_slice %arg6[%add3A_179, %dma_wait3A] : memref<32x64xi32, #tpu.memory_space<vmem>> -> memref<1x64xi32, #tpu.memory_space<vmem>>
      %dma_wait3A_181 = tpu.memref_squeeze %dma_wait3A_180 : memref<1x64xi32, #tpu.memory_space<vmem>> -> memref<64xi32, #tpu.memory_space<vmem>>
      %dma_wait3A_182 = arith.constant 0 : i32
      %dma_wait3A_183 = arith.constant 0 : i32
      %dma_wait3A_184 = tpu.memref_slice %arg2[%dma_wait3A_182, %dma_wait3A_183] : memref<10000x128xf32, #tpu.memory_space<hbm>> -> memref<10000x128xf32, #tpu.memory_space<hbm>>
      tpu.wait_indirect_dma semaphore(%arg13 : memref<!tpu.dma_semaphore, #tpu.memory_space<semaphore_mem>>) src(%dma_wait3A_184 : memref<10000x128xf32, #tpu.memory_space<hbm>>) dst(%arg8 : memref<64x128xf32, #tpu.memory_space<vmem>>)
      %add3A_185 = arith.constant 0 : i32
      %add3A_186 = arith.addi %mul3A_171, %add3A_185 : i32
      "tpu.region"() ({
        %run_scoped3A = tpu.sem_alloc : memref<!tpu.dma_semaphore, #tpu.memory_space<semaphore_mem>>
        %dma_start3A_244 = arith.constant 0 : i32
        %dma_start3A_245 = tpu.memref_slice %arg7[%add3A_186, %dma_start3A_244] : memref<32x64xi32, #tpu.memory_space<vmem>> -> memref<1x64xi32, #tpu.memory_space<vmem>>
        %dma_start3A_246 = tpu.memref_squeeze %dma_start3A_245 : memref<1x64xi32, #tpu.memory_space<vmem>> -> memref<64xi32, #tpu.memory_space<vmem>>
        %dma_start3A_247 = arith.constant 0 : i32
        %dma_start3A_248 = arith.constant 0 : i32
        %dma_start3A_249 = tpu.memref_slice %arg12[%dma_start3A_247, %dma_start3A_248] : memref<10240x128xf32, #tpu.memory_space<vmem_shared>> -> memref<10240x128xf32, #tpu.memory_space<vmem_shared>>
        tpu.enqueue_indirect_dma source(%arg8 : memref<64x128xf32, #tpu.memory_space<vmem>>) target(%dma_start3A_249 : memref<10240x128xf32, #tpu.memory_space<vmem_shared>>) offsets(%dma_start3A_246 : memref<64xi32, #tpu.memory_space<vmem>>) semaphore(%run_scoped3A : memref<!tpu.dma_semaphore, #tpu.memory_space<semaphore_mem>>) {add = true}
        %dma_wait3A_250 = arith.constant 0 : i32
        %dma_wait3A_251 = tpu.memref_slice %arg7[%add3A_186, %dma_wait3A_250] : memref<32x64xi32, #tpu.memory_space<vmem>> -> memref<1x64xi32, #tpu.memory_space<vmem>>
        %dma_wait3A_252 = tpu.memref_squeeze %dma_wait3A_251 : memref<1x64xi32, #tpu.memory_space<vmem>> -> memref<64xi32, #tpu.memory_space<vmem>>
        %dma_wait3A_253 = arith.constant 0 : i32
        %dma_wait3A_254 = arith.constant 0 : i32
        %dma_wait3A_255 = tpu.memref_slice %arg12[%dma_wait3A_253, %dma_wait3A_254] : memref<10240x128xf32, #tpu.memory_space<vmem_shared>> -> memref<10240x128xf32, #tpu.memory_space<vmem_shared>>
        tpu.wait_indirect_dma semaphore(%run_scoped3A : memref<!tpu.dma_semaphore, #tpu.memory_space<semaphore_mem>>) src(%arg8 : memref<64x128xf32, #tpu.memory_space<vmem>>) dst(%dma_wait3A_255 : memref<10240x128xf32, #tpu.memory_space<vmem_shared>>)
        tpu.yield
      }) : () -> ()
      %add3A_187 = arith.constant 1 : i32
      %add3A_188 = arith.addi %mul3A_171, %add3A_187 : i32
      %add3A_189 = arith.constant 3 : i32
      %add3A_190 = arith.addi %add3A_188, %add3A_189 : i32
      %lt3A_191 = arith.constant 32 : i32
      %lt3A_192 = arith.cmpi slt, %add3A_190, %lt3A_191 : i32
      %convert_element_type3A_193 = arith.extui %lt3A_192 : i1 to i32
      %cond3A_194 = arith.constant 0 : i32
      %cond3A_195 = arith.cmpi ne, %convert_element_type3A_193, %cond3A_194 : i32
      scf.if %cond3A_195 {
        %add3A_244 = arith.constant 1 : i32
        %add3A_245 = arith.addi %mul3A_171, %add3A_244 : i32
        %add3A_246 = arith.constant 3 : i32
        %add3A_247 = arith.addi %add3A_245, %add3A_246 : i32
        %dma_start3A_248 = arith.constant 0 : i32
        %dma_start3A_249 = tpu.memref_slice %arg6[%add3A_247, %dma_start3A_248] : memref<32x64xi32, #tpu.memory_space<vmem>> -> memref<1x64xi32, #tpu.memory_space<vmem>>
        %dma_start3A_250 = tpu.memref_squeeze %dma_start3A_249 : memref<1x64xi32, #tpu.memory_space<vmem>> -> memref<64xi32, #tpu.memory_space<vmem>>
        %dma_start3A_251 = arith.constant 0 : i32
        %dma_start3A_252 = arith.constant 0 : i32
        %dma_start3A_253 = tpu.memref_slice %arg2[%dma_start3A_251, %dma_start3A_252] : memref<10000x128xf32, #tpu.memory_space<hbm>> -> memref<10000x128xf32, #tpu.memory_space<hbm>>
        tpu.enqueue_indirect_dma source(%dma_start3A_253 : memref<10000x128xf32, #tpu.memory_space<hbm>>) target(%arg8 : memref<64x128xf32, #tpu.memory_space<vmem>>) offsets(%dma_start3A_250 : memref<64xi32, #tpu.memory_space<vmem>>) semaphore(%arg13 : memref<!tpu.dma_semaphore, #tpu.memory_space<semaphore_mem>>)
      } else {
      }
      %add3A_196 = arith.constant 1 : i32
      %add3A_197 = arith.addi %mul3A_171, %add3A_196 : i32
      %dma_wait3A_198 = arith.constant 0 : i32
      %dma_wait3A_199 = tpu.memref_slice %arg6[%add3A_197, %dma_wait3A_198] : memref<32x64xi32, #tpu.memory_space<vmem>> -> memref<1x64xi32, #tpu.memory_space<vmem>>
      %dma_wait3A_200 = tpu.memref_squeeze %dma_wait3A_199 : memref<1x64xi32, #tpu.memory_space<vmem>> -> memref<64xi32, #tpu.memory_space<vmem>>
      %dma_wait3A_201 = arith.constant 0 : i32
      %dma_wait3A_202 = arith.constant 0 : i32
      %dma_wait3A_203 = tpu.memref_slice %arg2[%dma_wait3A_201, %dma_wait3A_202] : memref<10000x128xf32, #tpu.memory_space<hbm>> -> memref<10000x128xf32, #tpu.memory_space<hbm>>
      tpu.wait_indirect_dma semaphore(%arg14 : memref<!tpu.dma_semaphore, #tpu.memory_space<semaphore_mem>>) src(%dma_wait3A_203 : memref<10000x128xf32, #tpu.memory_space<hbm>>) dst(%arg9 : memref<64x128xf32, #tpu.memory_space<vmem>>)
      %add3A_204 = arith.constant 1 : i32
      %add3A_205 = arith.addi %mul3A_171, %add3A_204 : i32
      "tpu.region"() ({
        %run_scoped3A = tpu.sem_alloc : memref<!tpu.dma_semaphore, #tpu.memory_space<semaphore_mem>>
        %dma_start3A_244 = arith.constant 0 : i32
        %dma_start3A_245 = tpu.memref_slice %arg7[%add3A_205, %dma_start3A_244] : memref<32x64xi32, #tpu.memory_space<vmem>> -> memref<1x64xi32, #tpu.memory_space<vmem>>
        %dma_start3A_246 = tpu.memref_squeeze %dma_start3A_245 : memref<1x64xi32, #tpu.memory_space<vmem>> -> memref<64xi32, #tpu.memory_space<vmem>>
        %dma_start3A_247 = arith.constant 0 : i32
        %dma_start3A_248 = arith.constant 0 : i32
        %dma_start3A_249 = tpu.memref_slice %arg12[%dma_start3A_247, %dma_start3A_248] : memref<10240x128xf32, #tpu.memory_space<vmem_shared>> -> memref<10240x128xf32, #tpu.memory_space<vmem_shared>>
        tpu.enqueue_indirect_dma source(%arg9 : memref<64x128xf32, #tpu.memory_space<vmem>>) target(%dma_start3A_249 : memref<10240x128xf32, #tpu.memory_space<vmem_shared>>) offsets(%dma_start3A_246 : memref<64xi32, #tpu.memory_space<vmem>>) semaphore(%run_scoped3A : memref<!tpu.dma_semaphore, #tpu.memory_space<semaphore_mem>>) {add = true}
        %dma_wait3A_250 = arith.constant 0 : i32
        %dma_wait3A_251 = tpu.memref_slice %arg7[%add3A_205, %dma_wait3A_250] : memref<32x64xi32, #tpu.memory_space<vmem>> -> memref<1x64xi32, #tpu.memory_space<vmem>>
        %dma_wait3A_252 = tpu.memref_squeeze %dma_wait3A_251 : memref<1x64xi32, #tpu.memory_space<vmem>> -> memref<64xi32, #tpu.memory_space<vmem>>
        %dma_wait3A_253 = arith.constant 0 : i32
        %dma_wait3A_254 = arith.constant 0 : i32
        %dma_wait3A_255 = tpu.memref_slice %arg12[%dma_wait3A_253, %dma_wait3A_254] : memref<10240x128xf32, #tpu.memory_space<vmem_shared>> -> memref<10240x128xf32, #tpu.memory_space<vmem_shared>>
        tpu.wait_indirect_dma semaphore(%run_scoped3A : memref<!tpu.dma_semaphore, #tpu.memory_space<semaphore_mem>>) src(%arg9 : memref<64x128xf32, #tpu.memory_space<vmem>>) dst(%dma_wait3A_255 : memref<10240x128xf32, #tpu.memory_space<vmem_shared>>)
        tpu.yield
      }) : () -> ()
      %add3A_206 = arith.constant 2 : i32
      %add3A_207 = arith.addi %mul3A_171, %add3A_206 : i32
      %add3A_208 = arith.constant 3 : i32
      %add3A_209 = arith.addi %add3A_207, %add3A_208 : i32
      %lt3A_210 = arith.constant 32 : i32
      %lt3A_211 = arith.cmpi slt, %add3A_209, %lt3A_210 : i32
      %convert_element_type3A_212 = arith.extui %lt3A_211 : i1 to i32
      %cond3A_213 = arith.constant 0 : i32
      %cond3A_214 = arith.cmpi ne, %convert_element_type3A_212, %cond3A_213 : i32
      scf.if %cond3A_214 {
        %add3A_244 = arith.constant 2 : i32
        %add3A_245 = arith.addi %mul3A_171, %add3A_244 : i32
        %add3A_246 = arith.constant 3 : i32
        %add3A_247 = arith.addi %add3A_245, %add3A_246 : i32
        %dma_start3A_248 = arith.constant 0 : i32
        %dma_start3A_249 = tpu.memref_slice %arg6[%add3A_247, %dma_start3A_248] : memref<32x64xi32, #tpu.memory_space<vmem>> -> memref<1x64xi32, #tpu.memory_space<vmem>>
        %dma_start3A_250 = tpu.memref_squeeze %dma_start3A_249 : memref<1x64xi32, #tpu.memory_space<vmem>> -> memref<64xi32, #tpu.memory_space<vmem>>
        %dma_start3A_251 = arith.constant 0 : i32
        %dma_start3A_252 = arith.constant 0 : i32
        %dma_start3A_253 = tpu.memref_slice %arg2[%dma_start3A_251, %dma_start3A_252] : memref<10000x128xf32, #tpu.memory_space<hbm>> -> memref<10000x128xf32, #tpu.memory_space<hbm>>
        tpu.enqueue_indirect_dma source(%dma_start3A_253 : memref<10000x128xf32, #tpu.memory_space<hbm>>) target(%arg9 : memref<64x128xf32, #tpu.memory_space<vmem>>) offsets(%dma_start3A_250 : memref<64xi32, #tpu.memory_space<vmem>>) semaphore(%arg14 : memref<!tpu.dma_semaphore, #tpu.memory_space<semaphore_mem>>)
      } else {
      }
      %add3A_215 = arith.constant 2 : i32
      %add3A_216 = arith.addi %mul3A_171, %add3A_215 : i32
      %dma_wait3A_217 = arith.constant 0 : i32
      %dma_wait3A_218 = tpu.memref_slice %arg6[%add3A_216, %dma_wait3A_217] : memref<32x64xi32, #tpu.memory_space<vmem>> -> memref<1x64xi32, #tpu.memory_space<vmem>>
      %dma_wait3A_219 = tpu.memref_squeeze %dma_wait3A_218 : memref<1x64xi32, #tpu.memory_space<vmem>> -> memref<64xi32, #tpu.memory_space<vmem>>
      %dma_wait3A_220 = arith.constant 0 : i32
      %dma_wait3A_221 = arith.constant 0 : i32
      %dma_wait3A_222 = tpu.memref_slice %arg2[%dma_wait3A_220, %dma_wait3A_221] : memref<10000x128xf32, #tpu.memory_space<hbm>> -> memref<10000x128xf32, #tpu.memory_space<hbm>>
      tpu.wait_indirect_dma semaphore(%arg15 : memref<!tpu.dma_semaphore, #tpu.memory_space<semaphore_mem>>) src(%dma_wait3A_222 : memref<10000x128xf32, #tpu.memory_space<hbm>>) dst(%arg10 : memref<64x128xf32, #tpu.memory_space<vmem>>)
      %add3A_223 = arith.constant 2 : i32
      %add3A_224 = arith.addi %mul3A_171, %add3A_223 : i32
      "tpu.region"() ({
        %run_scoped3A = tpu.sem_alloc : memref<!tpu.dma_semaphore, #tpu.memory_space<semaphore_mem>>
        %dma_start3A_244 = arith.constant 0 : i32
        %dma_start3A_245 = tpu.memref_slice %arg7[%add3A_224, %dma_start3A_244] : memref<32x64xi32, #tpu.memory_space<vmem>> -> memref<1x64xi32, #tpu.memory_space<vmem>>
        %dma_start3A_246 = tpu.memref_squeeze %dma_start3A_245 : memref<1x64xi32, #tpu.memory_space<vmem>> -> memref<64xi32, #tpu.memory_space<vmem>>
        %dma_start3A_247 = arith.constant 0 : i32
        %dma_start3A_248 = arith.constant 0 : i32
        %dma_start3A_249 = tpu.memref_slice %arg12[%dma_start3A_247, %dma_start3A_248] : memref<10240x128xf32, #tpu.memory_space<vmem_shared>> -> memref<10240x128xf32, #tpu.memory_space<vmem_shared>>
        tpu.enqueue_indirect_dma source(%arg10 : memref<64x128xf32, #tpu.memory_space<vmem>>) target(%dma_start3A_249 : memref<10240x128xf32, #tpu.memory_space<vmem_shared>>) offsets(%dma_start3A_246 : memref<64xi32, #tpu.memory_space<vmem>>) semaphore(%run_scoped3A : memref<!tpu.dma_semaphore, #tpu.memory_space<semaphore_mem>>) {add = true}
        %dma_wait3A_250 = arith.constant 0 : i32
        %dma_wait3A_251 = tpu.memref_slice %arg7[%add3A_224, %dma_wait3A_250] : memref<32x64xi32, #tpu.memory_space<vmem>> -> memref<1x64xi32, #tpu.memory_space<vmem>>
        %dma_wait3A_252 = tpu.memref_squeeze %dma_wait3A_251 : memref<1x64xi32, #tpu.memory_space<vmem>> -> memref<64xi32, #tpu.memory_space<vmem>>
        %dma_wait3A_253 = arith.constant 0 : i32
        %dma_wait3A_254 = arith.constant 0 : i32
        %dma_wait3A_255 = tpu.memref_slice %arg12[%dma_wait3A_253, %dma_wait3A_254] : memref<10240x128xf32, #tpu.memory_space<vmem_shared>> -> memref<10240x128xf32, #tpu.memory_space<vmem_shared>>
        tpu.wait_indirect_dma semaphore(%run_scoped3A : memref<!tpu.dma_semaphore, #tpu.memory_space<semaphore_mem>>) src(%arg10 : memref<64x128xf32, #tpu.memory_space<vmem>>) dst(%dma_wait3A_255 : memref<10240x128xf32, #tpu.memory_space<vmem_shared>>)
        tpu.yield
      }) : () -> ()
      %add3A_225 = arith.constant 3 : i32
      %add3A_226 = arith.addi %mul3A_171, %add3A_225 : i32
      %add3A_227 = arith.constant 3 : i32
      %add3A_228 = arith.addi %add3A_226, %add3A_227 : i32
      %lt3A_229 = arith.constant 32 : i32
      %lt3A_230 = arith.cmpi slt, %add3A_228, %lt3A_229 : i32
      %convert_element_type3A_231 = arith.extui %lt3A_230 : i1 to i32
      %cond3A_232 = arith.constant 0 : i32
      %cond3A_233 = arith.cmpi ne, %convert_element_type3A_231, %cond3A_232 : i32
      scf.if %cond3A_233 {
        %add3A_244 = arith.constant 3 : i32
        %add3A_245 = arith.addi %mul3A_171, %add3A_244 : i32
        %add3A_246 = arith.constant 3 : i32
        %add3A_247 = arith.addi %add3A_245, %add3A_246 : i32
        %dma_start3A_248 = arith.constant 0 : i32
        %dma_start3A_249 = tpu.memref_slice %arg6[%add3A_247, %dma_start3A_248] : memref<32x64xi32, #tpu.memory_space<vmem>> -> memref<1x64xi32, #tpu.memory_space<vmem>>
        %dma_start3A_250 = tpu.memref_squeeze %dma_start3A_249 : memref<1x64xi32, #tpu.memory_space<vmem>> -> memref<64xi32, #tpu.memory_space<vmem>>
        %dma_start3A_251 = arith.constant 0 : i32
        %dma_start3A_252 = arith.constant 0 : i32
        %dma_start3A_253 = tpu.memref_slice %arg2[%dma_start3A_251, %dma_start3A_252] : memref<10000x128xf32, #tpu.memory_space<hbm>> -> memref<10000x128xf32, #tpu.memory_space<hbm>>
        tpu.enqueue_indirect_dma source(%dma_start3A_253 : memref<10000x128xf32, #tpu.memory_space<hbm>>) target(%arg10 : memref<64x128xf32, #tpu.memory_space<vmem>>) offsets(%dma_start3A_250 : memref<64xi32, #tpu.memory_space<vmem>>) semaphore(%arg15 : memref<!tpu.dma_semaphore, #tpu.memory_space<semaphore_mem>>)
      } else {
      }
      %add3A_234 = arith.constant 3 : i32
      %add3A_235 = arith.addi %mul3A_171, %add3A_234 : i32
      %dma_wait3A_236 = arith.constant 0 : i32
      %dma_wait3A_237 = tpu.memref_slice %arg6[%add3A_235, %dma_wait3A_236] : memref<32x64xi32, #tpu.memory_space<vmem>> -> memref<1x64xi32, #tpu.memory_space<vmem>>
      %dma_wait3A_238 = tpu.memref_squeeze %dma_wait3A_237 : memref<1x64xi32, #tpu.memory_space<vmem>> -> memref<64xi32, #tpu.memory_space<vmem>>
      %dma_wait3A_239 = arith.constant 0 : i32
      %dma_wait3A_240 = arith.constant 0 : i32
      %dma_wait3A_241 = tpu.memref_slice %arg2[%dma_wait3A_239, %dma_wait3A_240] : memref<10000x128xf32, #tpu.memory_space<hbm>> -> memref<10000x128xf32, #tpu.memory_space<hbm>>
      tpu.wait_indirect_dma semaphore(%arg16 : memref<!tpu.dma_semaphore, #tpu.memory_space<semaphore_mem>>) src(%dma_wait3A_241 : memref<10000x128xf32, #tpu.memory_space<hbm>>) dst(%arg11 : memref<64x128xf32, #tpu.memory_space<vmem>>)
      %add3A_242 = arith.constant 3 : i32
      %add3A_243 = arith.addi %mul3A_171, %add3A_242 : i32
      "tpu.region"() ({
        %run_scoped3A = tpu.sem_alloc : memref<!tpu.dma_semaphore, #tpu.memory_space<semaphore_mem>>
        %dma_start3A_244 = arith.constant 0 : i32
        %dma_start3A_245 = tpu.memref_slice %arg7[%add3A_243, %dma_start3A_244] : memref<32x64xi32, #tpu.memory_space<vmem>> -> memref<1x64xi32, #tpu.memory_space<vmem>>
        %dma_start3A_246 = tpu.memref_squeeze %dma_start3A_245 : memref<1x64xi32, #tpu.memory_space<vmem>> -> memref<64xi32, #tpu.memory_space<vmem>>
        %dma_start3A_247 = arith.constant 0 : i32
        %dma_start3A_248 = arith.constant 0 : i32
        %dma_start3A_249 = tpu.memref_slice %arg12[%dma_start3A_247, %dma_start3A_248] : memref<10240x128xf32, #tpu.memory_space<vmem_shared>> -> memref<10240x128xf32, #tpu.memory_space<vmem_shared>>
        tpu.enqueue_indirect_dma source(%arg11 : memref<64x128xf32, #tpu.memory_space<vmem>>) target(%dma_start3A_249 : memref<10240x128xf32, #tpu.memory_space<vmem_shared>>) offsets(%dma_start3A_246 : memref<64xi32, #tpu.memory_space<vmem>>) semaphore(%run_scoped3A : memref<!tpu.dma_semaphore, #tpu.memory_space<semaphore_mem>>) {add = true}
        %dma_wait3A_250 = arith.constant 0 : i32
        %dma_wait3A_251 = tpu.memref_slice %arg7[%add3A_243, %dma_wait3A_250] : memref<32x64xi32, #tpu.memory_space<vmem>> -> memref<1x64xi32, #tpu.memory_space<vmem>>
        %dma_wait3A_252 = tpu.memref_squeeze %dma_wait3A_251 : memref<1x64xi32, #tpu.memory_space<vmem>> -> memref<64xi32, #tpu.memory_space<vmem>>
        %dma_wait3A_253 = arith.constant 0 : i32
        %dma_wait3A_254 = arith.constant 0 : i32
        %dma_wait3A_255 = tpu.memref_slice %arg12[%dma_wait3A_253, %dma_wait3A_254] : memref<10240x128xf32, #tpu.memory_space<vmem_shared>> -> memref<10240x128xf32, #tpu.memory_space<vmem_shared>>
        tpu.wait_indirect_dma semaphore(%run_scoped3A : memref<!tpu.dma_semaphore, #tpu.memory_space<semaphore_mem>>) src(%arg11 : memref<64x128xf32, #tpu.memory_space<vmem>>) dst(%dma_wait3A_255 : memref<10240x128xf32, #tpu.memory_space<vmem_shared>>)
        tpu.yield
      }) : () -> ()
    }
    %scan3A_136 = arith.constant 8 : i32
    %mul3A_137 = arith.constant 160 : i32
    %mul3A_138 = arith.muli %add3A, %mul3A_137 : i32
    %add3A_139 = arith.constant 128 : i32
    %add3A_140 = arith.addi %mul3A_138, %add3A_139 : i32
    "tpu.region"() ({
      %run_scoped3A = tpu.sem_alloc : memref<!tpu.dma_semaphore, #tpu.memory_space<semaphore_mem>>
      %dma_start3A_169 = arith.constant 0 : i32
      %dma_start3A_170 = tpu.memref_slice %arg3[%add3A_140, %dma_start3A_169] : memref<5152x64xi32, #tpu.memory_space<hbm>> -> memref<32x64xi32, #tpu.memory_space<hbm>>
      %dma_start3A_171 = arith.constant 0 : i32
      %dma_start3A_172 = tpu.memref_slice %arg3[%add3A_140, %dma_start3A_171] : memref<5152x64xi32, #tpu.memory_space<hbm>> -> memref<32x64xi32, #tpu.memory_space<hbm>>
      tpu.enqueue_dma source(%dma_start3A_172 : memref<32x64xi32, #tpu.memory_space<hbm>>) target(%arg6 : memref<32x64xi32, #tpu.memory_space<vmem>>) target_semaphore(%run_scoped3A : memref<!tpu.dma_semaphore, #tpu.memory_space<semaphore_mem>>)
      %dma_wait3A = arith.constant 0 : i32
      %dma_wait3A_173 = tpu.memref_slice %arg3[%add3A_140, %dma_wait3A] : memref<5152x64xi32, #tpu.memory_space<hbm>> -> memref<32x64xi32, #tpu.memory_space<hbm>>
      %dma_wait3A_174 = arith.constant 0 : i32
      %dma_wait3A_175 = tpu.memref_slice %arg3[%add3A_140, %dma_wait3A_174] : memref<5152x64xi32, #tpu.memory_space<hbm>> -> memref<32x64xi32, #tpu.memory_space<hbm>>
      tpu.wait_dma2 semaphore(%run_scoped3A : memref<!tpu.dma_semaphore, #tpu.memory_space<semaphore_mem>>) src(%dma_wait3A_175 : memref<32x64xi32, #tpu.memory_space<hbm>>) dst(%arg6 : memref<32x64xi32, #tpu.memory_space<vmem>>)
      tpu.yield
    }) : () -> ()
    "tpu.region"() ({
      %run_scoped3A = tpu.sem_alloc : memref<!tpu.dma_semaphore, #tpu.memory_space<semaphore_mem>>
      %dma_start3A_169 = arith.constant 0 : i32
      %dma_start3A_170 = tpu.memref_slice %arg4[%add3A_140, %dma_start3A_169] : memref<5152x64xi32, #tpu.memory_space<hbm>> -> memref<32x64xi32, #tpu.memory_space<hbm>>
      %dma_start3A_171 = arith.constant 0 : i32
      %dma_start3A_172 = tpu.memref_slice %arg4[%add3A_140, %dma_start3A_171] : memref<5152x64xi32, #tpu.memory_space<hbm>> -> memref<32x64xi32, #tpu.memory_space<hbm>>
      tpu.enqueue_dma source(%dma_start3A_172 : memref<32x64xi32, #tpu.memory_space<hbm>>) target(%arg7 : memref<32x64xi32, #tpu.memory_space<vmem>>) target_semaphore(%run_scoped3A : memref<!tpu.dma_semaphore, #tpu.memory_space<semaphore_mem>>)
      %dma_wait3A = arith.constant 0 : i32
      %dma_wait3A_173 = tpu.memref_slice %arg4[%add3A_140, %dma_wait3A] : memref<5152x64xi32, #tpu.memory_space<hbm>> -> memref<32x64xi32, #tpu.memory_space<hbm>>
      %dma_wait3A_174 = arith.constant 0 : i32
      %dma_wait3A_175 = tpu.memref_slice %arg4[%add3A_140, %dma_wait3A_174] : memref<5152x64xi32, #tpu.memory_space<hbm>> -> memref<32x64xi32, #tpu.memory_space<hbm>>
      tpu.wait_dma2 semaphore(%run_scoped3A : memref<!tpu.dma_semaphore, #tpu.memory_space<semaphore_mem>>) src(%dma_wait3A_175 : memref<32x64xi32, #tpu.memory_space<hbm>>) dst(%arg7 : memref<32x64xi32, #tpu.memory_space<vmem>>)
      tpu.yield
    }) : () -> ()
    %dma_start3A_141 = arith.constant 0 : i32
    %dma_start3A_142 = arith.constant 0 : i32
    %dma_start3A_143 = tpu.memref_slice %arg6[%dma_start3A_141, %dma_start3A_142] : memref<32x64xi32, #tpu.memory_space<vmem>> -> memref<1x64xi32, #tpu.memory_space<vmem>>
    %dma_start3A_144 = tpu.memref_squeeze %dma_start3A_143 : memref<1x64xi32, #tpu.memory_space<vmem>> -> memref<64xi32, #tpu.memory_space<vmem>>
    %dma_start3A_145 = arith.constant 0 : i32
    %dma_start3A_146 = arith.constant 0 : i32
    %dma_start3A_147 = tpu.memref_slice %arg2[%dma_start3A_145, %dma_start3A_146] : memref<10000x128xf32, #tpu.memory_space<hbm>> -> memref<10000x128xf32, #tpu.memory_space<hbm>>
    tpu.enqueue_indirect_dma source(%dma_start3A_147 : memref<10000x128xf32, #tpu.memory_space<hbm>>) target(%arg8 : memref<64x128xf32, #tpu.memory_space<vmem>>) offsets(%dma_start3A_144 : memref<64xi32, #tpu.memory_space<vmem>>) semaphore(%arg13 : memref<!tpu.dma_semaphore, #tpu.memory_space<semaphore_mem>>)
    %dma_start3A_148 = arith.constant 1 : i32
    %dma_start3A_149 = arith.constant 0 : i32
    %dma_start3A_150 = tpu.memref_slice %arg6[%dma_start3A_148, %dma_start3A_149] : memref<32x64xi32, #tpu.memory_space<vmem>> -> memref<1x64xi32, #tpu.memory_space<vmem>>
    %dma_start3A_151 = tpu.memref_squeeze %dma_start3A_150 : memref<1x64xi32, #tpu.memory_space<vmem>> -> memref<64xi32, #tpu.memory_space<vmem>>
    %dma_start3A_152 = arith.constant 0 : i32
    %dma_start3A_153 = arith.constant 0 : i32
    %dma_start3A_154 = tpu.memref_slice %arg2[%dma_start3A_152, %dma_start3A_153] : memref<10000x128xf32, #tpu.memory_space<hbm>> -> memref<10000x128xf32, #tpu.memory_space<hbm>>
    tpu.enqueue_indirect_dma source(%dma_start3A_154 : memref<10000x128xf32, #tpu.memory_space<hbm>>) target(%arg9 : memref<64x128xf32, #tpu.memory_space<vmem>>) offsets(%dma_start3A_151 : memref<64xi32, #tpu.memory_space<vmem>>) semaphore(%arg14 : memref<!tpu.dma_semaphore, #tpu.memory_space<semaphore_mem>>)
    %dma_start3A_155 = arith.constant 2 : i32
    %dma_start3A_156 = arith.constant 0 : i32
    %dma_start3A_157 = tpu.memref_slice %arg6[%dma_start3A_155, %dma_start3A_156] : memref<32x64xi32, #tpu.memory_space<vmem>> -> memref<1x64xi32, #tpu.memory_space<vmem>>
    %dma_start3A_158 = tpu.memref_squeeze %dma_start3A_157 : memref<1x64xi32, #tpu.memory_space<vmem>> -> memref<64xi32, #tpu.memory_space<vmem>>
    %dma_start3A_159 = arith.constant 0 : i32
    %dma_start3A_160 = arith.constant 0 : i32
    %dma_start3A_161 = tpu.memref_slice %arg2[%dma_start3A_159, %dma_start3A_160] : memref<10000x128xf32, #tpu.memory_space<hbm>> -> memref<10000x128xf32, #tpu.memory_space<hbm>>
    tpu.enqueue_indirect_dma source(%dma_start3A_161 : memref<10000x128xf32, #tpu.memory_space<hbm>>) target(%arg10 : memref<64x128xf32, #tpu.memory_space<vmem>>) offsets(%dma_start3A_158 : memref<64xi32, #tpu.memory_space<vmem>>) semaphore(%arg15 : memref<!tpu.dma_semaphore, #tpu.memory_space<semaphore_mem>>)
    %scan3A_162 = arith.constant 0 : i32
    %scan3A_163 = arith.constant 0 : i32
    %scan3A_164 = arith.constant 8 : i32
    %scan3A_165 = arith.addi %scan3A_163, %scan3A_164 : i32
    %scan3A_166 = arith.constant 1 : i32
    scf.for %scan3A_169 = %scan3A_163 to %scan3A_165 step %scan3A_166  : i32 {
      %mul3A_170 = arith.constant 4 : i32
      %mul3A_171 = arith.muli %scan3A_169, %mul3A_170 : i32
      %add3A_172 = arith.constant 0 : i32
      %add3A_173 = arith.addi %mul3A_171, %add3A_172 : i32
      %add3A_174 = arith.constant 3 : i32
      %add3A_175 = arith.addi %add3A_173, %add3A_174 : i32
      %lt3A = arith.constant 32 : i32
      %lt3A_176 = arith.cmpi slt, %add3A_175, %lt3A : i32
      %convert_element_type3A = arith.extui %lt3A_176 : i1 to i32
      %cond3A = arith.constant 0 : i32
      %cond3A_177 = arith.cmpi ne, %convert_element_type3A, %cond3A : i32
      scf.if %cond3A_177 {
        %add3A_244 = arith.constant 0 : i32
        %add3A_245 = arith.addi %mul3A_171, %add3A_244 : i32
        %add3A_246 = arith.constant 3 : i32
        %add3A_247 = arith.addi %add3A_245, %add3A_246 : i32
        %dma_start3A_248 = arith.constant 0 : i32
        %dma_start3A_249 = tpu.memref_slice %arg6[%add3A_247, %dma_start3A_248] : memref<32x64xi32, #tpu.memory_space<vmem>> -> memref<1x64xi32, #tpu.memory_space<vmem>>
        %dma_start3A_250 = tpu.memref_squeeze %dma_start3A_249 : memref<1x64xi32, #tpu.memory_space<vmem>> -> memref<64xi32, #tpu.memory_space<vmem>>
        %dma_start3A_251 = arith.constant 0 : i32
        %dma_start3A_252 = arith.constant 0 : i32
        %dma_start3A_253 = tpu.memref_slice %arg2[%dma_start3A_251, %dma_start3A_252] : memref<10000x128xf32, #tpu.memory_space<hbm>> -> memref<10000x128xf32, #tpu.memory_space<hbm>>
        tpu.enqueue_indirect_dma source(%dma_start3A_253 : memref<10000x128xf32, #tpu.memory_space<hbm>>) target(%arg11 : memref<64x128xf32, #tpu.memory_space<vmem>>) offsets(%dma_start3A_250 : memref<64xi32, #tpu.memory_space<vmem>>) semaphore(%arg16 : memref<!tpu.dma_semaphore, #tpu.memory_space<semaphore_mem>>)
      } else {
      }
      %add3A_178 = arith.constant 0 : i32
      %add3A_179 = arith.addi %mul3A_171, %add3A_178 : i32
      %dma_wait3A = arith.constant 0 : i32
      %dma_wait3A_180 = tpu.memref_slice %arg6[%add3A_179, %dma_wait3A] : memref<32x64xi32, #tpu.memory_space<vmem>> -> memref<1x64xi32, #tpu.memory_space<vmem>>
      %dma_wait3A_181 = tpu.memref_squeeze %dma_wait3A_180 : memref<1x64xi32, #tpu.memory_space<vmem>> -> memref<64xi32, #tpu.memory_space<vmem>>
      %dma_wait3A_182 = arith.constant 0 : i32
      %dma_wait3A_183 = arith.constant 0 : i32
      %dma_wait3A_184 = tpu.memref_slice %arg2[%dma_wait3A_182, %dma_wait3A_183] : memref<10000x128xf32, #tpu.memory_space<hbm>> -> memref<10000x128xf32, #tpu.memory_space<hbm>>
      tpu.wait_indirect_dma semaphore(%arg13 : memref<!tpu.dma_semaphore, #tpu.memory_space<semaphore_mem>>) src(%dma_wait3A_184 : memref<10000x128xf32, #tpu.memory_space<hbm>>) dst(%arg8 : memref<64x128xf32, #tpu.memory_space<vmem>>)
      %add3A_185 = arith.constant 0 : i32
      %add3A_186 = arith.addi %mul3A_171, %add3A_185 : i32
      "tpu.region"() ({
        %run_scoped3A = tpu.sem_alloc : memref<!tpu.dma_semaphore, #tpu.memory_space<semaphore_mem>>
        %dma_start3A_244 = arith.constant 0 : i32
        %dma_start3A_245 = tpu.memref_slice %arg7[%add3A_186, %dma_start3A_244] : memref<32x64xi32, #tpu.memory_space<vmem>> -> memref<1x64xi32, #tpu.memory_space<vmem>>
        %dma_start3A_246 = tpu.memref_squeeze %dma_start3A_245 : memref<1x64xi32, #tpu.memory_space<vmem>> -> memref<64xi32, #tpu.memory_space<vmem>>
        %dma_start3A_247 = arith.constant 0 : i32
        %dma_start3A_248 = arith.constant 0 : i32
        %dma_start3A_249 = tpu.memref_slice %arg12[%dma_start3A_247, %dma_start3A_248] : memref<10240x128xf32, #tpu.memory_space<vmem_shared>> -> memref<10240x128xf32, #tpu.memory_space<vmem_shared>>
        tpu.enqueue_indirect_dma source(%arg8 : memref<64x128xf32, #tpu.memory_space<vmem>>) target(%dma_start3A_249 : memref<10240x128xf32, #tpu.memory_space<vmem_shared>>) offsets(%dma_start3A_246 : memref<64xi32, #tpu.memory_space<vmem>>) semaphore(%run_scoped3A : memref<!tpu.dma_semaphore, #tpu.memory_space<semaphore_mem>>) {add = true}
        %dma_wait3A_250 = arith.constant 0 : i32
        %dma_wait3A_251 = tpu.memref_slice %arg7[%add3A_186, %dma_wait3A_250] : memref<32x64xi32, #tpu.memory_space<vmem>> -> memref<1x64xi32, #tpu.memory_space<vmem>>
        %dma_wait3A_252 = tpu.memref_squeeze %dma_wait3A_251 : memref<1x64xi32, #tpu.memory_space<vmem>> -> memref<64xi32, #tpu.memory_space<vmem>>
        %dma_wait3A_253 = arith.constant 0 : i32
        %dma_wait3A_254 = arith.constant 0 : i32
        %dma_wait3A_255 = tpu.memref_slice %arg12[%dma_wait3A_253, %dma_wait3A_254] : memref<10240x128xf32, #tpu.memory_space<vmem_shared>> -> memref<10240x128xf32, #tpu.memory_space<vmem_shared>>
        tpu.wait_indirect_dma semaphore(%run_scoped3A : memref<!tpu.dma_semaphore, #tpu.memory_space<semaphore_mem>>) src(%arg8 : memref<64x128xf32, #tpu.memory_space<vmem>>) dst(%dma_wait3A_255 : memref<10240x128xf32, #tpu.memory_space<vmem_shared>>)
        tpu.yield
      }) : () -> ()
      %add3A_187 = arith.constant 1 : i32
      %add3A_188 = arith.addi %mul3A_171, %add3A_187 : i32
      %add3A_189 = arith.constant 3 : i32
      %add3A_190 = arith.addi %add3A_188, %add3A_189 : i32
      %lt3A_191 = arith.constant 32 : i32
      %lt3A_192 = arith.cmpi slt, %add3A_190, %lt3A_191 : i32
      %convert_element_type3A_193 = arith.extui %lt3A_192 : i1 to i32
      %cond3A_194 = arith.constant 0 : i32
      %cond3A_195 = arith.cmpi ne, %convert_element_type3A_193, %cond3A_194 : i32
      scf.if %cond3A_195 {
        %add3A_244 = arith.constant 1 : i32
        %add3A_245 = arith.addi %mul3A_171, %add3A_244 : i32
        %add3A_246 = arith.constant 3 : i32
        %add3A_247 = arith.addi %add3A_245, %add3A_246 : i32
        %dma_start3A_248 = arith.constant 0 : i32
        %dma_start3A_249 = tpu.memref_slice %arg6[%add3A_247, %dma_start3A_248] : memref<32x64xi32, #tpu.memory_space<vmem>> -> memref<1x64xi32, #tpu.memory_space<vmem>>
        %dma_start3A_250 = tpu.memref_squeeze %dma_start3A_249 : memref<1x64xi32, #tpu.memory_space<vmem>> -> memref<64xi32, #tpu.memory_space<vmem>>
        %dma_start3A_251 = arith.constant 0 : i32
        %dma_start3A_252 = arith.constant 0 : i32
        %dma_start3A_253 = tpu.memref_slice %arg2[%dma_start3A_251, %dma_start3A_252] : memref<10000x128xf32, #tpu.memory_space<hbm>> -> memref<10000x128xf32, #tpu.memory_space<hbm>>
        tpu.enqueue_indirect_dma source(%dma_start3A_253 : memref<10000x128xf32, #tpu.memory_space<hbm>>) target(%arg8 : memref<64x128xf32, #tpu.memory_space<vmem>>) offsets(%dma_start3A_250 : memref<64xi32, #tpu.memory_space<vmem>>) semaphore(%arg13 : memref<!tpu.dma_semaphore, #tpu.memory_space<semaphore_mem>>)
      } else {
      }
      %add3A_196 = arith.constant 1 : i32
      %add3A_197 = arith.addi %mul3A_171, %add3A_196 : i32
      %dma_wait3A_198 = arith.constant 0 : i32
      %dma_wait3A_199 = tpu.memref_slice %arg6[%add3A_197, %dma_wait3A_198] : memref<32x64xi32, #tpu.memory_space<vmem>> -> memref<1x64xi32, #tpu.memory_space<vmem>>
      %dma_wait3A_200 = tpu.memref_squeeze %dma_wait3A_199 : memref<1x64xi32, #tpu.memory_space<vmem>> -> memref<64xi32, #tpu.memory_space<vmem>>
      %dma_wait3A_201 = arith.constant 0 : i32
      %dma_wait3A_202 = arith.constant 0 : i32
      %dma_wait3A_203 = tpu.memref_slice %arg2[%dma_wait3A_201, %dma_wait3A_202] : memref<10000x128xf32, #tpu.memory_space<hbm>> -> memref<10000x128xf32, #tpu.memory_space<hbm>>
      tpu.wait_indirect_dma semaphore(%arg14 : memref<!tpu.dma_semaphore, #tpu.memory_space<semaphore_mem>>) src(%dma_wait3A_203 : memref<10000x128xf32, #tpu.memory_space<hbm>>) dst(%arg9 : memref<64x128xf32, #tpu.memory_space<vmem>>)
      %add3A_204 = arith.constant 1 : i32
      %add3A_205 = arith.addi %mul3A_171, %add3A_204 : i32
      "tpu.region"() ({
        %run_scoped3A = tpu.sem_alloc : memref<!tpu.dma_semaphore, #tpu.memory_space<semaphore_mem>>
        %dma_start3A_244 = arith.constant 0 : i32
        %dma_start3A_245 = tpu.memref_slice %arg7[%add3A_205, %dma_start3A_244] : memref<32x64xi32, #tpu.memory_space<vmem>> -> memref<1x64xi32, #tpu.memory_space<vmem>>
        %dma_start3A_246 = tpu.memref_squeeze %dma_start3A_245 : memref<1x64xi32, #tpu.memory_space<vmem>> -> memref<64xi32, #tpu.memory_space<vmem>>
        %dma_start3A_247 = arith.constant 0 : i32
        %dma_start3A_248 = arith.constant 0 : i32
        %dma_start3A_249 = tpu.memref_slice %arg12[%dma_start3A_247, %dma_start3A_248] : memref<10240x128xf32, #tpu.memory_space<vmem_shared>> -> memref<10240x128xf32, #tpu.memory_space<vmem_shared>>
        tpu.enqueue_indirect_dma source(%arg9 : memref<64x128xf32, #tpu.memory_space<vmem>>) target(%dma_start3A_249 : memref<10240x128xf32, #tpu.memory_space<vmem_shared>>) offsets(%dma_start3A_246 : memref<64xi32, #tpu.memory_space<vmem>>) semaphore(%run_scoped3A : memref<!tpu.dma_semaphore, #tpu.memory_space<semaphore_mem>>) {add = true}
        %dma_wait3A_250 = arith.constant 0 : i32
        %dma_wait3A_251 = tpu.memref_slice %arg7[%add3A_205, %dma_wait3A_250] : memref<32x64xi32, #tpu.memory_space<vmem>> -> memref<1x64xi32, #tpu.memory_space<vmem>>
        %dma_wait3A_252 = tpu.memref_squeeze %dma_wait3A_251 : memref<1x64xi32, #tpu.memory_space<vmem>> -> memref<64xi32, #tpu.memory_space<vmem>>
        %dma_wait3A_253 = arith.constant 0 : i32
        %dma_wait3A_254 = arith.constant 0 : i32
        %dma_wait3A_255 = tpu.memref_slice %arg12[%dma_wait3A_253, %dma_wait3A_254] : memref<10240x128xf32, #tpu.memory_space<vmem_shared>> -> memref<10240x128xf32, #tpu.memory_space<vmem_shared>>
        tpu.wait_indirect_dma semaphore(%run_scoped3A : memref<!tpu.dma_semaphore, #tpu.memory_space<semaphore_mem>>) src(%arg9 : memref<64x128xf32, #tpu.memory_space<vmem>>) dst(%dma_wait3A_255 : memref<10240x128xf32, #tpu.memory_space<vmem_shared>>)
        tpu.yield
      }) : () -> ()
      %add3A_206 = arith.constant 2 : i32
      %add3A_207 = arith.addi %mul3A_171, %add3A_206 : i32
      %add3A_208 = arith.constant 3 : i32
      %add3A_209 = arith.addi %add3A_207, %add3A_208 : i32
      %lt3A_210 = arith.constant 32 : i32
      %lt3A_211 = arith.cmpi slt, %add3A_209, %lt3A_210 : i32
      %convert_element_type3A_212 = arith.extui %lt3A_211 : i1 to i32
      %cond3A_213 = arith.constant 0 : i32
      %cond3A_214 = arith.cmpi ne, %convert_element_type3A_212, %cond3A_213 : i32
      scf.if %cond3A_214 {
        %add3A_244 = arith.constant 2 : i32
        %add3A_245 = arith.addi %mul3A_171, %add3A_244 : i32
        %add3A_246 = arith.constant 3 : i32
        %add3A_247 = arith.addi %add3A_245, %add3A_246 : i32
        %dma_start3A_248 = arith.constant 0 : i32
        %dma_start3A_249 = tpu.memref_slice %arg6[%add3A_247, %dma_start3A_248] : memref<32x64xi32, #tpu.memory_space<vmem>> -> memref<1x64xi32, #tpu.memory_space<vmem>>
        %dma_start3A_250 = tpu.memref_squeeze %dma_start3A_249 : memref<1x64xi32, #tpu.memory_space<vmem>> -> memref<64xi32, #tpu.memory_space<vmem>>
        %dma_start3A_251 = arith.constant 0 : i32
        %dma_start3A_252 = arith.constant 0 : i32
        %dma_start3A_253 = tpu.memref_slice %arg2[%dma_start3A_251, %dma_start3A_252] : memref<10000x128xf32, #tpu.memory_space<hbm>> -> memref<10000x128xf32, #tpu.memory_space<hbm>>
        tpu.enqueue_indirect_dma source(%dma_start3A_253 : memref<10000x128xf32, #tpu.memory_space<hbm>>) target(%arg9 : memref<64x128xf32, #tpu.memory_space<vmem>>) offsets(%dma_start3A_250 : memref<64xi32, #tpu.memory_space<vmem>>) semaphore(%arg14 : memref<!tpu.dma_semaphore, #tpu.memory_space<semaphore_mem>>)
      } else {
      }
      %add3A_215 = arith.constant 2 : i32
      %add3A_216 = arith.addi %mul3A_171, %add3A_215 : i32
      %dma_wait3A_217 = arith.constant 0 : i32
      %dma_wait3A_218 = tpu.memref_slice %arg6[%add3A_216, %dma_wait3A_217] : memref<32x64xi32, #tpu.memory_space<vmem>> -> memref<1x64xi32, #tpu.memory_space<vmem>>
      %dma_wait3A_219 = tpu.memref_squeeze %dma_wait3A_218 : memref<1x64xi32, #tpu.memory_space<vmem>> -> memref<64xi32, #tpu.memory_space<vmem>>
      %dma_wait3A_220 = arith.constant 0 : i32
      %dma_wait3A_221 = arith.constant 0 : i32
      %dma_wait3A_222 = tpu.memref_slice %arg2[%dma_wait3A_220, %dma_wait3A_221] : memref<10000x128xf32, #tpu.memory_space<hbm>> -> memref<10000x128xf32, #tpu.memory_space<hbm>>
      tpu.wait_indirect_dma semaphore(%arg15 : memref<!tpu.dma_semaphore, #tpu.memory_space<semaphore_mem>>) src(%dma_wait3A_222 : memref<10000x128xf32, #tpu.memory_space<hbm>>) dst(%arg10 : memref<64x128xf32, #tpu.memory_space<vmem>>)
      %add3A_223 = arith.constant 2 : i32
      %add3A_224 = arith.addi %mul3A_171, %add3A_223 : i32
      "tpu.region"() ({
        %run_scoped3A = tpu.sem_alloc : memref<!tpu.dma_semaphore, #tpu.memory_space<semaphore_mem>>
        %dma_start3A_244 = arith.constant 0 : i32
        %dma_start3A_245 = tpu.memref_slice %arg7[%add3A_224, %dma_start3A_244] : memref<32x64xi32, #tpu.memory_space<vmem>> -> memref<1x64xi32, #tpu.memory_space<vmem>>
        %dma_start3A_246 = tpu.memref_squeeze %dma_start3A_245 : memref<1x64xi32, #tpu.memory_space<vmem>> -> memref<64xi32, #tpu.memory_space<vmem>>
        %dma_start3A_247 = arith.constant 0 : i32
        %dma_start3A_248 = arith.constant 0 : i32
        %dma_start3A_249 = tpu.memref_slice %arg12[%dma_start3A_247, %dma_start3A_248] : memref<10240x128xf32, #tpu.memory_space<vmem_shared>> -> memref<10240x128xf32, #tpu.memory_space<vmem_shared>>
        tpu.enqueue_indirect_dma source(%arg10 : memref<64x128xf32, #tpu.memory_space<vmem>>) target(%dma_start3A_249 : memref<10240x128xf32, #tpu.memory_space<vmem_shared>>) offsets(%dma_start3A_246 : memref<64xi32, #tpu.memory_space<vmem>>) semaphore(%run_scoped3A : memref<!tpu.dma_semaphore, #tpu.memory_space<semaphore_mem>>) {add = true}
        %dma_wait3A_250 = arith.constant 0 : i32
        %dma_wait3A_251 = tpu.memref_slice %arg7[%add3A_224, %dma_wait3A_250] : memref<32x64xi32, #tpu.memory_space<vmem>> -> memref<1x64xi32, #tpu.memory_space<vmem>>
        %dma_wait3A_252 = tpu.memref_squeeze %dma_wait3A_251 : memref<1x64xi32, #tpu.memory_space<vmem>> -> memref<64xi32, #tpu.memory_space<vmem>>
        %dma_wait3A_253 = arith.constant 0 : i32
        %dma_wait3A_254 = arith.constant 0 : i32
        %dma_wait3A_255 = tpu.memref_slice %arg12[%dma_wait3A_253, %dma_wait3A_254] : memref<10240x128xf32, #tpu.memory_space<vmem_shared>> -> memref<10240x128xf32, #tpu.memory_space<vmem_shared>>
        tpu.wait_indirect_dma semaphore(%run_scoped3A : memref<!tpu.dma_semaphore, #tpu.memory_space<semaphore_mem>>) src(%arg10 : memref<64x128xf32, #tpu.memory_space<vmem>>) dst(%dma_wait3A_255 : memref<10240x128xf32, #tpu.memory_space<vmem_shared>>)
        tpu.yield
      }) : () -> ()
      %add3A_225 = arith.constant 3 : i32
      %add3A_226 = arith.addi %mul3A_171, %add3A_225 : i32
      %add3A_227 = arith.constant 3 : i32
      %add3A_228 = arith.addi %add3A_226, %add3A_227 : i32
      %lt3A_229 = arith.constant 32 : i32
      %lt3A_230 = arith.cmpi slt, %add3A_228, %lt3A_229 : i32
      %convert_element_type3A_231 = arith.extui %lt3A_230 : i1 to i32
      %cond3A_232 = arith.constant 0 : i32
      %cond3A_233 = arith.cmpi ne, %convert_element_type3A_231, %cond3A_232 : i32
      scf.if %cond3A_233 {
        %add3A_244 = arith.constant 3 : i32
        %add3A_245 = arith.addi %mul3A_171, %add3A_244 : i32
        %add3A_246 = arith.constant 3 : i32
        %add3A_247 = arith.addi %add3A_245, %add3A_246 : i32
        %dma_start3A_248 = arith.constant 0 : i32
        %dma_start3A_249 = tpu.memref_slice %arg6[%add3A_247, %dma_start3A_248] : memref<32x64xi32, #tpu.memory_space<vmem>> -> memref<1x64xi32, #tpu.memory_space<vmem>>
        %dma_start3A_250 = tpu.memref_squeeze %dma_start3A_249 : memref<1x64xi32, #tpu.memory_space<vmem>> -> memref<64xi32, #tpu.memory_space<vmem>>
        %dma_start3A_251 = arith.constant 0 : i32
        %dma_start3A_252 = arith.constant 0 : i32
        %dma_start3A_253 = tpu.memref_slice %arg2[%dma_start3A_251, %dma_start3A_252] : memref<10000x128xf32, #tpu.memory_space<hbm>> -> memref<10000x128xf32, #tpu.memory_space<hbm>>
        tpu.enqueue_indirect_dma source(%dma_start3A_253 : memref<10000x128xf32, #tpu.memory_space<hbm>>) target(%arg10 : memref<64x128xf32, #tpu.memory_space<vmem>>) offsets(%dma_start3A_250 : memref<64xi32, #tpu.memory_space<vmem>>) semaphore(%arg15 : memref<!tpu.dma_semaphore, #tpu.memory_space<semaphore_mem>>)
      } else {
      }
      %add3A_234 = arith.constant 3 : i32
      %add3A_235 = arith.addi %mul3A_171, %add3A_234 : i32
      %dma_wait3A_236 = arith.constant 0 : i32
      %dma_wait3A_237 = tpu.memref_slice %arg6[%add3A_235, %dma_wait3A_236] : memref<32x64xi32, #tpu.memory_space<vmem>> -> memref<1x64xi32, #tpu.memory_space<vmem>>
      %dma_wait3A_238 = tpu.memref_squeeze %dma_wait3A_237 : memref<1x64xi32, #tpu.memory_space<vmem>> -> memref<64xi32, #tpu.memory_space<vmem>>
      %dma_wait3A_239 = arith.constant 0 : i32
      %dma_wait3A_240 = arith.constant 0 : i32
      %dma_wait3A_241 = tpu.memref_slice %arg2[%dma_wait3A_239, %dma_wait3A_240] : memref<10000x128xf32, #tpu.memory_space<hbm>> -> memref<10000x128xf32, #tpu.memory_space<hbm>>
      tpu.wait_indirect_dma semaphore(%arg16 : memref<!tpu.dma_semaphore, #tpu.memory_space<semaphore_mem>>) src(%dma_wait3A_241 : memref<10000x128xf32, #tpu.memory_space<hbm>>) dst(%arg11 : memref<64x128xf32, #tpu.memory_space<vmem>>)
      %add3A_242 = arith.constant 3 : i32
      %add3A_243 = arith.addi %mul3A_171, %add3A_242 : i32
      "tpu.region"() ({
        %run_scoped3A = tpu.sem_alloc : memref<!tpu.dma_semaphore, #tpu.memory_space<semaphore_mem>>
        %dma_start3A_244 = arith.constant 0 : i32
        %dma_start3A_245 = tpu.memref_slice %arg7[%add3A_243, %dma_start3A_244] : memref<32x64xi32, #tpu.memory_space<vmem>> -> memref<1x64xi32, #tpu.memory_space<vmem>>
        %dma_start3A_246 = tpu.memref_squeeze %dma_start3A_245 : memref<1x64xi32, #tpu.memory_space<vmem>> -> memref<64xi32, #tpu.memory_space<vmem>>
        %dma_start3A_247 = arith.constant 0 : i32
        %dma_start3A_248 = arith.constant 0 : i32
        %dma_start3A_249 = tpu.memref_slice %arg12[%dma_start3A_247, %dma_start3A_248] : memref<10240x128xf32, #tpu.memory_space<vmem_shared>> -> memref<10240x128xf32, #tpu.memory_space<vmem_shared>>
        tpu.enqueue_indirect_dma source(%arg11 : memref<64x128xf32, #tpu.memory_space<vmem>>) target(%dma_start3A_249 : memref<10240x128xf32, #tpu.memory_space<vmem_shared>>) offsets(%dma_start3A_246 : memref<64xi32, #tpu.memory_space<vmem>>) semaphore(%run_scoped3A : memref<!tpu.dma_semaphore, #tpu.memory_space<semaphore_mem>>) {add = true}
        %dma_wait3A_250 = arith.constant 0 : i32
        %dma_wait3A_251 = tpu.memref_slice %arg7[%add3A_243, %dma_wait3A_250] : memref<32x64xi32, #tpu.memory_space<vmem>> -> memref<1x64xi32, #tpu.memory_space<vmem>>
        %dma_wait3A_252 = tpu.memref_squeeze %dma_wait3A_251 : memref<1x64xi32, #tpu.memory_space<vmem>> -> memref<64xi32, #tpu.memory_space<vmem>>
        %dma_wait3A_253 = arith.constant 0 : i32
        %dma_wait3A_254 = arith.constant 0 : i32
        %dma_wait3A_255 = tpu.memref_slice %arg12[%dma_wait3A_253, %dma_wait3A_254] : memref<10240x128xf32, #tpu.memory_space<vmem_shared>> -> memref<10240x128xf32, #tpu.memory_space<vmem_shared>>
        tpu.wait_indirect_dma semaphore(%run_scoped3A : memref<!tpu.dma_semaphore, #tpu.memory_space<semaphore_mem>>) src(%arg11 : memref<64x128xf32, #tpu.memory_space<vmem>>) dst(%dma_wait3A_255 : memref<10240x128xf32, #tpu.memory_space<vmem_shared>>)
        tpu.yield
      }) : () -> ()
    }
    %scan3A_167 = arith.constant 8 : i32
    %barrier3A_168 = arith.constant 0 : index
    tpu.barrier barrier_id(%barrier3A_168)
    "tpu.region"() ({
      %run_scoped3A = tpu.sem_alloc : memref<!tpu.dma_semaphore, #tpu.memory_space<semaphore_mem>>
      %dma_start3A_169 = arith.constant 0 : i32
      %dma_start3A_170 = tpu.memref_slice %arg5[%arg0, %multiple_of3A, %dma_start3A_169] : memref<2x10240x128xf32, #tpu.memory_space<hbm>> -> memref<1x640x128xf32, #tpu.memory_space<hbm>>
      %dma_start3A_171 = tpu.memref_squeeze %dma_start3A_170 : memref<1x640x128xf32, #tpu.memory_space<hbm>> -> memref<640x128xf32, #tpu.memory_space<hbm>>
      %dma_start3A_172 = arith.constant 0 : i32
      %dma_start3A_173 = tpu.memref_slice %arg12[%multiple_of3A, %dma_start3A_172] : memref<10240x128xf32, #tpu.memory_space<vmem_shared>> -> memref<640x128xf32, #tpu.memory_space<vmem_shared>>
      tpu.enqueue_dma source(%dma_start3A_173 : memref<640x128xf32, #tpu.memory_space<vmem_shared>>) target(%dma_start3A_171 : memref<640x128xf32, #tpu.memory_space<hbm>>) target_semaphore(%run_scoped3A : memref<!tpu.dma_semaphore, #tpu.memory_space<semaphore_mem>>)
      %dma_wait3A = arith.constant 0 : i32
      %dma_wait3A_174 = tpu.memref_slice %arg5[%arg0, %multiple_of3A, %dma_wait3A] : memref<2x10240x128xf32, #tpu.memory_space<hbm>> -> memref<1x640x128xf32, #tpu.memory_space<hbm>>
      %dma_wait3A_175 = tpu.memref_squeeze %dma_wait3A_174 : memref<1x640x128xf32, #tpu.memory_space<hbm>> -> memref<640x128xf32, #tpu.memory_space<hbm>>
      %dma_wait3A_176 = arith.constant 0 : i32
      %dma_wait3A_177 = tpu.memref_slice %arg12[%multiple_of3A, %dma_wait3A_176] : memref<10240x128xf32, #tpu.memory_space<vmem_shared>> -> memref<640x128xf32, #tpu.memory_space<vmem_shared>>
      tpu.wait_dma2 semaphore(%run_scoped3A : memref<!tpu.dma_semaphore, #tpu.memory_space<semaphore_mem>>) src(%dma_wait3A_177 : memref<640x128xf32, #tpu.memory_space<vmem_shared>>) dst(%dma_wait3A_175 : memref<640x128xf32, #tpu.memory_space<hbm>>)
      tpu.yield
    }) : () -> ()
    return
  }
}

#map = affine_map<(d0, d1) -> (0, 0)>
#map1 = affine_map<(d0, d1) -> (0, 0, 0)>
module attributes {stable_mosaic.version = 14 : i64} {
  func.func @_spmv_kernel(%arg0: i32, %arg1: i32, %arg2: memref<10000x128xf32, #tpu.memory_space<hbm>>, %arg3: memref<5152x64xi32, #tpu.memory_space<hbm>>, %arg4: memref<5152x64xi32, #tpu.memory_space<hbm>>, %arg5: memref<2x10240x128xf32, #tpu.memory_space<hbm>>, %arg6: memref<32x64xi32, #tpu.memory_space<vmem>>, %arg7: memref<32x64xi32, #tpu.memory_space<vmem>>, %arg8: memref<64x128xf32, #tpu.memory_space<vmem>>, %arg9: memref<64x128xf32, #tpu.memory_space<vmem>>, %arg10: memref<64x128xf32, #tpu.memory_space<vmem>>, %arg11: memref<64x128xf32, #tpu.memory_space<vmem>>, %arg12: memref<10240x128xf32, #tpu.memory_space<vmem_shared>>, %arg13: memref<!tpu.dma_semaphore, #tpu.memory_space<semaphore_mem>>, %arg14: memref<!tpu.dma_semaphore, #tpu.memory_space<semaphore_mem>>, %arg15: memref<!tpu.dma_semaphore, #tpu.memory_space<semaphore_mem>>, %arg16: memref<!tpu.dma_semaphore, #tpu.memory_space<semaphore_mem>>) attributes {dimension_semantics = [#tpu.dimension_semantics<core_parallel>, #tpu.dimension_semantics<subcore_parallel>], iteration_bounds = array<i64: 2, 16>, scalar_prefetch = 0 : i64, scratch_operands = 11 : i64, tpu.core_type = #tpu.core_type<sc_vector_subcore>, window_params = [{transform_indices = #map}, {transform_indices = #map}, {transform_indices = #map}, {transform_indices = #map1}]} {
    %mul3A = arith.constant 640 : i32
    %mul3A_0 = arith.muli %arg1, %mul3A : i32
    %multiple_of3A = tpu.assume_multiple %mul3A_0, 8 : i32
    %scan3A = arith.constant 0 : i32
    %scan3A_1 = arith.constant 0 : i32
    %scan3A_2 = arith.constant 64 : i32
    %scan3A_3 = arith.addi %scan3A_1, %scan3A_2 : i32
    %scan3A_4 = arith.constant 1 : i32
    scf.for %scan3A_169 = %scan3A_1 to %scan3A_3 step %scan3A_4  : i32 {
      %broadcast_in_dim3A = arith.constant 0.000000e+00 : f32
      %broadcast_in_dim3A_170 = vector.broadcast %broadcast_in_dim3A : f32 to vector<16xf32>
      %swap3A = arith.index_cast %scan3A_169 : i32 to index
      %swap3A_171 = arith.constant 0 : index
      %swap3A_172 = tpu.vector_load %arg8[%swap3A, %swap3A_171] {strides = array<i32>} : memref<64x128xf32, #tpu.memory_space<vmem>>, vector<1x16xf32>,
      %swap3A_173 = vector.shape_cast %swap3A_172 : vector<1x16xf32> to vector<16xf32>
      %swap3A_174 = vector.shape_cast %broadcast_in_dim3A_170 : vector<16xf32> to vector<1x16xf32>
      tpu.vector_store %arg8[%swap3A, %swap3A_171], %swap3A_174 {strides = array<i32>} : memref<64x128xf32, #tpu.memory_space<vmem>>, vector<1x16xf32>,
      %broadcast_in_dim3A_175 = arith.constant 0.000000e+00 : f32
      %broadcast_in_dim3A_176 = vector.broadcast %broadcast_in_dim3A_175 : f32 to vector<16xf32>
      %swap3A_177 = arith.index_cast %scan3A_169 : i32 to index
      %swap3A_178 = arith.constant 16 : index
      %swap3A_179 = tpu.vector_load %arg8[%swap3A_177, %swap3A_178] {strides = array<i32>} : memref<64x128xf32, #tpu.memory_space<vmem>>, vector<1x16xf32>,
      %swap3A_180 = vector.shape_cast %swap3A_179 : vector<1x16xf32> to vector<16xf32>
      %swap3A_181 = vector.shape_cast %broadcast_in_dim3A_176 : vector<16xf32> to vector<1x16xf32>
      tpu.vector_store %arg8[%swap3A_177, %swap3A_178], %swap3A_181 {strides = array<i32>} : memref<64x128xf32, #tpu.memory_space<vmem>>, vector<1x16xf32>,
      %broadcast_in_dim3A_182 = arith.constant 0.000000e+00 : f32
      %broadcast_in_dim3A_183 = vector.broadcast %broadcast_in_dim3A_182 : f32 to vector<16xf32>
      %swap3A_184 = arith.index_cast %scan3A_169 : i32 to index
      %swap3A_185 = arith.constant 32 : index
      %swap3A_186 = tpu.vector_load %arg8[%swap3A_184, %swap3A_185] {strides = array<i32>} : memref<64x128xf32, #tpu.memory_space<vmem>>, vector<1x16xf32>,
      %swap3A_187 = vector.shape_cast %swap3A_186 : vector<1x16xf32> to vector<16xf32>
      %swap3A_188 = vector.shape_cast %broadcast_in_dim3A_183 : vector<16xf32> to vector<1x16xf32>
      tpu.vector_store %arg8[%swap3A_184, %swap3A_185], %swap3A_188 {strides = array<i32>} : memref<64x128xf32, #tpu.memory_space<vmem>>, vector<1x16xf32>,
      %broadcast_in_dim3A_189 = arith.constant 0.000000e+00 : f32
      %broadcast_in_dim3A_190 = vector.broadcast %broadcast_in_dim3A_189 : f32 to vector<16xf32>
      %swap3A_191 = arith.index_cast %scan3A_169 : i32 to index
      %swap3A_192 = arith.constant 48 : index
      %swap3A_193 = tpu.vector_load %arg8[%swap3A_191, %swap3A_192] {strides = array<i32>} : memref<64x128xf32, #tpu.memory_space<vmem>>, vector<1x16xf32>,
      %swap3A_194 = vector.shape_cast %swap3A_193 : vector<1x16xf32> to vector<16xf32>
      %swap3A_195 = vector.shape_cast %broadcast_in_dim3A_190 : vector<16xf32> to vector<1x16xf32>
      tpu.vector_store %arg8[%swap3A_191, %swap3A_192], %swap3A_195 {strides = array<i32>} : memref<64x128xf32, #tpu.memory_space<vmem>>, vector<1x16xf32>,
      %broadcast_in_dim3A_196 = arith.constant 0.000000e+00 : f32
      %broadcast_in_dim3A_197 = vector.broadcast %broadcast_in_dim3A_196 : f32 to vector<16xf32>
      %swap3A_198 = arith.index_cast %scan3A_169 : i32 to index
      %swap3A_199 = arith.constant 64 : index
      %swap3A_200 = tpu.vector_load %arg8[%swap3A_198, %swap3A_199] {strides = array<i32>} : memref<64x128xf32, #tpu.memory_space<vmem>>, vector<1x16xf32>,
      %swap3A_201 = vector.shape_cast %swap3A_200 : vector<1x16xf32> to vector<16xf32>
      %swap3A_202 = vector.shape_cast %broadcast_in_dim3A_197 : vector<16xf32> to vector<1x16xf32>
      tpu.vector_store %arg8[%swap3A_198, %swap3A_199], %swap3A_202 {strides = array<i32>} : memref<64x128xf32, #tpu.memory_space<vmem>>, vector<1x16xf32>,
      %broadcast_in_dim3A_203 = arith.constant 0.000000e+00 : f32
      %broadcast_in_dim3A_204 = vector.broadcast %broadcast_in_dim3A_203 : f32 to vector<16xf32>
      %swap3A_205 = arith.index_cast %scan3A_169 : i32 to index
      %swap3A_206 = arith.constant 80 : index
      %swap3A_207 = tpu.vector_load %arg8[%swap3A_205, %swap3A_206] {strides = array<i32>} : memref<64x128xf32, #tpu.memory_space<vmem>>, vector<1x16xf32>,
      %swap3A_208 = vector.shape_cast %swap3A_207 : vector<1x16xf32> to vector<16xf32>
      %swap3A_209 = vector.shape_cast %broadcast_in_dim3A_204 : vector<16xf32> to vector<1x16xf32>
      tpu.vector_store %arg8[%swap3A_205, %swap3A_206], %swap3A_209 {strides = array<i32>} : memref<64x128xf32, #tpu.memory_space<vmem>>, vector<1x16xf32>,
      %broadcast_in_dim3A_210 = arith.constant 0.000000e+00 : f32
      %broadcast_in_dim3A_211 = vector.broadcast %broadcast_in_dim3A_210 : f32 to vector<16xf32>
      %swap3A_212 = arith.index_cast %scan3A_169 : i32 to index
      %swap3A_213 = arith.constant 96 : index
      %swap3A_214 = tpu.vector_load %arg8[%swap3A_212, %swap3A_213] {strides = array<i32>} : memref<64x128xf32, #tpu.memory_space<vmem>>, vector<1x16xf32>,
      %swap3A_215 = vector.shape_cast %swap3A_214 : vector<1x16xf32> to vector<16xf32>
      %swap3A_216 = vector.shape_cast %broadcast_in_dim3A_211 : vector<16xf32> to vector<1x16xf32>
      tpu.vector_store %arg8[%swap3A_212, %swap3A_213], %swap3A_216 {strides = array<i32>} : memref<64x128xf32, #tpu.memory_space<vmem>>, vector<1x16xf32>,
      %broadcast_in_dim3A_217 = arith.constant 0.000000e+00 : f32
      %broadcast_in_dim3A_218 = vector.broadcast %broadcast_in_dim3A_217 : f32 to vector<16xf32>
      %swap3A_219 = arith.index_cast %scan3A_169 : i32 to index
      %swap3A_220 = arith.constant 112 : index
      %swap3A_221 = tpu.vector_load %arg8[%swap3A_219, %swap3A_220] {strides = array<i32>} : memref<64x128xf32, #tpu.memory_space<vmem>>, vector<1x16xf32>,
      %swap3A_222 = vector.shape_cast %swap3A_221 : vector<1x16xf32> to vector<16xf32>
      %swap3A_223 = vector.shape_cast %broadcast_in_dim3A_218 : vector<16xf32> to vector<1x16xf32>
      tpu.vector_store %arg8[%swap3A_219, %swap3A_220], %swap3A_223 {strides = array<i32>} : memref<64x128xf32, #tpu.memory_space<vmem>>, vector<1x16xf32>,
    }
    %scan3A_5 = arith.constant 64 : i32
    %scan3A_6 = arith.constant 0 : i32
    %scan3A_7 = arith.constant 0 : i32
    %scan3A_8 = arith.constant 10 : i32
    %scan3A_9 = arith.addi %scan3A_7, %scan3A_8 : i32
    %scan3A_10 = arith.constant 1 : i32
    scf.for %scan3A_169 = %scan3A_7 to %scan3A_9 step %scan3A_10  : i32 {
      %mul3A_170 = arith.constant 64 : i32
      %mul3A_171 = arith.muli %scan3A_169, %mul3A_170 : i32
      %add3A_172 = arith.addi %multiple_of3A, %mul3A_171 : i32
      %multiple_of3A_173 = tpu.assume_multiple %add3A_172, 8 : i32
      "tpu.region"() ({
        %run_scoped3A = tpu.sem_alloc : memref<!tpu.dma_semaphore, #tpu.memory_space<semaphore_mem>>
        %dma_start3A_174 = arith.constant 0 : i32
        %dma_start3A_175 = tpu.memref_slice %arg12[%multiple_of3A_173, %dma_start3A_174] : memref<10240x128xf32, #tpu.memory_space<vmem_shared>> -> memref<64x128xf32, #tpu.memory_space<vmem_shared>>
        %dma_start3A_176 = arith.constant 0 : i32
        %dma_start3A_177 = tpu.memref_slice %arg12[%multiple_of3A_173, %dma_start3A_176] : memref<10240x128xf32, #tpu.memory_space<vmem_shared>> -> memref<64x128xf32, #tpu.memory_space<vmem_shared>>
        tpu.enqueue_dma source(%arg8 : memref<64x128xf32, #tpu.memory_space<vmem>>) target(%dma_start3A_177 : memref<64x128xf32, #tpu.memory_space<vmem_shared>>) target_semaphore(%run_scoped3A : memref<!tpu.dma_semaphore, #tpu.memory_space<semaphore_mem>>)
        %dma_wait3A = arith.constant 0 : i32
        %dma_wait3A_178 = tpu.memref_slice %arg12[%multiple_of3A_173, %dma_wait3A] : memref<10240x128xf32, #tpu.memory_space<vmem_shared>> -> memref<64x128xf32, #tpu.memory_space<vmem_shared>>
        %dma_wait3A_179 = arith.constant 0 : i32
        %dma_wait3A_180 = tpu.memref_slice %arg12[%multiple_of3A_173, %dma_wait3A_179] : memref<10240x128xf32, #tpu.memory_space<vmem_shared>> -> memref<64x128xf32, #tpu.memory_space<vmem_shared>>
        tpu.wait_dma2 semaphore(%run_scoped3A : memref<!tpu.dma_semaphore, #tpu.memory_space<semaphore_mem>>) src(%arg8 : memref<64x128xf32, #tpu.memory_space<vmem>>) dst(%dma_wait3A_180 : memref<64x128xf32, #tpu.memory_space<vmem_shared>>)
        tpu.yield
      }) : () -> ()
    }
    %scan3A_11 = arith.constant 10 : i32
    %barrier3A = arith.constant 0 : index
    tpu.barrier barrier_id(%barrier3A)
    %mul3A_12 = arith.constant 16 : i32
    %mul3A_13 = arith.muli %arg0, %mul3A_12 : i32
    %add3A = arith.addi %mul3A_13, %arg1 : i32
    %mul3A_14 = arith.constant 160 : i32
    %mul3A_15 = arith.muli %add3A, %mul3A_14 : i32
    %add3A_16 = arith.constant 0 : i32
    %add3A_17 = arith.addi %mul3A_15, %add3A_16 : i32
    "tpu.region"() ({
      %run_scoped3A = tpu.sem_alloc : memref<!tpu.dma_semaphore, #tpu.memory_space<semaphore_mem>>
      %dma_start3A_169 = arith.constant 0 : i32
      %dma_start3A_170 = tpu.memref_slice %arg3[%add3A_17, %dma_start3A_169] : memref<5152x64xi32, #tpu.memory_space<hbm>> -> memref<32x64xi32, #tpu.memory_space<hbm>>
      %dma_start3A_171 = arith.constant 0 : i32
      %dma_start3A_172 = tpu.memref_slice %arg3[%add3A_17, %dma_start3A_171] : memref<5152x64xi32, #tpu.memory_space<hbm>> -> memref<32x64xi32, #tpu.memory_space<hbm>>
      tpu.enqueue_dma source(%dma_start3A_172 : memref<32x64xi32, #tpu.memory_space<hbm>>) target(%arg6 : memref<32x64xi32, #tpu.memory_space<vmem>>) target_semaphore(%run_scoped3A : memref<!tpu.dma_semaphore, #tpu.memory_space<semaphore_mem>>)
      %dma_wait3A = arith.constant 0 : i32
      %dma_wait3A_173 = tpu.memref_slice %arg3[%add3A_17, %dma_wait3A] : memref<5152x64xi32, #tpu.memory_space<hbm>> -> memref<32x64xi32, #tpu.memory_space<hbm>>
      %dma_wait3A_174 = arith.constant 0 : i32
      %dma_wait3A_175 = tpu.memref_slice %arg3[%add3A_17, %dma_wait3A_174] : memref<5152x64xi32, #tpu.memory_space<hbm>> -> memref<32x64xi32, #tpu.memory_space<hbm>>
      tpu.wait_dma2 semaphore(%run_scoped3A : memref<!tpu.dma_semaphore, #tpu.memory_space<semaphore_mem>>) src(%dma_wait3A_175 : memref<32x64xi32, #tpu.memory_space<hbm>>) dst(%arg6 : memref<32x64xi32, #tpu.memory_space<vmem>>)
      tpu.yield
    }) : () -> ()
    "tpu.region"() ({
      %run_scoped3A = tpu.sem_alloc : memref<!tpu.dma_semaphore, #tpu.memory_space<semaphore_mem>>
      %dma_start3A_169 = arith.constant 0 : i32
      %dma_start3A_170 = tpu.memref_slice %arg4[%add3A_17, %dma_start3A_169] : memref<5152x64xi32, #tpu.memory_space<hbm>> -> memref<32x64xi32, #tpu.memory_space<hbm>>
      %dma_start3A_171 = arith.constant 0 : i32
      %dma_start3A_172 = tpu.memref_slice %arg4[%add3A_17, %dma_start3A_171] : memref<5152x64xi32, #tpu.memory_space<hbm>> -> memref<32x64xi32, #tpu.memory_space<hbm>>
      tpu.enqueue_dma source(%dma_start3A_172 : memref<32x64xi32, #tpu.memory_space<hbm>>) target(%arg7 : memref<32x64xi32, #tpu.memory_space<vmem>>) target_semaphore(%run_scoped3A : memref<!tpu.dma_semaphore, #tpu.memory_space<semaphore_mem>>)
      %dma_wait3A = arith.constant 0 : i32
      %dma_wait3A_173 = tpu.memref_slice %arg4[%add3A_17, %dma_wait3A] : memref<5152x64xi32, #tpu.memory_space<hbm>> -> memref<32x64xi32, #tpu.memory_space<hbm>>
      %dma_wait3A_174 = arith.constant 0 : i32
      %dma_wait3A_175 = tpu.memref_slice %arg4[%add3A_17, %dma_wait3A_174] : memref<5152x64xi32, #tpu.memory_space<hbm>> -> memref<32x64xi32, #tpu.memory_space<hbm>>
      tpu.wait_dma2 semaphore(%run_scoped3A : memref<!tpu.dma_semaphore, #tpu.memory_space<semaphore_mem>>) src(%dma_wait3A_175 : memref<32x64xi32, #tpu.memory_space<hbm>>) dst(%arg7 : memref<32x64xi32, #tpu.memory_space<vmem>>)
      tpu.yield
    }) : () -> ()
    %dma_start3A = arith.constant 0 : i32
    %dma_start3A_18 = arith.constant 0 : i32
    %dma_start3A_19 = tpu.memref_slice %arg6[%dma_start3A, %dma_start3A_18] : memref<32x64xi32, #tpu.memory_space<vmem>> -> memref<1x64xi32, #tpu.memory_space<vmem>>
    %dma_start3A_20 = tpu.memref_squeeze %dma_start3A_19 : memref<1x64xi32, #tpu.memory_space<vmem>> -> memref<64xi32, #tpu.memory_space<vmem>>
    %dma_start3A_21 = arith.constant 0 : i32
    %dma_start3A_22 = arith.constant 0 : i32
    %dma_start3A_23 = tpu.memref_slice %arg2[%dma_start3A_21, %dma_start3A_22] : memref<10000x128xf32, #tpu.memory_space<hbm>> -> memref<10000x128xf32, #tpu.memory_space<hbm>>
    tpu.enqueue_indirect_dma source(%dma_start3A_23 : memref<10000x128xf32, #tpu.memory_space<hbm>>) target(%arg8 : memref<64x128xf32, #tpu.memory_space<vmem>>) offsets(%dma_start3A_20 : memref<64xi32, #tpu.memory_space<vmem>>) semaphore(%arg13 : memref<!tpu.dma_semaphore, #tpu.memory_space<semaphore_mem>>)
    %dma_start3A_24 = arith.constant 1 : i32
    %dma_start3A_25 = arith.constant 0 : i32
    %dma_start3A_26 = tpu.memref_slice %arg6[%dma_start3A_24, %dma_start3A_25] : memref<32x64xi32, #tpu.memory_space<vmem>> -> memref<1x64xi32, #tpu.memory_space<vmem>>
    %dma_start3A_27 = tpu.memref_squeeze %dma_start3A_26 : memref<1x64xi32, #tpu.memory_space<vmem>> -> memref<64xi32, #tpu.memory_space<vmem>>
    %dma_start3A_28 = arith.constant 0 : i32
    %dma_start3A_29 = arith.constant 0 : i32
    %dma_start3A_30 = tpu.memref_slice %arg2[%dma_start3A_28, %dma_start3A_29] : memref<10000x128xf32, #tpu.memory_space<hbm>> -> memref<10000x128xf32, #tpu.memory_space<hbm>>
    tpu.enqueue_indirect_dma source(%dma_start3A_30 : memref<10000x128xf32, #tpu.memory_space<hbm>>) target(%arg9 : memref<64x128xf32, #tpu.memory_space<vmem>>) offsets(%dma_start3A_27 : memref<64xi32, #tpu.memory_space<vmem>>) semaphore(%arg14 : memref<!tpu.dma_semaphore, #tpu.memory_space<semaphore_mem>>)
    %dma_start3A_31 = arith.constant 2 : i32
    %dma_start3A_32 = arith.constant 0 : i32
    %dma_start3A_33 = tpu.memref_slice %arg6[%dma_start3A_31, %dma_start3A_32] : memref<32x64xi32, #tpu.memory_space<vmem>> -> memref<1x64xi32, #tpu.memory_space<vmem>>
    %dma_start3A_34 = tpu.memref_squeeze %dma_start3A_33 : memref<1x64xi32, #tpu.memory_space<vmem>> -> memref<64xi32, #tpu.memory_space<vmem>>
    %dma_start3A_35 = arith.constant 0 : i32
    %dma_start3A_36 = arith.constant 0 : i32
    %dma_start3A_37 = tpu.memref_slice %arg2[%dma_start3A_35, %dma_start3A_36] : memref<10000x128xf32, #tpu.memory_space<hbm>> -> memref<10000x128xf32, #tpu.memory_space<hbm>>
    tpu.enqueue_indirect_dma source(%dma_start3A_37 : memref<10000x128xf32, #tpu.memory_space<hbm>>) target(%arg10 : memref<64x128xf32, #tpu.memory_space<vmem>>) offsets(%dma_start3A_34 : memref<64xi32, #tpu.memory_space<vmem>>) semaphore(%arg15 : memref<!tpu.dma_semaphore, #tpu.memory_space<semaphore_mem>>)
    %scan3A_38 = arith.constant 0 : i32
    %scan3A_39 = arith.constant 0 : i32
    %scan3A_40 = arith.constant 8 : i32
    %scan3A_41 = arith.addi %scan3A_39, %scan3A_40 : i32
    %scan3A_42 = arith.constant 1 : i32
    scf.for %scan3A_169 = %scan3A_39 to %scan3A_41 step %scan3A_42  : i32 {
      %mul3A_170 = arith.constant 4 : i32
      %mul3A_171 = arith.muli %scan3A_169, %mul3A_170 : i32
      %add3A_172 = arith.constant 0 : i32
      %add3A_173 = arith.addi %mul3A_171, %add3A_172 : i32
      %add3A_174 = arith.constant 3 : i32
      %add3A_175 = arith.addi %add3A_173, %add3A_174 : i32
      %lt3A = arith.constant 32 : i32
      %lt3A_176 = arith.cmpi slt, %add3A_175, %lt3A : i32
      %convert_element_type3A = arith.extui %lt3A_176 : i1 to i32
      %cond3A = arith.constant 0 : i32
      %cond3A_177 = arith.cmpi ne, %convert_element_type3A, %cond3A : i32
      scf.if %cond3A_177 {
        %add3A_244 = arith.constant 0 : i32
        %add3A_245 = arith.addi %mul3A_171, %add3A_244 : i32
        %add3A_246 = arith.constant 3 : i32
        %add3A_247 = arith.addi %add3A_245, %add3A_246 : i32
        %dma_start3A_248 = arith.constant 0 : i32
        %dma_start3A_249 = tpu.memref_slice %arg6[%add3A_247, %dma_start3A_248] : memref<32x64xi32, #tpu.memory_space<vmem>> -> memref<1x64xi32, #tpu.memory_space<vmem>>
        %dma_start3A_250 = tpu.memref_squeeze %dma_start3A_249 : memref<1x64xi32, #tpu.memory_space<vmem>> -> memref<64xi32, #tpu.memory_space<vmem>>
        %dma_start3A_251 = arith.constant 0 : i32
        %dma_start3A_252 = arith.constant 0 : i32
        %dma_start3A_253 = tpu.memref_slice %arg2[%dma_start3A_251, %dma_start3A_252] : memref<10000x128xf32, #tpu.memory_space<hbm>> -> memref<10000x128xf32, #tpu.memory_space<hbm>>
        tpu.enqueue_indirect_dma source(%dma_start3A_253 : memref<10000x128xf32, #tpu.memory_space<hbm>>) target(%arg11 : memref<64x128xf32, #tpu.memory_space<vmem>>) offsets(%dma_start3A_250 : memref<64xi32, #tpu.memory_space<vmem>>) semaphore(%arg16 : memref<!tpu.dma_semaphore, #tpu.memory_space<semaphore_mem>>)
      } else {
      }
      %add3A_178 = arith.constant 0 : i32
      %add3A_179 = arith.addi %mul3A_171, %add3A_178 : i32
      %dma_wait3A = arith.constant 0 : i32
      %dma_wait3A_180 = tpu.memref_slice %arg6[%add3A_179, %dma_wait3A] : memref<32x64xi32, #tpu.memory_space<vmem>> -> memref<1x64xi32, #tpu.memory_space<vmem>>
      %dma_wait3A_181 = tpu.memref_squeeze %dma_wait3A_180 : memref<1x64xi32, #tpu.memory_space<vmem>> -> memref<64xi32, #tpu.memory_space<vmem>>
      %dma_wait3A_182 = arith.constant 0 : i32
      %dma_wait3A_183 = arith.constant 0 : i32
      %dma_wait3A_184 = tpu.memref_slice %arg2[%dma_wait3A_182, %dma_wait3A_183] : memref<10000x128xf32, #tpu.memory_space<hbm>> -> memref<10000x128xf32, #tpu.memory_space<hbm>>
      tpu.wait_indirect_dma semaphore(%arg13 : memref<!tpu.dma_semaphore, #tpu.memory_space<semaphore_mem>>) src(%dma_wait3A_184 : memref<10000x128xf32, #tpu.memory_space<hbm>>) dst(%arg8 : memref<64x128xf32, #tpu.memory_space<vmem>>)
      %add3A_185 = arith.constant 0 : i32
      %add3A_186 = arith.addi %mul3A_171, %add3A_185 : i32
      "tpu.region"() ({
        %run_scoped3A = tpu.sem_alloc : memref<!tpu.dma_semaphore, #tpu.memory_space<semaphore_mem>>
        %dma_start3A_244 = arith.constant 0 : i32
        %dma_start3A_245 = tpu.memref_slice %arg7[%add3A_186, %dma_start3A_244] : memref<32x64xi32, #tpu.memory_space<vmem>> -> memref<1x64xi32, #tpu.memory_space<vmem>>
        %dma_start3A_246 = tpu.memref_squeeze %dma_start3A_245 : memref<1x64xi32, #tpu.memory_space<vmem>> -> memref<64xi32, #tpu.memory_space<vmem>>
        %dma_start3A_247 = arith.constant 0 : i32
        %dma_start3A_248 = arith.constant 0 : i32
        %dma_start3A_249 = tpu.memref_slice %arg12[%dma_start3A_247, %dma_start3A_248] : memref<10240x128xf32, #tpu.memory_space<vmem_shared>> -> memref<10240x128xf32, #tpu.memory_space<vmem_shared>>
        tpu.enqueue_indirect_dma source(%arg8 : memref<64x128xf32, #tpu.memory_space<vmem>>) target(%dma_start3A_249 : memref<10240x128xf32, #tpu.memory_space<vmem_shared>>) offsets(%dma_start3A_246 : memref<64xi32, #tpu.memory_space<vmem>>) semaphore(%run_scoped3A : memref<!tpu.dma_semaphore, #tpu.memory_space<semaphore_mem>>) {add = true}
        %dma_wait3A_250 = arith.constant 0 : i32
        %dma_wait3A_251 = tpu.memref_slice %arg7[%add3A_186, %dma_wait3A_250] : memref<32x64xi32, #tpu.memory_space<vmem>> -> memref<1x64xi32, #tpu.memory_space<vmem>>
        %dma_wait3A_252 = tpu.memref_squeeze %dma_wait3A_251 : memref<1x64xi32, #tpu.memory_space<vmem>> -> memref<64xi32, #tpu.memory_space<vmem>>
        %dma_wait3A_253 = arith.constant 0 : i32
        %dma_wait3A_254 = arith.constant 0 : i32
        %dma_wait3A_255 = tpu.memref_slice %arg12[%dma_wait3A_253, %dma_wait3A_254] : memref<10240x128xf32, #tpu.memory_space<vmem_shared>> -> memref<10240x128xf32, #tpu.memory_space<vmem_shared>>
        tpu.wait_indirect_dma semaphore(%run_scoped3A : memref<!tpu.dma_semaphore, #tpu.memory_space<semaphore_mem>>) src(%arg8 : memref<64x128xf32, #tpu.memory_space<vmem>>) dst(%dma_wait3A_255 : memref<10240x128xf32, #tpu.memory_space<vmem_shared>>)
        tpu.yield
      }) : () -> ()
      %add3A_187 = arith.constant 1 : i32
      %add3A_188 = arith.addi %mul3A_171, %add3A_187 : i32
      %add3A_189 = arith.constant 3 : i32
      %add3A_190 = arith.addi %add3A_188, %add3A_189 : i32
      %lt3A_191 = arith.constant 32 : i32
      %lt3A_192 = arith.cmpi slt, %add3A_190, %lt3A_191 : i32
      %convert_element_type3A_193 = arith.extui %lt3A_192 : i1 to i32
      %cond3A_194 = arith.constant 0 : i32
      %cond3A_195 = arith.cmpi ne, %convert_element_type3A_193, %cond3A_194 : i32
      scf.if %cond3A_195 {
        %add3A_244 = arith.constant 1 : i32
        %add3A_245 = arith.addi %mul3A_171, %add3A_244 : i32
        %add3A_246 = arith.constant 3 : i32
        %add3A_247 = arith.addi %add3A_245, %add3A_246 : i32
        %dma_start3A_248 = arith.constant 0 : i32
        %dma_start3A_249 = tpu.memref_slice %arg6[%add3A_247, %dma_start3A_248] : memref<32x64xi32, #tpu.memory_space<vmem>> -> memref<1x64xi32, #tpu.memory_space<vmem>>
        %dma_start3A_250 = tpu.memref_squeeze %dma_start3A_249 : memref<1x64xi32, #tpu.memory_space<vmem>> -> memref<64xi32, #tpu.memory_space<vmem>>
        %dma_start3A_251 = arith.constant 0 : i32
        %dma_start3A_252 = arith.constant 0 : i32
        %dma_start3A_253 = tpu.memref_slice %arg2[%dma_start3A_251, %dma_start3A_252] : memref<10000x128xf32, #tpu.memory_space<hbm>> -> memref<10000x128xf32, #tpu.memory_space<hbm>>
        tpu.enqueue_indirect_dma source(%dma_start3A_253 : memref<10000x128xf32, #tpu.memory_space<hbm>>) target(%arg8 : memref<64x128xf32, #tpu.memory_space<vmem>>) offsets(%dma_start3A_250 : memref<64xi32, #tpu.memory_space<vmem>>) semaphore(%arg13 : memref<!tpu.dma_semaphore, #tpu.memory_space<semaphore_mem>>)
      } else {
      }
      %add3A_196 = arith.constant 1 : i32
      %add3A_197 = arith.addi %mul3A_171, %add3A_196 : i32
      %dma_wait3A_198 = arith.constant 0 : i32
      %dma_wait3A_199 = tpu.memref_slice %arg6[%add3A_197, %dma_wait3A_198] : memref<32x64xi32, #tpu.memory_space<vmem>> -> memref<1x64xi32, #tpu.memory_space<vmem>>
      %dma_wait3A_200 = tpu.memref_squeeze %dma_wait3A_199 : memref<1x64xi32, #tpu.memory_space<vmem>> -> memref<64xi32, #tpu.memory_space<vmem>>
      %dma_wait3A_201 = arith.constant 0 : i32
      %dma_wait3A_202 = arith.constant 0 : i32
      %dma_wait3A_203 = tpu.memref_slice %arg2[%dma_wait3A_201, %dma_wait3A_202] : memref<10000x128xf32, #tpu.memory_space<hbm>> -> memref<10000x128xf32, #tpu.memory_space<hbm>>
      tpu.wait_indirect_dma semaphore(%arg14 : memref<!tpu.dma_semaphore, #tpu.memory_space<semaphore_mem>>) src(%dma_wait3A_203 : memref<10000x128xf32, #tpu.memory_space<hbm>>) dst(%arg9 : memref<64x128xf32, #tpu.memory_space<vmem>>)
      %add3A_204 = arith.constant 1 : i32
      %add3A_205 = arith.addi %mul3A_171, %add3A_204 : i32
      "tpu.region"() ({
        %run_scoped3A = tpu.sem_alloc : memref<!tpu.dma_semaphore, #tpu.memory_space<semaphore_mem>>
        %dma_start3A_244 = arith.constant 0 : i32
        %dma_start3A_245 = tpu.memref_slice %arg7[%add3A_205, %dma_start3A_244] : memref<32x64xi32, #tpu.memory_space<vmem>> -> memref<1x64xi32, #tpu.memory_space<vmem>>
        %dma_start3A_246 = tpu.memref_squeeze %dma_start3A_245 : memref<1x64xi32, #tpu.memory_space<vmem>> -> memref<64xi32, #tpu.memory_space<vmem>>
        %dma_start3A_247 = arith.constant 0 : i32
        %dma_start3A_248 = arith.constant 0 : i32
        %dma_start3A_249 = tpu.memref_slice %arg12[%dma_start3A_247, %dma_start3A_248] : memref<10240x128xf32, #tpu.memory_space<vmem_shared>> -> memref<10240x128xf32, #tpu.memory_space<vmem_shared>>
        tpu.enqueue_indirect_dma source(%arg9 : memref<64x128xf32, #tpu.memory_space<vmem>>) target(%dma_start3A_249 : memref<10240x128xf32, #tpu.memory_space<vmem_shared>>) offsets(%dma_start3A_246 : memref<64xi32, #tpu.memory_space<vmem>>) semaphore(%run_scoped3A : memref<!tpu.dma_semaphore, #tpu.memory_space<semaphore_mem>>) {add = true}
        %dma_wait3A_250 = arith.constant 0 : i32
        %dma_wait3A_251 = tpu.memref_slice %arg7[%add3A_205, %dma_wait3A_250] : memref<32x64xi32, #tpu.memory_space<vmem>> -> memref<1x64xi32, #tpu.memory_space<vmem>>
        %dma_wait3A_252 = tpu.memref_squeeze %dma_wait3A_251 : memref<1x64xi32, #tpu.memory_space<vmem>> -> memref<64xi32, #tpu.memory_space<vmem>>
        %dma_wait3A_253 = arith.constant 0 : i32
        %dma_wait3A_254 = arith.constant 0 : i32
        %dma_wait3A_255 = tpu.memref_slice %arg12[%dma_wait3A_253, %dma_wait3A_254] : memref<10240x128xf32, #tpu.memory_space<vmem_shared>> -> memref<10240x128xf32, #tpu.memory_space<vmem_shared>>
        tpu.wait_indirect_dma semaphore(%run_scoped3A : memref<!tpu.dma_semaphore, #tpu.memory_space<semaphore_mem>>) src(%arg9 : memref<64x128xf32, #tpu.memory_space<vmem>>) dst(%dma_wait3A_255 : memref<10240x128xf32, #tpu.memory_space<vmem_shared>>)
        tpu.yield
      }) : () -> ()
      %add3A_206 = arith.constant 2 : i32
      %add3A_207 = arith.addi %mul3A_171, %add3A_206 : i32
      %add3A_208 = arith.constant 3 : i32
      %add3A_209 = arith.addi %add3A_207, %add3A_208 : i32
      %lt3A_210 = arith.constant 32 : i32
      %lt3A_211 = arith.cmpi slt, %add3A_209, %lt3A_210 : i32
      %convert_element_type3A_212 = arith.extui %lt3A_211 : i1 to i32
      %cond3A_213 = arith.constant 0 : i32
      %cond3A_214 = arith.cmpi ne, %convert_element_type3A_212, %cond3A_213 : i32
      scf.if %cond3A_214 {
        %add3A_244 = arith.constant 2 : i32
        %add3A_245 = arith.addi %mul3A_171, %add3A_244 : i32
        %add3A_246 = arith.constant 3 : i32
        %add3A_247 = arith.addi %add3A_245, %add3A_246 : i32
        %dma_start3A_248 = arith.constant 0 : i32
        %dma_start3A_249 = tpu.memref_slice %arg6[%add3A_247, %dma_start3A_248] : memref<32x64xi32, #tpu.memory_space<vmem>> -> memref<1x64xi32, #tpu.memory_space<vmem>>
        %dma_start3A_250 = tpu.memref_squeeze %dma_start3A_249 : memref<1x64xi32, #tpu.memory_space<vmem>> -> memref<64xi32, #tpu.memory_space<vmem>>
        %dma_start3A_251 = arith.constant 0 : i32
        %dma_start3A_252 = arith.constant 0 : i32
        %dma_start3A_253 = tpu.memref_slice %arg2[%dma_start3A_251, %dma_start3A_252] : memref<10000x128xf32, #tpu.memory_space<hbm>> -> memref<10000x128xf32, #tpu.memory_space<hbm>>
        tpu.enqueue_indirect_dma source(%dma_start3A_253 : memref<10000x128xf32, #tpu.memory_space<hbm>>) target(%arg9 : memref<64x128xf32, #tpu.memory_space<vmem>>) offsets(%dma_start3A_250 : memref<64xi32, #tpu.memory_space<vmem>>) semaphore(%arg14 : memref<!tpu.dma_semaphore, #tpu.memory_space<semaphore_mem>>)
      } else {
      }
      %add3A_215 = arith.constant 2 : i32
      %add3A_216 = arith.addi %mul3A_171, %add3A_215 : i32
      %dma_wait3A_217 = arith.constant 0 : i32
      %dma_wait3A_218 = tpu.memref_slice %arg6[%add3A_216, %dma_wait3A_217] : memref<32x64xi32, #tpu.memory_space<vmem>> -> memref<1x64xi32, #tpu.memory_space<vmem>>
      %dma_wait3A_219 = tpu.memref_squeeze %dma_wait3A_218 : memref<1x64xi32, #tpu.memory_space<vmem>> -> memref<64xi32, #tpu.memory_space<vmem>>
      %dma_wait3A_220 = arith.constant 0 : i32
      %dma_wait3A_221 = arith.constant 0 : i32
      %dma_wait3A_222 = tpu.memref_slice %arg2[%dma_wait3A_220, %dma_wait3A_221] : memref<10000x128xf32, #tpu.memory_space<hbm>> -> memref<10000x128xf32, #tpu.memory_space<hbm>>
      tpu.wait_indirect_dma semaphore(%arg15 : memref<!tpu.dma_semaphore, #tpu.memory_space<semaphore_mem>>) src(%dma_wait3A_222 : memref<10000x128xf32, #tpu.memory_space<hbm>>) dst(%arg10 : memref<64x128xf32, #tpu.memory_space<vmem>>)
      %add3A_223 = arith.constant 2 : i32
      %add3A_224 = arith.addi %mul3A_171, %add3A_223 : i32
      "tpu.region"() ({
        %run_scoped3A = tpu.sem_alloc : memref<!tpu.dma_semaphore, #tpu.memory_space<semaphore_mem>>
        %dma_start3A_244 = arith.constant 0 : i32
        %dma_start3A_245 = tpu.memref_slice %arg7[%add3A_224, %dma_start3A_244] : memref<32x64xi32, #tpu.memory_space<vmem>> -> memref<1x64xi32, #tpu.memory_space<vmem>>
        %dma_start3A_246 = tpu.memref_squeeze %dma_start3A_245 : memref<1x64xi32, #tpu.memory_space<vmem>> -> memref<64xi32, #tpu.memory_space<vmem>>
        %dma_start3A_247 = arith.constant 0 : i32
        %dma_start3A_248 = arith.constant 0 : i32
        %dma_start3A_249 = tpu.memref_slice %arg12[%dma_start3A_247, %dma_start3A_248] : memref<10240x128xf32, #tpu.memory_space<vmem_shared>> -> memref<10240x128xf32, #tpu.memory_space<vmem_shared>>
        tpu.enqueue_indirect_dma source(%arg10 : memref<64x128xf32, #tpu.memory_space<vmem>>) target(%dma_start3A_249 : memref<10240x128xf32, #tpu.memory_space<vmem_shared>>) offsets(%dma_start3A_246 : memref<64xi32, #tpu.memory_space<vmem>>) semaphore(%run_scoped3A : memref<!tpu.dma_semaphore, #tpu.memory_space<semaphore_mem>>) {add = true}
        %dma_wait3A_250 = arith.constant 0 : i32
        %dma_wait3A_251 = tpu.memref_slice %arg7[%add3A_224, %dma_wait3A_250] : memref<32x64xi32, #tpu.memory_space<vmem>> -> memref<1x64xi32, #tpu.memory_space<vmem>>
        %dma_wait3A_252 = tpu.memref_squeeze %dma_wait3A_251 : memref<1x64xi32, #tpu.memory_space<vmem>> -> memref<64xi32, #tpu.memory_space<vmem>>
        %dma_wait3A_253 = arith.constant 0 : i32
        %dma_wait3A_254 = arith.constant 0 : i32
        %dma_wait3A_255 = tpu.memref_slice %arg12[%dma_wait3A_253, %dma_wait3A_254] : memref<10240x128xf32, #tpu.memory_space<vmem_shared>> -> memref<10240x128xf32, #tpu.memory_space<vmem_shared>>
        tpu.wait_indirect_dma semaphore(%run_scoped3A : memref<!tpu.dma_semaphore, #tpu.memory_space<semaphore_mem>>) src(%arg10 : memref<64x128xf32, #tpu.memory_space<vmem>>) dst(%dma_wait3A_255 : memref<10240x128xf32, #tpu.memory_space<vmem_shared>>)
        tpu.yield
      }) : () -> ()
      %add3A_225 = arith.constant 3 : i32
      %add3A_226 = arith.addi %mul3A_171, %add3A_225 : i32
      %add3A_227 = arith.constant 3 : i32
      %add3A_228 = arith.addi %add3A_226, %add3A_227 : i32
      %lt3A_229 = arith.constant 32 : i32
      %lt3A_230 = arith.cmpi slt, %add3A_228, %lt3A_229 : i32
      %convert_element_type3A_231 = arith.extui %lt3A_230 : i1 to i32
      %cond3A_232 = arith.constant 0 : i32
      %cond3A_233 = arith.cmpi ne, %convert_element_type3A_231, %cond3A_232 : i32
      scf.if %cond3A_233 {
        %add3A_244 = arith.constant 3 : i32
        %add3A_245 = arith.addi %mul3A_171, %add3A_244 : i32
        %add3A_246 = arith.constant 3 : i32
        %add3A_247 = arith.addi %add3A_245, %add3A_246 : i32
        %dma_start3A_248 = arith.constant 0 : i32
        %dma_start3A_249 = tpu.memref_slice %arg6[%add3A_247, %dma_start3A_248] : memref<32x64xi32, #tpu.memory_space<vmem>> -> memref<1x64xi32, #tpu.memory_space<vmem>>
        %dma_start3A_250 = tpu.memref_squeeze %dma_start3A_249 : memref<1x64xi32, #tpu.memory_space<vmem>> -> memref<64xi32, #tpu.memory_space<vmem>>
        %dma_start3A_251 = arith.constant 0 : i32
        %dma_start3A_252 = arith.constant 0 : i32
        %dma_start3A_253 = tpu.memref_slice %arg2[%dma_start3A_251, %dma_start3A_252] : memref<10000x128xf32, #tpu.memory_space<hbm>> -> memref<10000x128xf32, #tpu.memory_space<hbm>>
        tpu.enqueue_indirect_dma source(%dma_start3A_253 : memref<10000x128xf32, #tpu.memory_space<hbm>>) target(%arg10 : memref<64x128xf32, #tpu.memory_space<vmem>>) offsets(%dma_start3A_250 : memref<64xi32, #tpu.memory_space<vmem>>) semaphore(%arg15 : memref<!tpu.dma_semaphore, #tpu.memory_space<semaphore_mem>>)
      } else {
      }
      %add3A_234 = arith.constant 3 : i32
      %add3A_235 = arith.addi %mul3A_171, %add3A_234 : i32
      %dma_wait3A_236 = arith.constant 0 : i32
      %dma_wait3A_237 = tpu.memref_slice %arg6[%add3A_235, %dma_wait3A_236] : memref<32x64xi32, #tpu.memory_space<vmem>> -> memref<1x64xi32, #tpu.memory_space<vmem>>
      %dma_wait3A_238 = tpu.memref_squeeze %dma_wait3A_237 : memref<1x64xi32, #tpu.memory_space<vmem>> -> memref<64xi32, #tpu.memory_space<vmem>>
      %dma_wait3A_239 = arith.constant 0 : i32
      %dma_wait3A_240 = arith.constant 0 : i32
      %dma_wait3A_241 = tpu.memref_slice %arg2[%dma_wait3A_239, %dma_wait3A_240] : memref<10000x128xf32, #tpu.memory_space<hbm>> -> memref<10000x128xf32, #tpu.memory_space<hbm>>
      tpu.wait_indirect_dma semaphore(%arg16 : memref<!tpu.dma_semaphore, #tpu.memory_space<semaphore_mem>>) src(%dma_wait3A_241 : memref<10000x128xf32, #tpu.memory_space<hbm>>) dst(%arg11 : memref<64x128xf32, #tpu.memory_space<vmem>>)
      %add3A_242 = arith.constant 3 : i32
      %add3A_243 = arith.addi %mul3A_171, %add3A_242 : i32
      "tpu.region"() ({
        %run_scoped3A = tpu.sem_alloc : memref<!tpu.dma_semaphore, #tpu.memory_space<semaphore_mem>>
        %dma_start3A_244 = arith.constant 0 : i32
        %dma_start3A_245 = tpu.memref_slice %arg7[%add3A_243, %dma_start3A_244] : memref<32x64xi32, #tpu.memory_space<vmem>> -> memref<1x64xi32, #tpu.memory_space<vmem>>
        %dma_start3A_246 = tpu.memref_squeeze %dma_start3A_245 : memref<1x64xi32, #tpu.memory_space<vmem>> -> memref<64xi32, #tpu.memory_space<vmem>>
        %dma_start3A_247 = arith.constant 0 : i32
        %dma_start3A_248 = arith.constant 0 : i32
        %dma_start3A_249 = tpu.memref_slice %arg12[%dma_start3A_247, %dma_start3A_248] : memref<10240x128xf32, #tpu.memory_space<vmem_shared>> -> memref<10240x128xf32, #tpu.memory_space<vmem_shared>>
        tpu.enqueue_indirect_dma source(%arg11 : memref<64x128xf32, #tpu.memory_space<vmem>>) target(%dma_start3A_249 : memref<10240x128xf32, #tpu.memory_space<vmem_shared>>) offsets(%dma_start3A_246 : memref<64xi32, #tpu.memory_space<vmem>>) semaphore(%run_scoped3A : memref<!tpu.dma_semaphore, #tpu.memory_space<semaphore_mem>>) {add = true}
        %dma_wait3A_250 = arith.constant 0 : i32
        %dma_wait3A_251 = tpu.memref_slice %arg7[%add3A_243, %dma_wait3A_250] : memref<32x64xi32, #tpu.memory_space<vmem>> -> memref<1x64xi32, #tpu.memory_space<vmem>>
        %dma_wait3A_252 = tpu.memref_squeeze %dma_wait3A_251 : memref<1x64xi32, #tpu.memory_space<vmem>> -> memref<64xi32, #tpu.memory_space<vmem>>
        %dma_wait3A_253 = arith.constant 0 : i32
        %dma_wait3A_254 = arith.constant 0 : i32
        %dma_wait3A_255 = tpu.memref_slice %arg12[%dma_wait3A_253, %dma_wait3A_254] : memref<10240x128xf32, #tpu.memory_space<vmem_shared>> -> memref<10240x128xf32, #tpu.memory_space<vmem_shared>>
        tpu.wait_indirect_dma semaphore(%run_scoped3A : memref<!tpu.dma_semaphore, #tpu.memory_space<semaphore_mem>>) src(%arg11 : memref<64x128xf32, #tpu.memory_space<vmem>>) dst(%dma_wait3A_255 : memref<10240x128xf32, #tpu.memory_space<vmem_shared>>)
        tpu.yield
      }) : () -> ()
    }
    %scan3A_43 = arith.constant 8 : i32
    %mul3A_44 = arith.constant 160 : i32
    %mul3A_45 = arith.muli %add3A, %mul3A_44 : i32
    %add3A_46 = arith.constant 32 : i32
    %add3A_47 = arith.addi %mul3A_45, %add3A_46 : i32
    "tpu.region"() ({
      %run_scoped3A = tpu.sem_alloc : memref<!tpu.dma_semaphore, #tpu.memory_space<semaphore_mem>>
      %dma_start3A_169 = arith.constant 0 : i32
      %dma_start3A_170 = tpu.memref_slice %arg3[%add3A_47, %dma_start3A_169] : memref<5152x64xi32, #tpu.memory_space<hbm>> -> memref<32x64xi32, #tpu.memory_space<hbm>>
      %dma_start3A_171 = arith.constant 0 : i32
      %dma_start3A_172 = tpu.memref_slice %arg3[%add3A_47, %dma_start3A_171] : memref<5152x64xi32, #tpu.memory_space<hbm>> -> memref<32x64xi32, #tpu.memory_space<hbm>>
      tpu.enqueue_dma source(%dma_start3A_172 : memref<32x64xi32, #tpu.memory_space<hbm>>) target(%arg6 : memref<32x64xi32, #tpu.memory_space<vmem>>) target_semaphore(%run_scoped3A : memref<!tpu.dma_semaphore, #tpu.memory_space<semaphore_mem>>)
      %dma_wait3A = arith.constant 0 : i32
      %dma_wait3A_173 = tpu.memref_slice %arg3[%add3A_47, %dma_wait3A] : memref<5152x64xi32, #tpu.memory_space<hbm>> -> memref<32x64xi32, #tpu.memory_space<hbm>>
      %dma_wait3A_174 = arith.constant 0 : i32
      %dma_wait3A_175 = tpu.memref_slice %arg3[%add3A_47, %dma_wait3A_174] : memref<5152x64xi32, #tpu.memory_space<hbm>> -> memref<32x64xi32, #tpu.memory_space<hbm>>
      tpu.wait_dma2 semaphore(%run_scoped3A : memref<!tpu.dma_semaphore, #tpu.memory_space<semaphore_mem>>) src(%dma_wait3A_175 : memref<32x64xi32, #tpu.memory_space<hbm>>) dst(%arg6 : memref<32x64xi32, #tpu.memory_space<vmem>>)
      tpu.yield
    }) : () -> ()
    "tpu.region"() ({
      %run_scoped3A = tpu.sem_alloc : memref<!tpu.dma_semaphore, #tpu.memory_space<semaphore_mem>>
      %dma_start3A_169 = arith.constant 0 : i32
      %dma_start3A_170 = tpu.memref_slice %arg4[%add3A_47, %dma_start3A_169] : memref<5152x64xi32, #tpu.memory_space<hbm>> -> memref<32x64xi32, #tpu.memory_space<hbm>>
      %dma_start3A_171 = arith.constant 0 : i32
      %dma_start3A_172 = tpu.memref_slice %arg4[%add3A_47, %dma_start3A_171] : memref<5152x64xi32, #tpu.memory_space<hbm>> -> memref<32x64xi32, #tpu.memory_space<hbm>>
      tpu.enqueue_dma source(%dma_start3A_172 : memref<32x64xi32, #tpu.memory_space<hbm>>) target(%arg7 : memref<32x64xi32, #tpu.memory_space<vmem>>) target_semaphore(%run_scoped3A : memref<!tpu.dma_semaphore, #tpu.memory_space<semaphore_mem>>)
      %dma_wait3A = arith.constant 0 : i32
      %dma_wait3A_173 = tpu.memref_slice %arg4[%add3A_47, %dma_wait3A] : memref<5152x64xi32, #tpu.memory_space<hbm>> -> memref<32x64xi32, #tpu.memory_space<hbm>>
      %dma_wait3A_174 = arith.constant 0 : i32
      %dma_wait3A_175 = tpu.memref_slice %arg4[%add3A_47, %dma_wait3A_174] : memref<5152x64xi32, #tpu.memory_space<hbm>> -> memref<32x64xi32, #tpu.memory_space<hbm>>
      tpu.wait_dma2 semaphore(%run_scoped3A : memref<!tpu.dma_semaphore, #tpu.memory_space<semaphore_mem>>) src(%dma_wait3A_175 : memref<32x64xi32, #tpu.memory_space<hbm>>) dst(%arg7 : memref<32x64xi32, #tpu.memory_space<vmem>>)
      tpu.yield
    }) : () -> ()
    %dma_start3A_48 = arith.constant 0 : i32
    %dma_start3A_49 = arith.constant 0 : i32
    %dma_start3A_50 = tpu.memref_slice %arg6[%dma_start3A_48, %dma_start3A_49] : memref<32x64xi32, #tpu.memory_space<vmem>> -> memref<1x64xi32, #tpu.memory_space<vmem>>
    %dma_start3A_51 = tpu.memref_squeeze %dma_start3A_50 : memref<1x64xi32, #tpu.memory_space<vmem>> -> memref<64xi32, #tpu.memory_space<vmem>>
    %dma_start3A_52 = arith.constant 0 : i32
    %dma_start3A_53 = arith.constant 0 : i32
    %dma_start3A_54 = tpu.memref_slice %arg2[%dma_start3A_52, %dma_start3A_53] : memref<10000x128xf32, #tpu.memory_space<hbm>> -> memref<10000x128xf32, #tpu.memory_space<hbm>>
    tpu.enqueue_indirect_dma source(%dma_start3A_54 : memref<10000x128xf32, #tpu.memory_space<hbm>>) target(%arg8 : memref<64x128xf32, #tpu.memory_space<vmem>>) offsets(%dma_start3A_51 : memref<64xi32, #tpu.memory_space<vmem>>) semaphore(%arg13 : memref<!tpu.dma_semaphore, #tpu.memory_space<semaphore_mem>>)
    %dma_start3A_55 = arith.constant 1 : i32
    %dma_start3A_56 = arith.constant 0 : i32
    %dma_start3A_57 = tpu.memref_slice %arg6[%dma_start3A_55, %dma_start3A_56] : memref<32x64xi32, #tpu.memory_space<vmem>> -> memref<1x64xi32, #tpu.memory_space<vmem>>
    %dma_start3A_58 = tpu.memref_squeeze %dma_start3A_57 : memref<1x64xi32, #tpu.memory_space<vmem>> -> memref<64xi32, #tpu.memory_space<vmem>>
    %dma_start3A_59 = arith.constant 0 : i32
    %dma_start3A_60 = arith.constant 0 : i32
    %dma_start3A_61 = tpu.memref_slice %arg2[%dma_start3A_59, %dma_start3A_60] : memref<10000x128xf32, #tpu.memory_space<hbm>> -> memref<10000x128xf32, #tpu.memory_space<hbm>>
    tpu.enqueue_indirect_dma source(%dma_start3A_61 : memref<10000x128xf32, #tpu.memory_space<hbm>>) target(%arg9 : memref<64x128xf32, #tpu.memory_space<vmem>>) offsets(%dma_start3A_58 : memref<64xi32, #tpu.memory_space<vmem>>) semaphore(%arg14 : memref<!tpu.dma_semaphore, #tpu.memory_space<semaphore_mem>>)
    %dma_start3A_62 = arith.constant 2 : i32
    %dma_start3A_63 = arith.constant 0 : i32
    %dma_start3A_64 = tpu.memref_slice %arg6[%dma_start3A_62, %dma_start3A_63] : memref<32x64xi32, #tpu.memory_space<vmem>> -> memref<1x64xi32, #tpu.memory_space<vmem>>
    %dma_start3A_65 = tpu.memref_squeeze %dma_start3A_64 : memref<1x64xi32, #tpu.memory_space<vmem>> -> memref<64xi32, #tpu.memory_space<vmem>>
    %dma_start3A_66 = arith.constant 0 : i32
    %dma_start3A_67 = arith.constant 0 : i32
    %dma_start3A_68 = tpu.memref_slice %arg2[%dma_start3A_66, %dma_start3A_67] : memref<10000x128xf32, #tpu.memory_space<hbm>> -> memref<10000x128xf32, #tpu.memory_space<hbm>>
    tpu.enqueue_indirect_dma source(%dma_start3A_68 : memref<10000x128xf32, #tpu.memory_space<hbm>>) target(%arg10 : memref<64x128xf32, #tpu.memory_space<vmem>>) offsets(%dma_start3A_65 : memref<64xi32, #tpu.memory_space<vmem>>) semaphore(%arg15 : memref<!tpu.dma_semaphore, #tpu.memory_space<semaphore_mem>>)
    %scan3A_69 = arith.constant 0 : i32
    %scan3A_70 = arith.constant 0 : i32
    %scan3A_71 = arith.constant 8 : i32
    %scan3A_72 = arith.addi %scan3A_70, %scan3A_71 : i32
    %scan3A_73 = arith.constant 1 : i32
    scf.for %scan3A_169 = %scan3A_70 to %scan3A_72 step %scan3A_73  : i32 {
      %mul3A_170 = arith.constant 4 : i32
      %mul3A_171 = arith.muli %scan3A_169, %mul3A_170 : i32
      %add3A_172 = arith.constant 0 : i32
      %add3A_173 = arith.addi %mul3A_171, %add3A_172 : i32
      %add3A_174 = arith.constant 3 : i32
      %add3A_175 = arith.addi %add3A_173, %add3A_174 : i32
      %lt3A = arith.constant 32 : i32
      %lt3A_176 = arith.cmpi slt, %add3A_175, %lt3A : i32
      %convert_element_type3A = arith.extui %lt3A_176 : i1 to i32
      %cond3A = arith.constant 0 : i32
      %cond3A_177 = arith.cmpi ne, %convert_element_type3A, %cond3A : i32
      scf.if %cond3A_177 {
        %add3A_244 = arith.constant 0 : i32
        %add3A_245 = arith.addi %mul3A_171, %add3A_244 : i32
        %add3A_246 = arith.constant 3 : i32
        %add3A_247 = arith.addi %add3A_245, %add3A_246 : i32
        %dma_start3A_248 = arith.constant 0 : i32
        %dma_start3A_249 = tpu.memref_slice %arg6[%add3A_247, %dma_start3A_248] : memref<32x64xi32, #tpu.memory_space<vmem>> -> memref<1x64xi32, #tpu.memory_space<vmem>>
        %dma_start3A_250 = tpu.memref_squeeze %dma_start3A_249 : memref<1x64xi32, #tpu.memory_space<vmem>> -> memref<64xi32, #tpu.memory_space<vmem>>
        %dma_start3A_251 = arith.constant 0 : i32
        %dma_start3A_252 = arith.constant 0 : i32
        %dma_start3A_253 = tpu.memref_slice %arg2[%dma_start3A_251, %dma_start3A_252] : memref<10000x128xf32, #tpu.memory_space<hbm>> -> memref<10000x128xf32, #tpu.memory_space<hbm>>
        tpu.enqueue_indirect_dma source(%dma_start3A_253 : memref<10000x128xf32, #tpu.memory_space<hbm>>) target(%arg11 : memref<64x128xf32, #tpu.memory_space<vmem>>) offsets(%dma_start3A_250 : memref<64xi32, #tpu.memory_space<vmem>>) semaphore(%arg16 : memref<!tpu.dma_semaphore, #tpu.memory_space<semaphore_mem>>)
      } else {
      }
      %add3A_178 = arith.constant 0 : i32
      %add3A_179 = arith.addi %mul3A_171, %add3A_178 : i32
      %dma_wait3A = arith.constant 0 : i32
      %dma_wait3A_180 = tpu.memref_slice %arg6[%add3A_179, %dma_wait3A] : memref<32x64xi32, #tpu.memory_space<vmem>> -> memref<1x64xi32, #tpu.memory_space<vmem>>
      %dma_wait3A_181 = tpu.memref_squeeze %dma_wait3A_180 : memref<1x64xi32, #tpu.memory_space<vmem>> -> memref<64xi32, #tpu.memory_space<vmem>>
      %dma_wait3A_182 = arith.constant 0 : i32
      %dma_wait3A_183 = arith.constant 0 : i32
      %dma_wait3A_184 = tpu.memref_slice %arg2[%dma_wait3A_182, %dma_wait3A_183] : memref<10000x128xf32, #tpu.memory_space<hbm>> -> memref<10000x128xf32, #tpu.memory_space<hbm>>
      tpu.wait_indirect_dma semaphore(%arg13 : memref<!tpu.dma_semaphore, #tpu.memory_space<semaphore_mem>>) src(%dma_wait3A_184 : memref<10000x128xf32, #tpu.memory_space<hbm>>) dst(%arg8 : memref<64x128xf32, #tpu.memory_space<vmem>>)
      %add3A_185 = arith.constant 0 : i32
      %add3A_186 = arith.addi %mul3A_171, %add3A_185 : i32
      "tpu.region"() ({
        %run_scoped3A = tpu.sem_alloc : memref<!tpu.dma_semaphore, #tpu.memory_space<semaphore_mem>>
        %dma_start3A_244 = arith.constant 0 : i32
        %dma_start3A_245 = tpu.memref_slice %arg7[%add3A_186, %dma_start3A_244] : memref<32x64xi32, #tpu.memory_space<vmem>> -> memref<1x64xi32, #tpu.memory_space<vmem>>
        %dma_start3A_246 = tpu.memref_squeeze %dma_start3A_245 : memref<1x64xi32, #tpu.memory_space<vmem>> -> memref<64xi32, #tpu.memory_space<vmem>>
        %dma_start3A_247 = arith.constant 0 : i32
        %dma_start3A_248 = arith.constant 0 : i32
        %dma_start3A_249 = tpu.memref_slice %arg12[%dma_start3A_247, %dma_start3A_248] : memref<10240x128xf32, #tpu.memory_space<vmem_shared>> -> memref<10240x128xf32, #tpu.memory_space<vmem_shared>>
        tpu.enqueue_indirect_dma source(%arg8 : memref<64x128xf32, #tpu.memory_space<vmem>>) target(%dma_start3A_249 : memref<10240x128xf32, #tpu.memory_space<vmem_shared>>) offsets(%dma_start3A_246 : memref<64xi32, #tpu.memory_space<vmem>>) semaphore(%run_scoped3A : memref<!tpu.dma_semaphore, #tpu.memory_space<semaphore_mem>>) {add = true}
        %dma_wait3A_250 = arith.constant 0 : i32
        %dma_wait3A_251 = tpu.memref_slice %arg7[%add3A_186, %dma_wait3A_250] : memref<32x64xi32, #tpu.memory_space<vmem>> -> memref<1x64xi32, #tpu.memory_space<vmem>>
        %dma_wait3A_252 = tpu.memref_squeeze %dma_wait3A_251 : memref<1x64xi32, #tpu.memory_space<vmem>> -> memref<64xi32, #tpu.memory_space<vmem>>
        %dma_wait3A_253 = arith.constant 0 : i32
        %dma_wait3A_254 = arith.constant 0 : i32
        %dma_wait3A_255 = tpu.memref_slice %arg12[%dma_wait3A_253, %dma_wait3A_254] : memref<10240x128xf32, #tpu.memory_space<vmem_shared>> -> memref<10240x128xf32, #tpu.memory_space<vmem_shared>>
        tpu.wait_indirect_dma semaphore(%run_scoped3A : memref<!tpu.dma_semaphore, #tpu.memory_space<semaphore_mem>>) src(%arg8 : memref<64x128xf32, #tpu.memory_space<vmem>>) dst(%dma_wait3A_255 : memref<10240x128xf32, #tpu.memory_space<vmem_shared>>)
        tpu.yield
      }) : () -> ()
      %add3A_187 = arith.constant 1 : i32
      %add3A_188 = arith.addi %mul3A_171, %add3A_187 : i32
      %add3A_189 = arith.constant 3 : i32
      %add3A_190 = arith.addi %add3A_188, %add3A_189 : i32
      %lt3A_191 = arith.constant 32 : i32
      %lt3A_192 = arith.cmpi slt, %add3A_190, %lt3A_191 : i32
      %convert_element_type3A_193 = arith.extui %lt3A_192 : i1 to i32
      %cond3A_194 = arith.constant 0 : i32
      %cond3A_195 = arith.cmpi ne, %convert_element_type3A_193, %cond3A_194 : i32
      scf.if %cond3A_195 {
        %add3A_244 = arith.constant 1 : i32
        %add3A_245 = arith.addi %mul3A_171, %add3A_244 : i32
        %add3A_246 = arith.constant 3 : i32
        %add3A_247 = arith.addi %add3A_245, %add3A_246 : i32
        %dma_start3A_248 = arith.constant 0 : i32
        %dma_start3A_249 = tpu.memref_slice %arg6[%add3A_247, %dma_start3A_248] : memref<32x64xi32, #tpu.memory_space<vmem>> -> memref<1x64xi32, #tpu.memory_space<vmem>>
        %dma_start3A_250 = tpu.memref_squeeze %dma_start3A_249 : memref<1x64xi32, #tpu.memory_space<vmem>> -> memref<64xi32, #tpu.memory_space<vmem>>
        %dma_start3A_251 = arith.constant 0 : i32
        %dma_start3A_252 = arith.constant 0 : i32
        %dma_start3A_253 = tpu.memref_slice %arg2[%dma_start3A_251, %dma_start3A_252] : memref<10000x128xf32, #tpu.memory_space<hbm>> -> memref<10000x128xf32, #tpu.memory_space<hbm>>
        tpu.enqueue_indirect_dma source(%dma_start3A_253 : memref<10000x128xf32, #tpu.memory_space<hbm>>) target(%arg8 : memref<64x128xf32, #tpu.memory_space<vmem>>) offsets(%dma_start3A_250 : memref<64xi32, #tpu.memory_space<vmem>>) semaphore(%arg13 : memref<!tpu.dma_semaphore, #tpu.memory_space<semaphore_mem>>)
      } else {
      }
      %add3A_196 = arith.constant 1 : i32
      %add3A_197 = arith.addi %mul3A_171, %add3A_196 : i32
      %dma_wait3A_198 = arith.constant 0 : i32
      %dma_wait3A_199 = tpu.memref_slice %arg6[%add3A_197, %dma_wait3A_198] : memref<32x64xi32, #tpu.memory_space<vmem>> -> memref<1x64xi32, #tpu.memory_space<vmem>>
      %dma_wait3A_200 = tpu.memref_squeeze %dma_wait3A_199 : memref<1x64xi32, #tpu.memory_space<vmem>> -> memref<64xi32, #tpu.memory_space<vmem>>
      %dma_wait3A_201 = arith.constant 0 : i32
      %dma_wait3A_202 = arith.constant 0 : i32
      %dma_wait3A_203 = tpu.memref_slice %arg2[%dma_wait3A_201, %dma_wait3A_202] : memref<10000x128xf32, #tpu.memory_space<hbm>> -> memref<10000x128xf32, #tpu.memory_space<hbm>>
      tpu.wait_indirect_dma semaphore(%arg14 : memref<!tpu.dma_semaphore, #tpu.memory_space<semaphore_mem>>) src(%dma_wait3A_203 : memref<10000x128xf32, #tpu.memory_space<hbm>>) dst(%arg9 : memref<64x128xf32, #tpu.memory_space<vmem>>)
      %add3A_204 = arith.constant 1 : i32
      %add3A_205 = arith.addi %mul3A_171, %add3A_204 : i32
      "tpu.region"() ({
        %run_scoped3A = tpu.sem_alloc : memref<!tpu.dma_semaphore, #tpu.memory_space<semaphore_mem>>
        %dma_start3A_244 = arith.constant 0 : i32
        %dma_start3A_245 = tpu.memref_slice %arg7[%add3A_205, %dma_start3A_244] : memref<32x64xi32, #tpu.memory_space<vmem>> -> memref<1x64xi32, #tpu.memory_space<vmem>>
        %dma_start3A_246 = tpu.memref_squeeze %dma_start3A_245 : memref<1x64xi32, #tpu.memory_space<vmem>> -> memref<64xi32, #tpu.memory_space<vmem>>
        %dma_start3A_247 = arith.constant 0 : i32
        %dma_start3A_248 = arith.constant 0 : i32
        %dma_start3A_249 = tpu.memref_slice %arg12[%dma_start3A_247, %dma_start3A_248] : memref<10240x128xf32, #tpu.memory_space<vmem_shared>> -> memref<10240x128xf32, #tpu.memory_space<vmem_shared>>
        tpu.enqueue_indirect_dma source(%arg9 : memref<64x128xf32, #tpu.memory_space<vmem>>) target(%dma_start3A_249 : memref<10240x128xf32, #tpu.memory_space<vmem_shared>>) offsets(%dma_start3A_246 : memref<64xi32, #tpu.memory_space<vmem>>) semaphore(%run_scoped3A : memref<!tpu.dma_semaphore, #tpu.memory_space<semaphore_mem>>) {add = true}
        %dma_wait3A_250 = arith.constant 0 : i32
        %dma_wait3A_251 = tpu.memref_slice %arg7[%add3A_205, %dma_wait3A_250] : memref<32x64xi32, #tpu.memory_space<vmem>> -> memref<1x64xi32, #tpu.memory_space<vmem>>
        %dma_wait3A_252 = tpu.memref_squeeze %dma_wait3A_251 : memref<1x64xi32, #tpu.memory_space<vmem>> -> memref<64xi32, #tpu.memory_space<vmem>>
        %dma_wait3A_253 = arith.constant 0 : i32
        %dma_wait3A_254 = arith.constant 0 : i32
        %dma_wait3A_255 = tpu.memref_slice %arg12[%dma_wait3A_253, %dma_wait3A_254] : memref<10240x128xf32, #tpu.memory_space<vmem_shared>> -> memref<10240x128xf32, #tpu.memory_space<vmem_shared>>
        tpu.wait_indirect_dma semaphore(%run_scoped3A : memref<!tpu.dma_semaphore, #tpu.memory_space<semaphore_mem>>) src(%arg9 : memref<64x128xf32, #tpu.memory_space<vmem>>) dst(%dma_wait3A_255 : memref<10240x128xf32, #tpu.memory_space<vmem_shared>>)
        tpu.yield
      }) : () -> ()
      %add3A_206 = arith.constant 2 : i32
      %add3A_207 = arith.addi %mul3A_171, %add3A_206 : i32
      %add3A_208 = arith.constant 3 : i32
      %add3A_209 = arith.addi %add3A_207, %add3A_208 : i32
      %lt3A_210 = arith.constant 32 : i32
      %lt3A_211 = arith.cmpi slt, %add3A_209, %lt3A_210 : i32
      %convert_element_type3A_212 = arith.extui %lt3A_211 : i1 to i32
      %cond3A_213 = arith.constant 0 : i32
      %cond3A_214 = arith.cmpi ne, %convert_element_type3A_212, %cond3A_213 : i32
      scf.if %cond3A_214 {
        %add3A_244 = arith.constant 2 : i32
        %add3A_245 = arith.addi %mul3A_171, %add3A_244 : i32
        %add3A_246 = arith.constant 3 : i32
        %add3A_247 = arith.addi %add3A_245, %add3A_246 : i32
        %dma_start3A_248 = arith.constant 0 : i32
        %dma_start3A_249 = tpu.memref_slice %arg6[%add3A_247, %dma_start3A_248] : memref<32x64xi32, #tpu.memory_space<vmem>> -> memref<1x64xi32, #tpu.memory_space<vmem>>
        %dma_start3A_250 = tpu.memref_squeeze %dma_start3A_249 : memref<1x64xi32, #tpu.memory_space<vmem>> -> memref<64xi32, #tpu.memory_space<vmem>>
        %dma_start3A_251 = arith.constant 0 : i32
        %dma_start3A_252 = arith.constant 0 : i32
        %dma_start3A_253 = tpu.memref_slice %arg2[%dma_start3A_251, %dma_start3A_252] : memref<10000x128xf32, #tpu.memory_space<hbm>> -> memref<10000x128xf32, #tpu.memory_space<hbm>>
        tpu.enqueue_indirect_dma source(%dma_start3A_253 : memref<10000x128xf32, #tpu.memory_space<hbm>>) target(%arg9 : memref<64x128xf32, #tpu.memory_space<vmem>>) offsets(%dma_start3A_250 : memref<64xi32, #tpu.memory_space<vmem>>) semaphore(%arg14 : memref<!tpu.dma_semaphore, #tpu.memory_space<semaphore_mem>>)
      } else {
      }
      %add3A_215 = arith.constant 2 : i32
      %add3A_216 = arith.addi %mul3A_171, %add3A_215 : i32
      %dma_wait3A_217 = arith.constant 0 : i32
      %dma_wait3A_218 = tpu.memref_slice %arg6[%add3A_216, %dma_wait3A_217] : memref<32x64xi32, #tpu.memory_space<vmem>> -> memref<1x64xi32, #tpu.memory_space<vmem>>
      %dma_wait3A_219 = tpu.memref_squeeze %dma_wait3A_218 : memref<1x64xi32, #tpu.memory_space<vmem>> -> memref<64xi32, #tpu.memory_space<vmem>>
      %dma_wait3A_220 = arith.constant 0 : i32
      %dma_wait3A_221 = arith.constant 0 : i32
      %dma_wait3A_222 = tpu.memref_slice %arg2[%dma_wait3A_220, %dma_wait3A_221] : memref<10000x128xf32, #tpu.memory_space<hbm>> -> memref<10000x128xf32, #tpu.memory_space<hbm>>
      tpu.wait_indirect_dma semaphore(%arg15 : memref<!tpu.dma_semaphore, #tpu.memory_space<semaphore_mem>>) src(%dma_wait3A_222 : memref<10000x128xf32, #tpu.memory_space<hbm>>) dst(%arg10 : memref<64x128xf32, #tpu.memory_space<vmem>>)
      %add3A_223 = arith.constant 2 : i32
      %add3A_224 = arith.addi %mul3A_171, %add3A_223 : i32
      "tpu.region"() ({
        %run_scoped3A = tpu.sem_alloc : memref<!tpu.dma_semaphore, #tpu.memory_space<semaphore_mem>>
        %dma_start3A_244 = arith.constant 0 : i32
        %dma_start3A_245 = tpu.memref_slice %arg7[%add3A_224, %dma_start3A_244] : memref<32x64xi32, #tpu.memory_space<vmem>> -> memref<1x64xi32, #tpu.memory_space<vmem>>
        %dma_start3A_246 = tpu.memref_squeeze %dma_start3A_245 : memref<1x64xi32, #tpu.memory_space<vmem>> -> memref<64xi32, #tpu.memory_space<vmem>>
        %dma_start3A_247 = arith.constant 0 : i32
        %dma_start3A_248 = arith.constant 0 : i32
        %dma_start3A_249 = tpu.memref_slice %arg12[%dma_start3A_247, %dma_start3A_248] : memref<10240x128xf32, #tpu.memory_space<vmem_shared>> -> memref<10240x128xf32, #tpu.memory_space<vmem_shared>>
        tpu.enqueue_indirect_dma source(%arg10 : memref<64x128xf32, #tpu.memory_space<vmem>>) target(%dma_start3A_249 : memref<10240x128xf32, #tpu.memory_space<vmem_shared>>) offsets(%dma_start3A_246 : memref<64xi32, #tpu.memory_space<vmem>>) semaphore(%run_scoped3A : memref<!tpu.dma_semaphore, #tpu.memory_space<semaphore_mem>>) {add = true}
        %dma_wait3A_250 = arith.constant 0 : i32
        %dma_wait3A_251 = tpu.memref_slice %arg7[%add3A_224, %dma_wait3A_250] : memref<32x64xi32, #tpu.memory_space<vmem>> -> memref<1x64xi32, #tpu.memory_space<vmem>>
        %dma_wait3A_252 = tpu.memref_squeeze %dma_wait3A_251 : memref<1x64xi32, #tpu.memory_space<vmem>> -> memref<64xi32, #tpu.memory_space<vmem>>
        %dma_wait3A_253 = arith.constant 0 : i32
        %dma_wait3A_254 = arith.constant 0 : i32
        %dma_wait3A_255 = tpu.memref_slice %arg12[%dma_wait3A_253, %dma_wait3A_254] : memref<10240x128xf32, #tpu.memory_space<vmem_shared>> -> memref<10240x128xf32, #tpu.memory_space<vmem_shared>>
        tpu.wait_indirect_dma semaphore(%run_scoped3A : memref<!tpu.dma_semaphore, #tpu.memory_space<semaphore_mem>>) src(%arg10 : memref<64x128xf32, #tpu.memory_space<vmem>>) dst(%dma_wait3A_255 : memref<10240x128xf32, #tpu.memory_space<vmem_shared>>)
        tpu.yield
      }) : () -> ()
      %add3A_225 = arith.constant 3 : i32
      %add3A_226 = arith.addi %mul3A_171, %add3A_225 : i32
      %add3A_227 = arith.constant 3 : i32
      %add3A_228 = arith.addi %add3A_226, %add3A_227 : i32
      %lt3A_229 = arith.constant 32 : i32
      %lt3A_230 = arith.cmpi slt, %add3A_228, %lt3A_229 : i32
      %convert_element_type3A_231 = arith.extui %lt3A_230 : i1 to i32
      %cond3A_232 = arith.constant 0 : i32
      %cond3A_233 = arith.cmpi ne, %convert_element_type3A_231, %cond3A_232 : i32
      scf.if %cond3A_233 {
        %add3A_244 = arith.constant 3 : i32
        %add3A_245 = arith.addi %mul3A_171, %add3A_244 : i32
        %add3A_246 = arith.constant 3 : i32
        %add3A_247 = arith.addi %add3A_245, %add3A_246 : i32
        %dma_start3A_248 = arith.constant 0 : i32
        %dma_start3A_249 = tpu.memref_slice %arg6[%add3A_247, %dma_start3A_248] : memref<32x64xi32, #tpu.memory_space<vmem>> -> memref<1x64xi32, #tpu.memory_space<vmem>>
        %dma_start3A_250 = tpu.memref_squeeze %dma_start3A_249 : memref<1x64xi32, #tpu.memory_space<vmem>> -> memref<64xi32, #tpu.memory_space<vmem>>
        %dma_start3A_251 = arith.constant 0 : i32
        %dma_start3A_252 = arith.constant 0 : i32
        %dma_start3A_253 = tpu.memref_slice %arg2[%dma_start3A_251, %dma_start3A_252] : memref<10000x128xf32, #tpu.memory_space<hbm>> -> memref<10000x128xf32, #tpu.memory_space<hbm>>
        tpu.enqueue_indirect_dma source(%dma_start3A_253 : memref<10000x128xf32, #tpu.memory_space<hbm>>) target(%arg10 : memref<64x128xf32, #tpu.memory_space<vmem>>) offsets(%dma_start3A_250 : memref<64xi32, #tpu.memory_space<vmem>>) semaphore(%arg15 : memref<!tpu.dma_semaphore, #tpu.memory_space<semaphore_mem>>)
      } else {
      }
      %add3A_234 = arith.constant 3 : i32
      %add3A_235 = arith.addi %mul3A_171, %add3A_234 : i32
      %dma_wait3A_236 = arith.constant 0 : i32
      %dma_wait3A_237 = tpu.memref_slice %arg6[%add3A_235, %dma_wait3A_236] : memref<32x64xi32, #tpu.memory_space<vmem>> -> memref<1x64xi32, #tpu.memory_space<vmem>>
      %dma_wait3A_238 = tpu.memref_squeeze %dma_wait3A_237 : memref<1x64xi32, #tpu.memory_space<vmem>> -> memref<64xi32, #tpu.memory_space<vmem>>
      %dma_wait3A_239 = arith.constant 0 : i32
      %dma_wait3A_240 = arith.constant 0 : i32
      %dma_wait3A_241 = tpu.memref_slice %arg2[%dma_wait3A_239, %dma_wait3A_240] : memref<10000x128xf32, #tpu.memory_space<hbm>> -> memref<10000x128xf32, #tpu.memory_space<hbm>>
      tpu.wait_indirect_dma semaphore(%arg16 : memref<!tpu.dma_semaphore, #tpu.memory_space<semaphore_mem>>) src(%dma_wait3A_241 : memref<10000x128xf32, #tpu.memory_space<hbm>>) dst(%arg11 : memref<64x128xf32, #tpu.memory_space<vmem>>)
      %add3A_242 = arith.constant 3 : i32
      %add3A_243 = arith.addi %mul3A_171, %add3A_242 : i32
      "tpu.region"() ({
        %run_scoped3A = tpu.sem_alloc : memref<!tpu.dma_semaphore, #tpu.memory_space<semaphore_mem>>
        %dma_start3A_244 = arith.constant 0 : i32
        %dma_start3A_245 = tpu.memref_slice %arg7[%add3A_243, %dma_start3A_244] : memref<32x64xi32, #tpu.memory_space<vmem>> -> memref<1x64xi32, #tpu.memory_space<vmem>>
        %dma_start3A_246 = tpu.memref_squeeze %dma_start3A_245 : memref<1x64xi32, #tpu.memory_space<vmem>> -> memref<64xi32, #tpu.memory_space<vmem>>
        %dma_start3A_247 = arith.constant 0 : i32
        %dma_start3A_248 = arith.constant 0 : i32
        %dma_start3A_249 = tpu.memref_slice %arg12[%dma_start3A_247, %dma_start3A_248] : memref<10240x128xf32, #tpu.memory_space<vmem_shared>> -> memref<10240x128xf32, #tpu.memory_space<vmem_shared>>
        tpu.enqueue_indirect_dma source(%arg11 : memref<64x128xf32, #tpu.memory_space<vmem>>) target(%dma_start3A_249 : memref<10240x128xf32, #tpu.memory_space<vmem_shared>>) offsets(%dma_start3A_246 : memref<64xi32, #tpu.memory_space<vmem>>) semaphore(%run_scoped3A : memref<!tpu.dma_semaphore, #tpu.memory_space<semaphore_mem>>) {add = true}
        %dma_wait3A_250 = arith.constant 0 : i32
        %dma_wait3A_251 = tpu.memref_slice %arg7[%add3A_243, %dma_wait3A_250] : memref<32x64xi32, #tpu.memory_space<vmem>> -> memref<1x64xi32, #tpu.memory_space<vmem>>
        %dma_wait3A_252 = tpu.memref_squeeze %dma_wait3A_251 : memref<1x64xi32, #tpu.memory_space<vmem>> -> memref<64xi32, #tpu.memory_space<vmem>>
        %dma_wait3A_253 = arith.constant 0 : i32
        %dma_wait3A_254 = arith.constant 0 : i32
        %dma_wait3A_255 = tpu.memref_slice %arg12[%dma_wait3A_253, %dma_wait3A_254] : memref<10240x128xf32, #tpu.memory_space<vmem_shared>> -> memref<10240x128xf32, #tpu.memory_space<vmem_shared>>
        tpu.wait_indirect_dma semaphore(%run_scoped3A : memref<!tpu.dma_semaphore, #tpu.memory_space<semaphore_mem>>) src(%arg11 : memref<64x128xf32, #tpu.memory_space<vmem>>) dst(%dma_wait3A_255 : memref<10240x128xf32, #tpu.memory_space<vmem_shared>>)
        tpu.yield
      }) : () -> ()
    }
    %scan3A_74 = arith.constant 8 : i32
    %mul3A_75 = arith.constant 160 : i32
    %mul3A_76 = arith.muli %add3A, %mul3A_75 : i32
    %add3A_77 = arith.constant 64 : i32
    %add3A_78 = arith.addi %mul3A_76, %add3A_77 : i32
    "tpu.region"() ({
      %run_scoped3A = tpu.sem_alloc : memref<!tpu.dma_semaphore, #tpu.memory_space<semaphore_mem>>
      %dma_start3A_169 = arith.constant 0 : i32
      %dma_start3A_170 = tpu.memref_slice %arg3[%add3A_78, %dma_start3A_169] : memref<5152x64xi32, #tpu.memory_space<hbm>> -> memref<32x64xi32, #tpu.memory_space<hbm>>
      %dma_start3A_171 = arith.constant 0 : i32
      %dma_start3A_172 = tpu.memref_slice %arg3[%add3A_78, %dma_start3A_171] : memref<5152x64xi32, #tpu.memory_space<hbm>> -> memref<32x64xi32, #tpu.memory_space<hbm>>
      tpu.enqueue_dma source(%dma_start3A_172 : memref<32x64xi32, #tpu.memory_space<hbm>>) target(%arg6 : memref<32x64xi32, #tpu.memory_space<vmem>>) target_semaphore(%run_scoped3A : memref<!tpu.dma_semaphore, #tpu.memory_space<semaphore_mem>>)
      %dma_wait3A = arith.constant 0 : i32
      %dma_wait3A_173 = tpu.memref_slice %arg3[%add3A_78, %dma_wait3A] : memref<5152x64xi32, #tpu.memory_space<hbm>> -> memref<32x64xi32, #tpu.memory_space<hbm>>
      %dma_wait3A_174 = arith.constant 0 : i32
      %dma_wait3A_175 = tpu.memref_slice %arg3[%add3A_78, %dma_wait3A_174] : memref<5152x64xi32, #tpu.memory_space<hbm>> -> memref<32x64xi32, #tpu.memory_space<hbm>>
      tpu.wait_dma2 semaphore(%run_scoped3A : memref<!tpu.dma_semaphore, #tpu.memory_space<semaphore_mem>>) src(%dma_wait3A_175 : memref<32x64xi32, #tpu.memory_space<hbm>>) dst(%arg6 : memref<32x64xi32, #tpu.memory_space<vmem>>)
      tpu.yield
    }) : () -> ()
    "tpu.region"() ({
      %run_scoped3A = tpu.sem_alloc : memref<!tpu.dma_semaphore, #tpu.memory_space<semaphore_mem>>
      %dma_start3A_169 = arith.constant 0 : i32
      %dma_start3A_170 = tpu.memref_slice %arg4[%add3A_78, %dma_start3A_169] : memref<5152x64xi32, #tpu.memory_space<hbm>> -> memref<32x64xi32, #tpu.memory_space<hbm>>
      %dma_start3A_171 = arith.constant 0 : i32
      %dma_start3A_172 = tpu.memref_slice %arg4[%add3A_78, %dma_start3A_171] : memref<5152x64xi32, #tpu.memory_space<hbm>> -> memref<32x64xi32, #tpu.memory_space<hbm>>
      tpu.enqueue_dma source(%dma_start3A_172 : memref<32x64xi32, #tpu.memory_space<hbm>>) target(%arg7 : memref<32x64xi32, #tpu.memory_space<vmem>>) target_semaphore(%run_scoped3A : memref<!tpu.dma_semaphore, #tpu.memory_space<semaphore_mem>>)
      %dma_wait3A = arith.constant 0 : i32
      %dma_wait3A_173 = tpu.memref_slice %arg4[%add3A_78, %dma_wait3A] : memref<5152x64xi32, #tpu.memory_space<hbm>> -> memref<32x64xi32, #tpu.memory_space<hbm>>
      %dma_wait3A_174 = arith.constant 0 : i32
      %dma_wait3A_175 = tpu.memref_slice %arg4[%add3A_78, %dma_wait3A_174] : memref<5152x64xi32, #tpu.memory_space<hbm>> -> memref<32x64xi32, #tpu.memory_space<hbm>>
      tpu.wait_dma2 semaphore(%run_scoped3A : memref<!tpu.dma_semaphore, #tpu.memory_space<semaphore_mem>>) src(%dma_wait3A_175 : memref<32x64xi32, #tpu.memory_space<hbm>>) dst(%arg7 : memref<32x64xi32, #tpu.memory_space<vmem>>)
      tpu.yield
    }) : () -> ()
    %dma_start3A_79 = arith.constant 0 : i32
    %dma_start3A_80 = arith.constant 0 : i32
    %dma_start3A_81 = tpu.memref_slice %arg6[%dma_start3A_79, %dma_start3A_80] : memref<32x64xi32, #tpu.memory_space<vmem>> -> memref<1x64xi32, #tpu.memory_space<vmem>>
    %dma_start3A_82 = tpu.memref_squeeze %dma_start3A_81 : memref<1x64xi32, #tpu.memory_space<vmem>> -> memref<64xi32, #tpu.memory_space<vmem>>
    %dma_start3A_83 = arith.constant 0 : i32
    %dma_start3A_84 = arith.constant 0 : i32
    %dma_start3A_85 = tpu.memref_slice %arg2[%dma_start3A_83, %dma_start3A_84] : memref<10000x128xf32, #tpu.memory_space<hbm>> -> memref<10000x128xf32, #tpu.memory_space<hbm>>
    tpu.enqueue_indirect_dma source(%dma_start3A_85 : memref<10000x128xf32, #tpu.memory_space<hbm>>) target(%arg8 : memref<64x128xf32, #tpu.memory_space<vmem>>) offsets(%dma_start3A_82 : memref<64xi32, #tpu.memory_space<vmem>>) semaphore(%arg13 : memref<!tpu.dma_semaphore, #tpu.memory_space<semaphore_mem>>)
    %dma_start3A_86 = arith.constant 1 : i32
    %dma_start3A_87 = arith.constant 0 : i32
    %dma_start3A_88 = tpu.memref_slice %arg6[%dma_start3A_86, %dma_start3A_87] : memref<32x64xi32, #tpu.memory_space<vmem>> -> memref<1x64xi32, #tpu.memory_space<vmem>>
    %dma_start3A_89 = tpu.memref_squeeze %dma_start3A_88 : memref<1x64xi32, #tpu.memory_space<vmem>> -> memref<64xi32, #tpu.memory_space<vmem>>
    %dma_start3A_90 = arith.constant 0 : i32
    %dma_start3A_91 = arith.constant 0 : i32
    %dma_start3A_92 = tpu.memref_slice %arg2[%dma_start3A_90, %dma_start3A_91] : memref<10000x128xf32, #tpu.memory_space<hbm>> -> memref<10000x128xf32, #tpu.memory_space<hbm>>
    tpu.enqueue_indirect_dma source(%dma_start3A_92 : memref<10000x128xf32, #tpu.memory_space<hbm>>) target(%arg9 : memref<64x128xf32, #tpu.memory_space<vmem>>) offsets(%dma_start3A_89 : memref<64xi32, #tpu.memory_space<vmem>>) semaphore(%arg14 : memref<!tpu.dma_semaphore, #tpu.memory_space<semaphore_mem>>)
    %dma_start3A_93 = arith.constant 2 : i32
    %dma_start3A_94 = arith.constant 0 : i32
    %dma_start3A_95 = tpu.memref_slice %arg6[%dma_start3A_93, %dma_start3A_94] : memref<32x64xi32, #tpu.memory_space<vmem>> -> memref<1x64xi32, #tpu.memory_space<vmem>>
    %dma_start3A_96 = tpu.memref_squeeze %dma_start3A_95 : memref<1x64xi32, #tpu.memory_space<vmem>> -> memref<64xi32, #tpu.memory_space<vmem>>
    %dma_start3A_97 = arith.constant 0 : i32
    %dma_start3A_98 = arith.constant 0 : i32
    %dma_start3A_99 = tpu.memref_slice %arg2[%dma_start3A_97, %dma_start3A_98] : memref<10000x128xf32, #tpu.memory_space<hbm>> -> memref<10000x128xf32, #tpu.memory_space<hbm>>
    tpu.enqueue_indirect_dma source(%dma_start3A_99 : memref<10000x128xf32, #tpu.memory_space<hbm>>) target(%arg10 : memref<64x128xf32, #tpu.memory_space<vmem>>) offsets(%dma_start3A_96 : memref<64xi32, #tpu.memory_space<vmem>>) semaphore(%arg15 : memref<!tpu.dma_semaphore, #tpu.memory_space<semaphore_mem>>)
    %scan3A_100 = arith.constant 0 : i32
    %scan3A_101 = arith.constant 0 : i32
    %scan3A_102 = arith.constant 8 : i32
    %scan3A_103 = arith.addi %scan3A_101, %scan3A_102 : i32
    %scan3A_104 = arith.constant 1 : i32
    scf.for %scan3A_169 = %scan3A_101 to %scan3A_103 step %scan3A_104  : i32 {
      %mul3A_170 = arith.constant 4 : i32
      %mul3A_171 = arith.muli %scan3A_169, %mul3A_170 : i32
      %add3A_172 = arith.constant 0 : i32
      %add3A_173 = arith.addi %mul3A_171, %add3A_172 : i32
      %add3A_174 = arith.constant 3 : i32
      %add3A_175 = arith.addi %add3A_173, %add3A_174 : i32
      %lt3A = arith.constant 32 : i32
      %lt3A_176 = arith.cmpi slt, %add3A_175, %lt3A : i32
      %convert_element_type3A = arith.extui %lt3A_176 : i1 to i32
      %cond3A = arith.constant 0 : i32
      %cond3A_177 = arith.cmpi ne, %convert_element_type3A, %cond3A : i32
      scf.if %cond3A_177 {
        %add3A_244 = arith.constant 0 : i32
        %add3A_245 = arith.addi %mul3A_171, %add3A_244 : i32
        %add3A_246 = arith.constant 3 : i32
        %add3A_247 = arith.addi %add3A_245, %add3A_246 : i32
        %dma_start3A_248 = arith.constant 0 : i32
        %dma_start3A_249 = tpu.memref_slice %arg6[%add3A_247, %dma_start3A_248] : memref<32x64xi32, #tpu.memory_space<vmem>> -> memref<1x64xi32, #tpu.memory_space<vmem>>
        %dma_start3A_250 = tpu.memref_squeeze %dma_start3A_249 : memref<1x64xi32, #tpu.memory_space<vmem>> -> memref<64xi32, #tpu.memory_space<vmem>>
        %dma_start3A_251 = arith.constant 0 : i32
        %dma_start3A_252 = arith.constant 0 : i32
        %dma_start3A_253 = tpu.memref_slice %arg2[%dma_start3A_251, %dma_start3A_252] : memref<10000x128xf32, #tpu.memory_space<hbm>> -> memref<10000x128xf32, #tpu.memory_space<hbm>>
        tpu.enqueue_indirect_dma source(%dma_start3A_253 : memref<10000x128xf32, #tpu.memory_space<hbm>>) target(%arg11 : memref<64x128xf32, #tpu.memory_space<vmem>>) offsets(%dma_start3A_250 : memref<64xi32, #tpu.memory_space<vmem>>) semaphore(%arg16 : memref<!tpu.dma_semaphore, #tpu.memory_space<semaphore_mem>>)
      } else {
      }
      %add3A_178 = arith.constant 0 : i32
      %add3A_179 = arith.addi %mul3A_171, %add3A_178 : i32
      %dma_wait3A = arith.constant 0 : i32
      %dma_wait3A_180 = tpu.memref_slice %arg6[%add3A_179, %dma_wait3A] : memref<32x64xi32, #tpu.memory_space<vmem>> -> memref<1x64xi32, #tpu.memory_space<vmem>>
      %dma_wait3A_181 = tpu.memref_squeeze %dma_wait3A_180 : memref<1x64xi32, #tpu.memory_space<vmem>> -> memref<64xi32, #tpu.memory_space<vmem>>
      %dma_wait3A_182 = arith.constant 0 : i32
      %dma_wait3A_183 = arith.constant 0 : i32
      %dma_wait3A_184 = tpu.memref_slice %arg2[%dma_wait3A_182, %dma_wait3A_183] : memref<10000x128xf32, #tpu.memory_space<hbm>> -> memref<10000x128xf32, #tpu.memory_space<hbm>>
      tpu.wait_indirect_dma semaphore(%arg13 : memref<!tpu.dma_semaphore, #tpu.memory_space<semaphore_mem>>) src(%dma_wait3A_184 : memref<10000x128xf32, #tpu.memory_space<hbm>>) dst(%arg8 : memref<64x128xf32, #tpu.memory_space<vmem>>)
      %add3A_185 = arith.constant 0 : i32
      %add3A_186 = arith.addi %mul3A_171, %add3A_185 : i32
      "tpu.region"() ({
        %run_scoped3A = tpu.sem_alloc : memref<!tpu.dma_semaphore, #tpu.memory_space<semaphore_mem>>
        %dma_start3A_244 = arith.constant 0 : i32
        %dma_start3A_245 = tpu.memref_slice %arg7[%add3A_186, %dma_start3A_244] : memref<32x64xi32, #tpu.memory_space<vmem>> -> memref<1x64xi32, #tpu.memory_space<vmem>>
        %dma_start3A_246 = tpu.memref_squeeze %dma_start3A_245 : memref<1x64xi32, #tpu.memory_space<vmem>> -> memref<64xi32, #tpu.memory_space<vmem>>
        %dma_start3A_247 = arith.constant 0 : i32
        %dma_start3A_248 = arith.constant 0 : i32
        %dma_start3A_249 = tpu.memref_slice %arg12[%dma_start3A_247, %dma_start3A_248] : memref<10240x128xf32, #tpu.memory_space<vmem_shared>> -> memref<10240x128xf32, #tpu.memory_space<vmem_shared>>
        tpu.enqueue_indirect_dma source(%arg8 : memref<64x128xf32, #tpu.memory_space<vmem>>) target(%dma_start3A_249 : memref<10240x128xf32, #tpu.memory_space<vmem_shared>>) offsets(%dma_start3A_246 : memref<64xi32, #tpu.memory_space<vmem>>) semaphore(%run_scoped3A : memref<!tpu.dma_semaphore, #tpu.memory_space<semaphore_mem>>) {add = true}
        %dma_wait3A_250 = arith.constant 0 : i32
        %dma_wait3A_251 = tpu.memref_slice %arg7[%add3A_186, %dma_wait3A_250] : memref<32x64xi32, #tpu.memory_space<vmem>> -> memref<1x64xi32, #tpu.memory_space<vmem>>
        %dma_wait3A_252 = tpu.memref_squeeze %dma_wait3A_251 : memref<1x64xi32, #tpu.memory_space<vmem>> -> memref<64xi32, #tpu.memory_space<vmem>>
        %dma_wait3A_253 = arith.constant 0 : i32
        %dma_wait3A_254 = arith.constant 0 : i32
        %dma_wait3A_255 = tpu.memref_slice %arg12[%dma_wait3A_253, %dma_wait3A_254] : memref<10240x128xf32, #tpu.memory_space<vmem_shared>> -> memref<10240x128xf32, #tpu.memory_space<vmem_shared>>
        tpu.wait_indirect_dma semaphore(%run_scoped3A : memref<!tpu.dma_semaphore, #tpu.memory_space<semaphore_mem>>) src(%arg8 : memref<64x128xf32, #tpu.memory_space<vmem>>) dst(%dma_wait3A_255 : memref<10240x128xf32, #tpu.memory_space<vmem_shared>>)
        tpu.yield
      }) : () -> ()
      %add3A_187 = arith.constant 1 : i32
      %add3A_188 = arith.addi %mul3A_171, %add3A_187 : i32
      %add3A_189 = arith.constant 3 : i32
      %add3A_190 = arith.addi %add3A_188, %add3A_189 : i32
      %lt3A_191 = arith.constant 32 : i32
      %lt3A_192 = arith.cmpi slt, %add3A_190, %lt3A_191 : i32
      %convert_element_type3A_193 = arith.extui %lt3A_192 : i1 to i32
      %cond3A_194 = arith.constant 0 : i32
      %cond3A_195 = arith.cmpi ne, %convert_element_type3A_193, %cond3A_194 : i32
      scf.if %cond3A_195 {
        %add3A_244 = arith.constant 1 : i32
        %add3A_245 = arith.addi %mul3A_171, %add3A_244 : i32
        %add3A_246 = arith.constant 3 : i32
        %add3A_247 = arith.addi %add3A_245, %add3A_246 : i32
        %dma_start3A_248 = arith.constant 0 : i32
        %dma_start3A_249 = tpu.memref_slice %arg6[%add3A_247, %dma_start3A_248] : memref<32x64xi32, #tpu.memory_space<vmem>> -> memref<1x64xi32, #tpu.memory_space<vmem>>
        %dma_start3A_250 = tpu.memref_squeeze %dma_start3A_249 : memref<1x64xi32, #tpu.memory_space<vmem>> -> memref<64xi32, #tpu.memory_space<vmem>>
        %dma_start3A_251 = arith.constant 0 : i32
        %dma_start3A_252 = arith.constant 0 : i32
        %dma_start3A_253 = tpu.memref_slice %arg2[%dma_start3A_251, %dma_start3A_252] : memref<10000x128xf32, #tpu.memory_space<hbm>> -> memref<10000x128xf32, #tpu.memory_space<hbm>>
        tpu.enqueue_indirect_dma source(%dma_start3A_253 : memref<10000x128xf32, #tpu.memory_space<hbm>>) target(%arg8 : memref<64x128xf32, #tpu.memory_space<vmem>>) offsets(%dma_start3A_250 : memref<64xi32, #tpu.memory_space<vmem>>) semaphore(%arg13 : memref<!tpu.dma_semaphore, #tpu.memory_space<semaphore_mem>>)
      } else {
      }
      %add3A_196 = arith.constant 1 : i32
      %add3A_197 = arith.addi %mul3A_171, %add3A_196 : i32
      %dma_wait3A_198 = arith.constant 0 : i32
      %dma_wait3A_199 = tpu.memref_slice %arg6[%add3A_197, %dma_wait3A_198] : memref<32x64xi32, #tpu.memory_space<vmem>> -> memref<1x64xi32, #tpu.memory_space<vmem>>
      %dma_wait3A_200 = tpu.memref_squeeze %dma_wait3A_199 : memref<1x64xi32, #tpu.memory_space<vmem>> -> memref<64xi32, #tpu.memory_space<vmem>>
      %dma_wait3A_201 = arith.constant 0 : i32
      %dma_wait3A_202 = arith.constant 0 : i32
      %dma_wait3A_203 = tpu.memref_slice %arg2[%dma_wait3A_201, %dma_wait3A_202] : memref<10000x128xf32, #tpu.memory_space<hbm>> -> memref<10000x128xf32, #tpu.memory_space<hbm>>
      tpu.wait_indirect_dma semaphore(%arg14 : memref<!tpu.dma_semaphore, #tpu.memory_space<semaphore_mem>>) src(%dma_wait3A_203 : memref<10000x128xf32, #tpu.memory_space<hbm>>) dst(%arg9 : memref<64x128xf32, #tpu.memory_space<vmem>>)
      %add3A_204 = arith.constant 1 : i32
      %add3A_205 = arith.addi %mul3A_171, %add3A_204 : i32
      "tpu.region"() ({
        %run_scoped3A = tpu.sem_alloc : memref<!tpu.dma_semaphore, #tpu.memory_space<semaphore_mem>>
        %dma_start3A_244 = arith.constant 0 : i32
        %dma_start3A_245 = tpu.memref_slice %arg7[%add3A_205, %dma_start3A_244] : memref<32x64xi32, #tpu.memory_space<vmem>> -> memref<1x64xi32, #tpu.memory_space<vmem>>
        %dma_start3A_246 = tpu.memref_squeeze %dma_start3A_245 : memref<1x64xi32, #tpu.memory_space<vmem>> -> memref<64xi32, #tpu.memory_space<vmem>>
        %dma_start3A_247 = arith.constant 0 : i32
        %dma_start3A_248 = arith.constant 0 : i32
        %dma_start3A_249 = tpu.memref_slice %arg12[%dma_start3A_247, %dma_start3A_248] : memref<10240x128xf32, #tpu.memory_space<vmem_shared>> -> memref<10240x128xf32, #tpu.memory_space<vmem_shared>>
        tpu.enqueue_indirect_dma source(%arg9 : memref<64x128xf32, #tpu.memory_space<vmem>>) target(%dma_start3A_249 : memref<10240x128xf32, #tpu.memory_space<vmem_shared>>) offsets(%dma_start3A_246 : memref<64xi32, #tpu.memory_space<vmem>>) semaphore(%run_scoped3A : memref<!tpu.dma_semaphore, #tpu.memory_space<semaphore_mem>>) {add = true}
        %dma_wait3A_250 = arith.constant 0 : i32
        %dma_wait3A_251 = tpu.memref_slice %arg7[%add3A_205, %dma_wait3A_250] : memref<32x64xi32, #tpu.memory_space<vmem>> -> memref<1x64xi32, #tpu.memory_space<vmem>>
        %dma_wait3A_252 = tpu.memref_squeeze %dma_wait3A_251 : memref<1x64xi32, #tpu.memory_space<vmem>> -> memref<64xi32, #tpu.memory_space<vmem>>
        %dma_wait3A_253 = arith.constant 0 : i32
        %dma_wait3A_254 = arith.constant 0 : i32
        %dma_wait3A_255 = tpu.memref_slice %arg12[%dma_wait3A_253, %dma_wait3A_254] : memref<10240x128xf32, #tpu.memory_space<vmem_shared>> -> memref<10240x128xf32, #tpu.memory_space<vmem_shared>>
        tpu.wait_indirect_dma semaphore(%run_scoped3A : memref<!tpu.dma_semaphore, #tpu.memory_space<semaphore_mem>>) src(%arg9 : memref<64x128xf32, #tpu.memory_space<vmem>>) dst(%dma_wait3A_255 : memref<10240x128xf32, #tpu.memory_space<vmem_shared>>)
        tpu.yield
      }) : () -> ()
      %add3A_206 = arith.constant 2 : i32
      %add3A_207 = arith.addi %mul3A_171, %add3A_206 : i32
      %add3A_208 = arith.constant 3 : i32
      %add3A_209 = arith.addi %add3A_207, %add3A_208 : i32
      %lt3A_210 = arith.constant 32 : i32
      %lt3A_211 = arith.cmpi slt, %add3A_209, %lt3A_210 : i32
      %convert_element_type3A_212 = arith.extui %lt3A_211 : i1 to i32
      %cond3A_213 = arith.constant 0 : i32
      %cond3A_214 = arith.cmpi ne, %convert_element_type3A_212, %cond3A_213 : i32
      scf.if %cond3A_214 {
        %add3A_244 = arith.constant 2 : i32
        %add3A_245 = arith.addi %mul3A_171, %add3A_244 : i32
        %add3A_246 = arith.constant 3 : i32
        %add3A_247 = arith.addi %add3A_245, %add3A_246 : i32
        %dma_start3A_248 = arith.constant 0 : i32
        %dma_start3A_249 = tpu.memref_slice %arg6[%add3A_247, %dma_start3A_248] : memref<32x64xi32, #tpu.memory_space<vmem>> -> memref<1x64xi32, #tpu.memory_space<vmem>>
        %dma_start3A_250 = tpu.memref_squeeze %dma_start3A_249 : memref<1x64xi32, #tpu.memory_space<vmem>> -> memref<64xi32, #tpu.memory_space<vmem>>
        %dma_start3A_251 = arith.constant 0 : i32
        %dma_start3A_252 = arith.constant 0 : i32
        %dma_start3A_253 = tpu.memref_slice %arg2[%dma_start3A_251, %dma_start3A_252] : memref<10000x128xf32, #tpu.memory_space<hbm>> -> memref<10000x128xf32, #tpu.memory_space<hbm>>
        tpu.enqueue_indirect_dma source(%dma_start3A_253 : memref<10000x128xf32, #tpu.memory_space<hbm>>) target(%arg9 : memref<64x128xf32, #tpu.memory_space<vmem>>) offsets(%dma_start3A_250 : memref<64xi32, #tpu.memory_space<vmem>>) semaphore(%arg14 : memref<!tpu.dma_semaphore, #tpu.memory_space<semaphore_mem>>)
      } else {
      }
      %add3A_215 = arith.constant 2 : i32
      %add3A_216 = arith.addi %mul3A_171, %add3A_215 : i32
      %dma_wait3A_217 = arith.constant 0 : i32
      %dma_wait3A_218 = tpu.memref_slice %arg6[%add3A_216, %dma_wait3A_217] : memref<32x64xi32, #tpu.memory_space<vmem>> -> memref<1x64xi32, #tpu.memory_space<vmem>>
      %dma_wait3A_219 = tpu.memref_squeeze %dma_wait3A_218 : memref<1x64xi32, #tpu.memory_space<vmem>> -> memref<64xi32, #tpu.memory_space<vmem>>
      %dma_wait3A_220 = arith.constant 0 : i32
      %dma_wait3A_221 = arith.constant 0 : i32
      %dma_wait3A_222 = tpu.memref_slice %arg2[%dma_wait3A_220, %dma_wait3A_221] : memref<10000x128xf32, #tpu.memory_space<hbm>> -> memref<10000x128xf32, #tpu.memory_space<hbm>>
      tpu.wait_indirect_dma semaphore(%arg15 : memref<!tpu.dma_semaphore, #tpu.memory_space<semaphore_mem>>) src(%dma_wait3A_222 : memref<10000x128xf32, #tpu.memory_space<hbm>>) dst(%arg10 : memref<64x128xf32, #tpu.memory_space<vmem>>)
      %add3A_223 = arith.constant 2 : i32
      %add3A_224 = arith.addi %mul3A_171, %add3A_223 : i32
      "tpu.region"() ({
        %run_scoped3A = tpu.sem_alloc : memref<!tpu.dma_semaphore, #tpu.memory_space<semaphore_mem>>
        %dma_start3A_244 = arith.constant 0 : i32
        %dma_start3A_245 = tpu.memref_slice %arg7[%add3A_224, %dma_start3A_244] : memref<32x64xi32, #tpu.memory_space<vmem>> -> memref<1x64xi32, #tpu.memory_space<vmem>>
        %dma_start3A_246 = tpu.memref_squeeze %dma_start3A_245 : memref<1x64xi32, #tpu.memory_space<vmem>> -> memref<64xi32, #tpu.memory_space<vmem>>
        %dma_start3A_247 = arith.constant 0 : i32
        %dma_start3A_248 = arith.constant 0 : i32
        %dma_start3A_249 = tpu.memref_slice %arg12[%dma_start3A_247, %dma_start3A_248] : memref<10240x128xf32, #tpu.memory_space<vmem_shared>> -> memref<10240x128xf32, #tpu.memory_space<vmem_shared>>
        tpu.enqueue_indirect_dma source(%arg10 : memref<64x128xf32, #tpu.memory_space<vmem>>) target(%dma_start3A_249 : memref<10240x128xf32, #tpu.memory_space<vmem_shared>>) offsets(%dma_start3A_246 : memref<64xi32, #tpu.memory_space<vmem>>) semaphore(%run_scoped3A : memref<!tpu.dma_semaphore, #tpu.memory_space<semaphore_mem>>) {add = true}
        %dma_wait3A_250 = arith.constant 0 : i32
        %dma_wait3A_251 = tpu.memref_slice %arg7[%add3A_224, %dma_wait3A_250] : memref<32x64xi32, #tpu.memory_space<vmem>> -> memref<1x64xi32, #tpu.memory_space<vmem>>
        %dma_wait3A_252 = tpu.memref_squeeze %dma_wait3A_251 : memref<1x64xi32, #tpu.memory_space<vmem>> -> memref<64xi32, #tpu.memory_space<vmem>>
        %dma_wait3A_253 = arith.constant 0 : i32
        %dma_wait3A_254 = arith.constant 0 : i32
        %dma_wait3A_255 = tpu.memref_slice %arg12[%dma_wait3A_253, %dma_wait3A_254] : memref<10240x128xf32, #tpu.memory_space<vmem_shared>> -> memref<10240x128xf32, #tpu.memory_space<vmem_shared>>
        tpu.wait_indirect_dma semaphore(%run_scoped3A : memref<!tpu.dma_semaphore, #tpu.memory_space<semaphore_mem>>) src(%arg10 : memref<64x128xf32, #tpu.memory_space<vmem>>) dst(%dma_wait3A_255 : memref<10240x128xf32, #tpu.memory_space<vmem_shared>>)
        tpu.yield
      }) : () -> ()
      %add3A_225 = arith.constant 3 : i32
      %add3A_226 = arith.addi %mul3A_171, %add3A_225 : i32
      %add3A_227 = arith.constant 3 : i32
      %add3A_228 = arith.addi %add3A_226, %add3A_227 : i32
      %lt3A_229 = arith.constant 32 : i32
      %lt3A_230 = arith.cmpi slt, %add3A_228, %lt3A_229 : i32
      %convert_element_type3A_231 = arith.extui %lt3A_230 : i1 to i32
      %cond3A_232 = arith.constant 0 : i32
      %cond3A_233 = arith.cmpi ne, %convert_element_type3A_231, %cond3A_232 : i32
      scf.if %cond3A_233 {
        %add3A_244 = arith.constant 3 : i32
        %add3A_245 = arith.addi %mul3A_171, %add3A_244 : i32
        %add3A_246 = arith.constant 3 : i32
        %add3A_247 = arith.addi %add3A_245, %add3A_246 : i32
        %dma_start3A_248 = arith.constant 0 : i32
        %dma_start3A_249 = tpu.memref_slice %arg6[%add3A_247, %dma_start3A_248] : memref<32x64xi32, #tpu.memory_space<vmem>> -> memref<1x64xi32, #tpu.memory_space<vmem>>
        %dma_start3A_250 = tpu.memref_squeeze %dma_start3A_249 : memref<1x64xi32, #tpu.memory_space<vmem>> -> memref<64xi32, #tpu.memory_space<vmem>>
        %dma_start3A_251 = arith.constant 0 : i32
        %dma_start3A_252 = arith.constant 0 : i32
        %dma_start3A_253 = tpu.memref_slice %arg2[%dma_start3A_251, %dma_start3A_252] : memref<10000x128xf32, #tpu.memory_space<hbm>> -> memref<10000x128xf32, #tpu.memory_space<hbm>>
        tpu.enqueue_indirect_dma source(%dma_start3A_253 : memref<10000x128xf32, #tpu.memory_space<hbm>>) target(%arg10 : memref<64x128xf32, #tpu.memory_space<vmem>>) offsets(%dma_start3A_250 : memref<64xi32, #tpu.memory_space<vmem>>) semaphore(%arg15 : memref<!tpu.dma_semaphore, #tpu.memory_space<semaphore_mem>>)
      } else {
      }
      %add3A_234 = arith.constant 3 : i32
      %add3A_235 = arith.addi %mul3A_171, %add3A_234 : i32
      %dma_wait3A_236 = arith.constant 0 : i32
      %dma_wait3A_237 = tpu.memref_slice %arg6[%add3A_235, %dma_wait3A_236] : memref<32x64xi32, #tpu.memory_space<vmem>> -> memref<1x64xi32, #tpu.memory_space<vmem>>
      %dma_wait3A_238 = tpu.memref_squeeze %dma_wait3A_237 : memref<1x64xi32, #tpu.memory_space<vmem>> -> memref<64xi32, #tpu.memory_space<vmem>>
      %dma_wait3A_239 = arith.constant 0 : i32
      %dma_wait3A_240 = arith.constant 0 : i32
      %dma_wait3A_241 = tpu.memref_slice %arg2[%dma_wait3A_239, %dma_wait3A_240] : memref<10000x128xf32, #tpu.memory_space<hbm>> -> memref<10000x128xf32, #tpu.memory_space<hbm>>
      tpu.wait_indirect_dma semaphore(%arg16 : memref<!tpu.dma_semaphore, #tpu.memory_space<semaphore_mem>>) src(%dma_wait3A_241 : memref<10000x128xf32, #tpu.memory_space<hbm>>) dst(%arg11 : memref<64x128xf32, #tpu.memory_space<vmem>>)
      %add3A_242 = arith.constant 3 : i32
      %add3A_243 = arith.addi %mul3A_171, %add3A_242 : i32
      "tpu.region"() ({
        %run_scoped3A = tpu.sem_alloc : memref<!tpu.dma_semaphore, #tpu.memory_space<semaphore_mem>>
        %dma_start3A_244 = arith.constant 0 : i32
        %dma_start3A_245 = tpu.memref_slice %arg7[%add3A_243, %dma_start3A_244] : memref<32x64xi32, #tpu.memory_space<vmem>> -> memref<1x64xi32, #tpu.memory_space<vmem>>
        %dma_start3A_246 = tpu.memref_squeeze %dma_start3A_245 : memref<1x64xi32, #tpu.memory_space<vmem>> -> memref<64xi32, #tpu.memory_space<vmem>>
        %dma_start3A_247 = arith.constant 0 : i32
        %dma_start3A_248 = arith.constant 0 : i32
        %dma_start3A_249 = tpu.memref_slice %arg12[%dma_start3A_247, %dma_start3A_248] : memref<10240x128xf32, #tpu.memory_space<vmem_shared>> -> memref<10240x128xf32, #tpu.memory_space<vmem_shared>>
        tpu.enqueue_indirect_dma source(%arg11 : memref<64x128xf32, #tpu.memory_space<vmem>>) target(%dma_start3A_249 : memref<10240x128xf32, #tpu.memory_space<vmem_shared>>) offsets(%dma_start3A_246 : memref<64xi32, #tpu.memory_space<vmem>>) semaphore(%run_scoped3A : memref<!tpu.dma_semaphore, #tpu.memory_space<semaphore_mem>>) {add = true}
        %dma_wait3A_250 = arith.constant 0 : i32
        %dma_wait3A_251 = tpu.memref_slice %arg7[%add3A_243, %dma_wait3A_250] : memref<32x64xi32, #tpu.memory_space<vmem>> -> memref<1x64xi32, #tpu.memory_space<vmem>>
        %dma_wait3A_252 = tpu.memref_squeeze %dma_wait3A_251 : memref<1x64xi32, #tpu.memory_space<vmem>> -> memref<64xi32, #tpu.memory_space<vmem>>
        %dma_wait3A_253 = arith.constant 0 : i32
        %dma_wait3A_254 = arith.constant 0 : i32
        %dma_wait3A_255 = tpu.memref_slice %arg12[%dma_wait3A_253, %dma_wait3A_254] : memref<10240x128xf32, #tpu.memory_space<vmem_shared>> -> memref<10240x128xf32, #tpu.memory_space<vmem_shared>>
        tpu.wait_indirect_dma semaphore(%run_scoped3A : memref<!tpu.dma_semaphore, #tpu.memory_space<semaphore_mem>>) src(%arg11 : memref<64x128xf32, #tpu.memory_space<vmem>>) dst(%dma_wait3A_255 : memref<10240x128xf32, #tpu.memory_space<vmem_shared>>)
        tpu.yield
      }) : () -> ()
    }
    %scan3A_105 = arith.constant 8 : i32
    %mul3A_106 = arith.constant 160 : i32
    %mul3A_107 = arith.muli %add3A, %mul3A_106 : i32
    %add3A_108 = arith.constant 96 : i32
    %add3A_109 = arith.addi %mul3A_107, %add3A_108 : i32
    "tpu.region"() ({
      %run_scoped3A = tpu.sem_alloc : memref<!tpu.dma_semaphore, #tpu.memory_space<semaphore_mem>>
      %dma_start3A_169 = arith.constant 0 : i32
      %dma_start3A_170 = tpu.memref_slice %arg3[%add3A_109, %dma_start3A_169] : memref<5152x64xi32, #tpu.memory_space<hbm>> -> memref<32x64xi32, #tpu.memory_space<hbm>>
      %dma_start3A_171 = arith.constant 0 : i32
      %dma_start3A_172 = tpu.memref_slice %arg3[%add3A_109, %dma_start3A_171] : memref<5152x64xi32, #tpu.memory_space<hbm>> -> memref<32x64xi32, #tpu.memory_space<hbm>>
      tpu.enqueue_dma source(%dma_start3A_172 : memref<32x64xi32, #tpu.memory_space<hbm>>) target(%arg6 : memref<32x64xi32, #tpu.memory_space<vmem>>) target_semaphore(%run_scoped3A : memref<!tpu.dma_semaphore, #tpu.memory_space<semaphore_mem>>)
      %dma_wait3A = arith.constant 0 : i32
      %dma_wait3A_173 = tpu.memref_slice %arg3[%add3A_109, %dma_wait3A] : memref<5152x64xi32, #tpu.memory_space<hbm>> -> memref<32x64xi32, #tpu.memory_space<hbm>>
      %dma_wait3A_174 = arith.constant 0 : i32
      %dma_wait3A_175 = tpu.memref_slice %arg3[%add3A_109, %dma_wait3A_174] : memref<5152x64xi32, #tpu.memory_space<hbm>> -> memref<32x64xi32, #tpu.memory_space<hbm>>
      tpu.wait_dma2 semaphore(%run_scoped3A : memref<!tpu.dma_semaphore, #tpu.memory_space<semaphore_mem>>) src(%dma_wait3A_175 : memref<32x64xi32, #tpu.memory_space<hbm>>) dst(%arg6 : memref<32x64xi32, #tpu.memory_space<vmem>>)
      tpu.yield
    }) : () -> ()
    "tpu.region"() ({
      %run_scoped3A = tpu.sem_alloc : memref<!tpu.dma_semaphore, #tpu.memory_space<semaphore_mem>>
      %dma_start3A_169 = arith.constant 0 : i32
      %dma_start3A_170 = tpu.memref_slice %arg4[%add3A_109, %dma_start3A_169] : memref<5152x64xi32, #tpu.memory_space<hbm>> -> memref<32x64xi32, #tpu.memory_space<hbm>>
      %dma_start3A_171 = arith.constant 0 : i32
      %dma_start3A_172 = tpu.memref_slice %arg4[%add3A_109, %dma_start3A_171] : memref<5152x64xi32, #tpu.memory_space<hbm>> -> memref<32x64xi32, #tpu.memory_space<hbm>>
      tpu.enqueue_dma source(%dma_start3A_172 : memref<32x64xi32, #tpu.memory_space<hbm>>) target(%arg7 : memref<32x64xi32, #tpu.memory_space<vmem>>) target_semaphore(%run_scoped3A : memref<!tpu.dma_semaphore, #tpu.memory_space<semaphore_mem>>)
      %dma_wait3A = arith.constant 0 : i32
      %dma_wait3A_173 = tpu.memref_slice %arg4[%add3A_109, %dma_wait3A] : memref<5152x64xi32, #tpu.memory_space<hbm>> -> memref<32x64xi32, #tpu.memory_space<hbm>>
      %dma_wait3A_174 = arith.constant 0 : i32
      %dma_wait3A_175 = tpu.memref_slice %arg4[%add3A_109, %dma_wait3A_174] : memref<5152x64xi32, #tpu.memory_space<hbm>> -> memref<32x64xi32, #tpu.memory_space<hbm>>
      tpu.wait_dma2 semaphore(%run_scoped3A : memref<!tpu.dma_semaphore, #tpu.memory_space<semaphore_mem>>) src(%dma_wait3A_175 : memref<32x64xi32, #tpu.memory_space<hbm>>) dst(%arg7 : memref<32x64xi32, #tpu.memory_space<vmem>>)
      tpu.yield
    }) : () -> ()
    %dma_start3A_110 = arith.constant 0 : i32
    %dma_start3A_111 = arith.constant 0 : i32
    %dma_start3A_112 = tpu.memref_slice %arg6[%dma_start3A_110, %dma_start3A_111] : memref<32x64xi32, #tpu.memory_space<vmem>> -> memref<1x64xi32, #tpu.memory_space<vmem>>
    %dma_start3A_113 = tpu.memref_squeeze %dma_start3A_112 : memref<1x64xi32, #tpu.memory_space<vmem>> -> memref<64xi32, #tpu.memory_space<vmem>>
    %dma_start3A_114 = arith.constant 0 : i32
    %dma_start3A_115 = arith.constant 0 : i32
    %dma_start3A_116 = tpu.memref_slice %arg2[%dma_start3A_114, %dma_start3A_115] : memref<10000x128xf32, #tpu.memory_space<hbm>> -> memref<10000x128xf32, #tpu.memory_space<hbm>>
    tpu.enqueue_indirect_dma source(%dma_start3A_116 : memref<10000x128xf32, #tpu.memory_space<hbm>>) target(%arg8 : memref<64x128xf32, #tpu.memory_space<vmem>>) offsets(%dma_start3A_113 : memref<64xi32, #tpu.memory_space<vmem>>) semaphore(%arg13 : memref<!tpu.dma_semaphore, #tpu.memory_space<semaphore_mem>>)
    %dma_start3A_117 = arith.constant 1 : i32
    %dma_start3A_118 = arith.constant 0 : i32
    %dma_start3A_119 = tpu.memref_slice %arg6[%dma_start3A_117, %dma_start3A_118] : memref<32x64xi32, #tpu.memory_space<vmem>> -> memref<1x64xi32, #tpu.memory_space<vmem>>
    %dma_start3A_120 = tpu.memref_squeeze %dma_start3A_119 : memref<1x64xi32, #tpu.memory_space<vmem>> -> memref<64xi32, #tpu.memory_space<vmem>>
    %dma_start3A_121 = arith.constant 0 : i32
    %dma_start3A_122 = arith.constant 0 : i32
    %dma_start3A_123 = tpu.memref_slice %arg2[%dma_start3A_121, %dma_start3A_122] : memref<10000x128xf32, #tpu.memory_space<hbm>> -> memref<10000x128xf32, #tpu.memory_space<hbm>>
    tpu.enqueue_indirect_dma source(%dma_start3A_123 : memref<10000x128xf32, #tpu.memory_space<hbm>>) target(%arg9 : memref<64x128xf32, #tpu.memory_space<vmem>>) offsets(%dma_start3A_120 : memref<64xi32, #tpu.memory_space<vmem>>) semaphore(%arg14 : memref<!tpu.dma_semaphore, #tpu.memory_space<semaphore_mem>>)
    %dma_start3A_124 = arith.constant 2 : i32
    %dma_start3A_125 = arith.constant 0 : i32
    %dma_start3A_126 = tpu.memref_slice %arg6[%dma_start3A_124, %dma_start3A_125] : memref<32x64xi32, #tpu.memory_space<vmem>> -> memref<1x64xi32, #tpu.memory_space<vmem>>
    %dma_start3A_127 = tpu.memref_squeeze %dma_start3A_126 : memref<1x64xi32, #tpu.memory_space<vmem>> -> memref<64xi32, #tpu.memory_space<vmem>>
    %dma_start3A_128 = arith.constant 0 : i32
    %dma_start3A_129 = arith.constant 0 : i32
    %dma_start3A_130 = tpu.memref_slice %arg2[%dma_start3A_128, %dma_start3A_129] : memref<10000x128xf32, #tpu.memory_space<hbm>> -> memref<10000x128xf32, #tpu.memory_space<hbm>>
    tpu.enqueue_indirect_dma source(%dma_start3A_130 : memref<10000x128xf32, #tpu.memory_space<hbm>>) target(%arg10 : memref<64x128xf32, #tpu.memory_space<vmem>>) offsets(%dma_start3A_127 : memref<64xi32, #tpu.memory_space<vmem>>) semaphore(%arg15 : memref<!tpu.dma_semaphore, #tpu.memory_space<semaphore_mem>>)
    %scan3A_131 = arith.constant 0 : i32
    %scan3A_132 = arith.constant 0 : i32
    %scan3A_133 = arith.constant 8 : i32
    %scan3A_134 = arith.addi %scan3A_132, %scan3A_133 : i32
    %scan3A_135 = arith.constant 1 : i32
    scf.for %scan3A_169 = %scan3A_132 to %scan3A_134 step %scan3A_135  : i32 {
      %mul3A_170 = arith.constant 4 : i32
      %mul3A_171 = arith.muli %scan3A_169, %mul3A_170 : i32
      %add3A_172 = arith.constant 0 : i32
      %add3A_173 = arith.addi %mul3A_171, %add3A_172 : i32
      %add3A_174 = arith.constant 3 : i32
      %add3A_175 = arith.addi %add3A_173, %add3A_174 : i32
      %lt3A = arith.constant 32 : i32
      %lt3A_176 = arith.cmpi slt, %add3A_175, %lt3A : i32
      %convert_element_type3A = arith.extui %lt3A_176 : i1 to i32
      %cond3A = arith.constant 0 : i32
      %cond3A_177 = arith.cmpi ne, %convert_element_type3A, %cond3A : i32
      scf.if %cond3A_177 {
        %add3A_244 = arith.constant 0 : i32
        %add3A_245 = arith.addi %mul3A_171, %add3A_244 : i32
        %add3A_246 = arith.constant 3 : i32
        %add3A_247 = arith.addi %add3A_245, %add3A_246 : i32
        %dma_start3A_248 = arith.constant 0 : i32
        %dma_start3A_249 = tpu.memref_slice %arg6[%add3A_247, %dma_start3A_248] : memref<32x64xi32, #tpu.memory_space<vmem>> -> memref<1x64xi32, #tpu.memory_space<vmem>>
        %dma_start3A_250 = tpu.memref_squeeze %dma_start3A_249 : memref<1x64xi32, #tpu.memory_space<vmem>> -> memref<64xi32, #tpu.memory_space<vmem>>
        %dma_start3A_251 = arith.constant 0 : i32
        %dma_start3A_252 = arith.constant 0 : i32
        %dma_start3A_253 = tpu.memref_slice %arg2[%dma_start3A_251, %dma_start3A_252] : memref<10000x128xf32, #tpu.memory_space<hbm>> -> memref<10000x128xf32, #tpu.memory_space<hbm>>
        tpu.enqueue_indirect_dma source(%dma_start3A_253 : memref<10000x128xf32, #tpu.memory_space<hbm>>) target(%arg11 : memref<64x128xf32, #tpu.memory_space<vmem>>) offsets(%dma_start3A_250 : memref<64xi32, #tpu.memory_space<vmem>>) semaphore(%arg16 : memref<!tpu.dma_semaphore, #tpu.memory_space<semaphore_mem>>)
      } else {
      }
      %add3A_178 = arith.constant 0 : i32
      %add3A_179 = arith.addi %mul3A_171, %add3A_178 : i32
      %dma_wait3A = arith.constant 0 : i32
      %dma_wait3A_180 = tpu.memref_slice %arg6[%add3A_179, %dma_wait3A] : memref<32x64xi32, #tpu.memory_space<vmem>> -> memref<1x64xi32, #tpu.memory_space<vmem>>
      %dma_wait3A_181 = tpu.memref_squeeze %dma_wait3A_180 : memref<1x64xi32, #tpu.memory_space<vmem>> -> memref<64xi32, #tpu.memory_space<vmem>>
      %dma_wait3A_182 = arith.constant 0 : i32
      %dma_wait3A_183 = arith.constant 0 : i32
      %dma_wait3A_184 = tpu.memref_slice %arg2[%dma_wait3A_182, %dma_wait3A_183] : memref<10000x128xf32, #tpu.memory_space<hbm>> -> memref<10000x128xf32, #tpu.memory_space<hbm>>
      tpu.wait_indirect_dma semaphore(%arg13 : memref<!tpu.dma_semaphore, #tpu.memory_space<semaphore_mem>>) src(%dma_wait3A_184 : memref<10000x128xf32, #tpu.memory_space<hbm>>) dst(%arg8 : memref<64x128xf32, #tpu.memory_space<vmem>>)
      %add3A_185 = arith.constant 0 : i32
      %add3A_186 = arith.addi %mul3A_171, %add3A_185 : i32
      "tpu.region"() ({
        %run_scoped3A = tpu.sem_alloc : memref<!tpu.dma_semaphore, #tpu.memory_space<semaphore_mem>>
        %dma_start3A_244 = arith.constant 0 : i32
        %dma_start3A_245 = tpu.memref_slice %arg7[%add3A_186, %dma_start3A_244] : memref<32x64xi32, #tpu.memory_space<vmem>> -> memref<1x64xi32, #tpu.memory_space<vmem>>
        %dma_start3A_246 = tpu.memref_squeeze %dma_start3A_245 : memref<1x64xi32, #tpu.memory_space<vmem>> -> memref<64xi32, #tpu.memory_space<vmem>>
        %dma_start3A_247 = arith.constant 0 : i32
        %dma_start3A_248 = arith.constant 0 : i32
        %dma_start3A_249 = tpu.memref_slice %arg12[%dma_start3A_247, %dma_start3A_248] : memref<10240x128xf32, #tpu.memory_space<vmem_shared>> -> memref<10240x128xf32, #tpu.memory_space<vmem_shared>>
        tpu.enqueue_indirect_dma source(%arg8 : memref<64x128xf32, #tpu.memory_space<vmem>>) target(%dma_start3A_249 : memref<10240x128xf32, #tpu.memory_space<vmem_shared>>) offsets(%dma_start3A_246 : memref<64xi32, #tpu.memory_space<vmem>>) semaphore(%run_scoped3A : memref<!tpu.dma_semaphore, #tpu.memory_space<semaphore_mem>>) {add = true}
        %dma_wait3A_250 = arith.constant 0 : i32
        %dma_wait3A_251 = tpu.memref_slice %arg7[%add3A_186, %dma_wait3A_250] : memref<32x64xi32, #tpu.memory_space<vmem>> -> memref<1x64xi32, #tpu.memory_space<vmem>>
        %dma_wait3A_252 = tpu.memref_squeeze %dma_wait3A_251 : memref<1x64xi32, #tpu.memory_space<vmem>> -> memref<64xi32, #tpu.memory_space<vmem>>
        %dma_wait3A_253 = arith.constant 0 : i32
        %dma_wait3A_254 = arith.constant 0 : i32
        %dma_wait3A_255 = tpu.memref_slice %arg12[%dma_wait3A_253, %dma_wait3A_254] : memref<10240x128xf32, #tpu.memory_space<vmem_shared>> -> memref<10240x128xf32, #tpu.memory_space<vmem_shared>>
        tpu.wait_indirect_dma semaphore(%run_scoped3A : memref<!tpu.dma_semaphore, #tpu.memory_space<semaphore_mem>>) src(%arg8 : memref<64x128xf32, #tpu.memory_space<vmem>>) dst(%dma_wait3A_255 : memref<10240x128xf32, #tpu.memory_space<vmem_shared>>)
        tpu.yield
      }) : () -> ()
      %add3A_187 = arith.constant 1 : i32
      %add3A_188 = arith.addi %mul3A_171, %add3A_187 : i32
      %add3A_189 = arith.constant 3 : i32
      %add3A_190 = arith.addi %add3A_188, %add3A_189 : i32
      %lt3A_191 = arith.constant 32 : i32
      %lt3A_192 = arith.cmpi slt, %add3A_190, %lt3A_191 : i32
      %convert_element_type3A_193 = arith.extui %lt3A_192 : i1 to i32
      %cond3A_194 = arith.constant 0 : i32
      %cond3A_195 = arith.cmpi ne, %convert_element_type3A_193, %cond3A_194 : i32
      scf.if %cond3A_195 {
        %add3A_244 = arith.constant 1 : i32
        %add3A_245 = arith.addi %mul3A_171, %add3A_244 : i32
        %add3A_246 = arith.constant 3 : i32
        %add3A_247 = arith.addi %add3A_245, %add3A_246 : i32
        %dma_start3A_248 = arith.constant 0 : i32
        %dma_start3A_249 = tpu.memref_slice %arg6[%add3A_247, %dma_start3A_248] : memref<32x64xi32, #tpu.memory_space<vmem>> -> memref<1x64xi32, #tpu.memory_space<vmem>>
        %dma_start3A_250 = tpu.memref_squeeze %dma_start3A_249 : memref<1x64xi32, #tpu.memory_space<vmem>> -> memref<64xi32, #tpu.memory_space<vmem>>
        %dma_start3A_251 = arith.constant 0 : i32
        %dma_start3A_252 = arith.constant 0 : i32
        %dma_start3A_253 = tpu.memref_slice %arg2[%dma_start3A_251, %dma_start3A_252] : memref<10000x128xf32, #tpu.memory_space<hbm>> -> memref<10000x128xf32, #tpu.memory_space<hbm>>
        tpu.enqueue_indirect_dma source(%dma_start3A_253 : memref<10000x128xf32, #tpu.memory_space<hbm>>) target(%arg8 : memref<64x128xf32, #tpu.memory_space<vmem>>) offsets(%dma_start3A_250 : memref<64xi32, #tpu.memory_space<vmem>>) semaphore(%arg13 : memref<!tpu.dma_semaphore, #tpu.memory_space<semaphore_mem>>)
      } else {
      }
      %add3A_196 = arith.constant 1 : i32
      %add3A_197 = arith.addi %mul3A_171, %add3A_196 : i32
      %dma_wait3A_198 = arith.constant 0 : i32
      %dma_wait3A_199 = tpu.memref_slice %arg6[%add3A_197, %dma_wait3A_198] : memref<32x64xi32, #tpu.memory_space<vmem>> -> memref<1x64xi32, #tpu.memory_space<vmem>>
      %dma_wait3A_200 = tpu.memref_squeeze %dma_wait3A_199 : memref<1x64xi32, #tpu.memory_space<vmem>> -> memref<64xi32, #tpu.memory_space<vmem>>
      %dma_wait3A_201 = arith.constant 0 : i32
      %dma_wait3A_202 = arith.constant 0 : i32
      %dma_wait3A_203 = tpu.memref_slice %arg2[%dma_wait3A_201, %dma_wait3A_202] : memref<10000x128xf32, #tpu.memory_space<hbm>> -> memref<10000x128xf32, #tpu.memory_space<hbm>>
      tpu.wait_indirect_dma semaphore(%arg14 : memref<!tpu.dma_semaphore, #tpu.memory_space<semaphore_mem>>) src(%dma_wait3A_203 : memref<10000x128xf32, #tpu.memory_space<hbm>>) dst(%arg9 : memref<64x128xf32, #tpu.memory_space<vmem>>)
      %add3A_204 = arith.constant 1 : i32
      %add3A_205 = arith.addi %mul3A_171, %add3A_204 : i32
      "tpu.region"() ({
        %run_scoped3A = tpu.sem_alloc : memref<!tpu.dma_semaphore, #tpu.memory_space<semaphore_mem>>
        %dma_start3A_244 = arith.constant 0 : i32
        %dma_start3A_245 = tpu.memref_slice %arg7[%add3A_205, %dma_start3A_244] : memref<32x64xi32, #tpu.memory_space<vmem>> -> memref<1x64xi32, #tpu.memory_space<vmem>>
        %dma_start3A_246 = tpu.memref_squeeze %dma_start3A_245 : memref<1x64xi32, #tpu.memory_space<vmem>> -> memref<64xi32, #tpu.memory_space<vmem>>
        %dma_start3A_247 = arith.constant 0 : i32
        %dma_start3A_248 = arith.constant 0 : i32
        %dma_start3A_249 = tpu.memref_slice %arg12[%dma_start3A_247, %dma_start3A_248] : memref<10240x128xf32, #tpu.memory_space<vmem_shared>> -> memref<10240x128xf32, #tpu.memory_space<vmem_shared>>
        tpu.enqueue_indirect_dma source(%arg9 : memref<64x128xf32, #tpu.memory_space<vmem>>) target(%dma_start3A_249 : memref<10240x128xf32, #tpu.memory_space<vmem_shared>>) offsets(%dma_start3A_246 : memref<64xi32, #tpu.memory_space<vmem>>) semaphore(%run_scoped3A : memref<!tpu.dma_semaphore, #tpu.memory_space<semaphore_mem>>) {add = true}
        %dma_wait3A_250 = arith.constant 0 : i32
        %dma_wait3A_251 = tpu.memref_slice %arg7[%add3A_205, %dma_wait3A_250] : memref<32x64xi32, #tpu.memory_space<vmem>> -> memref<1x64xi32, #tpu.memory_space<vmem>>
        %dma_wait3A_252 = tpu.memref_squeeze %dma_wait3A_251 : memref<1x64xi32, #tpu.memory_space<vmem>> -> memref<64xi32, #tpu.memory_space<vmem>>
        %dma_wait3A_253 = arith.constant 0 : i32
        %dma_wait3A_254 = arith.constant 0 : i32
        %dma_wait3A_255 = tpu.memref_slice %arg12[%dma_wait3A_253, %dma_wait3A_254] : memref<10240x128xf32, #tpu.memory_space<vmem_shared>> -> memref<10240x128xf32, #tpu.memory_space<vmem_shared>>
        tpu.wait_indirect_dma semaphore(%run_scoped3A : memref<!tpu.dma_semaphore, #tpu.memory_space<semaphore_mem>>) src(%arg9 : memref<64x128xf32, #tpu.memory_space<vmem>>) dst(%dma_wait3A_255 : memref<10240x128xf32, #tpu.memory_space<vmem_shared>>)
        tpu.yield
      }) : () -> ()
      %add3A_206 = arith.constant 2 : i32
      %add3A_207 = arith.addi %mul3A_171, %add3A_206 : i32
      %add3A_208 = arith.constant 3 : i32
      %add3A_209 = arith.addi %add3A_207, %add3A_208 : i32
      %lt3A_210 = arith.constant 32 : i32
      %lt3A_211 = arith.cmpi slt, %add3A_209, %lt3A_210 : i32
      %convert_element_type3A_212 = arith.extui %lt3A_211 : i1 to i32
      %cond3A_213 = arith.constant 0 : i32
      %cond3A_214 = arith.cmpi ne, %convert_element_type3A_212, %cond3A_213 : i32
      scf.if %cond3A_214 {
        %add3A_244 = arith.constant 2 : i32
        %add3A_245 = arith.addi %mul3A_171, %add3A_244 : i32
        %add3A_246 = arith.constant 3 : i32
        %add3A_247 = arith.addi %add3A_245, %add3A_246 : i32
        %dma_start3A_248 = arith.constant 0 : i32
        %dma_start3A_249 = tpu.memref_slice %arg6[%add3A_247, %dma_start3A_248] : memref<32x64xi32, #tpu.memory_space<vmem>> -> memref<1x64xi32, #tpu.memory_space<vmem>>
        %dma_start3A_250 = tpu.memref_squeeze %dma_start3A_249 : memref<1x64xi32, #tpu.memory_space<vmem>> -> memref<64xi32, #tpu.memory_space<vmem>>
        %dma_start3A_251 = arith.constant 0 : i32
        %dma_start3A_252 = arith.constant 0 : i32
        %dma_start3A_253 = tpu.memref_slice %arg2[%dma_start3A_251, %dma_start3A_252] : memref<10000x128xf32, #tpu.memory_space<hbm>> -> memref<10000x128xf32, #tpu.memory_space<hbm>>
        tpu.enqueue_indirect_dma source(%dma_start3A_253 : memref<10000x128xf32, #tpu.memory_space<hbm>>) target(%arg9 : memref<64x128xf32, #tpu.memory_space<vmem>>) offsets(%dma_start3A_250 : memref<64xi32, #tpu.memory_space<vmem>>) semaphore(%arg14 : memref<!tpu.dma_semaphore, #tpu.memory_space<semaphore_mem>>)
      } else {
      }
      %add3A_215 = arith.constant 2 : i32
      %add3A_216 = arith.addi %mul3A_171, %add3A_215 : i32
      %dma_wait3A_217 = arith.constant 0 : i32
      %dma_wait3A_218 = tpu.memref_slice %arg6[%add3A_216, %dma_wait3A_217] : memref<32x64xi32, #tpu.memory_space<vmem>> -> memref<1x64xi32, #tpu.memory_space<vmem>>
      %dma_wait3A_219 = tpu.memref_squeeze %dma_wait3A_218 : memref<1x64xi32, #tpu.memory_space<vmem>> -> memref<64xi32, #tpu.memory_space<vmem>>
      %dma_wait3A_220 = arith.constant 0 : i32
      %dma_wait3A_221 = arith.constant 0 : i32
      %dma_wait3A_222 = tpu.memref_slice %arg2[%dma_wait3A_220, %dma_wait3A_221] : memref<10000x128xf32, #tpu.memory_space<hbm>> -> memref<10000x128xf32, #tpu.memory_space<hbm>>
      tpu.wait_indirect_dma semaphore(%arg15 : memref<!tpu.dma_semaphore, #tpu.memory_space<semaphore_mem>>) src(%dma_wait3A_222 : memref<10000x128xf32, #tpu.memory_space<hbm>>) dst(%arg10 : memref<64x128xf32, #tpu.memory_space<vmem>>)
      %add3A_223 = arith.constant 2 : i32
      %add3A_224 = arith.addi %mul3A_171, %add3A_223 : i32
      "tpu.region"() ({
        %run_scoped3A = tpu.sem_alloc : memref<!tpu.dma_semaphore, #tpu.memory_space<semaphore_mem>>
        %dma_start3A_244 = arith.constant 0 : i32
        %dma_start3A_245 = tpu.memref_slice %arg7[%add3A_224, %dma_start3A_244] : memref<32x64xi32, #tpu.memory_space<vmem>> -> memref<1x64xi32, #tpu.memory_space<vmem>>
        %dma_start3A_246 = tpu.memref_squeeze %dma_start3A_245 : memref<1x64xi32, #tpu.memory_space<vmem>> -> memref<64xi32, #tpu.memory_space<vmem>>
        %dma_start3A_247 = arith.constant 0 : i32
        %dma_start3A_248 = arith.constant 0 : i32
        %dma_start3A_249 = tpu.memref_slice %arg12[%dma_start3A_247, %dma_start3A_248] : memref<10240x128xf32, #tpu.memory_space<vmem_shared>> -> memref<10240x128xf32, #tpu.memory_space<vmem_shared>>
        tpu.enqueue_indirect_dma source(%arg10 : memref<64x128xf32, #tpu.memory_space<vmem>>) target(%dma_start3A_249 : memref<10240x128xf32, #tpu.memory_space<vmem_shared>>) offsets(%dma_start3A_246 : memref<64xi32, #tpu.memory_space<vmem>>) semaphore(%run_scoped3A : memref<!tpu.dma_semaphore, #tpu.memory_space<semaphore_mem>>) {add = true}
        %dma_wait3A_250 = arith.constant 0 : i32
        %dma_wait3A_251 = tpu.memref_slice %arg7[%add3A_224, %dma_wait3A_250] : memref<32x64xi32, #tpu.memory_space<vmem>> -> memref<1x64xi32, #tpu.memory_space<vmem>>
        %dma_wait3A_252 = tpu.memref_squeeze %dma_wait3A_251 : memref<1x64xi32, #tpu.memory_space<vmem>> -> memref<64xi32, #tpu.memory_space<vmem>>
        %dma_wait3A_253 = arith.constant 0 : i32
        %dma_wait3A_254 = arith.constant 0 : i32
        %dma_wait3A_255 = tpu.memref_slice %arg12[%dma_wait3A_253, %dma_wait3A_254] : memref<10240x128xf32, #tpu.memory_space<vmem_shared>> -> memref<10240x128xf32, #tpu.memory_space<vmem_shared>>
        tpu.wait_indirect_dma semaphore(%run_scoped3A : memref<!tpu.dma_semaphore, #tpu.memory_space<semaphore_mem>>) src(%arg10 : memref<64x128xf32, #tpu.memory_space<vmem>>) dst(%dma_wait3A_255 : memref<10240x128xf32, #tpu.memory_space<vmem_shared>>)
        tpu.yield
      }) : () -> ()
      %add3A_225 = arith.constant 3 : i32
      %add3A_226 = arith.addi %mul3A_171, %add3A_225 : i32
      %add3A_227 = arith.constant 3 : i32
      %add3A_228 = arith.addi %add3A_226, %add3A_227 : i32
      %lt3A_229 = arith.constant 32 : i32
      %lt3A_230 = arith.cmpi slt, %add3A_228, %lt3A_229 : i32
      %convert_element_type3A_231 = arith.extui %lt3A_230 : i1 to i32
      %cond3A_232 = arith.constant 0 : i32
      %cond3A_233 = arith.cmpi ne, %convert_element_type3A_231, %cond3A_232 : i32
      scf.if %cond3A_233 {
        %add3A_244 = arith.constant 3 : i32
        %add3A_245 = arith.addi %mul3A_171, %add3A_244 : i32
        %add3A_246 = arith.constant 3 : i32
        %add3A_247 = arith.addi %add3A_245, %add3A_246 : i32
        %dma_start3A_248 = arith.constant 0 : i32
        %dma_start3A_249 = tpu.memref_slice %arg6[%add3A_247, %dma_start3A_248] : memref<32x64xi32, #tpu.memory_space<vmem>> -> memref<1x64xi32, #tpu.memory_space<vmem>>
        %dma_start3A_250 = tpu.memref_squeeze %dma_start3A_249 : memref<1x64xi32, #tpu.memory_space<vmem>> -> memref<64xi32, #tpu.memory_space<vmem>>
        %dma_start3A_251 = arith.constant 0 : i32
        %dma_start3A_252 = arith.constant 0 : i32
        %dma_start3A_253 = tpu.memref_slice %arg2[%dma_start3A_251, %dma_start3A_252] : memref<10000x128xf32, #tpu.memory_space<hbm>> -> memref<10000x128xf32, #tpu.memory_space<hbm>>
        tpu.enqueue_indirect_dma source(%dma_start3A_253 : memref<10000x128xf32, #tpu.memory_space<hbm>>) target(%arg10 : memref<64x128xf32, #tpu.memory_space<vmem>>) offsets(%dma_start3A_250 : memref<64xi32, #tpu.memory_space<vmem>>) semaphore(%arg15 : memref<!tpu.dma_semaphore, #tpu.memory_space<semaphore_mem>>)
      } else {
      }
      %add3A_234 = arith.constant 3 : i32
      %add3A_235 = arith.addi %mul3A_171, %add3A_234 : i32
      %dma_wait3A_236 = arith.constant 0 : i32
      %dma_wait3A_237 = tpu.memref_slice %arg6[%add3A_235, %dma_wait3A_236] : memref<32x64xi32, #tpu.memory_space<vmem>> -> memref<1x64xi32, #tpu.memory_space<vmem>>
      %dma_wait3A_238 = tpu.memref_squeeze %dma_wait3A_237 : memref<1x64xi32, #tpu.memory_space<vmem>> -> memref<64xi32, #tpu.memory_space<vmem>>
      %dma_wait3A_239 = arith.constant 0 : i32
      %dma_wait3A_240 = arith.constant 0 : i32
      %dma_wait3A_241 = tpu.memref_slice %arg2[%dma_wait3A_239, %dma_wait3A_240] : memref<10000x128xf32, #tpu.memory_space<hbm>> -> memref<10000x128xf32, #tpu.memory_space<hbm>>
      tpu.wait_indirect_dma semaphore(%arg16 : memref<!tpu.dma_semaphore, #tpu.memory_space<semaphore_mem>>) src(%dma_wait3A_241 : memref<10000x128xf32, #tpu.memory_space<hbm>>) dst(%arg11 : memref<64x128xf32, #tpu.memory_space<vmem>>)
      %add3A_242 = arith.constant 3 : i32
      %add3A_243 = arith.addi %mul3A_171, %add3A_242 : i32
      "tpu.region"() ({
        %run_scoped3A = tpu.sem_alloc : memref<!tpu.dma_semaphore, #tpu.memory_space<semaphore_mem>>
        %dma_start3A_244 = arith.constant 0 : i32
        %dma_start3A_245 = tpu.memref_slice %arg7[%add3A_243, %dma_start3A_244] : memref<32x64xi32, #tpu.memory_space<vmem>> -> memref<1x64xi32, #tpu.memory_space<vmem>>
        %dma_start3A_246 = tpu.memref_squeeze %dma_start3A_245 : memref<1x64xi32, #tpu.memory_space<vmem>> -> memref<64xi32, #tpu.memory_space<vmem>>
        %dma_start3A_247 = arith.constant 0 : i32
        %dma_start3A_248 = arith.constant 0 : i32
        %dma_start3A_249 = tpu.memref_slice %arg12[%dma_start3A_247, %dma_start3A_248] : memref<10240x128xf32, #tpu.memory_space<vmem_shared>> -> memref<10240x128xf32, #tpu.memory_space<vmem_shared>>
        tpu.enqueue_indirect_dma source(%arg11 : memref<64x128xf32, #tpu.memory_space<vmem>>) target(%dma_start3A_249 : memref<10240x128xf32, #tpu.memory_space<vmem_shared>>) offsets(%dma_start3A_246 : memref<64xi32, #tpu.memory_space<vmem>>) semaphore(%run_scoped3A : memref<!tpu.dma_semaphore, #tpu.memory_space<semaphore_mem>>) {add = true}
        %dma_wait3A_250 = arith.constant 0 : i32
        %dma_wait3A_251 = tpu.memref_slice %arg7[%add3A_243, %dma_wait3A_250] : memref<32x64xi32, #tpu.memory_space<vmem>> -> memref<1x64xi32, #tpu.memory_space<vmem>>
        %dma_wait3A_252 = tpu.memref_squeeze %dma_wait3A_251 : memref<1x64xi32, #tpu.memory_space<vmem>> -> memref<64xi32, #tpu.memory_space<vmem>>
        %dma_wait3A_253 = arith.constant 0 : i32
        %dma_wait3A_254 = arith.constant 0 : i32
        %dma_wait3A_255 = tpu.memref_slice %arg12[%dma_wait3A_253, %dma_wait3A_254] : memref<10240x128xf32, #tpu.memory_space<vmem_shared>> -> memref<10240x128xf32, #tpu.memory_space<vmem_shared>>
        tpu.wait_indirect_dma semaphore(%run_scoped3A : memref<!tpu.dma_semaphore, #tpu.memory_space<semaphore_mem>>) src(%arg11 : memref<64x128xf32, #tpu.memory_space<vmem>>) dst(%dma_wait3A_255 : memref<10240x128xf32, #tpu.memory_space<vmem_shared>>)
        tpu.yield
      }) : () -> ()
    }
    %scan3A_136 = arith.constant 8 : i32
    %mul3A_137 = arith.constant 160 : i32
    %mul3A_138 = arith.muli %add3A, %mul3A_137 : i32
    %add3A_139 = arith.constant 128 : i32
    %add3A_140 = arith.addi %mul3A_138, %add3A_139 : i32
    "tpu.region"() ({
      %run_scoped3A = tpu.sem_alloc : memref<!tpu.dma_semaphore, #tpu.memory_space<semaphore_mem>>
      %dma_start3A_169 = arith.constant 0 : i32
      %dma_start3A_170 = tpu.memref_slice %arg3[%add3A_140, %dma_start3A_169] : memref<5152x64xi32, #tpu.memory_space<hbm>> -> memref<32x64xi32, #tpu.memory_space<hbm>>
      %dma_start3A_171 = arith.constant 0 : i32
      %dma_start3A_172 = tpu.memref_slice %arg3[%add3A_140, %dma_start3A_171] : memref<5152x64xi32, #tpu.memory_space<hbm>> -> memref<32x64xi32, #tpu.memory_space<hbm>>
      tpu.enqueue_dma source(%dma_start3A_172 : memref<32x64xi32, #tpu.memory_space<hbm>>) target(%arg6 : memref<32x64xi32, #tpu.memory_space<vmem>>) target_semaphore(%run_scoped3A : memref<!tpu.dma_semaphore, #tpu.memory_space<semaphore_mem>>)
      %dma_wait3A = arith.constant 0 : i32
      %dma_wait3A_173 = tpu.memref_slice %arg3[%add3A_140, %dma_wait3A] : memref<5152x64xi32, #tpu.memory_space<hbm>> -> memref<32x64xi32, #tpu.memory_space<hbm>>
      %dma_wait3A_174 = arith.constant 0 : i32
      %dma_wait3A_175 = tpu.memref_slice %arg3[%add3A_140, %dma_wait3A_174] : memref<5152x64xi32, #tpu.memory_space<hbm>> -> memref<32x64xi32, #tpu.memory_space<hbm>>
      tpu.wait_dma2 semaphore(%run_scoped3A : memref<!tpu.dma_semaphore, #tpu.memory_space<semaphore_mem>>) src(%dma_wait3A_175 : memref<32x64xi32, #tpu.memory_space<hbm>>) dst(%arg6 : memref<32x64xi32, #tpu.memory_space<vmem>>)
      tpu.yield
    }) : () -> ()
    "tpu.region"() ({
      %run_scoped3A = tpu.sem_alloc : memref<!tpu.dma_semaphore, #tpu.memory_space<semaphore_mem>>
      %dma_start3A_169 = arith.constant 0 : i32
      %dma_start3A_170 = tpu.memref_slice %arg4[%add3A_140, %dma_start3A_169] : memref<5152x64xi32, #tpu.memory_space<hbm>> -> memref<32x64xi32, #tpu.memory_space<hbm>>
      %dma_start3A_171 = arith.constant 0 : i32
      %dma_start3A_172 = tpu.memref_slice %arg4[%add3A_140, %dma_start3A_171] : memref<5152x64xi32, #tpu.memory_space<hbm>> -> memref<32x64xi32, #tpu.memory_space<hbm>>
      tpu.enqueue_dma source(%dma_start3A_172 : memref<32x64xi32, #tpu.memory_space<hbm>>) target(%arg7 : memref<32x64xi32, #tpu.memory_space<vmem>>) target_semaphore(%run_scoped3A : memref<!tpu.dma_semaphore, #tpu.memory_space<semaphore_mem>>)
      %dma_wait3A = arith.constant 0 : i32
      %dma_wait3A_173 = tpu.memref_slice %arg4[%add3A_140, %dma_wait3A] : memref<5152x64xi32, #tpu.memory_space<hbm>> -> memref<32x64xi32, #tpu.memory_space<hbm>>
      %dma_wait3A_174 = arith.constant 0 : i32
      %dma_wait3A_175 = tpu.memref_slice %arg4[%add3A_140, %dma_wait3A_174] : memref<5152x64xi32, #tpu.memory_space<hbm>> -> memref<32x64xi32, #tpu.memory_space<hbm>>
      tpu.wait_dma2 semaphore(%run_scoped3A : memref<!tpu.dma_semaphore, #tpu.memory_space<semaphore_mem>>) src(%dma_wait3A_175 : memref<32x64xi32, #tpu.memory_space<hbm>>) dst(%arg7 : memref<32x64xi32, #tpu.memory_space<vmem>>)
      tpu.yield
    }) : () -> ()
    %dma_start3A_141 = arith.constant 0 : i32
    %dma_start3A_142 = arith.constant 0 : i32
    %dma_start3A_143 = tpu.memref_slice %arg6[%dma_start3A_141, %dma_start3A_142] : memref<32x64xi32, #tpu.memory_space<vmem>> -> memref<1x64xi32, #tpu.memory_space<vmem>>
    %dma_start3A_144 = tpu.memref_squeeze %dma_start3A_143 : memref<1x64xi32, #tpu.memory_space<vmem>> -> memref<64xi32, #tpu.memory_space<vmem>>
    %dma_start3A_145 = arith.constant 0 : i32
    %dma_start3A_146 = arith.constant 0 : i32
    %dma_start3A_147 = tpu.memref_slice %arg2[%dma_start3A_145, %dma_start3A_146] : memref<10000x128xf32, #tpu.memory_space<hbm>> -> memref<10000x128xf32, #tpu.memory_space<hbm>>
    tpu.enqueue_indirect_dma source(%dma_start3A_147 : memref<10000x128xf32, #tpu.memory_space<hbm>>) target(%arg8 : memref<64x128xf32, #tpu.memory_space<vmem>>) offsets(%dma_start3A_144 : memref<64xi32, #tpu.memory_space<vmem>>) semaphore(%arg13 : memref<!tpu.dma_semaphore, #tpu.memory_space<semaphore_mem>>)
    %dma_start3A_148 = arith.constant 1 : i32
    %dma_start3A_149 = arith.constant 0 : i32
    %dma_start3A_150 = tpu.memref_slice %arg6[%dma_start3A_148, %dma_start3A_149] : memref<32x64xi32, #tpu.memory_space<vmem>> -> memref<1x64xi32, #tpu.memory_space<vmem>>
    %dma_start3A_151 = tpu.memref_squeeze %dma_start3A_150 : memref<1x64xi32, #tpu.memory_space<vmem>> -> memref<64xi32, #tpu.memory_space<vmem>>
    %dma_start3A_152 = arith.constant 0 : i32
    %dma_start3A_153 = arith.constant 0 : i32
    %dma_start3A_154 = tpu.memref_slice %arg2[%dma_start3A_152, %dma_start3A_153] : memref<10000x128xf32, #tpu.memory_space<hbm>> -> memref<10000x128xf32, #tpu.memory_space<hbm>>
    tpu.enqueue_indirect_dma source(%dma_start3A_154 : memref<10000x128xf32, #tpu.memory_space<hbm>>) target(%arg9 : memref<64x128xf32, #tpu.memory_space<vmem>>) offsets(%dma_start3A_151 : memref<64xi32, #tpu.memory_space<vmem>>) semaphore(%arg14 : memref<!tpu.dma_semaphore, #tpu.memory_space<semaphore_mem>>)
    %dma_start3A_155 = arith.constant 2 : i32
    %dma_start3A_156 = arith.constant 0 : i32
    %dma_start3A_157 = tpu.memref_slice %arg6[%dma_start3A_155, %dma_start3A_156] : memref<32x64xi32, #tpu.memory_space<vmem>> -> memref<1x64xi32, #tpu.memory_space<vmem>>
    %dma_start3A_158 = tpu.memref_squeeze %dma_start3A_157 : memref<1x64xi32, #tpu.memory_space<vmem>> -> memref<64xi32, #tpu.memory_space<vmem>>
    %dma_start3A_159 = arith.constant 0 : i32
    %dma_start3A_160 = arith.constant 0 : i32
    %dma_start3A_161 = tpu.memref_slice %arg2[%dma_start3A_159, %dma_start3A_160] : memref<10000x128xf32, #tpu.memory_space<hbm>> -> memref<10000x128xf32, #tpu.memory_space<hbm>>
    tpu.enqueue_indirect_dma source(%dma_start3A_161 : memref<10000x128xf32, #tpu.memory_space<hbm>>) target(%arg10 : memref<64x128xf32, #tpu.memory_space<vmem>>) offsets(%dma_start3A_158 : memref<64xi32, #tpu.memory_space<vmem>>) semaphore(%arg15 : memref<!tpu.dma_semaphore, #tpu.memory_space<semaphore_mem>>)
    %scan3A_162 = arith.constant 0 : i32
    %scan3A_163 = arith.constant 0 : i32
    %scan3A_164 = arith.constant 8 : i32
    %scan3A_165 = arith.addi %scan3A_163, %scan3A_164 : i32
    %scan3A_166 = arith.constant 1 : i32
    scf.for %scan3A_169 = %scan3A_163 to %scan3A_165 step %scan3A_166  : i32 {
      %mul3A_170 = arith.constant 4 : i32
      %mul3A_171 = arith.muli %scan3A_169, %mul3A_170 : i32
      %add3A_172 = arith.constant 0 : i32
      %add3A_173 = arith.addi %mul3A_171, %add3A_172 : i32
      %add3A_174 = arith.constant 3 : i32
      %add3A_175 = arith.addi %add3A_173, %add3A_174 : i32
      %lt3A = arith.constant 32 : i32
      %lt3A_176 = arith.cmpi slt, %add3A_175, %lt3A : i32
      %convert_element_type3A = arith.extui %lt3A_176 : i1 to i32
      %cond3A = arith.constant 0 : i32
      %cond3A_177 = arith.cmpi ne, %convert_element_type3A, %cond3A : i32
      scf.if %cond3A_177 {
        %add3A_244 = arith.constant 0 : i32
        %add3A_245 = arith.addi %mul3A_171, %add3A_244 : i32
        %add3A_246 = arith.constant 3 : i32
        %add3A_247 = arith.addi %add3A_245, %add3A_246 : i32
        %dma_start3A_248 = arith.constant 0 : i32
        %dma_start3A_249 = tpu.memref_slice %arg6[%add3A_247, %dma_start3A_248] : memref<32x64xi32, #tpu.memory_space<vmem>> -> memref<1x64xi32, #tpu.memory_space<vmem>>
        %dma_start3A_250 = tpu.memref_squeeze %dma_start3A_249 : memref<1x64xi32, #tpu.memory_space<vmem>> -> memref<64xi32, #tpu.memory_space<vmem>>
        %dma_start3A_251 = arith.constant 0 : i32
        %dma_start3A_252 = arith.constant 0 : i32
        %dma_start3A_253 = tpu.memref_slice %arg2[%dma_start3A_251, %dma_start3A_252] : memref<10000x128xf32, #tpu.memory_space<hbm>> -> memref<10000x128xf32, #tpu.memory_space<hbm>>
        tpu.enqueue_indirect_dma source(%dma_start3A_253 : memref<10000x128xf32, #tpu.memory_space<hbm>>) target(%arg11 : memref<64x128xf32, #tpu.memory_space<vmem>>) offsets(%dma_start3A_250 : memref<64xi32, #tpu.memory_space<vmem>>) semaphore(%arg16 : memref<!tpu.dma_semaphore, #tpu.memory_space<semaphore_mem>>)
      } else {
      }
      %add3A_178 = arith.constant 0 : i32
      %add3A_179 = arith.addi %mul3A_171, %add3A_178 : i32
      %dma_wait3A = arith.constant 0 : i32
      %dma_wait3A_180 = tpu.memref_slice %arg6[%add3A_179, %dma_wait3A] : memref<32x64xi32, #tpu.memory_space<vmem>> -> memref<1x64xi32, #tpu.memory_space<vmem>>
      %dma_wait3A_181 = tpu.memref_squeeze %dma_wait3A_180 : memref<1x64xi32, #tpu.memory_space<vmem>> -> memref<64xi32, #tpu.memory_space<vmem>>
      %dma_wait3A_182 = arith.constant 0 : i32
      %dma_wait3A_183 = arith.constant 0 : i32
      %dma_wait3A_184 = tpu.memref_slice %arg2[%dma_wait3A_182, %dma_wait3A_183] : memref<10000x128xf32, #tpu.memory_space<hbm>> -> memref<10000x128xf32, #tpu.memory_space<hbm>>
      tpu.wait_indirect_dma semaphore(%arg13 : memref<!tpu.dma_semaphore, #tpu.memory_space<semaphore_mem>>) src(%dma_wait3A_184 : memref<10000x128xf32, #tpu.memory_space<hbm>>) dst(%arg8 : memref<64x128xf32, #tpu.memory_space<vmem>>)
      %add3A_185 = arith.constant 0 : i32
      %add3A_186 = arith.addi %mul3A_171, %add3A_185 : i32
      "tpu.region"() ({
        %run_scoped3A = tpu.sem_alloc : memref<!tpu.dma_semaphore, #tpu.memory_space<semaphore_mem>>
        %dma_start3A_244 = arith.constant 0 : i32
        %dma_start3A_245 = tpu.memref_slice %arg7[%add3A_186, %dma_start3A_244] : memref<32x64xi32, #tpu.memory_space<vmem>> -> memref<1x64xi32, #tpu.memory_space<vmem>>
        %dma_start3A_246 = tpu.memref_squeeze %dma_start3A_245 : memref<1x64xi32, #tpu.memory_space<vmem>> -> memref<64xi32, #tpu.memory_space<vmem>>
        %dma_start3A_247 = arith.constant 0 : i32
        %dma_start3A_248 = arith.constant 0 : i32
        %dma_start3A_249 = tpu.memref_slice %arg12[%dma_start3A_247, %dma_start3A_248] : memref<10240x128xf32, #tpu.memory_space<vmem_shared>> -> memref<10240x128xf32, #tpu.memory_space<vmem_shared>>
        tpu.enqueue_indirect_dma source(%arg8 : memref<64x128xf32, #tpu.memory_space<vmem>>) target(%dma_start3A_249 : memref<10240x128xf32, #tpu.memory_space<vmem_shared>>) offsets(%dma_start3A_246 : memref<64xi32, #tpu.memory_space<vmem>>) semaphore(%run_scoped3A : memref<!tpu.dma_semaphore, #tpu.memory_space<semaphore_mem>>) {add = true}
        %dma_wait3A_250 = arith.constant 0 : i32
        %dma_wait3A_251 = tpu.memref_slice %arg7[%add3A_186, %dma_wait3A_250] : memref<32x64xi32, #tpu.memory_space<vmem>> -> memref<1x64xi32, #tpu.memory_space<vmem>>
        %dma_wait3A_252 = tpu.memref_squeeze %dma_wait3A_251 : memref<1x64xi32, #tpu.memory_space<vmem>> -> memref<64xi32, #tpu.memory_space<vmem>>
        %dma_wait3A_253 = arith.constant 0 : i32
        %dma_wait3A_254 = arith.constant 0 : i32
        %dma_wait3A_255 = tpu.memref_slice %arg12[%dma_wait3A_253, %dma_wait3A_254] : memref<10240x128xf32, #tpu.memory_space<vmem_shared>> -> memref<10240x128xf32, #tpu.memory_space<vmem_shared>>
        tpu.wait_indirect_dma semaphore(%run_scoped3A : memref<!tpu.dma_semaphore, #tpu.memory_space<semaphore_mem>>) src(%arg8 : memref<64x128xf32, #tpu.memory_space<vmem>>) dst(%dma_wait3A_255 : memref<10240x128xf32, #tpu.memory_space<vmem_shared>>)
        tpu.yield
      }) : () -> ()
      %add3A_187 = arith.constant 1 : i32
      %add3A_188 = arith.addi %mul3A_171, %add3A_187 : i32
      %add3A_189 = arith.constant 3 : i32
      %add3A_190 = arith.addi %add3A_188, %add3A_189 : i32
      %lt3A_191 = arith.constant 32 : i32
      %lt3A_192 = arith.cmpi slt, %add3A_190, %lt3A_191 : i32
      %convert_element_type3A_193 = arith.extui %lt3A_192 : i1 to i32
      %cond3A_194 = arith.constant 0 : i32
      %cond3A_195 = arith.cmpi ne, %convert_element_type3A_193, %cond3A_194 : i32
      scf.if %cond3A_195 {
        %add3A_244 = arith.constant 1 : i32
        %add3A_245 = arith.addi %mul3A_171, %add3A_244 : i32
        %add3A_246 = arith.constant 3 : i32
        %add3A_247 = arith.addi %add3A_245, %add3A_246 : i32
        %dma_start3A_248 = arith.constant 0 : i32
        %dma_start3A_249 = tpu.memref_slice %arg6[%add3A_247, %dma_start3A_248] : memref<32x64xi32, #tpu.memory_space<vmem>> -> memref<1x64xi32, #tpu.memory_space<vmem>>
        %dma_start3A_250 = tpu.memref_squeeze %dma_start3A_249 : memref<1x64xi32, #tpu.memory_space<vmem>> -> memref<64xi32, #tpu.memory_space<vmem>>
        %dma_start3A_251 = arith.constant 0 : i32
        %dma_start3A_252 = arith.constant 0 : i32
        %dma_start3A_253 = tpu.memref_slice %arg2[%dma_start3A_251, %dma_start3A_252] : memref<10000x128xf32, #tpu.memory_space<hbm>> -> memref<10000x128xf32, #tpu.memory_space<hbm>>
        tpu.enqueue_indirect_dma source(%dma_start3A_253 : memref<10000x128xf32, #tpu.memory_space<hbm>>) target(%arg8 : memref<64x128xf32, #tpu.memory_space<vmem>>) offsets(%dma_start3A_250 : memref<64xi32, #tpu.memory_space<vmem>>) semaphore(%arg13 : memref<!tpu.dma_semaphore, #tpu.memory_space<semaphore_mem>>)
      } else {
      }
      %add3A_196 = arith.constant 1 : i32
      %add3A_197 = arith.addi %mul3A_171, %add3A_196 : i32
      %dma_wait3A_198 = arith.constant 0 : i32
      %dma_wait3A_199 = tpu.memref_slice %arg6[%add3A_197, %dma_wait3A_198] : memref<32x64xi32, #tpu.memory_space<vmem>> -> memref<1x64xi32, #tpu.memory_space<vmem>>
      %dma_wait3A_200 = tpu.memref_squeeze %dma_wait3A_199 : memref<1x64xi32, #tpu.memory_space<vmem>> -> memref<64xi32, #tpu.memory_space<vmem>>
      %dma_wait3A_201 = arith.constant 0 : i32
      %dma_wait3A_202 = arith.constant 0 : i32
      %dma_wait3A_203 = tpu.memref_slice %arg2[%dma_wait3A_201, %dma_wait3A_202] : memref<10000x128xf32, #tpu.memory_space<hbm>> -> memref<10000x128xf32, #tpu.memory_space<hbm>>
      tpu.wait_indirect_dma semaphore(%arg14 : memref<!tpu.dma_semaphore, #tpu.memory_space<semaphore_mem>>) src(%dma_wait3A_203 : memref<10000x128xf32, #tpu.memory_space<hbm>>) dst(%arg9 : memref<64x128xf32, #tpu.memory_space<vmem>>)
      %add3A_204 = arith.constant 1 : i32
      %add3A_205 = arith.addi %mul3A_171, %add3A_204 : i32
      "tpu.region"() ({
        %run_scoped3A = tpu.sem_alloc : memref<!tpu.dma_semaphore, #tpu.memory_space<semaphore_mem>>
        %dma_start3A_244 = arith.constant 0 : i32
        %dma_start3A_245 = tpu.memref_slice %arg7[%add3A_205, %dma_start3A_244] : memref<32x64xi32, #tpu.memory_space<vmem>> -> memref<1x64xi32, #tpu.memory_space<vmem>>
        %dma_start3A_246 = tpu.memref_squeeze %dma_start3A_245 : memref<1x64xi32, #tpu.memory_space<vmem>> -> memref<64xi32, #tpu.memory_space<vmem>>
        %dma_start3A_247 = arith.constant 0 : i32
        %dma_start3A_248 = arith.constant 0 : i32
        %dma_start3A_249 = tpu.memref_slice %arg12[%dma_start3A_247, %dma_start3A_248] : memref<10240x128xf32, #tpu.memory_space<vmem_shared>> -> memref<10240x128xf32, #tpu.memory_space<vmem_shared>>
        tpu.enqueue_indirect_dma source(%arg9 : memref<64x128xf32, #tpu.memory_space<vmem>>) target(%dma_start3A_249 : memref<10240x128xf32, #tpu.memory_space<vmem_shared>>) offsets(%dma_start3A_246 : memref<64xi32, #tpu.memory_space<vmem>>) semaphore(%run_scoped3A : memref<!tpu.dma_semaphore, #tpu.memory_space<semaphore_mem>>) {add = true}
        %dma_wait3A_250 = arith.constant 0 : i32
        %dma_wait3A_251 = tpu.memref_slice %arg7[%add3A_205, %dma_wait3A_250] : memref<32x64xi32, #tpu.memory_space<vmem>> -> memref<1x64xi32, #tpu.memory_space<vmem>>
        %dma_wait3A_252 = tpu.memref_squeeze %dma_wait3A_251 : memref<1x64xi32, #tpu.memory_space<vmem>> -> memref<64xi32, #tpu.memory_space<vmem>>
        %dma_wait3A_253 = arith.constant 0 : i32
        %dma_wait3A_254 = arith.constant 0 : i32
        %dma_wait3A_255 = tpu.memref_slice %arg12[%dma_wait3A_253, %dma_wait3A_254] : memref<10240x128xf32, #tpu.memory_space<vmem_shared>> -> memref<10240x128xf32, #tpu.memory_space<vmem_shared>>
        tpu.wait_indirect_dma semaphore(%run_scoped3A : memref<!tpu.dma_semaphore, #tpu.memory_space<semaphore_mem>>) src(%arg9 : memref<64x128xf32, #tpu.memory_space<vmem>>) dst(%dma_wait3A_255 : memref<10240x128xf32, #tpu.memory_space<vmem_shared>>)
        tpu.yield
      }) : () -> ()
      %add3A_206 = arith.constant 2 : i32
      %add3A_207 = arith.addi %mul3A_171, %add3A_206 : i32
      %add3A_208 = arith.constant 3 : i32
      %add3A_209 = arith.addi %add3A_207, %add3A_208 : i32
      %lt3A_210 = arith.constant 32 : i32
      %lt3A_211 = arith.cmpi slt, %add3A_209, %lt3A_210 : i32
      %convert_element_type3A_212 = arith.extui %lt3A_211 : i1 to i32
      %cond3A_213 = arith.constant 0 : i32
      %cond3A_214 = arith.cmpi ne, %convert_element_type3A_212, %cond3A_213 : i32
      scf.if %cond3A_214 {
        %add3A_244 = arith.constant 2 : i32
        %add3A_245 = arith.addi %mul3A_171, %add3A_244 : i32
        %add3A_246 = arith.constant 3 : i32
        %add3A_247 = arith.addi %add3A_245, %add3A_246 : i32
        %dma_start3A_248 = arith.constant 0 : i32
        %dma_start3A_249 = tpu.memref_slice %arg6[%add3A_247, %dma_start3A_248] : memref<32x64xi32, #tpu.memory_space<vmem>> -> memref<1x64xi32, #tpu.memory_space<vmem>>
        %dma_start3A_250 = tpu.memref_squeeze %dma_start3A_249 : memref<1x64xi32, #tpu.memory_space<vmem>> -> memref<64xi32, #tpu.memory_space<vmem>>
        %dma_start3A_251 = arith.constant 0 : i32
        %dma_start3A_252 = arith.constant 0 : i32
        %dma_start3A_253 = tpu.memref_slice %arg2[%dma_start3A_251, %dma_start3A_252] : memref<10000x128xf32, #tpu.memory_space<hbm>> -> memref<10000x128xf32, #tpu.memory_space<hbm>>
        tpu.enqueue_indirect_dma source(%dma_start3A_253 : memref<10000x128xf32, #tpu.memory_space<hbm>>) target(%arg9 : memref<64x128xf32, #tpu.memory_space<vmem>>) offsets(%dma_start3A_250 : memref<64xi32, #tpu.memory_space<vmem>>) semaphore(%arg14 : memref<!tpu.dma_semaphore, #tpu.memory_space<semaphore_mem>>)
      } else {
      }
      %add3A_215 = arith.constant 2 : i32
      %add3A_216 = arith.addi %mul3A_171, %add3A_215 : i32
      %dma_wait3A_217 = arith.constant 0 : i32
      %dma_wait3A_218 = tpu.memref_slice %arg6[%add3A_216, %dma_wait3A_217] : memref<32x64xi32, #tpu.memory_space<vmem>> -> memref<1x64xi32, #tpu.memory_space<vmem>>
      %dma_wait3A_219 = tpu.memref_squeeze %dma_wait3A_218 : memref<1x64xi32, #tpu.memory_space<vmem>> -> memref<64xi32, #tpu.memory_space<vmem>>
      %dma_wait3A_220 = arith.constant 0 : i32
      %dma_wait3A_221 = arith.constant 0 : i32
      %dma_wait3A_222 = tpu.memref_slice %arg2[%dma_wait3A_220, %dma_wait3A_221] : memref<10000x128xf32, #tpu.memory_space<hbm>> -> memref<10000x128xf32, #tpu.memory_space<hbm>>
      tpu.wait_indirect_dma semaphore(%arg15 : memref<!tpu.dma_semaphore, #tpu.memory_space<semaphore_mem>>) src(%dma_wait3A_222 : memref<10000x128xf32, #tpu.memory_space<hbm>>) dst(%arg10 : memref<64x128xf32, #tpu.memory_space<vmem>>)
      %add3A_223 = arith.constant 2 : i32
      %add3A_224 = arith.addi %mul3A_171, %add3A_223 : i32
      "tpu.region"() ({
        %run_scoped3A = tpu.sem_alloc : memref<!tpu.dma_semaphore, #tpu.memory_space<semaphore_mem>>
        %dma_start3A_244 = arith.constant 0 : i32
        %dma_start3A_245 = tpu.memref_slice %arg7[%add3A_224, %dma_start3A_244] : memref<32x64xi32, #tpu.memory_space<vmem>> -> memref<1x64xi32, #tpu.memory_space<vmem>>
        %dma_start3A_246 = tpu.memref_squeeze %dma_start3A_245 : memref<1x64xi32, #tpu.memory_space<vmem>> -> memref<64xi32, #tpu.memory_space<vmem>>
        %dma_start3A_247 = arith.constant 0 : i32
        %dma_start3A_248 = arith.constant 0 : i32
        %dma_start3A_249 = tpu.memref_slice %arg12[%dma_start3A_247, %dma_start3A_248] : memref<10240x128xf32, #tpu.memory_space<vmem_shared>> -> memref<10240x128xf32, #tpu.memory_space<vmem_shared>>
        tpu.enqueue_indirect_dma source(%arg10 : memref<64x128xf32, #tpu.memory_space<vmem>>) target(%dma_start3A_249 : memref<10240x128xf32, #tpu.memory_space<vmem_shared>>) offsets(%dma_start3A_246 : memref<64xi32, #tpu.memory_space<vmem>>) semaphore(%run_scoped3A : memref<!tpu.dma_semaphore, #tpu.memory_space<semaphore_mem>>) {add = true}
        %dma_wait3A_250 = arith.constant 0 : i32
        %dma_wait3A_251 = tpu.memref_slice %arg7[%add3A_224, %dma_wait3A_250] : memref<32x64xi32, #tpu.memory_space<vmem>> -> memref<1x64xi32, #tpu.memory_space<vmem>>
        %dma_wait3A_252 = tpu.memref_squeeze %dma_wait3A_251 : memref<1x64xi32, #tpu.memory_space<vmem>> -> memref<64xi32, #tpu.memory_space<vmem>>
        %dma_wait3A_253 = arith.constant 0 : i32
        %dma_wait3A_254 = arith.constant 0 : i32
        %dma_wait3A_255 = tpu.memref_slice %arg12[%dma_wait3A_253, %dma_wait3A_254] : memref<10240x128xf32, #tpu.memory_space<vmem_shared>> -> memref<10240x128xf32, #tpu.memory_space<vmem_shared>>
        tpu.wait_indirect_dma semaphore(%run_scoped3A : memref<!tpu.dma_semaphore, #tpu.memory_space<semaphore_mem>>) src(%arg10 : memref<64x128xf32, #tpu.memory_space<vmem>>) dst(%dma_wait3A_255 : memref<10240x128xf32, #tpu.memory_space<vmem_shared>>)
        tpu.yield
      }) : () -> ()
      %add3A_225 = arith.constant 3 : i32
      %add3A_226 = arith.addi %mul3A_171, %add3A_225 : i32
      %add3A_227 = arith.constant 3 : i32
      %add3A_228 = arith.addi %add3A_226, %add3A_227 : i32
      %lt3A_229 = arith.constant 32 : i32
      %lt3A_230 = arith.cmpi slt, %add3A_228, %lt3A_229 : i32
      %convert_element_type3A_231 = arith.extui %lt3A_230 : i1 to i32
      %cond3A_232 = arith.constant 0 : i32
      %cond3A_233 = arith.cmpi ne, %convert_element_type3A_231, %cond3A_232 : i32
      scf.if %cond3A_233 {
        %add3A_244 = arith.constant 3 : i32
        %add3A_245 = arith.addi %mul3A_171, %add3A_244 : i32
        %add3A_246 = arith.constant 3 : i32
        %add3A_247 = arith.addi %add3A_245, %add3A_246 : i32
        %dma_start3A_248 = arith.constant 0 : i32
        %dma_start3A_249 = tpu.memref_slice %arg6[%add3A_247, %dma_start3A_248] : memref<32x64xi32, #tpu.memory_space<vmem>> -> memref<1x64xi32, #tpu.memory_space<vmem>>
        %dma_start3A_250 = tpu.memref_squeeze %dma_start3A_249 : memref<1x64xi32, #tpu.memory_space<vmem>> -> memref<64xi32, #tpu.memory_space<vmem>>
        %dma_start3A_251 = arith.constant 0 : i32
        %dma_start3A_252 = arith.constant 0 : i32
        %dma_start3A_253 = tpu.memref_slice %arg2[%dma_start3A_251, %dma_start3A_252] : memref<10000x128xf32, #tpu.memory_space<hbm>> -> memref<10000x128xf32, #tpu.memory_space<hbm>>
        tpu.enqueue_indirect_dma source(%dma_start3A_253 : memref<10000x128xf32, #tpu.memory_space<hbm>>) target(%arg10 : memref<64x128xf32, #tpu.memory_space<vmem>>) offsets(%dma_start3A_250 : memref<64xi32, #tpu.memory_space<vmem>>) semaphore(%arg15 : memref<!tpu.dma_semaphore, #tpu.memory_space<semaphore_mem>>)
      } else {
      }
      %add3A_234 = arith.constant 3 : i32
      %add3A_235 = arith.addi %mul3A_171, %add3A_234 : i32
      %dma_wait3A_236 = arith.constant 0 : i32
      %dma_wait3A_237 = tpu.memref_slice %arg6[%add3A_235, %dma_wait3A_236] : memref<32x64xi32, #tpu.memory_space<vmem>> -> memref<1x64xi32, #tpu.memory_space<vmem>>
      %dma_wait3A_238 = tpu.memref_squeeze %dma_wait3A_237 : memref<1x64xi32, #tpu.memory_space<vmem>> -> memref<64xi32, #tpu.memory_space<vmem>>
      %dma_wait3A_239 = arith.constant 0 : i32
      %dma_wait3A_240 = arith.constant 0 : i32
      %dma_wait3A_241 = tpu.memref_slice %arg2[%dma_wait3A_239, %dma_wait3A_240] : memref<10000x128xf32, #tpu.memory_space<hbm>> -> memref<10000x128xf32, #tpu.memory_space<hbm>>
      tpu.wait_indirect_dma semaphore(%arg16 : memref<!tpu.dma_semaphore, #tpu.memory_space<semaphore_mem>>) src(%dma_wait3A_241 : memref<10000x128xf32, #tpu.memory_space<hbm>>) dst(%arg11 : memref<64x128xf32, #tpu.memory_space<vmem>>)
      %add3A_242 = arith.constant 3 : i32
      %add3A_243 = arith.addi %mul3A_171, %add3A_242 : i32
      "tpu.region"() ({
        %run_scoped3A = tpu.sem_alloc : memref<!tpu.dma_semaphore, #tpu.memory_space<semaphore_mem>>
        %dma_start3A_244 = arith.constant 0 : i32
        %dma_start3A_245 = tpu.memref_slice %arg7[%add3A_243, %dma_start3A_244] : memref<32x64xi32, #tpu.memory_space<vmem>> -> memref<1x64xi32, #tpu.memory_space<vmem>>
        %dma_start3A_246 = tpu.memref_squeeze %dma_start3A_245 : memref<1x64xi32, #tpu.memory_space<vmem>> -> memref<64xi32, #tpu.memory_space<vmem>>
        %dma_start3A_247 = arith.constant 0 : i32
        %dma_start3A_248 = arith.constant 0 : i32
        %dma_start3A_249 = tpu.memref_slice %arg12[%dma_start3A_247, %dma_start3A_248] : memref<10240x128xf32, #tpu.memory_space<vmem_shared>> -> memref<10240x128xf32, #tpu.memory_space<vmem_shared>>
        tpu.enqueue_indirect_dma source(%arg11 : memref<64x128xf32, #tpu.memory_space<vmem>>) target(%dma_start3A_249 : memref<10240x128xf32, #tpu.memory_space<vmem_shared>>) offsets(%dma_start3A_246 : memref<64xi32, #tpu.memory_space<vmem>>) semaphore(%run_scoped3A : memref<!tpu.dma_semaphore, #tpu.memory_space<semaphore_mem>>) {add = true}
        %dma_wait3A_250 = arith.constant 0 : i32
        %dma_wait3A_251 = tpu.memref_slice %arg7[%add3A_243, %dma_wait3A_250] : memref<32x64xi32, #tpu.memory_space<vmem>> -> memref<1x64xi32, #tpu.memory_space<vmem>>
        %dma_wait3A_252 = tpu.memref_squeeze %dma_wait3A_251 : memref<1x64xi32, #tpu.memory_space<vmem>> -> memref<64xi32, #tpu.memory_space<vmem>>
        %dma_wait3A_253 = arith.constant 0 : i32
        %dma_wait3A_254 = arith.constant 0 : i32
        %dma_wait3A_255 = tpu.memref_slice %arg12[%dma_wait3A_253, %dma_wait3A_254] : memref<10240x128xf32, #tpu.memory_space<vmem_shared>> -> memref<10240x128xf32, #tpu.memory_space<vmem_shared>>
        tpu.wait_indirect_dma semaphore(%run_scoped3A : memref<!tpu.dma_semaphore, #tpu.memory_space<semaphore_mem>>) src(%arg11 : memref<64x128xf32, #tpu.memory_space<vmem>>) dst(%dma_wait3A_255 : memref<10240x128xf32, #tpu.memory_space<vmem_shared>>)
        tpu.yield
      }) : () -> ()
    }
    %scan3A_167 = arith.constant 8 : i32
    %barrier3A_168 = arith.constant 0 : index
    tpu.barrier barrier_id(%barrier3A_168)
    "tpu.region"() ({
      %run_scoped3A = tpu.sem_alloc : memref<!tpu.dma_semaphore, #tpu.memory_space<semaphore_mem>>
      %dma_start3A_169 = arith.constant 0 : i32
      %dma_start3A_170 = tpu.memref_slice %arg5[%arg0, %multiple_of3A, %dma_start3A_169] : memref<2x10240x128xf32, #tpu.memory_space<hbm>> -> memref<1x640x128xf32, #tpu.memory_space<hbm>>
      %dma_start3A_171 = tpu.memref_squeeze %dma_start3A_170 : memref<1x640x128xf32, #tpu.memory_space<hbm>> -> memref<640x128xf32, #tpu.memory_space<hbm>>
      %dma_start3A_172 = arith.constant 0 : i32
      %dma_start3A_173 = tpu.memref_slice %arg12[%multiple_of3A, %dma_start3A_172] : memref<10240x128xf32, #tpu.memory_space<vmem_shared>> -> memref<640x128xf32, #tpu.memory_space<vmem_shared>>
      tpu.enqueue_dma source(%dma_start3A_173 : memref<640x128xf32, #tpu.memory_space<vmem_shared>>) target(%dma_start3A_171 : memref<640x128xf32, #tpu.memory_space<hbm>>) target_semaphore(%run_scoped3A : memref<!tpu.dma_semaphore, #tpu.memory_space<semaphore_mem>>)
      %dma_wait3A = arith.constant 0 : i32
      %dma_wait3A_174 = tpu.memref_slice %arg5[%arg0, %multiple_of3A, %dma_wait3A] : memref<2x10240x128xf32, #tpu.memory_space<hbm>> -> memref<1x640x128xf32, #tpu.memory_space<hbm>>
      %dma_wait3A_175 = tpu.memref_squeeze %dma_wait3A_174 : memref<1x640x128xf32, #tpu.memory_space<hbm>> -> memref<640x128xf32, #tpu.memory_space<hbm>>
      %dma_wait3A_176 = arith.constant 0 : i32
      %dma_wait3A_177 = tpu.memref_slice %arg12[%multiple_of3A, %dma_wait3A_176] : memref<10240x128xf32, #tpu.memory_space<vmem_shared>> -> memref<640x128xf32, #tpu.memory_space<vmem_shared>>
      tpu.wait_dma2 semaphore(%run_scoped3A : memref<!tpu.dma_semaphore, #tpu.memory_space<semaphore_mem>>) src(%dma_wait3A_177 : memref<640x128xf32, #tpu.memory_space<vmem_shared>>) dst(%dma_wait3A_175 : memref<640x128xf32, #tpu.memory_space<hbm>>)
      tpu.yield
    }) : () -> ()
    return
  }
}

module attributes {stable_mosaic.version = 14 : i64} {
  func.func @_prescale_body(%arg0: i32, %arg1: memref<1000x2xf32, #tpu.memory_space<vmem>>, %arg2: memref<1000x128xf32, #tpu.memory_space<vmem>>, %arg3: memref<1000x128xf32, #tpu.memory_space<vmem>>) attributes {dimension_semantics = [#tpu.dimension_semantics<arbitrary>], iteration_bounds = array<i64: 10>, scalar_prefetch = 0 : i64, scratch_operands = 0 : i64, tpu.core_type = #tpu.core_type<tc>, window_params = [{transform_indices = @transform_0, window_bounds = array<i64: 1000, 2>}, {transform_indices = @transform_1, window_bounds = array<i64: 1000, 128>}, {transform_indices = @transform_2, window_bounds = array<i64: 1000, 128>}]} {
    %get3A = arith.constant 0 : index
    %get3A_0 = arith.constant 0 : index
    %get3A_1 = vector.load %arg1[%get3A, %get3A_0] : memref<1000x2xf32, #tpu.memory_space<vmem>>, vector<1000x1xf32>
    %get3A_2 = arith.constant 0 : index
    %get3A_3 = arith.constant 1 : index
    %get3A_4 = vector.load %arg1[%get3A_2, %get3A_3] : memref<1000x2xf32, #tpu.memory_space<vmem>>, vector<1000x1xf32>
    %add3A = arith.addf %get3A_1, %get3A_4 : vector<1000x1xf32>
    %max3A = arith.constant 1.000000e+00 : f32
    %max3A_5 = vector.broadcast %max3A : f32 to vector<1000x1xf32>
    %max3A_6 = arith.maximumf %add3A, %max3A_5 : vector<1000x1xf32>
    %rsqrt3A = math.rsqrt %max3A_6 : vector<1000x1xf32>
    %get3A_7 = arith.constant 0 : index
    %get3A_8 = arith.constant 0 : index
    %get3A_9 = vector.load %arg2[%get3A_7, %get3A_8] : memref<1000x128xf32, #tpu.memory_space<vmem>>, vector<1000x128xf32>
    %mul3A = vector.broadcast %rsqrt3A : vector<1000x1xf32> to vector<1000x128xf32>
    %mul3A_10 = arith.mulf %get3A_9, %mul3A : vector<1000x128xf32>
    %swap3A = arith.constant 0 : index
    %swap3A_11 = arith.constant 0 : index
    %swap3A_12 = vector.load %arg3[%swap3A, %swap3A_11] : memref<1000x128xf32, #tpu.memory_space<vmem>>, vector<1000x128xf32>
    tpu.vector_store %arg3[%swap3A, %swap3A_11], %mul3A_10 {strides = array<i32>} : memref<1000x128xf32, #tpu.memory_space<vmem>>, vector<1000x128xf32>,
    return
  }
  func.func @transform_0(%arg0: i32) -> (i32, i32) {
    %c0_i32 = arith.constant 0 : i32
    %c0_i32_0 = arith.constant 0 : i32
    return %arg0, %c0_i32 : i32, i32
  }
  func.func @transform_1(%arg0: i32) -> (i32, i32) {
    %c0_i32 = arith.constant 0 : i32
    %c0_i32_0 = arith.constant 0 : i32
    return %arg0, %c0_i32 : i32, i32
  }
  func.func @transform_2(%arg0: i32) -> (i32, i32) {
    %c0_i32 = arith.constant 0 : i32
    %c0_i32_0 = arith.constant 0 : i32
    return %arg0, %c0_i32 : i32, i32
  }
}

module attributes {stable_mosaic.version = 14 : i64} {
  func.func @_mid_body(%arg0: i32, %arg1: memref<1000x2xf32, #tpu.memory_space<vmem>>, %arg2: memref<2x1000x128xf32, #tpu.memory_space<vmem>>, %arg3: memref<1000x128xf32, #tpu.memory_space<vmem>>) attributes {dimension_semantics = [#tpu.dimension_semantics<arbitrary>], iteration_bounds = array<i64: 10>, scalar_prefetch = 0 : i64, scratch_operands = 0 : i64, tpu.core_type = #tpu.core_type<tc>, window_params = [{transform_indices = @transform_0, window_bounds = array<i64: 1000, 2>}, {transform_indices = @transform_1, window_bounds = array<i64: 2, 1000, 128>}, {transform_indices = @transform_2, window_bounds = array<i64: 1000, 128>}]} {
    %get3A = arith.constant 0 : index
    %get3A_0 = arith.constant 0 : index
    %get3A_1 = vector.load %arg1[%get3A, %get3A_0] : memref<1000x2xf32, #tpu.memory_space<vmem>>, vector<1000x1xf32>
    %get3A_2 = arith.constant 0 : index
    %get3A_3 = arith.constant 1 : index
    %get3A_4 = vector.load %arg1[%get3A_2, %get3A_3] : memref<1000x2xf32, #tpu.memory_space<vmem>>, vector<1000x1xf32>
    %add3A = arith.addf %get3A_1, %get3A_4 : vector<1000x1xf32>
    %max3A = arith.constant 1.000000e+00 : f32
    %max3A_5 = vector.broadcast %max3A : f32 to vector<1000x1xf32>
    %max3A_6 = arith.maximumf %add3A, %max3A_5 : vector<1000x1xf32>
    %div3A = arith.constant 1.000000e+00 : f32
    %div3A_7 = vector.broadcast %div3A : f32 to vector<1000x1xf32>
    %div3A_8 = arith.divf %div3A_7, %max3A_6 : vector<1000x1xf32>
    %get3A_9 = arith.constant 0 : index
    %get3A_10 = arith.constant 0 : index
    %get3A_11 = arith.constant 0 : index
    %get3A_12 = vector.load %arg2[%get3A_9, %get3A_10, %get3A_11] : memref<2x1000x128xf32, #tpu.memory_space<vmem>>, vector<1x1000x128xf32>
    %get3A_13 = vector.shape_cast %get3A_12 : vector<1x1000x128xf32> to vector<1000x128xf32>
    %get3A_14 = arith.constant 1 : index
    %get3A_15 = arith.constant 0 : index
    %get3A_16 = arith.constant 0 : index
    %get3A_17 = vector.load %arg2[%get3A_14, %get3A_15, %get3A_16] : memref<2x1000x128xf32, #tpu.memory_space<vmem>>, vector<1x1000x128xf32>
    %get3A_18 = vector.shape_cast %get3A_17 : vector<1x1000x128xf32> to vector<1000x128xf32>
    %add3A_19 = arith.addf %get3A_13, %get3A_18 : vector<1000x128xf32>
    %mul3A = vector.broadcast %div3A_8 : vector<1000x1xf32> to vector<1000x128xf32>
    %mul3A_20 = arith.mulf %add3A_19, %mul3A : vector<1000x128xf32>
    %swap3A = arith.constant 0 : index
    %swap3A_21 = arith.constant 0 : index
    %swap3A_22 = vector.load %arg3[%swap3A, %swap3A_21] : memref<1000x128xf32, #tpu.memory_space<vmem>>, vector<1000x128xf32>
    tpu.vector_store %arg3[%swap3A, %swap3A_21], %mul3A_20 {strides = array<i32>} : memref<1000x128xf32, #tpu.memory_space<vmem>>, vector<1000x128xf32>,
    return
  }
  func.func @transform_0(%arg0: i32) -> (i32, i32) {
    %c0_i32 = arith.constant 0 : i32
    %c0_i32_0 = arith.constant 0 : i32
    return %arg0, %c0_i32 : i32, i32
  }
  func.func @transform_1(%arg0: i32) -> (i32, i32, i32) {
    %c0_i32 = arith.constant 0 : i32
    %c0_i32_0 = arith.constant 0 : i32
    %c0_i32_1 = arith.constant 0 : i32
    return %c0_i32, %arg0, %c0_i32_0 : i32, i32, i32
  }
  func.func @transform_2(%arg0: i32) -> (i32, i32) {
    %c0_i32 = arith.constant 0 : i32
    %c0_i32_0 = arith.constant 0 : i32
    return %arg0, %c0_i32 : i32, i32
  }
}

module attributes {stable_mosaic.version = 14 : i64} {
  func.func @_final_body(%arg0: i32, %arg1: memref<1000x2xf32, #tpu.memory_space<vmem>>, %arg2: memref<1000x128xf32, #tpu.memory_space<vmem>>, %arg3: memref<1000x128xf32, #tpu.memory_space<vmem>>, %arg4: memref<2x1000x128xf32, #tpu.memory_space<vmem>>, %arg5: memref<3x128x128xf32, #tpu.memory_space<vmem>>, %arg6: memref<1x128xf32, #tpu.memory_space<vmem>>, %arg7: memref<1000x128xf32, #tpu.memory_space<vmem>>) attributes {dimension_semantics = [#tpu.dimension_semantics<arbitrary>], iteration_bounds = array<i64: 10>, scalar_prefetch = 0 : i64, scratch_operands = 0 : i64, tpu.core_type = #tpu.core_type<tc>, window_params = [{transform_indices = @transform_0, window_bounds = array<i64: 1000, 2>}, {transform_indices = @transform_1, window_bounds = array<i64: 1000, 128>}, {transform_indices = @transform_2, window_bounds = array<i64: 1000, 128>}, {transform_indices = @transform_3, window_bounds = array<i64: 2, 1000, 128>}, {pipeline_mode = #tpu.pipeline_mode<synchronous>, transform_indices = @transform_4, window_bounds = array<i64: 3, 128, 128>}, {pipeline_mode = #tpu.pipeline_mode<synchronous>, transform_indices = @transform_5, window_bounds = array<i64: 1, 128>}, {transform_indices = @transform_6, window_bounds = array<i64: 1000, 128>}]} {
    %get3A = arith.constant 0 : index
    %get3A_0 = arith.constant 0 : index
    %get3A_1 = vector.load %arg1[%get3A, %get3A_0] : memref<1000x2xf32, #tpu.memory_space<vmem>>, vector<1000x1xf32>
    %get3A_2 = arith.constant 0 : index
    %get3A_3 = arith.constant 1 : index
    %get3A_4 = vector.load %arg1[%get3A_2, %get3A_3] : memref<1000x2xf32, #tpu.memory_space<vmem>>, vector<1000x1xf32>
    %add3A = arith.addf %get3A_1, %get3A_4 : vector<1000x1xf32>
    %max3A = arith.constant 1.000000e+00 : f32
    %max3A_5 = vector.broadcast %max3A : f32 to vector<1000x1xf32>
    %max3A_6 = arith.maximumf %add3A, %max3A_5 : vector<1000x1xf32>
    %sqrt3A = math.sqrt %max3A_6 : vector<1000x1xf32>
    %rsqrt3A = math.rsqrt %max3A_6 : vector<1000x1xf32>
    %get3A_7 = arith.constant 0 : index
    %get3A_8 = arith.constant 0 : index
    %get3A_9 = vector.load %arg2[%get3A_7, %get3A_8] : memref<1000x128xf32, #tpu.memory_space<vmem>>, vector<1000x128xf32>
    %get3A_10 = arith.constant 0 : index
    %get3A_11 = arith.constant 0 : index
    %get3A_12 = vector.load %arg3[%get3A_10, %get3A_11] : memref<1000x128xf32, #tpu.memory_space<vmem>>, vector<1000x128xf32>
    %mul3A = vector.broadcast %sqrt3A : vector<1000x1xf32> to vector<1000x128xf32>
    %mul3A_13 = arith.mulf %get3A_12, %mul3A : vector<1000x128xf32>
    %neg3A = arith.constant 0.000000e+00 : f32
    %neg3A_14 = vector.broadcast %neg3A : f32 to vector<1000x128xf32>
    %neg3A_15 = arith.subf %neg3A_14, %mul3A_13 : vector<1000x128xf32>
    %get3A_16 = arith.constant 0 : index
    %get3A_17 = arith.constant 0 : index
    %get3A_18 = arith.constant 0 : index
    %get3A_19 = vector.load %arg4[%get3A_16, %get3A_17, %get3A_18] : memref<2x1000x128xf32, #tpu.memory_space<vmem>>, vector<1x1000x128xf32>
    %get3A_20 = vector.shape_cast %get3A_19 : vector<1x1000x128xf32> to vector<1000x128xf32>
    %get3A_21 = arith.constant 1 : index
    %get3A_22 = arith.constant 0 : index
    %get3A_23 = arith.constant 0 : index
    %get3A_24 = vector.load %arg4[%get3A_21, %get3A_22, %get3A_23] : memref<2x1000x128xf32, #tpu.memory_space<vmem>>, vector<1x1000x128xf32>
    %get3A_25 = vector.shape_cast %get3A_24 : vector<1x1000x128xf32> to vector<1000x128xf32>
    %add3A_26 = arith.addf %get3A_20, %get3A_25 : vector<1000x128xf32>
    %mul3A_27 = vector.broadcast %rsqrt3A : vector<1000x1xf32> to vector<1000x128xf32>
    %mul3A_28 = arith.mulf %add3A_26, %mul3A_27 : vector<1000x128xf32>
    %get3A_29 = arith.constant 0 : index
    %get3A_30 = arith.constant 0 : index
    %get3A_31 = arith.constant 0 : index
    %get3A_32 = vector.load %arg5[%get3A_29, %get3A_30, %get3A_31] : memref<3x128x128xf32, #tpu.memory_space<vmem>>, vector<1x128x128xf32>
    %get3A_33 = vector.shape_cast %get3A_32 : vector<1x128x128xf32> to vector<128x128xf32>
    %get3A_34 = arith.constant 1 : index
    %get3A_35 = arith.constant 0 : index
    %get3A_36 = arith.constant 0 : index
    %get3A_37 = vector.load %arg5[%get3A_34, %get3A_35, %get3A_36] : memref<3x128x128xf32, #tpu.memory_space<vmem>>, vector<1x128x128xf32>
    %get3A_38 = vector.shape_cast %get3A_37 : vector<1x128x128xf32> to vector<128x128xf32>
    %get3A_39 = arith.constant 2 : index
    %get3A_40 = arith.constant 0 : index
    %get3A_41 = arith.constant 0 : index
    %get3A_42 = vector.load %arg5[%get3A_39, %get3A_40, %get3A_41] : memref<3x128x128xf32, #tpu.memory_space<vmem>>, vector<1x128x128xf32>
    %get3A_43 = vector.shape_cast %get3A_42 : vector<1x128x128xf32> to vector<128x128xf32>
    %sub3A = arith.subf %get3A_33, %get3A_43 : vector<128x128xf32>
    %dot_general3A = arith.constant dense<0.000000e+00> : vector<1000x128xf32>
    %dot_general3A_44 = tpu.matmul %get3A_9, %sub3A, %dot_general3A {dimension_numbers = #tpu.dot_dimension_numbers<[1], [0], [0], [1], [0, 0, 1, 1], [], []>, transpose_lhs_hint = false} : vector<1000x128xf32>, vector<128x128xf32>, vector<1000x128xf32> -> vector<1000x128xf32>
    %dot_general3A_45 = arith.constant dense<0.000000e+00> : vector<1000x128xf32>
    %dot_general3A_46 = tpu.matmul %neg3A_15, %get3A_38, %dot_general3A_45 {dimension_numbers = #tpu.dot_dimension_numbers<[1], [0], [0], [1], [0, 0, 1, 1], [], []>, transpose_lhs_hint = false} : vector<1000x128xf32>, vector<128x128xf32>, vector<1000x128xf32> -> vector<1000x128xf32>
    %add3A_47 = arith.addf %dot_general3A_44, %dot_general3A_46 : vector<1000x128xf32>
    %mul3A_48 = arith.constant 2.000000e+00 : f32
    %mul3A_49 = vector.broadcast %mul3A_48 : f32 to vector<128x128xf32>
    %mul3A_50 = arith.mulf %mul3A_49, %get3A_43 : vector<128x128xf32>
    %dot_general3A_51 = arith.constant dense<0.000000e+00> : vector<1000x128xf32>
    %dot_general3A_52 = tpu.matmul %mul3A_28, %mul3A_50, %dot_general3A_51 {dimension_numbers = #tpu.dot_dimension_numbers<[1], [0], [0], [1], [0, 0, 1, 1], [], []>, transpose_lhs_hint = false} : vector<1000x128xf32>, vector<128x128xf32>, vector<1000x128xf32> -> vector<1000x128xf32>
    %add3A_53 = arith.addf %add3A_47, %dot_general3A_52 : vector<1000x128xf32>
    %get3A_54 = arith.constant 0 : index
    %get3A_55 = arith.constant 0 : index
    %get3A_56 = vector.load %arg6[%get3A_54, %get3A_55] : memref<1x128xf32, #tpu.memory_space<vmem>>, vector<1x128xf32>
    %add3A_57 = vector.broadcast %get3A_56 : vector<1x128xf32> to vector<1000x128xf32>
    %add3A_58 = arith.addf %add3A_53, %add3A_57 : vector<1000x128xf32>
    %swap3A = arith.constant 0 : index
    %swap3A_59 = arith.constant 0 : index
    %swap3A_60 = vector.load %arg7[%swap3A, %swap3A_59] : memref<1000x128xf32, #tpu.memory_space<vmem>>, vector<1000x128xf32>
    tpu.vector_store %arg7[%swap3A, %swap3A_59], %add3A_58 {strides = array<i32>} : memref<1000x128xf32, #tpu.memory_space<vmem>>, vector<1000x128xf32>,
    return
  }
  func.func @transform_0(%arg0: i32) -> (i32, i32) {
    %c0_i32 = arith.constant 0 : i32
    %c0_i32_0 = arith.constant 0 : i32
    return %arg0, %c0_i32 : i32, i32
  }
  func.func @transform_1(%arg0: i32) -> (i32, i32) {
    %c0_i32 = arith.constant 0 : i32
    %c0_i32_0 = arith.constant 0 : i32
    return %arg0, %c0_i32 : i32, i32
  }
  func.func @transform_2(%arg0: i32) -> (i32, i32) {
    %c0_i32 = arith.constant 0 : i32
    %c0_i32_0 = arith.constant 0 : i32
    return %arg0, %c0_i32 : i32, i32
  }
  func.func @transform_3(%arg0: i32) -> (i32, i32, i32) {
    %c0_i32 = arith.constant 0 : i32
    %c0_i32_0 = arith.constant 0 : i32
    %c0_i32_1 = arith.constant 0 : i32
    return %c0_i32, %arg0, %c0_i32_0 : i32, i32, i32
  }
  func.func @transform_4(%arg0: i32) -> (i32, i32, i32) {
    %c0_i32 = arith.constant 0 : i32
    %c0_i32_0 = arith.constant 0 : i32
    %c0_i32_1 = arith.constant 0 : i32
    %c0_i32_2 = arith.constant 0 : i32
    return %c0_i32, %c0_i32_0, %c0_i32_1 : i32, i32, i32
  }
  func.func @transform_5(%arg0: i32) -> (i32, i32) {
    %c0_i32 = arith.constant 0 : i32
    %c0_i32_0 = arith.constant 0 : i32
    %c0_i32_1 = arith.constant 0 : i32
    return %c0_i32, %c0_i32_0 : i32, i32
  }
  func.func @transform_6(%arg0: i32) -> (i32, i32) {
    %c0_i32 = arith.constant 0 : i32
    %c0_i32_0 = arith.constant 0 : i32
    return %arg0, %c0_i32 : i32, i32
  }
}

</mosaic_0001>

<sc_bundles>
// kernel: kernel.11.cloned.1.call-start
scs
__scs_entry_jumppad:
0x0: {  	(pc) =	sbr.rel $0x88, $3  }
0x1: {  	(tag) =	ssettag $0x0;
	lr =	simm.s32 $0x1  }
0x2: {  	[smem:$0x3F9D] =	sst lr;
	_ =	strace $0xD0000000  }
0x3: {  	_ = 	snop  }
0x4: {  	_ = 	snop  }
0x5: {  	_ = 	snop  }
0x6: {  	_ = 	snop  }
0x7: {  	_ = 	snop  }
__scs_overlays_trampoline_lowered:
0x8: {  	[smem:$0x3FAC] =	sst s0  }
0x9: {  	[smem:$0x3FAD] =	sst s1  }
0xa: {  	[smem:$0x3FAE] =	sst s2  }
0xb: {  	[smem:$0x3FAF] =	sst s3  }
0xc: {  	[smem:$0x3FB0] =	sst s4  }
0xd: {  	[smem:$0x3FB1] =	sst s5  }
0xe: {  	[smem:$0x3FB2] =	sst s6  }
0xf: {  	[smem:$0x3FB3] =	sst s7  }
0x10: {  	[smem:$0x3FB4] =	sst s8  }
0x11: {  	[smem:$0x3FB5] =	sst s9;
	s0 =	simm.s32 @!p0 $0x0  }
0x12: {  	s1 =	sld [smem:$0x3F9B];
	s0 =	simm.s32 @p0 $0x1  }
0x13: {  	[smem:$0x3FB6] =	sst s0;
	s0 =	simm.s32 @!p1 $0x0  }
0x14: {  	s2 =	sld [smem:$0x3F9A];
	s0 =	simm.s32 @p1 $0x1  }
0x15: {  	[smem:$0x3FB7] =	sst s0;
	s0 =	simm.s32 @!p2 $0x0  }
0x16: {  	s3 =	sld [smem:$0x3FDB];
	s0 =	simm.s32 @p2 $0x1  }
0x17: {  	s4 =	simm.s32 $0x1BF5;
	[smem:$0x3FB9] =	sst s0  }
0x18: {  	s0 =	sld [smem:$0x3F9C];
	_ =	swait.ge [sflag:s4], $0x0  }
0x19: {  	s7 =	sld [smem:$0x3F9D]  }
0x1a: {  	s8 =	sadd.s32 $0xFFFFE003, lr  }
0x1b: {  	s9 =	sadd.s32 $0xFFFFFEF7, lr;
	s5 =	simm.s32 $0xFFFFFFFF;
	p2 =	slt.u32 s8, $0xFFFFF086  }
0x1c: {  	p1 =	slt.u32 s9, $0xF7A;
	s5 =	simm.s32 @!p2 $0x0  }
0x1d: {  	s5 =	simm.s32 @p1 $0x1;
	p0 =	seq.s32 s7, s2  }
0x1e: {  	s7 =	smul.u32 @!p0 $0xF7A, s2;
	p2 =	seq.s32 @!p0 s5, $0x0  }
0x1f: {  	s9 =	smul.u32 $0xF7A, s1;
	s8 =	simm.s32 @!p0 $0x1BF5;
	p2 =	por !p2, p0  }
0x20: {  	[sflag:s8] =	ssyncset.s32 @!p0 $0xFFFFF086;
	s6 =	sadd.s32 @!p0 s3, s7;
	s7 =	simm.s32 @!p0 $0x108  }
0x21: {  	s3 =	sadd.s32 s3, s9;
	s6 =	sadd.s32 @!p0 $0x88, s6;
	s7 =	simm.s32 @p2 $0x1082  }
0x22: {  	[simem:s7], [sflag:s8] =	dma.local @!p0 [hbm:s6], $0xF7A  }
0x23: {  	s9 =	sor.u32 $0xD0000000, s2;
	s6 =	simm.s32 $0x108;
	_ =	swait.ge @!p0 [sflag:s8], $0x0  }
0x24: {  	s3 =	sadd.s32 $0x88, s3;
	s6 =	simm.s32 @!p1 $0x1082;
	[sflag:s4] =	ssyncset.s32 $0xFFFFF086  }
0x25: {  	[simem:s6], [sflag:s4] =	dma.local [hbm:s3], $0xF7A  }
0x26: {  	[smem:$0x3F9D] =	sst s1;
	(tag) =	ssettag s2;
	_ =	strace s9  }
0x27: {  	s1 =	sld [smem:$0x3FAD]  }
0x28: {  	s2 =	sld [smem:$0x3FAE]  }
0x29: {  	s4 =	sld [smem:$0x3FB0]  }
0x2a: {  	p0 =	seq.s32 s5, $0x0;
	s5 =	sld [smem:$0x3FB1]  }
0x2b: {  	s6 =	sld [smem:$0x3FB2]  }
0x2c: {  	s7 =	sld [smem:$0x3FB3]  }
0x2d: {  	s3 =	simm.s32 $0x108;
	s8 =	sld [smem:$0x3FB4]  }
0x2e: {  	s3 =	simm.s32 @!p0 $0x1082;
	s9 =	sld [smem:$0x3FB5]  }
0x2f: {  	lr =	sadd.s32 s0, s3;
	s0 =	sld [smem:$0x3FAC]  }
0x30: {  	s3 =	sld [smem:$0x3FAF]  }
0x31: {  	[smem:$0x3FB8] =	sst s10  }
0x32: {  	s10 =	sld [smem:$0x3FB6];
	_ =	sdelay $0x3  }
0x33: {  	p0 =	seq.s32 s10, $0x1;
	s10 =	sld [smem:$0x3FB8];
	_ =	sdelay $0x3  }
0x34: {  	[smem:$0x3FB8] =	sst s10  }
0x35: {  	s10 =	sld [smem:$0x3FB7];
	_ =	sdelay $0x3  }
0x36: {  	p1 =	seq.s32 s10, $0x1;
	s10 =	sld [smem:$0x3FB8];
	_ =	sdelay $0x3  }
0x37: {  	[smem:$0x3FB8] =	sst s10  }
0x38: {  	s10 =	sld [smem:$0x3FB9]  }
0x39: {  	_ = 	snop;
	(pc) =	sbr.ind lr, $3  }
0x3a: {  	_ = 	snop  }
0x3b: {  	_ = 	snop  }
0x3c: {  	p2 =	seq.s32 s10, $0x1;
	s10 =	sld [smem:$0x3FB8]  }
0x3d: {  	_ =	shalt  }
0x3e: {  	_ =	shalt  }
0x3f: {  	_ =	shalt  }
0x40: {  	_ =	shalt  }
0x41: {  	_ =	shalt  }
0x42: {  	_ =	shalt  }
0x43: {  	_ =	shalt  }
0x44: {  	_ =	shalt  }
0x45: {  	_ =	shalt  }
0x46: {  	_ =	shalt  }
0x47: {  	_ =	shalt  }
0x48: {  	_ =	shalt  }
0x49: {  	_ =	shalt  }
0x4a: {  	_ =	shalt  }
0x4b: {  	_ =	shalt  }
0x4c: {  	_ =	shalt  }
0x4d: {  	_ =	shalt  }
0x4e: {  	_ =	shalt  }
0x4f: {  	_ =	shalt  }
0x50: {  	_ =	shalt  }
0x51: {  	_ =	shalt  }
0x52: {  	_ =	shalt  }
0x53: {  	_ =	shalt  }
0x54: {  	_ =	shalt  }
0x55: {  	_ =	shalt  }
0x56: {  	_ =	shalt  }
0x57: {  	_ =	shalt  }
0x58: {  	_ =	shalt  }
0x59: {  	_ =	shalt  }
0x5a: {  	_ =	shalt  }
0x5b: {  	_ =	shalt  }
0x5c: {  	_ =	shalt  }
0x5d: {  	_ =	shalt  }
0x5e: {  	_ =	shalt  }
0x5f: {  	_ =	shalt  }
0x60: {  	_ =	shalt  }
0x61: {  	_ =	shalt  }
0x62: {  	_ =	shalt  }
0x63: {  	_ =	shalt  }
0x64: {  	_ =	shalt  }
0x65: {  	_ =	shalt  }
0x66: {  	_ =	shalt  }
0x67: {  	_ =	shalt  }
0x68: {  	_ =	shalt  }
0x69: {  	_ =	shalt  }
0x6a: {  	_ =	shalt  }
0x6b: {  	_ =	shalt  }
0x6c: {  	_ =	shalt  }
0x6d: {  	_ =	shalt  }
0x6e: {  	_ =	shalt  }
0x6f: {  	_ =	shalt  }
0x70: {  	_ =	shalt  }
0x71: {  	_ =	shalt  }
0x72: {  	_ =	shalt  }
0x73: {  	_ =	shalt  }
0x74: {  	_ =	shalt  }
0x75: {  	_ =	shalt  }
0x76: {  	_ =	shalt  }
0x77: {  	_ =	shalt  }
0x78: {  	_ =	shalt  }
0x79: {  	_ =	shalt  }
0x7a: {  	_ =	shalt  }
0x7b: {  	_ =	shalt  }
0x7c: {  	_ =	shalt  }
0x7d: {  	_ =	shalt  }
0x7e: {  	_ =	shalt  }
0x7f: {  	_ =	shalt  }
0x80: {  	_ =	shalt  }
0x81: {  	_ =	shalt  }
0x82: {  	_ =	shalt  }
0x83: {  	_ =	shalt  }
0x84: {  	_ =	shalt  }
0x85: {  	_ =	shalt  }
0x86: {  	_ =	shalt  }
0x87: {  	_ =	shalt  }
.Lfunc_end0:
.L_simem_size_0:
called_computation.1_lowered:
.L_overlay_start_0:
0x88: {  	s2 =	sld [smem:$0x3FD9]  }
0x89: {  	s3 =	sld [smem:$0x3FFE];
	_ =	sdelay $0x1  }
0x8a: {  	s1 =	srdreg.scid  }
0x8b: {  	s0 =	sand.u32 $0x1, s1  }
0x8c: {  	s17 =	sshll.u32 s0, $0xA;
	s2 =	sadd.s32 s3, s2  }
0x8d: {  	s2 =	sadd.s32 s2, s17  }
0x8e: {  	[smem:$0x3FC4] =	sst s2  }
0x8f: {  	_ = 	snop  }
0x90: {  	s2 =	sld [smem:$0x3FD0];
	(tm) =	ssettm $0x1  }
0x91: {  	s18 =	sld [smem:$0x3FFB];
	_ =	sdelay $0x3  }
0x92: {  	_ =	strace s18  }
0x93: {  	s3 =	sld [smem:$0x3FFC];
	_ =	sdelay $0x3  }
0x94: {  	_ =	strace s3  }
0x95: {  	s3 =	sld [smem:$0x3FFD];
	_ =	sdelay $0x3  }
0x96: {  	_ =	strace s3  }
0x97: {  	_ =	strace $0x8FFFFFFF  }
0x98: {  	s19 =	sld [smem:$0x3FDB];
	_ =	sdelay $0x1  }
0x99: {  	s4 =	simm.s32 $_scs_section_size  }
0x9a: {  	s5 =	simm.s32 $_size__tile_overlayer_lowered;
	s6 =	simm.s32 $_tile_overlayer_lowered  }
0x9b: {  	s22 =	simm.s32 $0x1BFF;
	s21 =	sshll.u32 s6, $0x1;
	s3 =	sadd.s32 s4, s19  }
0x9c: {  	s7 =	simm.s32 $0x0;
	s20 =	sshll.u32 s5, $0x1;
	s5 =	sadd.s32 s21, s3  }
0x9d: {  	[timem:s7], [sflag:s22] =	dma.local [hbm:s5], s20  }
0x9e: {  	_ =	swait.ge [sflag:s22], s20  }
0x9f: {  	s4 =	ssub.s32 $0x0, s20;
	[sflag:s22] =	ssyncset.done $0x0  }
0xa0: {  	[sflag:s22] =	ssyncadd.s32 s4;
	_ =	sdelay $0x1  }
0xa1: {  	s23 =	simm.s32 $0x1B8B  }
0xa2: {  	_ =	swait.ge [sflag:s23], $0x1  }
0xa3: {  	[sflag:s23] =	ssyncset.done $0x0  }
0xa4: {  	s25 =	simm.s32 $0x1B8E;
	s24 =	sld [smem:$0x3FFE];
	[sflag:s23] =	ssyncadd.s32 $0xFFFFFFFF  }
0xa5: {  	s26 =	simm.s32 $execute0_lowered;
	[smem:$0x3FD2] =	sst s25  }
0xa6: {  	s5 =	sshll.u32 s26, $0x1;
	_ =	strace $0x80000049;
	[dreg:$0x1] =	wrdreg $0xFFFFFFFF  }
0xa7: {  	s28 =	simm.s32 $_size_execute0_lowered;
	s3 =	sadd.s32 s3, s5;
	[dreg:$0x0] =	wrdreg $0x0  }
0xa8: {  	s5 =	sshll.u32 s28, $0x1;
	[dreg:$0x2] =	wrdreg s3  }
0xa9: {  	[dreg:$0x3] =	wrdreg s5  }
0xaa: {  	[dreg:$0x4] =	wrdreg $0xC0  }
0xab: {  	_ =	task [dreg:s7], $0x5FFFF  }
0xac: {  	[dreg:$0x1] =	wrdreg $0xFFFFFFFF  }
0xad: {  	[dreg:$0x0] =	wrdreg $0x60  }
0xae: {  	[dreg:$0x2] =	wrdreg s2  }
0xaf: {  	[dreg:$0x3] =	wrdreg s24  }
0xb0: {  	[dreg:$0x4] =	wrdreg $0xA0000  }
0xb1: {  	[dreg:$0x5] =	wrdreg $0x9  }
0xb2: {  	_ =	task.clear_ibuf [dreg:s7], $0x6FFFF;
	_ =	strace $0x90000049  }
0xb3: {  	s29 =	simm.s32 $0x9;
	_ =	strace $0x8000004B  }
0xb4: {  	_ =	swait.ge [sflag:s29], $0x1  }
0xb5: {  	[sflag:s29] =	ssyncadd.s32 $0xFFFFFFFF  }
0xb6: {  	_ =	strace $0x9000004B  }
0xb7: {  	_ =	sfence  }
0xb8: {  	s30 =	sld [smem:$0x0];
	_ =	sdelay $0x2  }
0xb9: {  	s31 =	sshll.u32 s1, $0xD;
	s1 =	sshrl.u32 s1, $0x2  }
0xba: {  	s3 =	sand.u32 $0x4000, s31;
	s1 =	sadd.s32 s1, s30  }
0xbb: {  	s0 =	sor.u32 s3, s0;
	s1 =	sshll.u32 s1, $0x11  }
0xbc: {  	s0 =	sor.u32 s1, s0  }
0xbd: {  	s0 =	sadd.s32 $0x8F2B, s0  }
0xbe: {  	[sflag:s0] =	ssyncadd.remote.s32 $0x1  }
0xbf: {  	_ =	sfence.sel $0xFFFF  }
0xc0: {  	[dreg:$0x0] =	wrdreg $0xFFFFFFFF;
	(pc) =	sbr.abs _section_cstart, $3  }
0xc1: {  	[dreg:$0x1] =	wrdreg $0xFFFFFFFF  }
0xc2: {  	_ =	task.clear_ibuf [dreg:s7], $0x2FFFF;
	_ =	strace $0x9FFFFFFF  }
0xc3: {  	(tm) =	ssettm $0x7FFFFFFF  }
tec
execute0_lowered:
.L_overlay_start_1:
0x0: {  	(tag) =	ssettag $0x1  }
0x1: {  	s1 =	rddreg [dreg:$0x0]  }
0x2: {  	s0 =	rddreg [dreg:$0x1]  }
0x3: {  	s2 =	rddreg [dreg:$0x2]  }
0x4: {  	s3 =	simm.s32 $0x0;
	s4 =	srdreg.scid;
	s11 =	stileid.u32  }
0x5: {  	s28 =	simm.s32 $0x2000;
	s29 =	simm.s32 $0x5;
	s30 =	simm.s32 $0x1000  }
0x6: {  	s31 =	simm.s32 $0x40;
	[smem:$0x7FF] =	sst s3;
	s4 =	sand.u32 $0x1, s4  }
0x7: {  	s6 =	sadd.s32 $0x16600, s0;
	s7 =	smul.u32 $0x14000, s11;
	s9 =	sadd.s32 $0x2400, s0  }
0x8: {  	s10 =	smul.u32 $0x50000, s11;
	_ =	strace $0x8000004A;
	s8 =	sshll.u32 s4, $0x4  }
0x9: {  	s5 =	smul.u32 $0x140000, s4;
	s4 =	ssub.s32 $0x2, s4;
	s8 =	sor.u32 s11, s8  }
0xa: {  	s26 =	sshrl.u32 s4, $0x1;
	s11 =	sshrl.u32 s10, $0x2;
	s10 =	simm.s32 $0x2  }
0xb: {  	s5 =	sadd.s32 s7, s5;
	s25 =	smul.u32 $0xA00, s8;
	s4 =	ssub.s32 s4, s26  }
0xc: {  	s8 =	smul.u32 $0x5000, s8;
	s5 =	sshrl.u32 s5, $0x3;
	s21 =	smax.u32 s4, $0x1  }
0xd: {  	s4 =	simm.s32 $0x4000;
	s0 =	sadd.s32 s5, s0;
	s5 =	sadd.s32 s11, s2  }
0xe: {  	s12 =	sadd.s32 s6, s25;
	s8 =	sshrl.u32 s8, $0x3;
	[dreg:$0xf] =	wrdreg s21  }
0xf: {  	s7 =	sadd.s32 s9, s25;
	s11 =	simm.s32 $0x3;
	[dreg:$0x4] =	wrdreg s12  }
0x10: {  	[dreg:$0x5] =	wrdreg s7;
	s13 =	sadd.s32 $0x200, s8;
	s0 =	sadd.s32 $0x2A800, s0  }
0x11: {  	s14 =	sadd.s32 $0x400, s8;
	s22 =	sadd.s32 $0x2000, s5;
	[dreg:$0xe] =	wrdreg s0  }
0x12: {  	s18 =	sadd.s32 $0x600, s8;
	s23 =	sadd.s32 $0x4000, s5;
	[dreg:$0x10] =	wrdreg s22  }
0x13: {  	s8 =	sadd.s32 $0x800, s8;
	s24 =	sadd.s32 $0x6000, s5;
	[dreg:$0x11] =	wrdreg s23  }
0x14: {  	s25 =	sadd.s32 $0x8000, s5;
	s26 =	sadd.s32 $0xA000, s5;
	[dreg:$0x12] =	wrdreg s24  }
0x15: {  	s12 =	simm.s32 $0x4;
	s15 =	sadd.s32 s6, s13;
	[dreg:$0x13] =	wrdreg s25  }
0x16: {  	s7 =	sadd.s32 s9, s13;
	s16 =	sadd.s32 s6, s14;
	[dreg:$0x14] =	wrdreg s26  }
0x17: {  	s17 =	sadd.s32 s9, s14;
	s19 =	sadd.s32 s6, s18;
	[dreg:$0x6] =	wrdreg s15  }
0x18: {  	s6 =	sadd.s32 s6, s8;
	s20 =	sadd.s32 s9, s8;
	[dreg:$0x7] =	wrdreg s7  }
0x19: {  	s23 =	sadd.s32 $0xC000, s5;
	s24 =	sadd.s32 $0xE000, s5;
	[dreg:$0x8] =	wrdreg s16  }
0x1a: {  	s25 =	sadd.s32 $0x10000, s5;
	s26 =	sadd.s32 $0x12000, s5;
	[dreg:$0x9] =	wrdreg s17  }
0x1b: {  	s0 =	simm.s32 $0x80;
	s8 =	simm.s32 $0x8000;
	[dreg:$0xa] =	wrdreg s19  }
0x1c: {  	s13 =	simm.s32 $0xF80;
	s14 =	simm.s32 $0x1E00;
	[dreg:$0xc] =	wrdreg s6  }
0x1d: {  	s7 =	sadd.s32 s9, s18;
	[dreg:$0xd] =	wrdreg s20;
	s6 =	simm.s32 $0x100  }
0x1e: {  	s9 =	simm.s32 $0x1;
	s15 =	simm.s32 $0x1E80;
	s16 =	simm.s32 $0x1F00  }
0x1f: {  	v0 =	vimm.f32 $0.0e+00;
	s17 =	simm.s32 $0x1F80;
	[dreg:$0xb] =	wrdreg s7;
	s7 =	simm.s32 $0x6000  }
.LBB2_1:
0x20: {  	s18 =	simm.s32 $0x0;
	s19 =	simm.s32 $0x200  }
.LBB2_2:
0x21: {  	p0 =	sne.s32 s19, $0x7E00;
	[tilespmem:s18+$0x2070] =	vst v0  }
0x22: {  	[tilespmem:s18+$0x2000] =	vst v0  }
0x23: {  	[tilespmem:s18+$0x2010] =	vst v0  }
.Ltmp0:
0x24: {  	[tilespmem:s18+$0x2020] =	vst v0;
	(pc) =	sbr.rel @p0 .LBB2_2-.Ltmp0, $4  }
0x25: {  	[tilespmem:s18+$0x2030] =	vst v0  }
0x26: {  	[tilespmem:s18+$0x2040] =	vst v0  }
0x27: {  	[tilespmem:s18+$0x2050] =	vst v0  }
0x28: {  	[tilespmem:s18+$0x2060] =	vst v0;
	s18 =	sshra.s32 s19, $0x2;
	s19 =	sadd.s32 $0x200, s19  }
0x29: {  	[tilespmem:s18+$0x2070] =	vst v0  }
0x2a: {  	[tilespmem:s18+$0x2000] =	vst v0  }
0x2b: {  	[tilespmem:s18+$0x2010] =	vst v0  }
0x2c: {  	[tilespmem:s18+$0x2020] =	vst v0  }
0x2d: {  	[tilespmem:s18+$0x2030] =	vst v0  }
0x2e: {  	[tilespmem:s18+$0x2040] =	vst v0  }
0x2f: {  	[tilespmem:s18+$0x2050] =	vst v0  }
0x30: {  	[tilespmem:s18+$0x2060] =	vst v0  }
0x31: {  	[spmem:s5] =	stream.linear.scatter [tilespmem:s28], [sflag:$0x5], $0x2000, $0x38;
	[tilespmem:$0x1E000] =	vst v63  }
0x32: {  	_ =	swait.ge [sflag:s29], $0x2000  }
0x33: {  	[sflag:s29] =	ssyncset.done $0x0  }
0x34: {  	s20 =	rddreg [dreg:$0x10];
	[sflag:s29] =	ssyncadd.s32 $0xFFFFE000  }
0x35: {  	[spmem:s20] =	stream.linear.scatter [tilespmem:s28], [sflag:$0x5], $0x2000, $0x38;
	[tilespmem:$0x1E000] =	vst v63  }
0x36: {  	_ =	swait.ge [sflag:s29], $0x2000  }
0x37: {  	[sflag:s29] =	ssyncset.done $0x0  }
0x38: {  	s21 =	rddreg [dreg:$0x11];
	[sflag:s29] =	ssyncadd.s32 $0xFFFFE000  }
0x39: {  	[spmem:s21] =	stream.linear.scatter [tilespmem:s28], [sflag:$0x5], $0x2000, $0x38;
	[tilespmem:$0x1E000] =	vst v63  }
0x3a: {  	_ =	swait.ge [sflag:s29], $0x2000  }
0x3b: {  	[sflag:s29] =	ssyncset.done $0x0  }
0x3c: {  	s22 =	rddreg [dreg:$0x12];
	[sflag:s29] =	ssyncadd.s32 $0xFFFFE000  }
0x3d: {  	[spmem:s22] =	stream.linear.scatter [tilespmem:s28], [sflag:$0x5], $0x2000, $0x38;
	[tilespmem:$0x1E000] =	vst v63  }
0x3e: {  	_ =	swait.ge [sflag:s29], $0x2000  }
0x3f: {  	[sflag:s29] =	ssyncset.done $0x0  }
0x40: {  	s19 =	rddreg [dreg:$0x13];
	[sflag:s29] =	ssyncadd.s32 $0xFFFFE000  }
0x41: {  	[spmem:s19] =	stream.linear.scatter [tilespmem:s28], [sflag:$0x5], $0x2000, $0x38;
	[tilespmem:$0x1E000] =	vst v63  }
0x42: {  	_ =	swait.ge [sflag:s29], $0x2000  }
0x43: {  	[sflag:s29] =	ssyncset.done $0x0  }
0x44: {  	s20 =	rddreg [dreg:$0x14];
	[sflag:s29] =	ssyncadd.s32 $0xFFFFE000  }
0x45: {  	[spmem:s20] =	stream.linear.scatter [tilespmem:s28], [sflag:$0x5], $0x2000, $0x38;
	[tilespmem:$0x1E000] =	vst v63  }
0x46: {  	_ =	swait.ge [sflag:s29], $0x2000  }
0x47: {  	[sflag:s29] =	ssyncset.done $0x0  }
0x48: {  	[sflag:s29] =	ssyncadd.s32 $0xFFFFE000  }
0x49: {  	[spmem:s23] =	stream.linear.scatter [tilespmem:s28], [sflag:$0x5], $0x2000, $0x38;
	[tilespmem:$0x1E000] =	vst v63  }
0x4a: {  	_ =	swait.ge [sflag:s29], $0x2000  }
0x4b: {  	[sflag:s29] =	ssyncset.done $0x0  }
0x4c: {  	[sflag:s29] =	ssyncadd.s32 $0xFFFFE000  }
0x4d: {  	[spmem:s24] =	stream.linear.scatter [tilespmem:s28], [sflag:$0x5], $0x2000, $0x38;
	[tilespmem:$0x1E000] =	vst v63  }
0x4e: {  	_ =	swait.ge [sflag:s29], $0x2000  }
0x4f: {  	[sflag:s29] =	ssyncset.done $0x0  }
0x50: {  	[sflag:s29] =	ssyncadd.s32 $0xFFFFE000  }
0x51: {  	[spmem:s25] =	stream.linear.scatter [tilespmem:s28], [sflag:$0x5], $0x2000, $0x38;
	[tilespmem:$0x1E000] =	vst v63  }
0x52: {  	_ =	swait.ge [sflag:s29], $0x2000  }
0x53: {  	[sflag:s29] =	ssyncset.done $0x0  }
0x54: {  	[sflag:s29] =	ssyncadd.s32 $0xFFFFE000  }
0x55: {  	[spmem:s26] =	stream.linear.scatter [tilespmem:s28], [sflag:$0x5], $0x2000, $0x38;
	[tilespmem:$0x1E000] =	vst v63  }
0x56: {  	_ =	swait.ge [sflag:s29], $0x2000  }
0x57: {  	[sflag:s29] =	ssyncset.done $0x0  }
0x58: {  	[sflag:s29] =	ssyncadd.s32 $0xFFFFE000  }
0x59: {  	[bflag:$0x0] =	sbarrier.arrive $0xFFFF  }
0x5a: {  	s21 =	simm.s32 $0x0;
	s19 =	rddreg [dreg:$0x4]  }
0x5b: {  	[tilespmem:s21], [sflag:$0x5] =	stream.linear.gather [hbm4b:s19+s21], $0x1000, $0x38;
	[tilespmem:$0x1E000] =	vst v63  }
0x5c: {  	_ =	swait.ge [sflag:s29], $0x1000  }
0x5d: {  	[sflag:s29] =	ssyncset.done $0x0  }
0x5e: {  	s22 =	rddreg [dreg:$0x5];
	[sflag:s29] =	ssyncadd.s32 $0xFFFFF000  }
0x5f: {  	[tilespmem:s30], [sflag:$0x5] =	stream.linear.gather [hbm4b:s22+s21], $0x1000, $0x38;
	[tilespmem:$0x1E000] =	vst v63  }
0x60: {  	_ =	swait.ge [sflag:s29], $0x1000  }
0x61: {  	[sflag:s29] =	ssyncset.done $0x0  }
0x62: {  	[sflag:s29] =	ssyncadd.s32 $0xFFFFF000  }
0x63: {  	[tilespmem:s28], [sflag:$0x1] =	stream.indirect.gather [hbm4b:s1+s31], $0x80, s21, s31, $0xb8;
	[tilespmem:$0x1E000] =	vst v63  }
0x64: {  	_ = 	snop  }
0x65: {  	[tilespmem:s4], [sflag:$0x2] =	stream.indirect.gather [hbm4b:s1+s31], $0x80, s0, s31, $0xb8;
	[tilespmem:$0x1E000] =	vst v63  }
0x66: {  	_ = 	snop  }
0x67: {  	[tilespmem:s7], [sflag:$0x3] =	stream.indirect.gather [hbm4b:s1+s31], $0x80, s6, s31, $0xb8;
	[tilespmem:$0x1E000] =	vst v63  }
0x68: {  	s19 =	simm.s32 $0x180  }
0x69: {  	[tilespmem:s8], [sflag:$0x4] =	stream.indirect.gather [hbm4b:s1+s31], $0x80, s19, s31, $0xb8;
	[tilespmem:$0x1E000] =	vst v63  }
0x6a: {  	_ =	swait.ge [sflag:s9], $0x2000  }
0x6b: {  	[sflag:s9] =	ssyncset.done $0x0  }
0x6c: {  	s20 =	simm.s32 $0x1000;
	[sflag:s9] =	ssyncadd.s32 $0xFFFFE000  }
0x6d: {  	[spmem:s2] =	stream.indirect.scatter.add.f32 [tilespmem:s28], [sflag:$0x5], $0x80, s20, s31, $0xb8;
	[tilespmem:$0x1E000] =	vst v63  }
0x6e: {  	_ =	swait.ge [sflag:s29], $0x2000  }
0x6f: {  	[sflag:s29] =	ssyncset.done $0x0  }
0x70: {  	s21 =	simm.s32 $0x200;
	[sflag:s29] =	ssyncadd.s32 $0xFFFFE000  }
0x71: {  	[tilespmem:s28], [sflag:$0x1] =	stream.indirect.gather [hbm4b:s1+s31], $0x80, s21, s31, $0xb8;
	[tilespmem:$0x1E000] =	vst v63  }
0x72: {  	_ =	swait.ge [sflag:s10], $0x2000  }
0x73: {  	[sflag:s10] =	ssyncset.done $0x0  }
0x74: {  	s22 =	simm.s32 $0x1080;
	[sflag:s10] =	ssyncadd.s32 $0xFFFFE000  }
0x75: {  	[spmem:s2] =	stream.indirect.scatter.add.f32 [tilespmem:s4], [sflag:$0x5], $0x80, s22, s31, $0xb8;
	[tilespmem:$0x1E000] =	vst v63  }
0x76: {  	_ =	swait.ge [sflag:s29], $0x2000  }
0x77: {  	[sflag:s29] =	ssyncset.done $0x0  }
0x78: {  	s19 =	simm.s32 $0x280;
	[sflag:s29] =	ssyncadd.s32 $0xFFFFE000  }
0x79: {  	[tilespmem:s4], [sflag:$0x2] =	stream.indirect.gather [hbm4b:s1+s31], $0x80, s19, s31, $0xb8;
	[tilespmem:$0x1E000] =	vst v63  }
0x7a: {  	_ =	swait.ge [sflag:s11], $0x2000  }
0x7b: {  	[sflag:s11] =	ssyncset.done $0x0  }
0x7c: {  	s20 =	simm.s32 $0x1100;
	[sflag:s11] =	ssyncadd.s32 $0xFFFFE000  }
0x7d: {  	[spmem:s2] =	stream.indirect.scatter.add.f32 [tilespmem:s7], [sflag:$0x5], $0x80, s20, s31, $0xb8;
	[tilespmem:$0x1E000] =	vst v63  }
0x7e: {  	_ =	swait.ge [sflag:s29], $0x2000  }
0x7f: {  	[sflag:s29] =	ssyncset.done $0x0  }
0x80: {  	s21 =	simm.s32 $0x300;
	[sflag:s29] =	ssyncadd.s32 $0xFFFFE000  }
0x81: {  	[tilespmem:s7], [sflag:$0x3] =	stream.indirect.gather [hbm4b:s1+s31], $0x80, s21, s31, $0xb8;
	[tilespmem:$0x1E000] =	vst v63  }
0x82: {  	_ =	swait.ge [sflag:s12], $0x2000  }
0x83: {  	[sflag:s12] =	ssyncset.done $0x0  }
0x84: {  	s22 =	simm.s32 $0x1180;
	[sflag:s12] =	ssyncadd.s32 $0xFFFFE000  }
0x85: {  	[spmem:s2] =	stream.indirect.scatter.add.f32 [tilespmem:s8], [sflag:$0x5], $0x80, s22, s31, $0xb8;
	[tilespmem:$0x1E000] =	vst v63  }
0x86: {  	_ =	swait.ge [sflag:s29], $0x2000  }
0x87: {  	s18 =	simm.s32 $0x200;
	s19 =	simm.s32 $0x1000;
	[sflag:s29] =	ssyncset.done $0x0  }
.LBB2_4:
0x88: {  	s22 =	sadd.s32 $0x180, s18  }
0x89: {  	[sflag:s29] =	ssyncadd.s32 $0xFFFFE000;
	s20 =	smov.u32 s19;
	s21 =	sadd.s32 $0x800, s19  }
0x8a: {  	[tilespmem:s8], [sflag:$0x4] =	stream.indirect.gather [hbm4b:s1+s31], $0x80, s22, s31, $0xb8;
	[tilespmem:$0x1E000] =	vst v63  }
0x8b: {  	p0 =	sne.s32 s19, $0x3000;
	_ =	swait.ge [sflag:s9], $0x2000  }
0x8c: {  	[sflag:s9] =	ssyncset.done $0x0  }
0x8d: {  	s19 =	sadd.s32 $0x1000, s18;
	[sflag:s9] =	ssyncadd.s32 $0xFFFFE000  }
0x8e: {  	[spmem:s2] =	stream.indirect.scatter.add.f32 [tilespmem:s28], [sflag:$0x5], $0x80, s19, s31, $0xb8;
	[tilespmem:$0x1E000] =	vst v63  }
0x8f: {  	_ =	swait.ge [sflag:s29], $0x2000  }
0x90: {  	[sflag:s29] =	ssyncset.done $0x0  }
0x91: {  	s19 =	sadd.s32 $0x200, s18;
	[sflag:s29] =	ssyncadd.s32 $0xFFFFE000  }
0x92: {  	[tilespmem:s28], [sflag:$0x1] =	stream.indirect.gather [hbm4b:s1+s31], $0x80, s19, s31, $0xb8;
	[tilespmem:$0x1E000] =	vst v63  }
0x93: {  	_ =	swait.ge [sflag:s10], $0x2000  }
0x94: {  	[sflag:s10] =	ssyncset.done $0x0  }
0x95: {  	s19 =	sadd.s32 $0x1080, s18;
	[sflag:s10] =	ssyncadd.s32 $0xFFFFE000  }
0x96: {  	[spmem:s2] =	stream.indirect.scatter.add.f32 [tilespmem:s4], [sflag:$0x5], $0x80, s19, s31, $0xb8;
	[tilespmem:$0x1E000] =	vst v63  }
0x97: {  	_ =	swait.ge [sflag:s29], $0x2000  }
0x98: {  	[sflag:s29] =	ssyncset.done $0x0  }
0x99: {  	s19 =	sadd.s32 $0x280, s18;
	[sflag:s29] =	ssyncadd.s32 $0xFFFFE000  }
0x9a: {  	[tilespmem:s4], [sflag:$0x2] =	stream.indirect.gather [hbm4b:s1+s31], $0x80, s19, s31, $0xb8;
	[tilespmem:$0x1E000] =	vst v63  }
0x9b: {  	_ =	swait.ge [sflag:s11], $0x2000  }
0x9c: {  	[sflag:s11] =	ssyncset.done $0x0  }
0x9d: {  	s19 =	sadd.s32 $0x1100, s18;
	[sflag:s11] =	ssyncadd.s32 $0xFFFFE000  }
0x9e: {  	[spmem:s2] =	stream.indirect.scatter.add.f32 [tilespmem:s7], [sflag:$0x5], $0x80, s19, s31, $0xb8;
	[tilespmem:$0x1E000] =	vst v63  }
0x9f: {  	_ =	swait.ge [sflag:s29], $0x2000  }
0xa0: {  	[sflag:s29] =	ssyncset.done $0x0  }
0xa1: {  	s19 =	sadd.s32 $0x300, s18;
	[sflag:s29] =	ssyncadd.s32 $0xFFFFE000  }
0xa2: {  	[tilespmem:s7], [sflag:$0x3] =	stream.indirect.gather [hbm4b:s1+s31], $0x80, s19, s31, $0xb8;
	[tilespmem:$0x1E000] =	vst v63  }
0xa3: {  	_ =	swait.ge [sflag:s12], $0x2000  }
.Ltmp1:
0xa4: {  	[sflag:s12] =	ssyncset.done $0x0;
	(pc) =	sbr.rel @p0 .LBB2_4-.Ltmp1, $4  }
0xa5: {  	s18 =	sadd.s32 $0x1180, s18;
	[sflag:s12] =	ssyncadd.s32 $0xFFFFE000  }
0xa6: {  	[spmem:s2] =	stream.indirect.scatter.add.f32 [tilespmem:s8], [sflag:$0x5], $0x80, s18, s31, $0xb8;
	[tilespmem:$0x1E000] =	vst v63  }
0xa7: {  	_ =	swait.ge [sflag:s29], $0x2000  }
0xa8: {  	s19 =	smov.u32 s21;
	s18 =	sshra.s32 s20, $0x2;
	[sflag:s29] =	ssyncset.done $0x0  }
0xa9: {  	s19 =	sadd.s32 $0x180, s18;
	[sflag:s29] =	ssyncadd.s32 $0xFFFFE000  }
0xaa: {  	[tilespmem:s8], [sflag:$0x4] =	stream.indirect.gather [hbm4b:s1+s31], $0x80, s19, s31, $0xb8;
	[tilespmem:$0x1E000] =	vst v63  }
0xab: {  	_ =	swait.ge [sflag:s9], $0x2000  }
0xac: {  	[sflag:s9] =	ssyncset.done $0x0  }
0xad: {  	s20 =	sadd.s32 $0x1000, s18;
	[sflag:s9] =	ssyncadd.s32 $0xFFFFE000  }
0xae: {  	[spmem:s2] =	stream.indirect.scatter.add.f32 [tilespmem:s28], [sflag:$0x5], $0x80, s20, s31, $0xb8;
	[tilespmem:$0x1E000] =	vst v63  }
0xaf: {  	_ =	swait.ge [sflag:s29], $0x2000  }
0xb0: {  	[sflag:s29] =	ssyncset.done $0x0  }
0xb1: {  	s21 =	sadd.s32 $0x200, s18;
	[sflag:s29] =	ssyncadd.s32 $0xFFFFE000  }
0xb2: {  	[tilespmem:s28], [sflag:$0x1] =	stream.indirect.gather [hbm4b:s1+s31], $0x80, s21, s31, $0xb8;
	[tilespmem:$0x1E000] =	vst v63  }
0xb3: {  	_ =	swait.ge [sflag:s10], $0x2000  }
0xb4: {  	[sflag:s10] =	ssyncset.done $0x0  }
0xb5: {  	s22 =	sadd.s32 $0x1080, s18;
	[sflag:s10] =	ssyncadd.s32 $0xFFFFE000  }
0xb6: {  	[spmem:s2] =	stream.indirect.scatter.add.f32 [tilespmem:s4], [sflag:$0x5], $0x80, s22, s31, $0xb8;
	[tilespmem:$0x1E000] =	vst v63  }
0xb7: {  	_ =	swait.ge [sflag:s29], $0x2000  }
0xb8: {  	[sflag:s29] =	ssyncset.done $0x0  }
0xb9: {  	s20 =	sadd.s32 $0x280, s18;
	[sflag:s29] =	ssyncadd.s32 $0xFFFFE000  }
0xba: {  	[tilespmem:s4], [sflag:$0x2] =	stream.indirect.gather [hbm4b:s1+s31], $0x80, s20, s31, $0xb8;
	[tilespmem:$0x1E000] =	vst v63  }
0xbb: {  	_ =	swait.ge [sflag:s11], $0x2000  }
0xbc: {  	[sflag:s11] =	ssyncset.done $0x0  }
0xbd: {  	s21 =	sadd.s32 $0x1100, s18;
	[sflag:s11] =	ssyncadd.s32 $0xFFFFE000  }
0xbe: {  	[spmem:s2] =	stream.indirect.scatter.add.f32 [tilespmem:s7], [sflag:$0x5], $0x80, s21, s31, $0xb8;
	[tilespmem:$0x1E000] =	vst v63  }
0xbf: {  	_ =	swait.ge [sflag:s29], $0x2000  }
0xc0: {  	[sflag:s29] =	ssyncset.done $0x0  }
0xc1: {  	s22 =	sadd.s32 $0x300, s18;
	[sflag:s29] =	ssyncadd.s32 $0xFFFFE000  }
0xc2: {  	[tilespmem:s7], [sflag:$0x3] =	stream.indirect.gather [hbm4b:s1+s31], $0x80, s22, s31, $0xb8;
	[tilespmem:$0x1E000] =	vst v63  }
0xc3: {  	_ =	swait.ge [sflag:s12], $0x2000  }
0xc4: {  	[sflag:s12] =	ssyncset.done $0x0  }
0xc5: {  	s19 =	sadd.s32 $0x1180, s18;
	[sflag:s12] =	ssyncadd.s32 $0xFFFFE000  }
0xc6: {  	[spmem:s2] =	stream.indirect.scatter.add.f32 [tilespmem:s8], [sflag:$0x5], $0x80, s19, s31, $0xb8;
	[tilespmem:$0x1E000] =	vst v63  }
0xc7: {  	_ =	swait.ge [sflag:s29], $0x2000  }
0xc8: {  	[sflag:s29] =	ssyncset.done $0x0  }
0xc9: {  	[sflag:s29] =	ssyncadd.s32 $0xFFFFE000  }
0xca: {  	[tilespmem:s8], [sflag:$0x4] =	stream.indirect.gather [hbm4b:s1+s31], $0x80, s13, s31, $0xb8;
	[tilespmem:$0x1E000] =	vst v63  }
0xcb: {  	_ =	swait.ge [sflag:s9], $0x2000  }
0xcc: {  	[sflag:s9] =	ssyncset.done $0x0  }
0xcd: {  	[sflag:s9] =	ssyncadd.s32 $0xFFFFE000  }
0xce: {  	[spmem:s2] =	stream.indirect.scatter.add.f32 [tilespmem:s28], [sflag:$0x5], $0x80, s14, s31, $0xb8;
	[tilespmem:$0x1E000] =	vst v63  }
0xcf: {  	_ =	swait.ge [sflag:s29], $0x2000  }
0xd0: {  	[sflag:s29] =	ssyncset.done $0x0  }
0xd1: {  	[sflag:s29] =	ssyncadd.s32 $0xFFFFE000  }
0xd2: {  	_ =	swait.ge [sflag:s10], $0x2000  }
0xd3: {  	[sflag:s10] =	ssyncset.done $0x0  }
0xd4: {  	[sflag:s10] =	ssyncadd.s32 $0xFFFFE000  }
0xd5: {  	[spmem:s2] =	stream.indirect.scatter.add.f32 [tilespmem:s4], [sflag:$0x5], $0x80, s15, s31, $0xb8;
	[tilespmem:$0x1E000] =	vst v63  }
0xd6: {  	_ =	swait.ge [sflag:s29], $0x2000  }
0xd7: {  	[sflag:s29] =	ssyncset.done $0x0  }
0xd8: {  	[sflag:s29] =	ssyncadd.s32 $0xFFFFE000  }
0xd9: {  	_ =	swait.ge [sflag:s11], $0x2000  }
0xda: {  	[sflag:s11] =	ssyncset.done $0x0  }
0xdb: {  	[sflag:s11] =	ssyncadd.s32 $0xFFFFE000  }
0xdc: {  	[spmem:s2] =	stream.indirect.scatter.add.f32 [tilespmem:s7], [sflag:$0x5], $0x80, s16, s31, $0xb8;
	[tilespmem:$0x1E000] =	vst v63  }
0xdd: {  	_ =	swait.ge [sflag:s29], $0x2000  }
0xde: {  	[sflag:s29] =	ssyncset.done $0x0  }
0xdf: {  	[sflag:s29] =	ssyncadd.s32 $0xFFFFE000  }
0xe0: {  	_ =	swait.ge [sflag:s12], $0x2000  }
0xe1: {  	[sflag:s12] =	ssyncset.done $0x0  }
0xe2: {  	[sflag:s12] =	ssyncadd.s32 $0xFFFFE000  }
0xe3: {  	[spmem:s2] =	stream.indirect.scatter.add.f32 [tilespmem:s8], [sflag:$0x5], $0x80, s17, s31, $0xb8;
	[tilespmem:$0x1E000] =	vst v63  }
0xe4: {  	_ =	swait.ge [sflag:s29], $0x2000  }
0xe5: {  	[sflag:s29] =	ssyncset.done $0x0  }
0xe6: {  	s20 =	simm.s32 $0x0;
	s21 =	rddreg [dreg:$0x6];
	[sflag:s29] =	ssyncadd.s32 $0xFFFFE000  }
0xe7: {  	[tilespmem:s20], [sflag:$0x5] =	stream.linear.gather [hbm4b:s21+s20], $0x1000, $0x38;
	[tilespmem:$0x1E000] =	vst v63  }
0xe8: {  	_ =	swait.ge [sflag:s29], $0x1000  }
0xe9: {  	[sflag:s29] =	ssyncset.done $0x0  }
0xea: {  	s22 =	rddreg [dreg:$0x7];
	[sflag:s29] =	ssyncadd.s32 $0xFFFFF000  }
0xeb: {  	[tilespmem:s30], [sflag:$0x5] =	stream.linear.gather [hbm4b:s22+s20], $0x1000, $0x38;
	[tilespmem:$0x1E000] =	vst v63  }
0xec: {  	_ =	swait.ge [sflag:s29], $0x1000  }
0xed: {  	[sflag:s29] =	ssyncset.done $0x0  }
0xee: {  	[sflag:s29] =	ssyncadd.s32 $0xFFFFF000  }
0xef: {  	[tilespmem:s28], [sflag:$0x1] =	stream.indirect.gather [hbm4b:s1+s31], $0x80, s20, s31, $0xb8;
	[tilespmem:$0x1E000] =	vst v63  }
0xf0: {  	_ = 	snop  }
0xf1: {  	[tilespmem:s4], [sflag:$0x2] =	stream.indirect.gather [hbm4b:s1+s31], $0x80, s0, s31, $0xb8;
	[tilespmem:$0x1E000] =	vst v63  }
0xf2: {  	_ = 	snop  }
0xf3: {  	[tilespmem:s7], [sflag:$0x3] =	stream.indirect.gather [hbm4b:s1+s31], $0x80, s6, s31, $0xb8;
	[tilespmem:$0x1E000] =	vst v63  }
0xf4: {  	s19 =	simm.s32 $0x180  }
0xf5: {  	[tilespmem:s8], [sflag:$0x4] =	stream.indirect.gather [hbm4b:s1+s31], $0x80, s19, s31, $0xb8;
	[tilespmem:$0x1E000] =	vst v63  }
0xf6: {  	_ =	swait.ge [sflag:s9], $0x2000  }
0xf7: {  	[sflag:s9] =	ssyncset.done $0x0  }
0xf8: {  	s20 =	simm.s32 $0x1000;
	[sflag:s9] =	ssyncadd.s32 $0xFFFFE000  }
0xf9: {  	[spmem:s2] =	stream.indirect.scatter.add.f32 [tilespmem:s28], [sflag:$0x5], $0x80, s20, s31, $0xb8;
	[tilespmem:$0x1E000] =	vst v63  }
0xfa: {  	_ =	swait.ge [sflag:s29], $0x2000  }
0xfb: {  	[sflag:s29] =	ssyncset.done $0x0  }
0xfc: {  	s21 =	simm.s32 $0x200;
	[sflag:s29] =	ssyncadd.s32 $0xFFFFE000  }
0xfd: {  	[tilespmem:s28], [sflag:$0x1] =	stream.indirect.gather [hbm4b:s1+s31], $0x80, s21, s31, $0xb8;
	[tilespmem:$0x1E000] =	vst v63  }
0xfe: {  	_ =	swait.ge [sflag:s10], $0x2000  }
0xff: {  	[sflag:s10] =	ssyncset.done $0x0  }
0x100: {  	s22 =	simm.s32 $0x1080;
	[sflag:s10] =	ssyncadd.s32 $0xFFFFE000  }
0x101: {  	[spmem:s2] =	stream.indirect.scatter.add.f32 [tilespmem:s4], [sflag:$0x5], $0x80, s22, s31, $0xb8;
	[tilespmem:$0x1E000] =	vst v63  }
0x102: {  	_ =	swait.ge [sflag:s29], $0x2000  }
0x103: {  	[sflag:s29] =	ssyncset.done $0x0  }
0x104: {  	s19 =	simm.s32 $0x280;
	[sflag:s29] =	ssyncadd.s32 $0xFFFFE000  }
0x105: {  	[tilespmem:s4], [sflag:$0x2] =	stream.indirect.gather [hbm4b:s1+s31], $0x80, s19, s31, $0xb8;
	[tilespmem:$0x1E000] =	vst v63  }
0x106: {  	_ =	swait.ge [sflag:s11], $0x2000  }
0x107: {  	[sflag:s11] =	ssyncset.done $0x0  }
0x108: {  	s20 =	simm.s32 $0x1100;
	[sflag:s11] =	ssyncadd.s32 $0xFFFFE000  }
0x109: {  	[spmem:s2] =	stream.indirect.scatter.add.f32 [tilespmem:s7], [sflag:$0x5], $0x80, s20, s31, $0xb8;
	[tilespmem:$0x1E000] =	vst v63  }
0x10a: {  	_ =	swait.ge [sflag:s29], $0x2000  }
0x10b: {  	[sflag:s29] =	ssyncset.done $0x0  }
0x10c: {  	s21 =	simm.s32 $0x300;
	[sflag:s29] =	ssyncadd.s32 $0xFFFFE000  }
0x10d: {  	[tilespmem:s7], [sflag:$0x3] =	stream.indirect.gather [hbm4b:s1+s31], $0x80, s21, s31, $0xb8;
	[tilespmem:$0x1E000] =	vst v63  }
0x10e: {  	_ =	swait.ge [sflag:s12], $0x2000  }
0x10f: {  	[sflag:s12] =	ssyncset.done $0x0  }
0x110: {  	s22 =	simm.s32 $0x1180;
	[sflag:s12] =	ssyncadd.s32 $0xFFFFE000  }
0x111: {  	[spmem:s2] =	stream.indirect.scatter.add.f32 [tilespmem:s8], [sflag:$0x5], $0x80, s22, s31, $0xb8;
	[tilespmem:$0x1E000] =	vst v63  }
0x112: {  	_ =	swait.ge [sflag:s29], $0x2000  }
0x113: {  	s18 =	simm.s32 $0x200;
	s21 =	simm.s32 $0x1000;
	[sflag:s29] =	ssyncset.done $0x0  }
.LBB2_6:
0x114: {  	s22 =	sadd.s32 $0x180, s18  }
0x115: {  	[sflag:s29] =	ssyncadd.s32 $0xFFFFE000;
	s20 =	smov.u32 s21;
	s19 =	sadd.s32 $0x800, s21  }
0x116: {  	[tilespmem:s8], [sflag:$0x4] =	stream.indirect.gather [hbm4b:s1+s31], $0x80, s22, s31, $0xb8;
	[tilespmem:$0x1E000] =	vst v63  }
0x117: {  	p0 =	sne.s32 s21, $0x3000;
	_ =	swait.ge [sflag:s9], $0x2000  }
0x118: {  	[sflag:s9] =	ssyncset.done $0x0  }
0x119: {  	s21 =	sadd.s32 $0x1000, s18;
	[sflag:s9] =	ssyncadd.s32 $0xFFFFE000  }
0x11a: {  	[spmem:s2] =	stream.indirect.scatter.add.f32 [tilespmem:s28], [sflag:$0x5], $0x80, s21, s31, $0xb8;
	[tilespmem:$0x1E000] =	vst v63  }
0x11b: {  	_ =	swait.ge [sflag:s29], $0x2000  }
0x11c: {  	[sflag:s29] =	ssyncset.done $0x0  }
0x11d: {  	s21 =	sadd.s32 $0x200, s18;
	[sflag:s29] =	ssyncadd.s32 $0xFFFFE000  }
0x11e: {  	[tilespmem:s28], [sflag:$0x1] =	stream.indirect.gather [hbm4b:s1+s31], $0x80, s21, s31, $0xb8;
	[tilespmem:$0x1E000] =	vst v63  }
0x11f: {  	_ =	swait.ge [sflag:s10], $0x2000  }
0x120: {  	[sflag:s10] =	ssyncset.done $0x0  }
0x121: {  	s21 =	sadd.s32 $0x1080, s18;
	[sflag:s10] =	ssyncadd.s32 $0xFFFFE000  }
0x122: {  	[spmem:s2] =	stream.indirect.scatter.add.f32 [tilespmem:s4], [sflag:$0x5], $0x80, s21, s31, $0xb8;
	[tilespmem:$0x1E000] =	vst v63  }
0x123: {  	_ =	swait.ge [sflag:s29], $0x2000  }
0x124: {  	[sflag:s29] =	ssyncset.done $0x0  }
0x125: {  	s21 =	sadd.s32 $0x280, s18;
	[sflag:s29] =	ssyncadd.s32 $0xFFFFE000  }
0x126: {  	[tilespmem:s4], [sflag:$0x2] =	stream.indirect.gather [hbm4b:s1+s31], $0x80, s21, s31, $0xb8;
	[tilespmem:$0x1E000] =	vst v63  }
0x127: {  	_ =	swait.ge [sflag:s11], $0x2000  }
0x128: {  	[sflag:s11] =	ssyncset.done $0x0  }
0x129: {  	s21 =	sadd.s32 $0x1100, s18;
	[sflag:s11] =	ssyncadd.s32 $0xFFFFE000  }
0x12a: {  	[spmem:s2] =	stream.indirect.scatter.add.f32 [tilespmem:s7], [sflag:$0x5], $0x80, s21, s31, $0xb8;
	[tilespmem:$0x1E000] =	vst v63  }
0x12b: {  	_ =	swait.ge [sflag:s29], $0x2000  }
0x12c: {  	[sflag:s29] =	ssyncset.done $0x0  }
0x12d: {  	s21 =	sadd.s32 $0x300, s18;
	[sflag:s29] =	ssyncadd.s32 $0xFFFFE000  }
0x12e: {  	[tilespmem:s7], [sflag:$0x3] =	stream.indirect.gather [hbm4b:s1+s31], $0x80, s21, s31, $0xb8;
	[tilespmem:$0x1E000] =	vst v63  }
0x12f: {  	_ =	swait.ge [sflag:s12], $0x2000  }
.Ltmp2:
0x130: {  	[sflag:s12] =	ssyncset.done $0x0;
	(pc) =	sbr.rel @p0 .LBB2_6-.Ltmp2, $4  }
0x131: {  	s18 =	sadd.s32 $0x1180, s18;
	[sflag:s12] =	ssyncadd.s32 $0xFFFFE000  }
0x132: {  	[spmem:s2] =	stream.indirect.scatter.add.f32 [tilespmem:s8], [sflag:$0x5], $0x80, s18, s31, $0xb8;
	[tilespmem:$0x1E000] =	vst v63  }
0x133: {  	_ =	swait.ge [sflag:s29], $0x2000  }
0x134: {  	s21 =	smov.u32 s19;
	s18 =	sshra.s32 s20, $0x2;
	[sflag:s29] =	ssyncset.done $0x0  }
0x135: {  	s19 =	sadd.s32 $0x180, s18;
	[sflag:s29] =	ssyncadd.s32 $0xFFFFE000  }
0x136: {  	[tilespmem:s8], [sflag:$0x4] =	stream.indirect.gather [hbm4b:s1+s31], $0x80, s19, s31, $0xb8;
	[tilespmem:$0x1E000] =	vst v63  }
0x137: {  	_ =	swait.ge [sflag:s9], $0x2000  }
0x138: {  	[sflag:s9] =	ssyncset.done $0x0  }
0x139: {  	s20 =	sadd.s32 $0x1000, s18;
	[sflag:s9] =	ssyncadd.s32 $0xFFFFE000  }
0x13a: {  	[spmem:s2] =	stream.indirect.scatter.add.f32 [tilespmem:s28], [sflag:$0x5], $0x80, s20, s31, $0xb8;
	[tilespmem:$0x1E000] =	vst v63  }
0x13b: {  	_ =	swait.ge [sflag:s29], $0x2000  }
0x13c: {  	[sflag:s29] =	ssyncset.done $0x0  }
0x13d: {  	s21 =	sadd.s32 $0x200, s18;
	[sflag:s29] =	ssyncadd.s32 $0xFFFFE000  }
0x13e: {  	[tilespmem:s28], [sflag:$0x1] =	stream.indirect.gather [hbm4b:s1+s31], $0x80, s21, s31, $0xb8;
	[tilespmem:$0x1E000] =	vst v63  }
0x13f: {  	_ =	swait.ge [sflag:s10], $0x2000  }
0x140: {  	[sflag:s10] =	ssyncset.done $0x0  }
0x141: {  	s22 =	sadd.s32 $0x1080, s18;
	[sflag:s10] =	ssyncadd.s32 $0xFFFFE000  }
0x142: {  	[spmem:s2] =	stream.indirect.scatter.add.f32 [tilespmem:s4], [sflag:$0x5], $0x80, s22, s31, $0xb8;
	[tilespmem:$0x1E000] =	vst v63  }
0x143: {  	_ =	swait.ge [sflag:s29], $0x2000  }
0x144: {  	[sflag:s29] =	ssyncset.done $0x0  }
0x145: {  	s20 =	sadd.s32 $0x280, s18;
	[sflag:s29] =	ssyncadd.s32 $0xFFFFE000  }
0x146: {  	[tilespmem:s4], [sflag:$0x2] =	stream.indirect.gather [hbm4b:s1+s31], $0x80, s20, s31, $0xb8;
	[tilespmem:$0x1E000] =	vst v63  }
0x147: {  	_ =	swait.ge [sflag:s11], $0x2000  }
0x148: {  	[sflag:s11] =	ssyncset.done $0x0  }
0x149: {  	s21 =	sadd.s32 $0x1100, s18;
	[sflag:s11] =	ssyncadd.s32 $0xFFFFE000  }
0x14a: {  	[spmem:s2] =	stream.indirect.scatter.add.f32 [tilespmem:s7], [sflag:$0x5], $0x80, s21, s31, $0xb8;
	[tilespmem:$0x1E000] =	vst v63  }
0x14b: {  	_ =	swait.ge [sflag:s29], $0x2000  }
0x14c: {  	[sflag:s29] =	ssyncset.done $0x0  }
0x14d: {  	s22 =	sadd.s32 $0x300, s18;
	[sflag:s29] =	ssyncadd.s32 $0xFFFFE000  }
0x14e: {  	[tilespmem:s7], [sflag:$0x3] =	stream.indirect.gather [hbm4b:s1+s31], $0x80, s22, s31, $0xb8;
	[tilespmem:$0x1E000] =	vst v63  }
0x14f: {  	_ =	swait.ge [sflag:s12], $0x2000  }
0x150: {  	[sflag:s12] =	ssyncset.done $0x0  }
0x151: {  	s19 =	sadd.s32 $0x1180, s18;
	[sflag:s12] =	ssyncadd.s32 $0xFFFFE000  }
0x152: {  	[spmem:s2] =	stream.indirect.scatter.add.f32 [tilespmem:s8], [sflag:$0x5], $0x80, s19, s31, $0xb8;
	[tilespmem:$0x1E000] =	vst v63  }
0x153: {  	_ =	swait.ge [sflag:s29], $0x2000  }
0x154: {  	[sflag:s29] =	ssyncset.done $0x0  }
0x155: {  	[sflag:s29] =	ssyncadd.s32 $0xFFFFE000  }
0x156: {  	[tilespmem:s8], [sflag:$0x4] =	stream.indirect.gather [hbm4b:s1+s31], $0x80, s13, s31, $0xb8;
	[tilespmem:$0x1E000] =	vst v63  }
0x157: {  	_ =	swait.ge [sflag:s9], $0x2000  }
0x158: {  	[sflag:s9] =	ssyncset.done $0x0  }
0x159: {  	[sflag:s9] =	ssyncadd.s32 $0xFFFFE000  }
0x15a: {  	[spmem:s2] =	stream.indirect.scatter.add.f32 [tilespmem:s28], [sflag:$0x5], $0x80, s14, s31, $0xb8;
	[tilespmem:$0x1E000] =	vst v63  }
0x15b: {  	_ =	swait.ge [sflag:s29], $0x2000  }
0x15c: {  	[sflag:s29] =	ssyncset.done $0x0  }
0x15d: {  	[sflag:s29] =	ssyncadd.s32 $0xFFFFE000  }
0x15e: {  	_ =	swait.ge [sflag:s10], $0x2000  }
0x15f: {  	[sflag:s10] =	ssyncset.done $0x0  }
0x160: {  	[sflag:s10] =	ssyncadd.s32 $0xFFFFE000  }
0x161: {  	[spmem:s2] =	stream.indirect.scatter.add.f32 [tilespmem:s4], [sflag:$0x5], $0x80, s15, s31, $0xb8;
	[tilespmem:$0x1E000] =	vst v63  }
0x162: {  	_ =	swait.ge [sflag:s29], $0x2000  }
0x163: {  	[sflag:s29] =	ssyncset.done $0x0  }
0x164: {  	[sflag:s29] =	ssyncadd.s32 $0xFFFFE000  }
0x165: {  	_ =	swait.ge [sflag:s11], $0x2000  }
0x166: {  	[sflag:s11] =	ssyncset.done $0x0  }
0x167: {  	[sflag:s11] =	ssyncadd.s32 $0xFFFFE000  }
0x168: {  	[spmem:s2] =	stream.indirect.scatter.add.f32 [tilespmem:s7], [sflag:$0x5], $0x80, s16, s31, $0xb8;
	[tilespmem:$0x1E000] =	vst v63  }
0x169: {  	_ =	swait.ge [sflag:s29], $0x2000  }
0x16a: {  	[sflag:s29] =	ssyncset.done $0x0  }
0x16b: {  	[sflag:s29] =	ssyncadd.s32 $0xFFFFE000  }
0x16c: {  	_ =	swait.ge [sflag:s12], $0x2000  }
0x16d: {  	[sflag:s12] =	ssyncset.done $0x0  }
0x16e: {  	[sflag:s12] =	ssyncadd.s32 $0xFFFFE000  }
0x16f: {  	[spmem:s2] =	stream.indirect.scatter.add.f32 [tilespmem:s8], [sflag:$0x5], $0x80, s17, s31, $0xb8;
	[tilespmem:$0x1E000] =	vst v63  }
0x170: {  	_ =	swait.ge [sflag:s29], $0x2000  }
0x171: {  	[sflag:s29] =	ssyncset.done $0x0  }
0x172: {  	s20 =	simm.s32 $0x0;
	s21 =	rddreg [dreg:$0x8];
	[sflag:s29] =	ssyncadd.s32 $0xFFFFE000  }
0x173: {  	[tilespmem:s20], [sflag:$0x5] =	stream.linear.gather [hbm4b:s21+s20], $0x1000, $0x38;
	[tilespmem:$0x1E000] =	vst v63  }
0x174: {  	_ =	swait.ge [sflag:s29], $0x1000  }
0x175: {  	[sflag:s29] =	ssyncset.done $0x0  }
0x176: {  	s22 =	rddreg [dreg:$0x9];
	[sflag:s29] =	ssyncadd.s32 $0xFFFFF000  }
0x177: {  	[tilespmem:s30], [sflag:$0x5] =	stream.linear.gather [hbm4b:s22+s20], $0x1000, $0x38;
	[tilespmem:$0x1E000] =	vst v63  }
0x178: {  	_ =	swait.ge [sflag:s29], $0x1000  }
0x179: {  	[sflag:s29] =	ssyncset.done $0x0  }
0x17a: {  	[sflag:s29] =	ssyncadd.s32 $0xFFFFF000  }
0x17b: {  	[tilespmem:s28], [sflag:$0x1] =	stream.indirect.gather [hbm4b:s1+s31], $0x80, s20, s31, $0xb8;
	[tilespmem:$0x1E000] =	vst v63  }
0x17c: {  	_ = 	snop  }
0x17d: {  	[tilespmem:s4], [sflag:$0x2] =	stream.indirect.gather [hbm4b:s1+s31], $0x80, s0, s31, $0xb8;
	[tilespmem:$0x1E000] =	vst v63  }
0x17e: {  	_ = 	snop  }
0x17f: {  	[tilespmem:s7], [sflag:$0x3] =	stream.indirect.gather [hbm4b:s1+s31], $0x80, s6, s31, $0xb8;
	[tilespmem:$0x1E000] =	vst v63  }
0x180: {  	s19 =	simm.s32 $0x180  }
0x181: {  	[tilespmem:s8], [sflag:$0x4] =	stream.indirect.gather [hbm4b:s1+s31], $0x80, s19, s31, $0xb8;
	[tilespmem:$0x1E000] =	vst v63  }
0x182: {  	_ =	swait.ge [sflag:s9], $0x2000  }
0x183: {  	[sflag:s9] =	ssyncset.done $0x0  }
0x184: {  	s20 =	simm.s32 $0x1000;
	[sflag:s9] =	ssyncadd.s32 $0xFFFFE000  }
0x185: {  	[spmem:s2] =	stream.indirect.scatter.add.f32 [tilespmem:s28], [sflag:$0x5], $0x80, s20, s31, $0xb8;
	[tilespmem:$0x1E000] =	vst v63  }
0x186: {  	_ =	swait.ge [sflag:s29], $0x2000  }
0x187: {  	[sflag:s29] =	ssyncset.done $0x0  }
0x188: {  	s21 =	simm.s32 $0x200;
	[sflag:s29] =	ssyncadd.s32 $0xFFFFE000  }
0x189: {  	[tilespmem:s28], [sflag:$0x1] =	stream.indirect.gather [hbm4b:s1+s31], $0x80, s21, s31, $0xb8;
	[tilespmem:$0x1E000] =	vst v63  }
0x18a: {  	_ =	swait.ge [sflag:s10], $0x2000  }
0x18b: {  	[sflag:s10] =	ssyncset.done $0x0  }
0x18c: {  	s22 =	simm.s32 $0x1080;
	[sflag:s10] =	ssyncadd.s32 $0xFFFFE000  }
0x18d: {  	[spmem:s2] =	stream.indirect.scatter.add.f32 [tilespmem:s4], [sflag:$0x5], $0x80, s22, s31, $0xb8;
	[tilespmem:$0x1E000] =	vst v63  }
0x18e: {  	_ =	swait.ge [sflag:s29], $0x2000  }
0x18f: {  	[sflag:s29] =	ssyncset.done $0x0  }
0x190: {  	s19 =	simm.s32 $0x280;
	[sflag:s29] =	ssyncadd.s32 $0xFFFFE000  }
0x191: {  	[tilespmem:s4], [sflag:$0x2] =	stream.indirect.gather [hbm4b:s1+s31], $0x80, s19, s31, $0xb8;
	[tilespmem:$0x1E000] =	vst v63  }
0x192: {  	_ =	swait.ge [sflag:s11], $0x2000  }
0x193: {  	[sflag:s11] =	ssyncset.done $0x0  }
0x194: {  	s20 =	simm.s32 $0x1100;
	[sflag:s11] =	ssyncadd.s32 $0xFFFFE000  }
0x195: {  	[spmem:s2] =	stream.indirect.scatter.add.f32 [tilespmem:s7], [sflag:$0x5], $0x80, s20, s31, $0xb8;
	[tilespmem:$0x1E000] =	vst v63  }
0x196: {  	_ =	swait.ge [sflag:s29], $0x2000  }
0x197: {  	[sflag:s29] =	ssyncset.done $0x0  }
0x198: {  	s21 =	simm.s32 $0x300;
	[sflag:s29] =	ssyncadd.s32 $0xFFFFE000  }
0x199: {  	[tilespmem:s7], [sflag:$0x3] =	stream.indirect.gather [hbm4b:s1+s31], $0x80, s21, s31, $0xb8;
	[tilespmem:$0x1E000] =	vst v63  }
0x19a: {  	_ =	swait.ge [sflag:s12], $0x2000  }
0x19b: {  	[sflag:s12] =	ssyncset.done $0x0  }
0x19c: {  	s22 =	simm.s32 $0x1180;
	[sflag:s12] =	ssyncadd.s32 $0xFFFFE000  }
0x19d: {  	[spmem:s2] =	stream.indirect.scatter.add.f32 [tilespmem:s8], [sflag:$0x5], $0x80, s22, s31, $0xb8;
	[tilespmem:$0x1E000] =	vst v63  }
0x19e: {  	_ =	swait.ge [sflag:s29], $0x2000  }
0x19f: {  	s18 =	simm.s32 $0x200;
	s21 =	simm.s32 $0x1000;
	[sflag:s29] =	ssyncset.done $0x0  }
.LBB2_8:
0x1a0: {  	s22 =	sadd.s32 $0x180, s18  }
0x1a1: {  	[sflag:s29] =	ssyncadd.s32 $0xFFFFE000;
	s20 =	smov.u32 s21;
	s19 =	sadd.s32 $0x800, s21  }
0x1a2: {  	[tilespmem:s8], [sflag:$0x4] =	stream.indirect.gather [hbm4b:s1+s31], $0x80, s22, s31, $0xb8;
	[tilespmem:$0x1E000] =	vst v63  }
0x1a3: {  	p0 =	sne.s32 s21, $0x3000;
	_ =	swait.ge [sflag:s9], $0x2000  }
0x1a4: {  	[sflag:s9] =	ssyncset.done $0x0  }
0x1a5: {  	s21 =	sadd.s32 $0x1000, s18;
	[sflag:s9] =	ssyncadd.s32 $0xFFFFE000  }
0x1a6: {  	[spmem:s2] =	stream.indirect.scatter.add.f32 [tilespmem:s28], [sflag:$0x5], $0x80, s21, s31, $0xb8;
	[tilespmem:$0x1E000] =	vst v63  }
0x1a7: {  	_ =	swait.ge [sflag:s29], $0x2000  }
0x1a8: {  	[sflag:s29] =	ssyncset.done $0x0  }
0x1a9: {  	s21 =	sadd.s32 $0x200, s18;
	[sflag:s29] =	ssyncadd.s32 $0xFFFFE000  }
0x1aa: {  	[tilespmem:s28], [sflag:$0x1] =	stream.indirect.gather [hbm4b:s1+s31], $0x80, s21, s31, $0xb8;
	[tilespmem:$0x1E000] =	vst v63  }
0x1ab: {  	_ =	swait.ge [sflag:s10], $0x2000  }
0x1ac: {  	[sflag:s10] =	ssyncset.done $0x0  }
0x1ad: {  	s21 =	sadd.s32 $0x1080, s18;
	[sflag:s10] =	ssyncadd.s32 $0xFFFFE000  }
0x1ae: {  	[spmem:s2] =	stream.indirect.scatter.add.f32 [tilespmem:s4], [sflag:$0x5], $0x80, s21, s31, $0xb8;
	[tilespmem:$0x1E000] =	vst v63  }
0x1af: {  	_ =	swait.ge [sflag:s29], $0x2000  }
0x1b0: {  	[sflag:s29] =	ssyncset.done $0x0  }
0x1b1: {  	s21 =	sadd.s32 $0x280, s18;
	[sflag:s29] =	ssyncadd.s32 $0xFFFFE000  }
0x1b2: {  	[tilespmem:s4], [sflag:$0x2] =	stream.indirect.gather [hbm4b:s1+s31], $0x80, s21, s31, $0xb8;
	[tilespmem:$0x1E000] =	vst v63  }
0x1b3: {  	_ =	swait.ge [sflag:s11], $0x2000  }
0x1b4: {  	[sflag:s11] =	ssyncset.done $0x0  }
0x1b5: {  	s21 =	sadd.s32 $0x1100, s18;
	[sflag:s11] =	ssyncadd.s32 $0xFFFFE000  }
0x1b6: {  	[spmem:s2] =	stream.indirect.scatter.add.f32 [tilespmem:s7], [sflag:$0x5], $0x80, s21, s31, $0xb8;
	[tilespmem:$0x1E000] =	vst v63  }
0x1b7: {  	_ =	swait.ge [sflag:s29], $0x2000  }
0x1b8: {  	[sflag:s29] =	ssyncset.done $0x0  }
0x1b9: {  	s21 =	sadd.s32 $0x300, s18;
	[sflag:s29] =	ssyncadd.s32 $0xFFFFE000  }
0x1ba: {  	[tilespmem:s7], [sflag:$0x3] =	stream.indirect.gather [hbm4b:s1+s31], $0x80, s21, s31, $0xb8;
	[tilespmem:$0x1E000] =	vst v63  }
0x1bb: {  	_ =	swait.ge [sflag:s12], $0x2000  }
.Ltmp3:
0x1bc: {  	[sflag:s12] =	ssyncset.done $0x0;
	(pc) =	sbr.rel @p0 .LBB2_8-.Ltmp3, $4  }
0x1bd: {  	s18 =	sadd.s32 $0x1180, s18;
	[sflag:s12] =	ssyncadd.s32 $0xFFFFE000  }
0x1be: {  	[spmem:s2] =	stream.indirect.scatter.add.f32 [tilespmem:s8], [sflag:$0x5], $0x80, s18, s31, $0xb8;
	[tilespmem:$0x1E000] =	vst v63  }
0x1bf: {  	_ =	swait.ge [sflag:s29], $0x2000  }
0x1c0: {  	s21 =	smov.u32 s19;
	s18 =	sshra.s32 s20, $0x2;
	[sflag:s29] =	ssyncset.done $0x0  }
0x1c1: {  	s19 =	sadd.s32 $0x180, s18;
	[sflag:s29] =	ssyncadd.s32 $0xFFFFE000  }
0x1c2: {  	[tilespmem:s8], [sflag:$0x4] =	stream.indirect.gather [hbm4b:s1+s31], $0x80, s19, s31, $0xb8;
	[tilespmem:$0x1E000] =	vst v63  }
0x1c3: {  	_ =	swait.ge [sflag:s9], $0x2000  }
0x1c4: {  	[sflag:s9] =	ssyncset.done $0x0  }
0x1c5: {  	s20 =	sadd.s32 $0x1000, s18;
	[sflag:s9] =	ssyncadd.s32 $0xFFFFE000  }
0x1c6: {  	[spmem:s2] =	stream.indirect.scatter.add.f32 [tilespmem:s28], [sflag:$0x5], $0x80, s20, s31, $0xb8;
	[tilespmem:$0x1E000] =	vst v63  }
0x1c7: {  	_ =	swait.ge [sflag:s29], $0x2000  }
0x1c8: {  	[sflag:s29] =	ssyncset.done $0x0  }
0x1c9: {  	s21 =	sadd.s32 $0x200, s18;
	[sflag:s29] =	ssyncadd.s32 $0xFFFFE000  }
0x1ca: {  	[tilespmem:s28], [sflag:$0x1] =	stream.indirect.gather [hbm4b:s1+s31], $0x80, s21, s31, $0xb8;
	[tilespmem:$0x1E000] =	vst v63  }
0x1cb: {  	_ =	swait.ge [sflag:s10], $0x2000  }
0x1cc: {  	[sflag:s10] =	ssyncset.done $0x0  }
0x1cd: {  	s22 =	sadd.s32 $0x1080, s18;
	[sflag:s10] =	ssyncadd.s32 $0xFFFFE000  }
0x1ce: {  	[spmem:s2] =	stream.indirect.scatter.add.f32 [tilespmem:s4], [sflag:$0x5], $0x80, s22, s31, $0xb8;
	[tilespmem:$0x1E000] =	vst v63  }
0x1cf: {  	_ =	swait.ge [sflag:s29], $0x2000  }
0x1d0: {  	[sflag:s29] =	ssyncset.done $0x0  }
0x1d1: {  	s20 =	sadd.s32 $0x280, s18;
	[sflag:s29] =	ssyncadd.s32 $0xFFFFE000  }
0x1d2: {  	[tilespmem:s4], [sflag:$0x2] =	stream.indirect.gather [hbm4b:s1+s31], $0x80, s20, s31, $0xb8;
	[tilespmem:$0x1E000] =	vst v63  }
0x1d3: {  	_ =	swait.ge [sflag:s11], $0x2000  }
0x1d4: {  	[sflag:s11] =	ssyncset.done $0x0  }
0x1d5: {  	s21 =	sadd.s32 $0x1100, s18;
	[sflag:s11] =	ssyncadd.s32 $0xFFFFE000  }
0x1d6: {  	[spmem:s2] =	stream.indirect.scatter.add.f32 [tilespmem:s7], [sflag:$0x5], $0x80, s21, s31, $0xb8;
	[tilespmem:$0x1E000] =	vst v63  }
0x1d7: {  	_ =	swait.ge [sflag:s29], $0x2000  }
0x1d8: {  	[sflag:s29] =	ssyncset.done $0x0  }
0x1d9: {  	s22 =	sadd.s32 $0x300, s18;
	[sflag:s29] =	ssyncadd.s32 $0xFFFFE000  }
0x1da: {  	[tilespmem:s7], [sflag:$0x3] =	stream.indirect.gather [hbm4b:s1+s31], $0x80, s22, s31, $0xb8;
	[tilespmem:$0x1E000] =	vst v63  }
0x1db: {  	_ =	swait.ge [sflag:s12], $0x2000  }
0x1dc: {  	[sflag:s12] =	ssyncset.done $0x0  }
0x1dd: {  	s19 =	sadd.s32 $0x1180, s18;
	[sflag:s12] =	ssyncadd.s32 $0xFFFFE000  }
0x1de: {  	[spmem:s2] =	stream.indirect.scatter.add.f32 [tilespmem:s8], [sflag:$0x5], $0x80, s19, s31, $0xb8;
	[tilespmem:$0x1E000] =	vst v63  }
0x1df: {  	_ =	swait.ge [sflag:s29], $0x2000  }
0x1e0: {  	[sflag:s29] =	ssyncset.done $0x0  }
0x1e1: {  	[sflag:s29] =	ssyncadd.s32 $0xFFFFE000  }
0x1e2: {  	[tilespmem:s8], [sflag:$0x4] =	stream.indirect.gather [hbm4b:s1+s31], $0x80, s13, s31, $0xb8;
	[tilespmem:$0x1E000] =	vst v63  }
0x1e3: {  	_ =	swait.ge [sflag:s9], $0x2000  }
0x1e4: {  	[sflag:s9] =	ssyncset.done $0x0  }
0x1e5: {  	[sflag:s9] =	ssyncadd.s32 $0xFFFFE000  }
0x1e6: {  	[spmem:s2] =	stream.indirect.scatter.add.f32 [tilespmem:s28], [sflag:$0x5], $0x80, s14, s31, $0xb8;
	[tilespmem:$0x1E000] =	vst v63  }
0x1e7: {  	_ =	swait.ge [sflag:s29], $0x2000  }
0x1e8: {  	[sflag:s29] =	ssyncset.done $0x0  }
0x1e9: {  	[sflag:s29] =	ssyncadd.s32 $0xFFFFE000  }
0x1ea: {  	_ =	swait.ge [sflag:s10], $0x2000  }
0x1eb: {  	[sflag:s10] =	ssyncset.done $0x0  }
0x1ec: {  	[sflag:s10] =	ssyncadd.s32 $0xFFFFE000  }
0x1ed: {  	[spmem:s2] =	stream.indirect.scatter.add.f32 [tilespmem:s4], [sflag:$0x5], $0x80, s15, s31, $0xb8;
	[tilespmem:$0x1E000] =	vst v63  }
0x1ee: {  	_ =	swait.ge [sflag:s29], $0x2000  }
0x1ef: {  	[sflag:s29] =	ssyncset.done $0x0  }
0x1f0: {  	[sflag:s29] =	ssyncadd.s32 $0xFFFFE000  }
0x1f1: {  	_ =	swait.ge [sflag:s11], $0x2000  }
0x1f2: {  	[sflag:s11] =	ssyncset.done $0x0  }
0x1f3: {  	[sflag:s11] =	ssyncadd.s32 $0xFFFFE000  }
0x1f4: {  	[spmem:s2] =	stream.indirect.scatter.add.f32 [tilespmem:s7], [sflag:$0x5], $0x80, s16, s31, $0xb8;
	[tilespmem:$0x1E000] =	vst v63  }
0x1f5: {  	_ =	swait.ge [sflag:s29], $0x2000  }
0x1f6: {  	[sflag:s29] =	ssyncset.done $0x0  }
0x1f7: {  	[sflag:s29] =	ssyncadd.s32 $0xFFFFE000  }
0x1f8: {  	_ =	swait.ge [sflag:s12], $0x2000  }
0x1f9: {  	[sflag:s12] =	ssyncset.done $0x0  }
0x1fa: {  	[sflag:s12] =	ssyncadd.s32 $0xFFFFE000  }
0x1fb: {  	[spmem:s2] =	stream.indirect.scatter.add.f32 [tilespmem:s8], [sflag:$0x5], $0x80, s17, s31, $0xb8;
	[tilespmem:$0x1E000] =	vst v63  }
0x1fc: {  	_ =	swait.ge [sflag:s29], $0x2000  }
0x1fd: {  	[sflag:s29] =	ssyncset.done $0x0  }
0x1fe: {  	s20 =	simm.s32 $0x0;
	s21 =	rddreg [dreg:$0xa];
	[sflag:s29] =	ssyncadd.s32 $0xFFFFE000  }
0x1ff: {  	[tilespmem:s20], [sflag:$0x5] =	stream.linear.gather [hbm4b:s21+s20], $0x1000, $0x38;
	[tilespmem:$0x1E000] =	vst v63  }
0x200: {  	_ =	swait.ge [sflag:s29], $0x1000  }
0x201: {  	[sflag:s29] =	ssyncset.done $0x0  }
0x202: {  	s22 =	rddreg [dreg:$0xb];
	[sflag:s29] =	ssyncadd.s32 $0xFFFFF000  }
0x203: {  	[tilespmem:s30], [sflag:$0x5] =	stream.linear.gather [hbm4b:s22+s20], $0x1000, $0x38;
	[tilespmem:$0x1E000] =	vst v63  }
0x204: {  	_ =	swait.ge [sflag:s29], $0x1000  }
0x205: {  	[sflag:s29] =	ssyncset.done $0x0  }
0x206: {  	[sflag:s29] =	ssyncadd.s32 $0xFFFFF000  }
0x207: {  	[tilespmem:s28], [sflag:$0x1] =	stream.indirect.gather [hbm4b:s1+s31], $0x80, s20, s31, $0xb8;
	[tilespmem:$0x1E000] =	vst v63  }
0x208: {  	_ = 	snop  }
0x209: {  	[tilespmem:s4], [sflag:$0x2] =	stream.indirect.gather [hbm4b:s1+s31], $0x80, s0, s31, $0xb8;
	[tilespmem:$0x1E000] =	vst v63  }
0x20a: {  	_ = 	snop  }
0x20b: {  	[tilespmem:s7], [sflag:$0x3] =	stream.indirect.gather [hbm4b:s1+s31], $0x80, s6, s31, $0xb8;
	[tilespmem:$0x1E000] =	vst v63  }
0x20c: {  	s19 =	simm.s32 $0x180  }
0x20d: {  	[tilespmem:s8], [sflag:$0x4] =	stream.indirect.gather [hbm4b:s1+s31], $0x80, s19, s31, $0xb8;
	[tilespmem:$0x1E000] =	vst v63  }
0x20e: {  	_ =	swait.ge [sflag:s9], $0x2000  }
0x20f: {  	[sflag:s9] =	ssyncset.done $0x0  }
0x210: {  	s20 =	simm.s32 $0x1000;
	[sflag:s9] =	ssyncadd.s32 $0xFFFFE000  }
0x211: {  	[spmem:s2] =	stream.indirect.scatter.add.f32 [tilespmem:s28], [sflag:$0x5], $0x80, s20, s31, $0xb8;
	[tilespmem:$0x1E000] =	vst v63  }
0x212: {  	_ =	swait.ge [sflag:s29], $0x2000  }
0x213: {  	[sflag:s29] =	ssyncset.done $0x0  }
0x214: {  	s21 =	simm.s32 $0x200;
	[sflag:s29] =	ssyncadd.s32 $0xFFFFE000  }
0x215: {  	[tilespmem:s28], [sflag:$0x1] =	stream.indirect.gather [hbm4b:s1+s31], $0x80, s21, s31, $0xb8;
	[tilespmem:$0x1E000] =	vst v63  }
0x216: {  	_ =	swait.ge [sflag:s10], $0x2000  }
0x217: {  	[sflag:s10] =	ssyncset.done $0x0  }
0x218: {  	s22 =	simm.s32 $0x1080;
	[sflag:s10] =	ssyncadd.s32 $0xFFFFE000  }
0x219: {  	[spmem:s2] =	stream.indirect.scatter.add.f32 [tilespmem:s4], [sflag:$0x5], $0x80, s22, s31, $0xb8;
	[tilespmem:$0x1E000] =	vst v63  }
0x21a: {  	_ =	swait.ge [sflag:s29], $0x2000  }
0x21b: {  	[sflag:s29] =	ssyncset.done $0x0  }
0x21c: {  	s19 =	simm.s32 $0x280;
	[sflag:s29] =	ssyncadd.s32 $0xFFFFE000  }
0x21d: {  	[tilespmem:s4], [sflag:$0x2] =	stream.indirect.gather [hbm4b:s1+s31], $0x80, s19, s31, $0xb8;
	[tilespmem:$0x1E000] =	vst v63  }
0x21e: {  	_ =	swait.ge [sflag:s11], $0x2000  }
0x21f: {  	[sflag:s11] =	ssyncset.done $0x0  }
0x220: {  	s20 =	simm.s32 $0x1100;
	[sflag:s11] =	ssyncadd.s32 $0xFFFFE000  }
0x221: {  	[spmem:s2] =	stream.indirect.scatter.add.f32 [tilespmem:s7], [sflag:$0x5], $0x80, s20, s31, $0xb8;
	[tilespmem:$0x1E000] =	vst v63  }
0x222: {  	_ =	swait.ge [sflag:s29], $0x2000  }
0x223: {  	[sflag:s29] =	ssyncset.done $0x0  }
0x224: {  	s21 =	simm.s32 $0x300;
	[sflag:s29] =	ssyncadd.s32 $0xFFFFE000  }
0x225: {  	[tilespmem:s7], [sflag:$0x3] =	stream.indirect.gather [hbm4b:s1+s31], $0x80, s21, s31, $0xb8;
	[tilespmem:$0x1E000] =	vst v63  }
0x226: {  	_ =	swait.ge [sflag:s12], $0x2000  }
0x227: {  	[sflag:s12] =	ssyncset.done $0x0  }
0x228: {  	s22 =	simm.s32 $0x1180;
	[sflag:s12] =	ssyncadd.s32 $0xFFFFE000  }
0x229: {  	[spmem:s2] =	stream.indirect.scatter.add.f32 [tilespmem:s8], [sflag:$0x5], $0x80, s22, s31, $0xb8;
	[tilespmem:$0x1E000] =	vst v63  }
0x22a: {  	_ =	swait.ge [sflag:s29], $0x2000  }
0x22b: {  	s18 =	simm.s32 $0x200;
	s21 =	simm.s32 $0x1000;
	[sflag:s29] =	ssyncset.done $0x0  }
.LBB2_10:
0x22c: {  	s22 =	sadd.s32 $0x180, s18  }
0x22d: {  	[sflag:s29] =	ssyncadd.s32 $0xFFFFE000;
	s20 =	smov.u32 s21;
	s19 =	sadd.s32 $0x800, s21  }
0x22e: {  	[tilespmem:s8], [sflag:$0x4] =	stream.indirect.gather [hbm4b:s1+s31], $0x80, s22, s31, $0xb8;
	[tilespmem:$0x1E000] =	vst v63  }
0x22f: {  	p0 =	sne.s32 s21, $0x3000;
	_ =	swait.ge [sflag:s9], $0x2000  }
0x230: {  	[sflag:s9] =	ssyncset.done $0x0  }
0x231: {  	s21 =	sadd.s32 $0x1000, s18;
	[sflag:s9] =	ssyncadd.s32 $0xFFFFE000  }
0x232: {  	[spmem:s2] =	stream.indirect.scatter.add.f32 [tilespmem:s28], [sflag:$0x5], $0x80, s21, s31, $0xb8;
	[tilespmem:$0x1E000] =	vst v63  }
0x233: {  	_ =	swait.ge [sflag:s29], $0x2000  }
0x234: {  	[sflag:s29] =	ssyncset.done $0x0  }
0x235: {  	s21 =	sadd.s32 $0x200, s18;
	[sflag:s29] =	ssyncadd.s32 $0xFFFFE000  }
0x236: {  	[tilespmem:s28], [sflag:$0x1] =	stream.indirect.gather [hbm4b:s1+s31], $0x80, s21, s31, $0xb8;
	[tilespmem:$0x1E000] =	vst v63  }
0x237: {  	_ =	swait.ge [sflag:s10], $0x2000  }
0x238: {  	[sflag:s10] =	ssyncset.done $0x0  }
0x239: {  	s21 =	sadd.s32 $0x1080, s18;
	[sflag:s10] =	ssyncadd.s32 $0xFFFFE000  }
0x23a: {  	[spmem:s2] =	stream.indirect.scatter.add.f32 [tilespmem:s4], [sflag:$0x5], $0x80, s21, s31, $0xb8;
	[tilespmem:$0x1E000] =	vst v63  }
0x23b: {  	_ =	swait.ge [sflag:s29], $0x2000  }
0x23c: {  	[sflag:s29] =	ssyncset.done $0x0  }
0x23d: {  	s21 =	sadd.s32 $0x280, s18;
	[sflag:s29] =	ssyncadd.s32 $0xFFFFE000  }
0x23e: {  	[tilespmem:s4], [sflag:$0x2] =	stream.indirect.gather [hbm4b:s1+s31], $0x80, s21, s31, $0xb8;
	[tilespmem:$0x1E000] =	vst v63  }
0x23f: {  	_ =	swait.ge [sflag:s11], $0x2000  }
0x240: {  	[sflag:s11] =	ssyncset.done $0x0  }
0x241: {  	s21 =	sadd.s32 $0x1100, s18;
	[sflag:s11] =	ssyncadd.s32 $0xFFFFE000  }
0x242: {  	[spmem:s2] =	stream.indirect.scatter.add.f32 [tilespmem:s7], [sflag:$0x5], $0x80, s21, s31, $0xb8;
	[tilespmem:$0x1E000] =	vst v63  }
0x243: {  	_ =	swait.ge [sflag:s29], $0x2000  }
0x244: {  	[sflag:s29] =	ssyncset.done $0x0  }
0x245: {  	s21 =	sadd.s32 $0x300, s18;
	[sflag:s29] =	ssyncadd.s32 $0xFFFFE000  }
0x246: {  	[tilespmem:s7], [sflag:$0x3] =	stream.indirect.gather [hbm4b:s1+s31], $0x80, s21, s31, $0xb8;
	[tilespmem:$0x1E000] =	vst v63  }
0x247: {  	_ =	swait.ge [sflag:s12], $0x2000  }
.Ltmp4:
0x248: {  	[sflag:s12] =	ssyncset.done $0x0;
	(pc) =	sbr.rel @p0 .LBB2_10-.Ltmp4, $4  }
0x249: {  	s18 =	sadd.s32 $0x1180, s18;
	[sflag:s12] =	ssyncadd.s32 $0xFFFFE000  }
0x24a: {  	[spmem:s2] =	stream.indirect.scatter.add.f32 [tilespmem:s8], [sflag:$0x5], $0x80, s18, s31, $0xb8;
	[tilespmem:$0x1E000] =	vst v63  }
0x24b: {  	_ =	swait.ge [sflag:s29], $0x2000  }
0x24c: {  	s21 =	smov.u32 s19;
	s18 =	sshra.s32 s20, $0x2;
	[sflag:s29] =	ssyncset.done $0x0  }
0x24d: {  	s19 =	sadd.s32 $0x180, s18;
	[sflag:s29] =	ssyncadd.s32 $0xFFFFE000  }
0x24e: {  	[tilespmem:s8], [sflag:$0x4] =	stream.indirect.gather [hbm4b:s1+s31], $0x80, s19, s31, $0xb8;
	[tilespmem:$0x1E000] =	vst v63  }
0x24f: {  	_ =	swait.ge [sflag:s9], $0x2000  }
0x250: {  	[sflag:s9] =	ssyncset.done $0x0  }
0x251: {  	s20 =	sadd.s32 $0x1000, s18;
	[sflag:s9] =	ssyncadd.s32 $0xFFFFE000  }
0x252: {  	[spmem:s2] =	stream.indirect.scatter.add.f32 [tilespmem:s28], [sflag:$0x5], $0x80, s20, s31, $0xb8;
	[tilespmem:$0x1E000] =	vst v63  }
0x253: {  	_ =	swait.ge [sflag:s29], $0x2000  }
0x254: {  	[sflag:s29] =	ssyncset.done $0x0  }
0x255: {  	s21 =	sadd.s32 $0x200, s18;
	[sflag:s29] =	ssyncadd.s32 $0xFFFFE000  }
0x256: {  	[tilespmem:s28], [sflag:$0x1] =	stream.indirect.gather [hbm4b:s1+s31], $0x80, s21, s31, $0xb8;
	[tilespmem:$0x1E000] =	vst v63  }
0x257: {  	_ =	swait.ge [sflag:s10], $0x2000  }
0x258: {  	[sflag:s10] =	ssyncset.done $0x0  }
0x259: {  	s22 =	sadd.s32 $0x1080, s18;
	[sflag:s10] =	ssyncadd.s32 $0xFFFFE000  }
0x25a: {  	[spmem:s2] =	stream.indirect.scatter.add.f32 [tilespmem:s4], [sflag:$0x5], $0x80, s22, s31, $0xb8;
	[tilespmem:$0x1E000] =	vst v63  }
0x25b: {  	_ =	swait.ge [sflag:s29], $0x2000  }
0x25c: {  	[sflag:s29] =	ssyncset.done $0x0  }
0x25d: {  	s20 =	sadd.s32 $0x280, s18;
	[sflag:s29] =	ssyncadd.s32 $0xFFFFE000  }
0x25e: {  	[tilespmem:s4], [sflag:$0x2] =	stream.indirect.gather [hbm4b:s1+s31], $0x80, s20, s31, $0xb8;
	[tilespmem:$0x1E000] =	vst v63  }
0x25f: {  	_ =	swait.ge [sflag:s11], $0x2000  }
0x260: {  	[sflag:s11] =	ssyncset.done $0x0  }
0x261: {  	s21 =	sadd.s32 $0x1100, s18;
	[sflag:s11] =	ssyncadd.s32 $0xFFFFE000  }
0x262: {  	[spmem:s2] =	stream.indirect.scatter.add.f32 [tilespmem:s7], [sflag:$0x5], $0x80, s21, s31, $0xb8;
	[tilespmem:$0x1E000] =	vst v63  }
0x263: {  	_ =	swait.ge [sflag:s29], $0x2000  }
0x264: {  	[sflag:s29] =	ssyncset.done $0x0  }
0x265: {  	s22 =	sadd.s32 $0x300, s18;
	[sflag:s29] =	ssyncadd.s32 $0xFFFFE000  }
0x266: {  	[tilespmem:s7], [sflag:$0x3] =	stream.indirect.gather [hbm4b:s1+s31], $0x80, s22, s31, $0xb8;
	[tilespmem:$0x1E000] =	vst v63  }
0x267: {  	_ =	swait.ge [sflag:s12], $0x2000  }
0x268: {  	[sflag:s12] =	ssyncset.done $0x0  }
0x269: {  	s19 =	sadd.s32 $0x1180, s18;
	[sflag:s12] =	ssyncadd.s32 $0xFFFFE000  }
0x26a: {  	[spmem:s2] =	stream.indirect.scatter.add.f32 [tilespmem:s8], [sflag:$0x5], $0x80, s19, s31, $0xb8;
	[tilespmem:$0x1E000] =	vst v63  }
0x26b: {  	_ =	swait.ge [sflag:s29], $0x2000  }
0x26c: {  	[sflag:s29] =	ssyncset.done $0x0  }
0x26d: {  	[sflag:s29] =	ssyncadd.s32 $0xFFFFE000  }
0x26e: {  	[tilespmem:s8], [sflag:$0x4] =	stream.indirect.gather [hbm4b:s1+s31], $0x80, s13, s31, $0xb8;
	[tilespmem:$0x1E000] =	vst v63  }
0x26f: {  	_ =	swait.ge [sflag:s9], $0x2000  }
0x270: {  	[sflag:s9] =	ssyncset.done $0x0  }
0x271: {  	[sflag:s9] =	ssyncadd.s32 $0xFFFFE000  }
0x272: {  	[spmem:s2] =	stream.indirect.scatter.add.f32 [tilespmem:s28], [sflag:$0x5], $0x80, s14, s31, $0xb8;
	[tilespmem:$0x1E000] =	vst v63  }
0x273: {  	_ =	swait.ge [sflag:s29], $0x2000  }
0x274: {  	[sflag:s29] =	ssyncset.done $0x0  }
0x275: {  	[sflag:s29] =	ssyncadd.s32 $0xFFFFE000  }
0x276: {  	_ =	swait.ge [sflag:s10], $0x2000  }
0x277: {  	[sflag:s10] =	ssyncset.done $0x0  }
0x278: {  	[sflag:s10] =	ssyncadd.s32 $0xFFFFE000  }
0x279: {  	[spmem:s2] =	stream.indirect.scatter.add.f32 [tilespmem:s4], [sflag:$0x5], $0x80, s15, s31, $0xb8;
	[tilespmem:$0x1E000] =	vst v63  }
0x27a: {  	_ =	swait.ge [sflag:s29], $0x2000  }
0x27b: {  	[sflag:s29] =	ssyncset.done $0x0  }
0x27c: {  	[sflag:s29] =	ssyncadd.s32 $0xFFFFE000  }
0x27d: {  	_ =	swait.ge [sflag:s11], $0x2000  }
0x27e: {  	[sflag:s11] =	ssyncset.done $0x0  }
0x27f: {  	[sflag:s11] =	ssyncadd.s32 $0xFFFFE000  }
0x280: {  	[spmem:s2] =	stream.indirect.scatter.add.f32 [tilespmem:s7], [sflag:$0x5], $0x80, s16, s31, $0xb8;
	[tilespmem:$0x1E000] =	vst v63  }
0x281: {  	_ =	swait.ge [sflag:s29], $0x2000  }
0x282: {  	[sflag:s29] =	ssyncset.done $0x0  }
0x283: {  	[sflag:s29] =	ssyncadd.s32 $0xFFFFE000  }
0x284: {  	_ =	swait.ge [sflag:s12], $0x2000  }
0x285: {  	[sflag:s12] =	ssyncset.done $0x0  }
0x286: {  	[sflag:s12] =	ssyncadd.s32 $0xFFFFE000  }
0x287: {  	[spmem:s2] =	stream.indirect.scatter.add.f32 [tilespmem:s8], [sflag:$0x5], $0x80, s17, s31, $0xb8;
	[tilespmem:$0x1E000] =	vst v63  }
0x288: {  	_ =	swait.ge [sflag:s29], $0x2000  }
0x289: {  	[sflag:s29] =	ssyncset.done $0x0  }
0x28a: {  	s20 =	simm.s32 $0x0;
	s21 =	rddreg [dreg:$0xc];
	[sflag:s29] =	ssyncadd.s32 $0xFFFFE000  }
0x28b: {  	[tilespmem:s20], [sflag:$0x5] =	stream.linear.gather [hbm4b:s21+s20], $0x1000, $0x38;
	[tilespmem:$0x1E000] =	vst v63  }
0x28c: {  	_ =	swait.ge [sflag:s29], $0x1000  }
0x28d: {  	[sflag:s29] =	ssyncset.done $0x0  }
0x28e: {  	s22 =	rddreg [dreg:$0xd];
	[sflag:s29] =	ssyncadd.s32 $0xFFFFF000  }
0x28f: {  	[tilespmem:s30], [sflag:$0x5] =	stream.linear.gather [hbm4b:s22+s20], $0x1000, $0x38;
	[tilespmem:$0x1E000] =	vst v63  }
0x290: {  	_ =	swait.ge [sflag:s29], $0x1000  }
0x291: {  	[sflag:s29] =	ssyncset.done $0x0  }
0x292: {  	[sflag:s29] =	ssyncadd.s32 $0xFFFFF000  }
0x293: {  	[tilespmem:s28], [sflag:$0x1] =	stream.indirect.gather [hbm4b:s1+s31], $0x80, s20, s31, $0xb8;
	[tilespmem:$0x1E000] =	vst v63  }
0x294: {  	_ = 	snop  }
0x295: {  	[tilespmem:s4], [sflag:$0x2] =	stream.indirect.gather [hbm4b:s1+s31], $0x80, s0, s31, $0xb8;
	[tilespmem:$0x1E000] =	vst v63  }
0x296: {  	_ = 	snop  }
0x297: {  	[tilespmem:s7], [sflag:$0x3] =	stream.indirect.gather [hbm4b:s1+s31], $0x80, s6, s31, $0xb8;
	[tilespmem:$0x1E000] =	vst v63  }
0x298: {  	s19 =	simm.s32 $0x180  }
0x299: {  	[tilespmem:s8], [sflag:$0x4] =	stream.indirect.gather [hbm4b:s1+s31], $0x80, s19, s31, $0xb8;
	[tilespmem:$0x1E000] =	vst v63  }
0x29a: {  	_ =	swait.ge [sflag:s9], $0x2000  }
0x29b: {  	[sflag:s9] =	ssyncset.done $0x0  }
0x29c: {  	s20 =	simm.s32 $0x1000;
	[sflag:s9] =	ssyncadd.s32 $0xFFFFE000  }
0x29d: {  	[spmem:s2] =	stream.indirect.scatter.add.f32 [tilespmem:s28], [sflag:$0x5], $0x80, s20, s31, $0xb8;
	[tilespmem:$0x1E000] =	vst v63  }
0x29e: {  	_ =	swait.ge [sflag:s29], $0x2000  }
0x29f: {  	[sflag:s29] =	ssyncset.done $0x0  }
0x2a0: {  	s21 =	simm.s32 $0x200;
	[sflag:s29] =	ssyncadd.s32 $0xFFFFE000  }
0x2a1: {  	[tilespmem:s28], [sflag:$0x1] =	stream.indirect.gather [hbm4b:s1+s31], $0x80, s21, s31, $0xb8;
	[tilespmem:$0x1E000] =	vst v63  }
0x2a2: {  	_ =	swait.ge [sflag:s10], $0x2000  }
0x2a3: {  	[sflag:s10] =	ssyncset.done $0x0  }
0x2a4: {  	s22 =	simm.s32 $0x1080;
	[sflag:s10] =	ssyncadd.s32 $0xFFFFE000  }
0x2a5: {  	[spmem:s2] =	stream.indirect.scatter.add.f32 [tilespmem:s4], [sflag:$0x5], $0x80, s22, s31, $0xb8;
	[tilespmem:$0x1E000] =	vst v63  }
0x2a6: {  	_ =	swait.ge [sflag:s29], $0x2000  }
0x2a7: {  	[sflag:s29] =	ssyncset.done $0x0  }
0x2a8: {  	s19 =	simm.s32 $0x280;
	[sflag:s29] =	ssyncadd.s32 $0xFFFFE000  }
0x2a9: {  	[tilespmem:s4], [sflag:$0x2] =	stream.indirect.gather [hbm4b:s1+s31], $0x80, s19, s31, $0xb8;
	[tilespmem:$0x1E000] =	vst v63  }
0x2aa: {  	_ =	swait.ge [sflag:s11], $0x2000  }
0x2ab: {  	[sflag:s11] =	ssyncset.done $0x0  }
0x2ac: {  	s20 =	simm.s32 $0x1100;
	[sflag:s11] =	ssyncadd.s32 $0xFFFFE000  }
0x2ad: {  	[spmem:s2] =	stream.indirect.scatter.add.f32 [tilespmem:s7], [sflag:$0x5], $0x80, s20, s31, $0xb8;
	[tilespmem:$0x1E000] =	vst v63  }
0x2ae: {  	_ =	swait.ge [sflag:s29], $0x2000  }
0x2af: {  	[sflag:s29] =	ssyncset.done $0x0  }
0x2b0: {  	s21 =	simm.s32 $0x300;
	[sflag:s29] =	ssyncadd.s32 $0xFFFFE000  }
0x2b1: {  	[tilespmem:s7], [sflag:$0x3] =	stream.indirect.gather [hbm4b:s1+s31], $0x80, s21, s31, $0xb8;
	[tilespmem:$0x1E000] =	vst v63  }
0x2b2: {  	_ =	swait.ge [sflag:s12], $0x2000  }
0x2b3: {  	[sflag:s12] =	ssyncset.done $0x0  }
0x2b4: {  	s22 =	simm.s32 $0x1180;
	[sflag:s12] =	ssyncadd.s32 $0xFFFFE000  }
0x2b5: {  	[spmem:s2] =	stream.indirect.scatter.add.f32 [tilespmem:s8], [sflag:$0x5], $0x80, s22, s31, $0xb8;
	[tilespmem:$0x1E000] =	vst v63  }
0x2b6: {  	_ =	swait.ge [sflag:s29], $0x2000  }
0x2b7: {  	s18 =	simm.s32 $0x200;
	s21 =	simm.s32 $0x1000;
	[sflag:s29] =	ssyncset.done $0x0  }
.LBB2_12:
0x2b8: {  	s22 =	sadd.s32 $0x180, s18  }
0x2b9: {  	[sflag:s29] =	ssyncadd.s32 $0xFFFFE000;
	s20 =	smov.u32 s21;
	s19 =	sadd.s32 $0x800, s21  }
0x2ba: {  	[tilespmem:s8], [sflag:$0x4] =	stream.indirect.gather [hbm4b:s1+s31], $0x80, s22, s31, $0xb8;
	[tilespmem:$0x1E000] =	vst v63  }
0x2bb: {  	p0 =	sne.s32 s21, $0x3000;
	_ =	swait.ge [sflag:s9], $0x2000  }
0x2bc: {  	[sflag:s9] =	ssyncset.done $0x0  }
0x2bd: {  	s21 =	sadd.s32 $0x1000, s18;
	[sflag:s9] =	ssyncadd.s32 $0xFFFFE000  }
0x2be: {  	[spmem:s2] =	stream.indirect.scatter.add.f32 [tilespmem:s28], [sflag:$0x5], $0x80, s21, s31, $0xb8;
	[tilespmem:$0x1E000] =	vst v63  }
0x2bf: {  	_ =	swait.ge [sflag:s29], $0x2000  }
0x2c0: {  	[sflag:s29] =	ssyncset.done $0x0  }
0x2c1: {  	s21 =	sadd.s32 $0x200, s18;
	[sflag:s29] =	ssyncadd.s32 $0xFFFFE000  }
0x2c2: {  	[tilespmem:s28], [sflag:$0x1] =	stream.indirect.gather [hbm4b:s1+s31], $0x80, s21, s31, $0xb8;
	[tilespmem:$0x1E000] =	vst v63  }
0x2c3: {  	_ =	swait.ge [sflag:s10], $0x2000  }
0x2c4: {  	[sflag:s10] =	ssyncset.done $0x0  }
0x2c5: {  	s21 =	sadd.s32 $0x1080, s18;
	[sflag:s10] =	ssyncadd.s32 $0xFFFFE000  }
0x2c6: {  	[spmem:s2] =	stream.indirect.scatter.add.f32 [tilespmem:s4], [sflag:$0x5], $0x80, s21, s31, $0xb8;
	[tilespmem:$0x1E000] =	vst v63  }
0x2c7: {  	_ =	swait.ge [sflag:s29], $0x2000  }
0x2c8: {  	[sflag:s29] =	ssyncset.done $0x0  }
0x2c9: {  	s21 =	sadd.s32 $0x280, s18;
	[sflag:s29] =	ssyncadd.s32 $0xFFFFE000  }
0x2ca: {  	[tilespmem:s4], [sflag:$0x2] =	stream.indirect.gather [hbm4b:s1+s31], $0x80, s21, s31, $0xb8;
	[tilespmem:$0x1E000] =	vst v63  }
0x2cb: {  	_ =	swait.ge [sflag:s11], $0x2000  }
0x2cc: {  	[sflag:s11] =	ssyncset.done $0x0  }
0x2cd: {  	s21 =	sadd.s32 $0x1100, s18;
	[sflag:s11] =	ssyncadd.s32 $0xFFFFE000  }
0x2ce: {  	[spmem:s2] =	stream.indirect.scatter.add.f32 [tilespmem:s7], [sflag:$0x5], $0x80, s21, s31, $0xb8;
	[tilespmem:$0x1E000] =	vst v63  }
0x2cf: {  	_ =	swait.ge [sflag:s29], $0x2000  }
0x2d0: {  	[sflag:s29] =	ssyncset.done $0x0  }
0x2d1: {  	s21 =	sadd.s32 $0x300, s18;
	[sflag:s29] =	ssyncadd.s32 $0xFFFFE000  }
0x2d2: {  	[tilespmem:s7], [sflag:$0x3] =	stream.indirect.gather [hbm4b:s1+s31], $0x80, s21, s31, $0xb8;
	[tilespmem:$0x1E000] =	vst v63  }
0x2d3: {  	_ =	swait.ge [sflag:s12], $0x2000  }
.Ltmp5:
0x2d4: {  	[sflag:s12] =	ssyncset.done $0x0;
	(pc) =	sbr.rel @p0 .LBB2_12-.Ltmp5, $4  }
0x2d5: {  	s18 =	sadd.s32 $0x1180, s18;
	[sflag:s12] =	ssyncadd.s32 $0xFFFFE000  }
0x2d6: {  	[spmem:s2] =	stream.indirect.scatter.add.f32 [tilespmem:s8], [sflag:$0x5], $0x80, s18, s31, $0xb8;
	[tilespmem:$0x1E000] =	vst v63  }
0x2d7: {  	_ =	swait.ge [sflag:s29], $0x2000  }
0x2d8: {  	s21 =	smov.u32 s19;
	s18 =	sshra.s32 s20, $0x2;
	[sflag:s29] =	ssyncset.done $0x0  }
0x2d9: {  	s19 =	sadd.s32 $0x180, s18;
	[sflag:s29] =	ssyncadd.s32 $0xFFFFE000  }
0x2da: {  	[tilespmem:s8], [sflag:$0x4] =	stream.indirect.gather [hbm4b:s1+s31], $0x80, s19, s31, $0xb8;
	[tilespmem:$0x1E000] =	vst v63  }
0x2db: {  	_ =	swait.ge [sflag:s9], $0x2000  }
0x2dc: {  	[sflag:s9] =	ssyncset.done $0x0  }
0x2dd: {  	s20 =	sadd.s32 $0x1000, s18;
	[sflag:s9] =	ssyncadd.s32 $0xFFFFE000  }
0x2de: {  	[spmem:s2] =	stream.indirect.scatter.add.f32 [tilespmem:s28], [sflag:$0x5], $0x80, s20, s31, $0xb8;
	[tilespmem:$0x1E000] =	vst v63  }
0x2df: {  	_ =	swait.ge [sflag:s29], $0x2000  }
0x2e0: {  	[sflag:s29] =	ssyncset.done $0x0  }
0x2e1: {  	s21 =	sadd.s32 $0x200, s18;
	[sflag:s29] =	ssyncadd.s32 $0xFFFFE000  }
0x2e2: {  	[tilespmem:s28], [sflag:$0x1] =	stream.indirect.gather [hbm4b:s1+s31], $0x80, s21, s31, $0xb8;
	[tilespmem:$0x1E000] =	vst v63  }
0x2e3: {  	_ =	swait.ge [sflag:s10], $0x2000  }
0x2e4: {  	[sflag:s10] =	ssyncset.done $0x0  }
0x2e5: {  	s22 =	sadd.s32 $0x1080, s18;
	[sflag:s10] =	ssyncadd.s32 $0xFFFFE000  }
0x2e6: {  	[spmem:s2] =	stream.indirect.scatter.add.f32 [tilespmem:s4], [sflag:$0x5], $0x80, s22, s31, $0xb8;
	[tilespmem:$0x1E000] =	vst v63  }
0x2e7: {  	_ =	swait.ge [sflag:s29], $0x2000  }
0x2e8: {  	[sflag:s29] =	ssyncset.done $0x0  }
0x2e9: {  	s20 =	sadd.s32 $0x280, s18;
	[sflag:s29] =	ssyncadd.s32 $0xFFFFE000  }
0x2ea: {  	[tilespmem:s4], [sflag:$0x2] =	stream.indirect.gather [hbm4b:s1+s31], $0x80, s20, s31, $0xb8;
	[tilespmem:$0x1E000] =	vst v63  }
0x2eb: {  	_ =	swait.ge [sflag:s11], $0x2000  }
0x2ec: {  	[sflag:s11] =	ssyncset.done $0x0  }
0x2ed: {  	s21 =	sadd.s32 $0x1100, s18;
	[sflag:s11] =	ssyncadd.s32 $0xFFFFE000  }
0x2ee: {  	[spmem:s2] =	stream.indirect.scatter.add.f32 [tilespmem:s7], [sflag:$0x5], $0x80, s21, s31, $0xb8;
	[tilespmem:$0x1E000] =	vst v63  }
0x2ef: {  	_ =	swait.ge [sflag:s29], $0x2000  }
0x2f0: {  	[sflag:s29] =	ssyncset.done $0x0  }
0x2f1: {  	s22 =	sadd.s32 $0x300, s18;
	[sflag:s29] =	ssyncadd.s32 $0xFFFFE000  }
0x2f2: {  	[tilespmem:s7], [sflag:$0x3] =	stream.indirect.gather [hbm4b:s1+s31], $0x80, s22, s31, $0xb8;
	[tilespmem:$0x1E000] =	vst v63  }
0x2f3: {  	_ =	swait.ge [sflag:s12], $0x2000  }
0x2f4: {  	[sflag:s12] =	ssyncset.done $0x0  }
0x2f5: {  	s19 =	sadd.s32 $0x1180, s18;
	[sflag:s12] =	ssyncadd.s32 $0xFFFFE000  }
0x2f6: {  	[spmem:s2] =	stream.indirect.scatter.add.f32 [tilespmem:s8], [sflag:$0x5], $0x80, s19, s31, $0xb8;
	[tilespmem:$0x1E000] =	vst v63  }
0x2f7: {  	_ =	swait.ge [sflag:s29], $0x2000  }
0x2f8: {  	[sflag:s29] =	ssyncset.done $0x0  }
0x2f9: {  	[sflag:s29] =	ssyncadd.s32 $0xFFFFE000  }
0x2fa: {  	[tilespmem:s8], [sflag:$0x4] =	stream.indirect.gather [hbm4b:s1+s31], $0x80, s13, s31, $0xb8;
	[tilespmem:$0x1E000] =	vst v63  }
0x2fb: {  	_ =	swait.ge [sflag:s9], $0x2000  }
0x2fc: {  	[sflag:s9] =	ssyncset.done $0x0  }
0x2fd: {  	[sflag:s9] =	ssyncadd.s32 $0xFFFFE000  }
0x2fe: {  	[spmem:s2] =	stream.indirect.scatter.add.f32 [tilespmem:s28], [sflag:$0x5], $0x80, s14, s31, $0xb8;
	[tilespmem:$0x1E000] =	vst v63  }
0x2ff: {  	_ =	swait.ge [sflag:s29], $0x2000  }
0x300: {  	[sflag:s29] =	ssyncset.done $0x0  }
0x301: {  	[sflag:s29] =	ssyncadd.s32 $0xFFFFE000  }
0x302: {  	_ =	swait.ge [sflag:s10], $0x2000  }
0x303: {  	[sflag:s10] =	ssyncset.done $0x0  }
0x304: {  	[sflag:s10] =	ssyncadd.s32 $0xFFFFE000  }
0x305: {  	[spmem:s2] =	stream.indirect.scatter.add.f32 [tilespmem:s4], [sflag:$0x5], $0x80, s15, s31, $0xb8;
	[tilespmem:$0x1E000] =	vst v63  }
0x306: {  	_ =	swait.ge [sflag:s29], $0x2000  }
0x307: {  	[sflag:s29] =	ssyncset.done $0x0  }
0x308: {  	[sflag:s29] =	ssyncadd.s32 $0xFFFFE000  }
0x309: {  	_ =	swait.ge [sflag:s11], $0x2000  }
0x30a: {  	[sflag:s11] =	ssyncset.done $0x0  }
0x30b: {  	[sflag:s11] =	ssyncadd.s32 $0xFFFFE000  }
0x30c: {  	[spmem:s2] =	stream.indirect.scatter.add.f32 [tilespmem:s7], [sflag:$0x5], $0x80, s16, s31, $0xb8;
	[tilespmem:$0x1E000] =	vst v63  }
0x30d: {  	_ =	swait.ge [sflag:s29], $0x2000  }
0x30e: {  	[sflag:s29] =	ssyncset.done $0x0  }
0x30f: {  	[sflag:s29] =	ssyncadd.s32 $0xFFFFE000  }
0x310: {  	_ =	swait.ge [sflag:s12], $0x2000  }
0x311: {  	[sflag:s12] =	ssyncset.done $0x0  }
0x312: {  	[sflag:s12] =	ssyncadd.s32 $0xFFFFE000  }
0x313: {  	[spmem:s2] =	stream.indirect.scatter.add.f32 [tilespmem:s8], [sflag:$0x5], $0x80, s17, s31, $0xb8;
	[tilespmem:$0x1E000] =	vst v63  }
0x314: {  	_ =	swait.ge [sflag:s29], $0x2000  }
0x315: {  	[sflag:s29] =	ssyncset.done $0x0  }
0x316: {  	s20 =	stileid.u32;
	[sflag:s29] =	ssyncadd.s32 $0xFFFFE000  }
0x317: {  	s18 =	sshll.u32 s20, $0x6;
	[bflag:$0x0] =	sbarrier.arrive $0xFFFF  }
0x318: {  	s18 =	sor.u32 $0x1C05, s18;
	s21 =	sshrl.u32 s5, $0x3;
	s20 =	rddreg [dreg:$0xe]  }
0x319: {  	[hbm:s20], [sflag:s18] =	dma.local [spmem:s21], $0x2800  }
0x31a: {  	_ =	swait.ge [sflag:s29], $0x2800  }
0x31b: {  	s3 =	sadd.s32 $0x1, s3;
	s22 =	rddreg [dreg:$0xf]  }
0x31c: {  	p0 =	sne.s32 s3, s22  }
.Ltmp6:
0x31d: {  	_ = 	snop;
	(pc) =	sbr.rel @p0 .LBB2_1-.Ltmp6, $3  }
0x31e: {  	_ =	sdelay $0x1  }
0x31f: {  	[sflag:s29] =	ssyncset.done $0x0  }
0x320: {  	[sflag:s29] =	ssyncadd.s32 $0xFFFFD800  }
0x321: {  	_ =	sfence.sel $0x180000  }
0x322: {  	[bflag:$0x0] =	sbarrier.arrive $0xFFFF  }
0x323: {  	_ =	strace $0x9000004A  }
0x324: {  	s0 =	stileid.u32;
	[bflag:$0x2] =	sbarrier.arrive $0xFFFF  }
0x325: {  	p0 =	sne.s32 s0, $0x0;
	s0 =	rddreg [dreg:$0x3]  }
0x326: {  	s0 =	sadd.s32 @!p0 $0x100000, s0  }
0x327: {  	[sflag:s0] =	ssyncadd.tile.s32 @!p0 $0x1;
	_ =	shalt  }
.Lfunc_end2:
_tile_overlayer_lowered:
.L_overlay_start_2:
0x328: {  	(tag) =	ssettag $0x2  }
0x329: {  	s0 =	rddreg [dreg:$0x0];
	s2 =	stileid.u32  }
0x32a: {  	s1 =	rddreg [dreg:$0x1];
	p0 =	sne.s32 s2, $0x0  }
0x32b: {  	s3 =	rddreg [dreg:$0x2];
	[bflag:$0x3] =	sbarrier.arrive $0xFFFF;
	s2 =	simm.s32 @!p0 $0x1C05  }
0x32c: {  	[timem:s3], [sflag:s2] =	dma.local @!p0 [hbm:s0], s1  }
0x32d: {  	s0 =	simm.s32 @!p0 $0x5  }
0x32e: {  	_ =	swait.ge @!p0 [sflag:s0], s1  }
0x32f: {  	s1 =	ssub.s32 @!p0 $0x0, s1;
	[sflag:s0] =	ssyncset.done @!p0 $0x0  }
0x330: {  	[sflag:s0] =	ssyncadd.s32 @!p0 s1  }
0x331: {  	[bflag:$0x3] =	sbarrier.arrive $0xFFFF  }
0x332: {  	_ =	shalt  }

// kernel: kernel.14.cloned.1.call-start
scs
__scs_entry_jumppad:
0x0: {  	(pc) =	sbr.rel $0x88, $3  }
0x1: {  	(tag) =	ssettag $0x0;
	lr =	simm.s32 $0x1  }
0x2: {  	[smem:$0x3F9D] =	sst lr;
	_ =	strace $0xD0000000  }
0x3: {  	_ = 	snop  }
0x4: {  	_ = 	snop  }
0x5: {  	_ = 	snop  }
0x6: {  	_ = 	snop  }
0x7: {  	_ = 	snop  }
__scs_overlays_trampoline_lowered:
0x8: {  	[smem:$0x3FAC] =	sst s0  }
0x9: {  	[smem:$0x3FAD] =	sst s1  }
0xa: {  	[smem:$0x3FAE] =	sst s2  }
0xb: {  	[smem:$0x3FAF] =	sst s3  }
0xc: {  	[smem:$0x3FB0] =	sst s4  }
0xd: {  	[smem:$0x3FB1] =	sst s5  }
0xe: {  	[smem:$0x3FB2] =	sst s6  }
0xf: {  	[smem:$0x3FB3] =	sst s7  }
0x10: {  	[smem:$0x3FB4] =	sst s8  }
0x11: {  	[smem:$0x3FB5] =	sst s9;
	s0 =	simm.s32 @!p0 $0x0  }
0x12: {  	s1 =	sld [smem:$0x3F9B];
	s0 =	simm.s32 @p0 $0x1  }
0x13: {  	[smem:$0x3FB6] =	sst s0;
	s0 =	simm.s32 @!p1 $0x0  }
0x14: {  	s2 =	sld [smem:$0x3F9A];
	s0 =	simm.s32 @p1 $0x1  }
0x15: {  	[smem:$0x3FB7] =	sst s0;
	s0 =	simm.s32 @!p2 $0x0  }
0x16: {  	s3 =	sld [smem:$0x3FDB];
	s0 =	simm.s32 @p2 $0x1  }
0x17: {  	s4 =	simm.s32 $0x1BF5;
	[smem:$0x3FB9] =	sst s0  }
0x18: {  	s0 =	sld [smem:$0x3F9C];
	_ =	swait.ge [sflag:s4], $0x0  }
0x19: {  	s7 =	sld [smem:$0x3F9D]  }
0x1a: {  	s8 =	sadd.s32 $0xFFFFE003, lr  }
0x1b: {  	s9 =	sadd.s32 $0xFFFFFEF7, lr;
	s5 =	simm.s32 $0xFFFFFFFF;
	p2 =	slt.u32 s8, $0xFFFFF086  }
0x1c: {  	p1 =	slt.u32 s9, $0xF7A;
	s5 =	simm.s32 @!p2 $0x0  }
0x1d: {  	s5 =	simm.s32 @p1 $0x1;
	p0 =	seq.s32 s7, s2  }
0x1e: {  	s7 =	smul.u32 @!p0 $0xF7A, s2;
	p2 =	seq.s32 @!p0 s5, $0x0  }
0x1f: {  	s9 =	smul.u32 $0xF7A, s1;
	s8 =	simm.s32 @!p0 $0x1BF5;
	p2 =	por !p2, p0  }
0x20: {  	[sflag:s8] =	ssyncset.s32 @!p0 $0xFFFFF086;
	s6 =	sadd.s32 @!p0 s3, s7;
	s7 =	simm.s32 @!p0 $0x108  }
0x21: {  	s3 =	sadd.s32 s3, s9;
	s6 =	sadd.s32 @!p0 $0x88, s6;
	s7 =	simm.s32 @p2 $0x1082  }
0x22: {  	[simem:s7], [sflag:s8] =	dma.local @!p0 [hbm:s6], $0xF7A  }
0x23: {  	s9 =	sor.u32 $0xD0000000, s2;
	s6 =	simm.s32 $0x108;
	_ =	swait.ge @!p0 [sflag:s8], $0x0  }
0x24: {  	s3 =	sadd.s32 $0x88, s3;
	s6 =	simm.s32 @!p1 $0x1082;
	[sflag:s4] =	ssyncset.s32 $0xFFFFF086  }
0x25: {  	[simem:s6], [sflag:s4] =	dma.local [hbm:s3], $0xF7A  }
0x26: {  	[smem:$0x3F9D] =	sst s1;
	(tag) =	ssettag s2;
	_ =	strace s9  }
0x27: {  	s1 =	sld [smem:$0x3FAD]  }
0x28: {  	s2 =	sld [smem:$0x3FAE]  }
0x29: {  	s4 =	sld [smem:$0x3FB0]  }
0x2a: {  	p0 =	seq.s32 s5, $0x0;
	s5 =	sld [smem:$0x3FB1]  }
0x2b: {  	s6 =	sld [smem:$0x3FB2]  }
0x2c: {  	s7 =	sld [smem:$0x3FB3]  }
0x2d: {  	s3 =	simm.s32 $0x108;
	s8 =	sld [smem:$0x3FB4]  }
0x2e: {  	s3 =	simm.s32 @!p0 $0x1082;
	s9 =	sld [smem:$0x3FB5]  }
0x2f: {  	lr =	sadd.s32 s0, s3;
	s0 =	sld [smem:$0x3FAC]  }
0x30: {  	s3 =	sld [smem:$0x3FAF]  }
0x31: {  	[smem:$0x3FB8] =	sst s10  }
0x32: {  	s10 =	sld [smem:$0x3FB6];
	_ =	sdelay $0x3  }
0x33: {  	p0 =	seq.s32 s10, $0x1;
	s10 =	sld [smem:$0x3FB8];
	_ =	sdelay $0x3  }
0x34: {  	[smem:$0x3FB8] =	sst s10  }
0x35: {  	s10 =	sld [smem:$0x3FB7];
	_ =	sdelay $0x3  }
0x36: {  	p1 =	seq.s32 s10, $0x1;
	s10 =	sld [smem:$0x3FB8];
	_ =	sdelay $0x3  }
0x37: {  	[smem:$0x3FB8] =	sst s10  }
0x38: {  	s10 =	sld [smem:$0x3FB9]  }
0x39: {  	_ = 	snop;
	(pc) =	sbr.ind lr, $3  }
0x3a: {  	_ = 	snop  }
0x3b: {  	_ = 	snop  }
0x3c: {  	p2 =	seq.s32 s10, $0x1;
	s10 =	sld [smem:$0x3FB8]  }
0x3d: {  	_ =	shalt  }
0x3e: {  	_ =	shalt  }
0x3f: {  	_ =	shalt  }
0x40: {  	_ =	shalt  }
0x41: {  	_ =	shalt  }
0x42: {  	_ =	shalt  }
0x43: {  	_ =	shalt  }
0x44: {  	_ =	shalt  }
0x45: {  	_ =	shalt  }
0x46: {  	_ =	shalt  }
0x47: {  	_ =	shalt  }
0x48: {  	_ =	shalt  }
0x49: {  	_ =	shalt  }
0x4a: {  	_ =	shalt  }
0x4b: {  	_ =	shalt  }
0x4c: {  	_ =	shalt  }
0x4d: {  	_ =	shalt  }
0x4e: {  	_ =	shalt  }
0x4f: {  	_ =	shalt  }
0x50: {  	_ =	shalt  }
0x51: {  	_ =	shalt  }
0x52: {  	_ =	shalt  }
0x53: {  	_ =	shalt  }
0x54: {  	_ =	shalt  }
0x55: {  	_ =	shalt  }
0x56: {  	_ =	shalt  }
0x57: {  	_ =	shalt  }
0x58: {  	_ =	shalt  }
0x59: {  	_ =	shalt  }
0x5a: {  	_ =	shalt  }
0x5b: {  	_ =	shalt  }
0x5c: {  	_ =	shalt  }
0x5d: {  	_ =	shalt  }
0x5e: {  	_ =	shalt  }
0x5f: {  	_ =	shalt  }
0x60: {  	_ =	shalt  }
0x61: {  	_ =	shalt  }
0x62: {  	_ =	shalt  }
0x63: {  	_ =	shalt  }
0x64: {  	_ =	shalt  }
0x65: {  	_ =	shalt  }
0x66: {  	_ =	shalt  }
0x67: {  	_ =	shalt  }
0x68: {  	_ =	shalt  }
0x69: {  	_ =	shalt  }
0x6a: {  	_ =	shalt  }
0x6b: {  	_ =	shalt  }
0x6c: {  	_ =	shalt  }
0x6d: {  	_ =	shalt  }
0x6e: {  	_ =	shalt  }
0x6f: {  	_ =	shalt  }
0x70: {  	_ =	shalt  }
0x71: {  	_ =	shalt  }
0x72: {  	_ =	shalt  }
0x73: {  	_ =	shalt  }
0x74: {  	_ =	shalt  }
0x75: {  	_ =	shalt  }
0x76: {  	_ =	shalt  }
0x77: {  	_ =	shalt  }
0x78: {  	_ =	shalt  }
0x79: {  	_ =	shalt  }
0x7a: {  	_ =	shalt  }
0x7b: {  	_ =	shalt  }
0x7c: {  	_ =	shalt  }
0x7d: {  	_ =	shalt  }
0x7e: {  	_ =	shalt  }
0x7f: {  	_ =	shalt  }
0x80: {  	_ =	shalt  }
0x81: {  	_ =	shalt  }
0x82: {  	_ =	shalt  }
0x83: {  	_ =	shalt  }
0x84: {  	_ =	shalt  }
0x85: {  	_ =	shalt  }
0x86: {  	_ =	shalt  }
0x87: {  	_ =	shalt  }
.Lfunc_end0:
.L_simem_size_0:
called_computation.2_lowered:
.L_overlay_start_0:
0x88: {  	s2 =	sld [smem:$0x3FD9]  }
0x89: {  	s3 =	sld [smem:$0x3FFE];
	_ =	sdelay $0x1  }
0x8a: {  	s1 =	srdreg.scid  }
0x8b: {  	s0 =	sand.u32 $0x1, s1  }
0x8c: {  	s17 =	sshll.u32 s0, $0xA;
	s2 =	sadd.s32 s3, s2  }
0x8d: {  	s2 =	sadd.s32 s2, s17  }
0x8e: {  	[smem:$0x3FC4] =	sst s2  }
0x8f: {  	_ = 	snop  }
0x90: {  	s2 =	sld [smem:$0x3FD0];
	(tm) =	ssettm $0x1  }
0x91: {  	s18 =	sld [smem:$0x3FFB];
	_ =	sdelay $0x3  }
0x92: {  	_ =	strace s18  }
0x93: {  	s3 =	sld [smem:$0x3FFC];
	_ =	sdelay $0x3  }
0x94: {  	_ =	strace s3  }
0x95: {  	s3 =	sld [smem:$0x3FFD];
	_ =	sdelay $0x3  }
0x96: {  	_ =	strace s3  }
0x97: {  	_ =	strace $0x8FFFFFFF  }
0x98: {  	s19 =	sld [smem:$0x3FDB];
	_ =	sdelay $0x1  }
0x99: {  	s4 =	simm.s32 $_scs_section_size  }
0x9a: {  	s5 =	simm.s32 $_size__tile_overlayer_lowered;
	s6 =	simm.s32 $_tile_overlayer_lowered  }
0x9b: {  	s22 =	simm.s32 $0x1BFF;
	s21 =	sshll.u32 s6, $0x1;
	s3 =	sadd.s32 s4, s19  }
0x9c: {  	s7 =	simm.s32 $0x0;
	s20 =	sshll.u32 s5, $0x1;
	s5 =	sadd.s32 s21, s3  }
0x9d: {  	[timem:s7], [sflag:s22] =	dma.local [hbm:s5], s20  }
0x9e: {  	_ =	swait.ge [sflag:s22], s20  }
0x9f: {  	s4 =	ssub.s32 $0x0, s20;
	[sflag:s22] =	ssyncset.done $0x0  }
0xa0: {  	[sflag:s22] =	ssyncadd.s32 s4;
	_ =	sdelay $0x1  }
0xa1: {  	s23 =	simm.s32 $0x1B8B  }
0xa2: {  	_ =	swait.ge [sflag:s23], $0x1  }
0xa3: {  	[sflag:s23] =	ssyncset.done $0x0  }
0xa4: {  	s25 =	simm.s32 $0x1B8E;
	s24 =	sld [smem:$0x3FFE];
	[sflag:s23] =	ssyncadd.s32 $0xFFFFFFFF  }
0xa5: {  	s26 =	simm.s32 $execute0_lowered;
	[smem:$0x3FD2] =	sst s25  }
0xa6: {  	s5 =	sshll.u32 s26, $0x1;
	_ =	strace $0x8000004C;
	[dreg:$0x1] =	wrdreg $0xFFFFFFFF  }
0xa7: {  	s28 =	simm.s32 $_size_execute0_lowered;
	s3 =	sadd.s32 s3, s5;
	[dreg:$0x0] =	wrdreg $0x0  }
0xa8: {  	s5 =	sshll.u32 s28, $0x1;
	[dreg:$0x2] =	wrdreg s3  }
0xa9: {  	[dreg:$0x3] =	wrdreg s5  }
0xaa: {  	[dreg:$0x4] =	wrdreg $0xC0  }
0xab: {  	_ =	task [dreg:s7], $0x5FFFF  }
0xac: {  	[dreg:$0x1] =	wrdreg $0xFFFFFFFF  }
0xad: {  	[dreg:$0x0] =	wrdreg $0x60  }
0xae: {  	[dreg:$0x2] =	wrdreg s2  }
0xaf: {  	[dreg:$0x3] =	wrdreg s24  }
0xb0: {  	[dreg:$0x4] =	wrdreg $0xA0000  }
0xb1: {  	[dreg:$0x5] =	wrdreg $0x9  }
0xb2: {  	_ =	task.clear_ibuf [dreg:s7], $0x6FFFF;
	_ =	strace $0x9000004C  }
0xb3: {  	s29 =	simm.s32 $0x9;
	_ =	strace $0x8000004E  }
0xb4: {  	_ =	swait.ge [sflag:s29], $0x1  }
0xb5: {  	[sflag:s29] =	ssyncadd.s32 $0xFFFFFFFF  }
0xb6: {  	_ =	strace $0x9000004E  }
0xb7: {  	_ =	sfence  }
0xb8: {  	s30 =	sld [smem:$0x0];
	_ =	sdelay $0x2  }
0xb9: {  	s31 =	sshll.u32 s1, $0xD;
	s1 =	sshrl.u32 s1, $0x2  }
0xba: {  	s3 =	sand.u32 $0x4000, s31;
	s1 =	sadd.s32 s1, s30  }
0xbb: {  	s0 =	sor.u32 s3, s0;
	s1 =	sshll.u32 s1, $0x11  }
0xbc: {  	s0 =	sor.u32 s1, s0  }
0xbd: {  	s0 =	sadd.s32 $0x8F2B, s0  }
0xbe: {  	[sflag:s0] =	ssyncadd.remote.s32 $0x1  }
0xbf: {  	_ =	sfence.sel $0xFFFF  }
0xc0: {  	[dreg:$0x0] =	wrdreg $0xFFFFFFFF;
	(pc) =	sbr.abs _section_cstart, $3  }
0xc1: {  	[dreg:$0x1] =	wrdreg $0xFFFFFFFF  }
0xc2: {  	_ =	task.clear_ibuf [dreg:s7], $0x2FFFF;
	_ =	strace $0x9FFFFFFF  }
0xc3: {  	(tm) =	ssettm $0x7FFFFFFF  }
tec
execute0_lowered:
.L_overlay_start_1:
0x0: {  	(tag) =	ssettag $0x1  }
0x1: {  	s1 =	rddreg [dreg:$0x0]  }
0x2: {  	s0 =	rddreg [dreg:$0x1]  }
0x3: {  	s2 =	rddreg [dreg:$0x2]  }
0x4: {  	s3 =	simm.s32 $0x0;
	s4 =	srdreg.scid;
	s11 =	stileid.u32  }
0x5: {  	s28 =	simm.s32 $0x2000;
	s29 =	simm.s32 $0x5;
	s30 =	simm.s32 $0x1000  }
0x6: {  	s31 =	simm.s32 $0x40;
	[smem:$0x7FF] =	sst s3;
	s4 =	sand.u32 $0x1, s4  }
0x7: {  	s6 =	sadd.s32 $0x16600, s0;
	s7 =	smul.u32 $0x14000, s11;
	s9 =	sadd.s32 $0x2400, s0  }
0x8: {  	s10 =	smul.u32 $0x50000, s11;
	_ =	strace $0x8000004D;
	s8 =	sshll.u32 s4, $0x4  }
0x9: {  	s5 =	smul.u32 $0x140000, s4;
	s4 =	ssub.s32 $0x2, s4;
	s8 =	sor.u32 s11, s8  }
0xa: {  	s26 =	sshrl.u32 s4, $0x1;
	s11 =	sshrl.u32 s10, $0x2;
	s10 =	simm.s32 $0x2  }
0xb: {  	s5 =	sadd.s32 s7, s5;
	s25 =	smul.u32 $0xA00, s8;
	s4 =	ssub.s32 s4, s26  }
0xc: {  	s8 =	smul.u32 $0x5000, s8;
	s5 =	sshrl.u32 s5, $0x3;
	s21 =	smax.u32 s4, $0x1  }
0xd: {  	s4 =	simm.s32 $0x4000;
	s0 =	sadd.s32 s5, s0;
	s5 =	sadd.s32 s11, s2  }
0xe: {  	s12 =	sadd.s32 s6, s25;
	s8 =	sshrl.u32 s8, $0x3;
	[dreg:$0xf] =	wrdreg s21  }
0xf: {  	s7 =	sadd.s32 s9, s25;
	s11 =	simm.s32 $0x3;
	[dreg:$0x4] =	wrdreg s12  }
0x10: {  	[dreg:$0x5] =	wrdreg s7;
	s13 =	sadd.s32 $0x200, s8;
	s0 =	sadd.s32 $0x2A800, s0  }
0x11: {  	s14 =	sadd.s32 $0x400, s8;
	s22 =	sadd.s32 $0x2000, s5;
	[dreg:$0xe] =	wrdreg s0  }
0x12: {  	s18 =	sadd.s32 $0x600, s8;
	s23 =	sadd.s32 $0x4000, s5;
	[dreg:$0x10] =	wrdreg s22  }
0x13: {  	s8 =	sadd.s32 $0x800, s8;
	s24 =	sadd.s32 $0x6000, s5;
	[dreg:$0x11] =	wrdreg s23  }
0x14: {  	s25 =	sadd.s32 $0x8000, s5;
	s26 =	sadd.s32 $0xA000, s5;
	[dreg:$0x12] =	wrdreg s24  }
0x15: {  	s12 =	simm.s32 $0x4;
	s15 =	sadd.s32 s6, s13;
	[dreg:$0x13] =	wrdreg s25  }
0x16: {  	s7 =	sadd.s32 s9, s13;
	s16 =	sadd.s32 s6, s14;
	[dreg:$0x14] =	wrdreg s26  }
0x17: {  	s17 =	sadd.s32 s9, s14;
	s19 =	sadd.s32 s6, s18;
	[dreg:$0x6] =	wrdreg s15  }
0x18: {  	s6 =	sadd.s32 s6, s8;
	s20 =	sadd.s32 s9, s8;
	[dreg:$0x7] =	wrdreg s7  }
0x19: {  	s23 =	sadd.s32 $0xC000, s5;
	s24 =	sadd.s32 $0xE000, s5;
	[dreg:$0x8] =	wrdreg s16  }
0x1a: {  	s25 =	sadd.s32 $0x10000, s5;
	s26 =	sadd.s32 $0x12000, s5;
	[dreg:$0x9] =	wrdreg s17  }
0x1b: {  	s0 =	simm.s32 $0x80;
	s8 =	simm.s32 $0x8000;
	[dreg:$0xa] =	wrdreg s19  }
0x1c: {  	s13 =	simm.s32 $0xF80;
	s14 =	simm.s32 $0x1E00;
	[dreg:$0xc] =	wrdreg s6  }
0x1d: {  	s7 =	sadd.s32 s9, s18;
	[dreg:$0xd] =	wrdreg s20;
	s6 =	simm.s32 $0x100  }
0x1e: {  	s9 =	simm.s32 $0x1;
	s15 =	simm.s32 $0x1E80;
	s16 =	simm.s32 $0x1F00  }
0x1f: {  	v0 =	vimm.f32 $0.0e+00;
	s17 =	simm.s32 $0x1F80;
	[dreg:$0xb] =	wrdreg s7;
	s7 =	simm.s32 $0x6000  }
.LBB2_1:
0x20: {  	s18 =	simm.s32 $0x0;
	s19 =	simm.s32 $0x200  }
.LBB2_2:
0x21: {  	p0 =	sne.s32 s19, $0x7E00;
	[tilespmem:s18+$0x2070] =	vst v0  }
0x22: {  	[tilespmem:s18+$0x2000] =	vst v0  }
0x23: {  	[tilespmem:s18+$0x2010] =	vst v0  }
.Ltmp0:
0x24: {  	[tilespmem:s18+$0x2020] =	vst v0;
	(pc) =	sbr.rel @p0 .LBB2_2-.Ltmp0, $4  }
0x25: {  	[tilespmem:s18+$0x2030] =	vst v0  }
0x26: {  	[tilespmem:s18+$0x2040] =	vst v0  }
0x27: {  	[tilespmem:s18+$0x2050] =	vst v0  }
0x28: {  	[tilespmem:s18+$0x2060] =	vst v0;
	s18 =	sshra.s32 s19, $0x2;
	s19 =	sadd.s32 $0x200, s19  }
0x29: {  	[tilespmem:s18+$0x2070] =	vst v0  }
0x2a: {  	[tilespmem:s18+$0x2000] =	vst v0  }
0x2b: {  	[tilespmem:s18+$0x2010] =	vst v0  }
0x2c: {  	[tilespmem:s18+$0x2020] =	vst v0  }
0x2d: {  	[tilespmem:s18+$0x2030] =	vst v0  }
0x2e: {  	[tilespmem:s18+$0x2040] =	vst v0  }
0x2f: {  	[tilespmem:s18+$0x2050] =	vst v0  }
0x30: {  	[tilespmem:s18+$0x2060] =	vst v0  }
0x31: {  	[spmem:s5] =	stream.linear.scatter [tilespmem:s28], [sflag:$0x5], $0x2000, $0x38;
	[tilespmem:$0x1E000] =	vst v63  }
0x32: {  	_ =	swait.ge [sflag:s29], $0x2000  }
0x33: {  	[sflag:s29] =	ssyncset.done $0x0  }
0x34: {  	s20 =	rddreg [dreg:$0x10];
	[sflag:s29] =	ssyncadd.s32 $0xFFFFE000  }
0x35: {  	[spmem:s20] =	stream.linear.scatter [tilespmem:s28], [sflag:$0x5], $0x2000, $0x38;
	[tilespmem:$0x1E000] =	vst v63  }
0x36: {  	_ =	swait.ge [sflag:s29], $0x2000  }
0x37: {  	[sflag:s29] =	ssyncset.done $0x0  }
0x38: {  	s21 =	rddreg [dreg:$0x11];
	[sflag:s29] =	ssyncadd.s32 $0xFFFFE000  }
0x39: {  	[spmem:s21] =	stream.linear.scatter [tilespmem:s28], [sflag:$0x5], $0x2000, $0x38;
	[tilespmem:$0x1E000] =	vst v63  }
0x3a: {  	_ =	swait.ge [sflag:s29], $0x2000  }
0x3b: {  	[sflag:s29] =	ssyncset.done $0x0  }
0x3c: {  	s22 =	rddreg [dreg:$0x12];
	[sflag:s29] =	ssyncadd.s32 $0xFFFFE000  }
0x3d: {  	[spmem:s22] =	stream.linear.scatter [tilespmem:s28], [sflag:$0x5], $0x2000, $0x38;
	[tilespmem:$0x1E000] =	vst v63  }
0x3e: {  	_ =	swait.ge [sflag:s29], $0x2000  }
0x3f: {  	[sflag:s29] =	ssyncset.done $0x0  }
0x40: {  	s19 =	rddreg [dreg:$0x13];
	[sflag:s29] =	ssyncadd.s32 $0xFFFFE000  }
0x41: {  	[spmem:s19] =	stream.linear.scatter [tilespmem:s28], [sflag:$0x5], $0x2000, $0x38;
	[tilespmem:$0x1E000] =	vst v63  }
0x42: {  	_ =	swait.ge [sflag:s29], $0x2000  }
0x43: {  	[sflag:s29] =	ssyncset.done $0x0  }
0x44: {  	s20 =	rddreg [dreg:$0x14];
	[sflag:s29] =	ssyncadd.s32 $0xFFFFE000  }
0x45: {  	[spmem:s20] =	stream.linear.scatter [tilespmem:s28], [sflag:$0x5], $0x2000, $0x38;
	[tilespmem:$0x1E000] =	vst v63  }
0x46: {  	_ =	swait.ge [sflag:s29], $0x2000  }
0x47: {  	[sflag:s29] =	ssyncset.done $0x0  }
0x48: {  	[sflag:s29] =	ssyncadd.s32 $0xFFFFE000  }
0x49: {  	[spmem:s23] =	stream.linear.scatter [tilespmem:s28], [sflag:$0x5], $0x2000, $0x38;
	[tilespmem:$0x1E000] =	vst v63  }
0x4a: {  	_ =	swait.ge [sflag:s29], $0x2000  }
0x4b: {  	[sflag:s29] =	ssyncset.done $0x0  }
0x4c: {  	[sflag:s29] =	ssyncadd.s32 $0xFFFFE000  }
0x4d: {  	[spmem:s24] =	stream.linear.scatter [tilespmem:s28], [sflag:$0x5], $0x2000, $0x38;
	[tilespmem:$0x1E000] =	vst v63  }
0x4e: {  	_ =	swait.ge [sflag:s29], $0x2000  }
0x4f: {  	[sflag:s29] =	ssyncset.done $0x0  }
0x50: {  	[sflag:s29] =	ssyncadd.s32 $0xFFFFE000  }
0x51: {  	[spmem:s25] =	stream.linear.scatter [tilespmem:s28], [sflag:$0x5], $0x2000, $0x38;
	[tilespmem:$0x1E000] =	vst v63  }
0x52: {  	_ =	swait.ge [sflag:s29], $0x2000  }
0x53: {  	[sflag:s29] =	ssyncset.done $0x0  }
0x54: {  	[sflag:s29] =	ssyncadd.s32 $0xFFFFE000  }
0x55: {  	[spmem:s26] =	stream.linear.scatter [tilespmem:s28], [sflag:$0x5], $0x2000, $0x38;
	[tilespmem:$0x1E000] =	vst v63  }
0x56: {  	_ =	swait.ge [sflag:s29], $0x2000  }
0x57: {  	[sflag:s29] =	ssyncset.done $0x0  }
0x58: {  	[sflag:s29] =	ssyncadd.s32 $0xFFFFE000  }
0x59: {  	[bflag:$0x0] =	sbarrier.arrive $0xFFFF  }
0x5a: {  	s21 =	simm.s32 $0x0;
	s19 =	rddreg [dreg:$0x4]  }
0x5b: {  	[tilespmem:s21], [sflag:$0x5] =	stream.linear.gather [hbm4b:s19+s21], $0x1000, $0x38;
	[tilespmem:$0x1E000] =	vst v63  }
0x5c: {  	_ =	swait.ge [sflag:s29], $0x1000  }
0x5d: {  	[sflag:s29] =	ssyncset.done $0x0  }
0x5e: {  	s22 =	rddreg [dreg:$0x5];
	[sflag:s29] =	ssyncadd.s32 $0xFFFFF000  }
0x5f: {  	[tilespmem:s30], [sflag:$0x5] =	stream.linear.gather [hbm4b:s22+s21], $0x1000, $0x38;
	[tilespmem:$0x1E000] =	vst v63  }
0x60: {  	_ =	swait.ge [sflag:s29], $0x1000  }
0x61: {  	[sflag:s29] =	ssyncset.done $0x0  }
0x62: {  	[sflag:s29] =	ssyncadd.s32 $0xFFFFF000  }
0x63: {  	[tilespmem:s28], [sflag:$0x1] =	stream.indirect.gather [hbm4b:s1+s31], $0x80, s21, s31, $0xb8;
	[tilespmem:$0x1E000] =	vst v63  }
0x64: {  	_ = 	snop  }
0x65: {  	[tilespmem:s4], [sflag:$0x2] =	stream.indirect.gather [hbm4b:s1+s31], $0x80, s0, s31, $0xb8;
	[tilespmem:$0x1E000] =	vst v63  }
0x66: {  	_ = 	snop  }
0x67: {  	[tilespmem:s7], [sflag:$0x3] =	stream.indirect.gather [hbm4b:s1+s31], $0x80, s6, s31, $0xb8;
	[tilespmem:$0x1E000] =	vst v63  }
0x68: {  	s19 =	simm.s32 $0x180  }
0x69: {  	[tilespmem:s8], [sflag:$0x4] =	stream.indirect.gather [hbm4b:s1+s31], $0x80, s19, s31, $0xb8;
	[tilespmem:$0x1E000] =	vst v63  }
0x6a: {  	_ =	swait.ge [sflag:s9], $0x2000  }
0x6b: {  	[sflag:s9] =	ssyncset.done $0x0  }
0x6c: {  	s20 =	simm.s32 $0x1000;
	[sflag:s9] =	ssyncadd.s32 $0xFFFFE000  }
0x6d: {  	[spmem:s2] =	stream.indirect.scatter.add.f32 [tilespmem:s28], [sflag:$0x5], $0x80, s20, s31, $0xb8;
	[tilespmem:$0x1E000] =	vst v63  }
0x6e: {  	_ =	swait.ge [sflag:s29], $0x2000  }
0x6f: {  	[sflag:s29] =	ssyncset.done $0x0  }
0x70: {  	s21 =	simm.s32 $0x200;
	[sflag:s29] =	ssyncadd.s32 $0xFFFFE000  }
0x71: {  	[tilespmem:s28], [sflag:$0x1] =	stream.indirect.gather [hbm4b:s1+s31], $0x80, s21, s31, $0xb8;
	[tilespmem:$0x1E000] =	vst v63  }
0x72: {  	_ =	swait.ge [sflag:s10], $0x2000  }
0x73: {  	[sflag:s10] =	ssyncset.done $0x0  }
0x74: {  	s22 =	simm.s32 $0x1080;
	[sflag:s10] =	ssyncadd.s32 $0xFFFFE000  }
0x75: {  	[spmem:s2] =	stream.indirect.scatter.add.f32 [tilespmem:s4], [sflag:$0x5], $0x80, s22, s31, $0xb8;
	[tilespmem:$0x1E000] =	vst v63  }
0x76: {  	_ =	swait.ge [sflag:s29], $0x2000  }
0x77: {  	[sflag:s29] =	ssyncset.done $0x0  }
0x78: {  	s19 =	simm.s32 $0x280;
	[sflag:s29] =	ssyncadd.s32 $0xFFFFE000  }
0x79: {  	[tilespmem:s4], [sflag:$0x2] =	stream.indirect.gather [hbm4b:s1+s31], $0x80, s19, s31, $0xb8;
	[tilespmem:$0x1E000] =	vst v63  }
0x7a: {  	_ =	swait.ge [sflag:s11], $0x2000  }
0x7b: {  	[sflag:s11] =	ssyncset.done $0x0  }
0x7c: {  	s20 =	simm.s32 $0x1100;
	[sflag:s11] =	ssyncadd.s32 $0xFFFFE000  }
0x7d: {  	[spmem:s2] =	stream.indirect.scatter.add.f32 [tilespmem:s7], [sflag:$0x5], $0x80, s20, s31, $0xb8;
	[tilespmem:$0x1E000] =	vst v63  }
0x7e: {  	_ =	swait.ge [sflag:s29], $0x2000  }
0x7f: {  	[sflag:s29] =	ssyncset.done $0x0  }
0x80: {  	s21 =	simm.s32 $0x300;
	[sflag:s29] =	ssyncadd.s32 $0xFFFFE000  }
0x81: {  	[tilespmem:s7], [sflag:$0x3] =	stream.indirect.gather [hbm4b:s1+s31], $0x80, s21, s31, $0xb8;
	[tilespmem:$0x1E000] =	vst v63  }
0x82: {  	_ =	swait.ge [sflag:s12], $0x2000  }
0x83: {  	[sflag:s12] =	ssyncset.done $0x0  }
0x84: {  	s22 =	simm.s32 $0x1180;
	[sflag:s12] =	ssyncadd.s32 $0xFFFFE000  }
0x85: {  	[spmem:s2] =	stream.indirect.scatter.add.f32 [tilespmem:s8], [sflag:$0x5], $0x80, s22, s31, $0xb8;
	[tilespmem:$0x1E000] =	vst v63  }
0x86: {  	_ =	swait.ge [sflag:s29], $0x2000  }
0x87: {  	s18 =	simm.s32 $0x200;
	s19 =	simm.s32 $0x1000;
	[sflag:s29] =	ssyncset.done $0x0  }
.LBB2_4:
0x88: {  	s22 =	sadd.s32 $0x180, s18  }
0x89: {  	[sflag:s29] =	ssyncadd.s32 $0xFFFFE000;
	s20 =	smov.u32 s19;
	s21 =	sadd.s32 $0x800, s19  }
0x8a: {  	[tilespmem:s8], [sflag:$0x4] =	stream.indirect.gather [hbm4b:s1+s31], $0x80, s22, s31, $0xb8;
	[tilespmem:$0x1E000] =	vst v63  }
0x8b: {  	p0 =	sne.s32 s19, $0x3000;
	_ =	swait.ge [sflag:s9], $0x2000  }
0x8c: {  	[sflag:s9] =	ssyncset.done $0x0  }
0x8d: {  	s19 =	sadd.s32 $0x1000, s18;
	[sflag:s9] =	ssyncadd.s32 $0xFFFFE000  }
0x8e: {  	[spmem:s2] =	stream.indirect.scatter.add.f32 [tilespmem:s28], [sflag:$0x5], $0x80, s19, s31, $0xb8;
	[tilespmem:$0x1E000] =	vst v63  }
0x8f: {  	_ =	swait.ge [sflag:s29], $0x2000  }
0x90: {  	[sflag:s29] =	ssyncset.done $0x0  }
0x91: {  	s19 =	sadd.s32 $0x200, s18;
	[sflag:s29] =	ssyncadd.s32 $0xFFFFE000  }
0x92: {  	[tilespmem:s28], [sflag:$0x1] =	stream.indirect.gather [hbm4b:s1+s31], $0x80, s19, s31, $0xb8;
	[tilespmem:$0x1E000] =	vst v63  }
0x93: {  	_ =	swait.ge [sflag:s10], $0x2000  }
0x94: {  	[sflag:s10] =	ssyncset.done $0x0  }
0x95: {  	s19 =	sadd.s32 $0x1080, s18;
	[sflag:s10] =	ssyncadd.s32 $0xFFFFE000  }
0x96: {  	[spmem:s2] =	stream.indirect.scatter.add.f32 [tilespmem:s4], [sflag:$0x5], $0x80, s19, s31, $0xb8;
	[tilespmem:$0x1E000] =	vst v63  }
0x97: {  	_ =	swait.ge [sflag:s29], $0x2000  }
0x98: {  	[sflag:s29] =	ssyncset.done $0x0  }
0x99: {  	s19 =	sadd.s32 $0x280, s18;
	[sflag:s29] =	ssyncadd.s32 $0xFFFFE000  }
0x9a: {  	[tilespmem:s4], [sflag:$0x2] =	stream.indirect.gather [hbm4b:s1+s31], $0x80, s19, s31, $0xb8;
	[tilespmem:$0x1E000] =	vst v63  }
0x9b: {  	_ =	swait.ge [sflag:s11], $0x2000  }
0x9c: {  	[sflag:s11] =	ssyncset.done $0x0  }
0x9d: {  	s19 =	sadd.s32 $0x1100, s18;
	[sflag:s11] =	ssyncadd.s32 $0xFFFFE000  }
0x9e: {  	[spmem:s2] =	stream.indirect.scatter.add.f32 [tilespmem:s7], [sflag:$0x5], $0x80, s19, s31, $0xb8;
	[tilespmem:$0x1E000] =	vst v63  }
0x9f: {  	_ =	swait.ge [sflag:s29], $0x2000  }
0xa0: {  	[sflag:s29] =	ssyncset.done $0x0  }
0xa1: {  	s19 =	sadd.s32 $0x300, s18;
	[sflag:s29] =	ssyncadd.s32 $0xFFFFE000  }
0xa2: {  	[tilespmem:s7], [sflag:$0x3] =	stream.indirect.gather [hbm4b:s1+s31], $0x80, s19, s31, $0xb8;
	[tilespmem:$0x1E000] =	vst v63  }
0xa3: {  	_ =	swait.ge [sflag:s12], $0x2000  }
.Ltmp1:
0xa4: {  	[sflag:s12] =	ssyncset.done $0x0;
	(pc) =	sbr.rel @p0 .LBB2_4-.Ltmp1, $4  }
0xa5: {  	s18 =	sadd.s32 $0x1180, s18;
	[sflag:s12] =	ssyncadd.s32 $0xFFFFE000  }
0xa6: {  	[spmem:s2] =	stream.indirect.scatter.add.f32 [tilespmem:s8], [sflag:$0x5], $0x80, s18, s31, $0xb8;
	[tilespmem:$0x1E000] =	vst v63  }
0xa7: {  	_ =	swait.ge [sflag:s29], $0x2000  }
0xa8: {  	s19 =	smov.u32 s21;
	s18 =	sshra.s32 s20, $0x2;
	[sflag:s29] =	ssyncset.done $0x0  }
0xa9: {  	s19 =	sadd.s32 $0x180, s18;
	[sflag:s29] =	ssyncadd.s32 $0xFFFFE000  }
0xaa: {  	[tilespmem:s8], [sflag:$0x4] =	stream.indirect.gather [hbm4b:s1+s31], $0x80, s19, s31, $0xb8;
	[tilespmem:$0x1E000] =	vst v63  }
0xab: {  	_ =	swait.ge [sflag:s9], $0x2000  }
0xac: {  	[sflag:s9] =	ssyncset.done $0x0  }
0xad: {  	s20 =	sadd.s32 $0x1000, s18;
	[sflag:s9] =	ssyncadd.s32 $0xFFFFE000  }
0xae: {  	[spmem:s2] =	stream.indirect.scatter.add.f32 [tilespmem:s28], [sflag:$0x5], $0x80, s20, s31, $0xb8;
	[tilespmem:$0x1E000] =	vst v63  }
0xaf: {  	_ =	swait.ge [sflag:s29], $0x2000  }
0xb0: {  	[sflag:s29] =	ssyncset.done $0x0  }
0xb1: {  	s21 =	sadd.s32 $0x200, s18;
	[sflag:s29] =	ssyncadd.s32 $0xFFFFE000  }
0xb2: {  	[tilespmem:s28], [sflag:$0x1] =	stream.indirect.gather [hbm4b:s1+s31], $0x80, s21, s31, $0xb8;
	[tilespmem:$0x1E000] =	vst v63  }
0xb3: {  	_ =	swait.ge [sflag:s10], $0x2000  }
0xb4: {  	[sflag:s10] =	ssyncset.done $0x0  }
0xb5: {  	s22 =	sadd.s32 $0x1080, s18;
	[sflag:s10] =	ssyncadd.s32 $0xFFFFE000  }
0xb6: {  	[spmem:s2] =	stream.indirect.scatter.add.f32 [tilespmem:s4], [sflag:$0x5], $0x80, s22, s31, $0xb8;
	[tilespmem:$0x1E000] =	vst v63  }
0xb7: {  	_ =	swait.ge [sflag:s29], $0x2000  }
0xb8: {  	[sflag:s29] =	ssyncset.done $0x0  }
0xb9: {  	s20 =	sadd.s32 $0x280, s18;
	[sflag:s29] =	ssyncadd.s32 $0xFFFFE000  }
0xba: {  	[tilespmem:s4], [sflag:$0x2] =	stream.indirect.gather [hbm4b:s1+s31], $0x80, s20, s31, $0xb8;
	[tilespmem:$0x1E000] =	vst v63  }
0xbb: {  	_ =	swait.ge [sflag:s11], $0x2000  }
0xbc: {  	[sflag:s11] =	ssyncset.done $0x0  }
0xbd: {  	s21 =	sadd.s32 $0x1100, s18;
	[sflag:s11] =	ssyncadd.s32 $0xFFFFE000  }
0xbe: {  	[spmem:s2] =	stream.indirect.scatter.add.f32 [tilespmem:s7], [sflag:$0x5], $0x80, s21, s31, $0xb8;
	[tilespmem:$0x1E000] =	vst v63  }
0xbf: {  	_ =	swait.ge [sflag:s29], $0x2000  }
0xc0: {  	[sflag:s29] =	ssyncset.done $0x0  }
0xc1: {  	s22 =	sadd.s32 $0x300, s18;
	[sflag:s29] =	ssyncadd.s32 $0xFFFFE000  }
0xc2: {  	[tilespmem:s7], [sflag:$0x3] =	stream.indirect.gather [hbm4b:s1+s31], $0x80, s22, s31, $0xb8;
	[tilespmem:$0x1E000] =	vst v63  }
0xc3: {  	_ =	swait.ge [sflag:s12], $0x2000  }
0xc4: {  	[sflag:s12] =	ssyncset.done $0x0  }
0xc5: {  	s19 =	sadd.s32 $0x1180, s18;
	[sflag:s12] =	ssyncadd.s32 $0xFFFFE000  }
0xc6: {  	[spmem:s2] =	stream.indirect.scatter.add.f32 [tilespmem:s8], [sflag:$0x5], $0x80, s19, s31, $0xb8;
	[tilespmem:$0x1E000] =	vst v63  }
0xc7: {  	_ =	swait.ge [sflag:s29], $0x2000  }
0xc8: {  	[sflag:s29] =	ssyncset.done $0x0  }
0xc9: {  	[sflag:s29] =	ssyncadd.s32 $0xFFFFE000  }
0xca: {  	[tilespmem:s8], [sflag:$0x4] =	stream.indirect.gather [hbm4b:s1+s31], $0x80, s13, s31, $0xb8;
	[tilespmem:$0x1E000] =	vst v63  }
0xcb: {  	_ =	swait.ge [sflag:s9], $0x2000  }
0xcc: {  	[sflag:s9] =	ssyncset.done $0x0  }
0xcd: {  	[sflag:s9] =	ssyncadd.s32 $0xFFFFE000  }
0xce: {  	[spmem:s2] =	stream.indirect.scatter.add.f32 [tilespmem:s28], [sflag:$0x5], $0x80, s14, s31, $0xb8;
	[tilespmem:$0x1E000] =	vst v63  }
0xcf: {  	_ =	swait.ge [sflag:s29], $0x2000  }
0xd0: {  	[sflag:s29] =	ssyncset.done $0x0  }
0xd1: {  	[sflag:s29] =	ssyncadd.s32 $0xFFFFE000  }
0xd2: {  	_ =	swait.ge [sflag:s10], $0x2000  }
0xd3: {  	[sflag:s10] =	ssyncset.done $0x0  }
0xd4: {  	[sflag:s10] =	ssyncadd.s32 $0xFFFFE000  }
0xd5: {  	[spmem:s2] =	stream.indirect.scatter.add.f32 [tilespmem:s4], [sflag:$0x5], $0x80, s15, s31, $0xb8;
	[tilespmem:$0x1E000] =	vst v63  }
0xd6: {  	_ =	swait.ge [sflag:s29], $0x2000  }
0xd7: {  	[sflag:s29] =	ssyncset.done $0x0  }
0xd8: {  	[sflag:s29] =	ssyncadd.s32 $0xFFFFE000  }
0xd9: {  	_ =	swait.ge [sflag:s11], $0x2000  }
0xda: {  	[sflag:s11] =	ssyncset.done $0x0  }
0xdb: {  	[sflag:s11] =	ssyncadd.s32 $0xFFFFE000  }
0xdc: {  	[spmem:s2] =	stream.indirect.scatter.add.f32 [tilespmem:s7], [sflag:$0x5], $0x80, s16, s31, $0xb8;
	[tilespmem:$0x1E000] =	vst v63  }
0xdd: {  	_ =	swait.ge [sflag:s29], $0x2000  }
0xde: {  	[sflag:s29] =	ssyncset.done $0x0  }
0xdf: {  	[sflag:s29] =	ssyncadd.s32 $0xFFFFE000  }
0xe0: {  	_ =	swait.ge [sflag:s12], $0x2000  }
0xe1: {  	[sflag:s12] =	ssyncset.done $0x0  }
0xe2: {  	[sflag:s12] =	ssyncadd.s32 $0xFFFFE000  }
0xe3: {  	[spmem:s2] =	stream.indirect.scatter.add.f32 [tilespmem:s8], [sflag:$0x5], $0x80, s17, s31, $0xb8;
	[tilespmem:$0x1E000] =	vst v63  }
0xe4: {  	_ =	swait.ge [sflag:s29], $0x2000  }
0xe5: {  	[sflag:s29] =	ssyncset.done $0x0  }
0xe6: {  	s20 =	simm.s32 $0x0;
	s21 =	rddreg [dreg:$0x6];
	[sflag:s29] =	ssyncadd.s32 $0xFFFFE000  }
0xe7: {  	[tilespmem:s20], [sflag:$0x5] =	stream.linear.gather [hbm4b:s21+s20], $0x1000, $0x38;
	[tilespmem:$0x1E000] =	vst v63  }
0xe8: {  	_ =	swait.ge [sflag:s29], $0x1000  }
0xe9: {  	[sflag:s29] =	ssyncset.done $0x0  }
0xea: {  	s22 =	rddreg [dreg:$0x7];
	[sflag:s29] =	ssyncadd.s32 $0xFFFFF000  }
0xeb: {  	[tilespmem:s30], [sflag:$0x5] =	stream.linear.gather [hbm4b:s22+s20], $0x1000, $0x38;
	[tilespmem:$0x1E000] =	vst v63  }
0xec: {  	_ =	swait.ge [sflag:s29], $0x1000  }
0xed: {  	[sflag:s29] =	ssyncset.done $0x0  }
0xee: {  	[sflag:s29] =	ssyncadd.s32 $0xFFFFF000  }
0xef: {  	[tilespmem:s28], [sflag:$0x1] =	stream.indirect.gather [hbm4b:s1+s31], $0x80, s20, s31, $0xb8;
	[tilespmem:$0x1E000] =	vst v63  }
0xf0: {  	_ = 	snop  }
0xf1: {  	[tilespmem:s4], [sflag:$0x2] =	stream.indirect.gather [hbm4b:s1+s31], $0x80, s0, s31, $0xb8;
	[tilespmem:$0x1E000] =	vst v63  }
0xf2: {  	_ = 	snop  }
0xf3: {  	[tilespmem:s7], [sflag:$0x3] =	stream.indirect.gather [hbm4b:s1+s31], $0x80, s6, s31, $0xb8;
	[tilespmem:$0x1E000] =	vst v63  }
0xf4: {  	s19 =	simm.s32 $0x180  }
0xf5: {  	[tilespmem:s8], [sflag:$0x4] =	stream.indirect.gather [hbm4b:s1+s31], $0x80, s19, s31, $0xb8;
	[tilespmem:$0x1E000] =	vst v63  }
0xf6: {  	_ =	swait.ge [sflag:s9], $0x2000  }
0xf7: {  	[sflag:s9] =	ssyncset.done $0x0  }
0xf8: {  	s20 =	simm.s32 $0x1000;
	[sflag:s9] =	ssyncadd.s32 $0xFFFFE000  }
0xf9: {  	[spmem:s2] =	stream.indirect.scatter.add.f32 [tilespmem:s28], [sflag:$0x5], $0x80, s20, s31, $0xb8;
	[tilespmem:$0x1E000] =	vst v63  }
0xfa: {  	_ =	swait.ge [sflag:s29], $0x2000  }
0xfb: {  	[sflag:s29] =	ssyncset.done $0x0  }
0xfc: {  	s21 =	simm.s32 $0x200;
	[sflag:s29] =	ssyncadd.s32 $0xFFFFE000  }
0xfd: {  	[tilespmem:s28], [sflag:$0x1] =	stream.indirect.gather [hbm4b:s1+s31], $0x80, s21, s31, $0xb8;
	[tilespmem:$0x1E000] =	vst v63  }
0xfe: {  	_ =	swait.ge [sflag:s10], $0x2000  }
0xff: {  	[sflag:s10] =	ssyncset.done $0x0  }
0x100: {  	s22 =	simm.s32 $0x1080;
	[sflag:s10] =	ssyncadd.s32 $0xFFFFE000  }
0x101: {  	[spmem:s2] =	stream.indirect.scatter.add.f32 [tilespmem:s4], [sflag:$0x5], $0x80, s22, s31, $0xb8;
	[tilespmem:$0x1E000] =	vst v63  }
0x102: {  	_ =	swait.ge [sflag:s29], $0x2000  }
0x103: {  	[sflag:s29] =	ssyncset.done $0x0  }
0x104: {  	s19 =	simm.s32 $0x280;
	[sflag:s29] =	ssyncadd.s32 $0xFFFFE000  }
0x105: {  	[tilespmem:s4], [sflag:$0x2] =	stream.indirect.gather [hbm4b:s1+s31], $0x80, s19, s31, $0xb8;
	[tilespmem:$0x1E000] =	vst v63  }
0x106: {  	_ =	swait.ge [sflag:s11], $0x2000  }
0x107: {  	[sflag:s11] =	ssyncset.done $0x0  }
0x108: {  	s20 =	simm.s32 $0x1100;
	[sflag:s11] =	ssyncadd.s32 $0xFFFFE000  }
0x109: {  	[spmem:s2] =	stream.indirect.scatter.add.f32 [tilespmem:s7], [sflag:$0x5], $0x80, s20, s31, $0xb8;
	[tilespmem:$0x1E000] =	vst v63  }
0x10a: {  	_ =	swait.ge [sflag:s29], $0x2000  }
0x10b: {  	[sflag:s29] =	ssyncset.done $0x0  }
0x10c: {  	s21 =	simm.s32 $0x300;
	[sflag:s29] =	ssyncadd.s32 $0xFFFFE000  }
0x10d: {  	[tilespmem:s7], [sflag:$0x3] =	stream.indirect.gather [hbm4b:s1+s31], $0x80, s21, s31, $0xb8;
	[tilespmem:$0x1E000] =	vst v63  }
0x10e: {  	_ =	swait.ge [sflag:s12], $0x2000  }
0x10f: {  	[sflag:s12] =	ssyncset.done $0x0  }
0x110: {  	s22 =	simm.s32 $0x1180;
	[sflag:s12] =	ssyncadd.s32 $0xFFFFE000  }
0x111: {  	[spmem:s2] =	stream.indirect.scatter.add.f32 [tilespmem:s8], [sflag:$0x5], $0x80, s22, s31, $0xb8;
	[tilespmem:$0x1E000] =	vst v63  }
0x112: {  	_ =	swait.ge [sflag:s29], $0x2000  }
0x113: {  	s18 =	simm.s32 $0x200;
	s21 =	simm.s32 $0x1000;
	[sflag:s29] =	ssyncset.done $0x0  }
.LBB2_6:
0x114: {  	s22 =	sadd.s32 $0x180, s18  }
0x115: {  	[sflag:s29] =	ssyncadd.s32 $0xFFFFE000;
	s20 =	smov.u32 s21;
	s19 =	sadd.s32 $0x800, s21  }
0x116: {  	[tilespmem:s8], [sflag:$0x4] =	stream.indirect.gather [hbm4b:s1+s31], $0x80, s22, s31, $0xb8;
	[tilespmem:$0x1E000] =	vst v63  }
0x117: {  	p0 =	sne.s32 s21, $0x3000;
	_ =	swait.ge [sflag:s9], $0x2000  }
0x118: {  	[sflag:s9] =	ssyncset.done $0x0  }
0x119: {  	s21 =	sadd.s32 $0x1000, s18;
	[sflag:s9] =	ssyncadd.s32 $0xFFFFE000  }
0x11a: {  	[spmem:s2] =	stream.indirect.scatter.add.f32 [tilespmem:s28], [sflag:$0x5], $0x80, s21, s31, $0xb8;
	[tilespmem:$0x1E000] =	vst v63  }
0x11b: {  	_ =	swait.ge [sflag:s29], $0x2000  }
0x11c: {  	[sflag:s29] =	ssyncset.done $0x0  }
0x11d: {  	s21 =	sadd.s32 $0x200, s18;
	[sflag:s29] =	ssyncadd.s32 $0xFFFFE000  }
0x11e: {  	[tilespmem:s28], [sflag:$0x1] =	stream.indirect.gather [hbm4b:s1+s31], $0x80, s21, s31, $0xb8;
	[tilespmem:$0x1E000] =	vst v63  }
0x11f: {  	_ =	swait.ge [sflag:s10], $0x2000  }
0x120: {  	[sflag:s10] =	ssyncset.done $0x0  }
0x121: {  	s21 =	sadd.s32 $0x1080, s18;
	[sflag:s10] =	ssyncadd.s32 $0xFFFFE000  }
0x122: {  	[spmem:s2] =	stream.indirect.scatter.add.f32 [tilespmem:s4], [sflag:$0x5], $0x80, s21, s31, $0xb8;
	[tilespmem:$0x1E000] =	vst v63  }
0x123: {  	_ =	swait.ge [sflag:s29], $0x2000  }
0x124: {  	[sflag:s29] =	ssyncset.done $0x0  }
0x125: {  	s21 =	sadd.s32 $0x280, s18;
	[sflag:s29] =	ssyncadd.s32 $0xFFFFE000  }
0x126: {  	[tilespmem:s4], [sflag:$0x2] =	stream.indirect.gather [hbm4b:s1+s31], $0x80, s21, s31, $0xb8;
	[tilespmem:$0x1E000] =	vst v63  }
0x127: {  	_ =	swait.ge [sflag:s11], $0x2000  }
0x128: {  	[sflag:s11] =	ssyncset.done $0x0  }
0x129: {  	s21 =	sadd.s32 $0x1100, s18;
	[sflag:s11] =	ssyncadd.s32 $0xFFFFE000  }
0x12a: {  	[spmem:s2] =	stream.indirect.scatter.add.f32 [tilespmem:s7], [sflag:$0x5], $0x80, s21, s31, $0xb8;
	[tilespmem:$0x1E000] =	vst v63  }
0x12b: {  	_ =	swait.ge [sflag:s29], $0x2000  }
0x12c: {  	[sflag:s29] =	ssyncset.done $0x0  }
0x12d: {  	s21 =	sadd.s32 $0x300, s18;
	[sflag:s29] =	ssyncadd.s32 $0xFFFFE000  }
0x12e: {  	[tilespmem:s7], [sflag:$0x3] =	stream.indirect.gather [hbm4b:s1+s31], $0x80, s21, s31, $0xb8;
	[tilespmem:$0x1E000] =	vst v63  }
0x12f: {  	_ =	swait.ge [sflag:s12], $0x2000  }
.Ltmp2:
0x130: {  	[sflag:s12] =	ssyncset.done $0x0;
	(pc) =	sbr.rel @p0 .LBB2_6-.Ltmp2, $4  }
0x131: {  	s18 =	sadd.s32 $0x1180, s18;
	[sflag:s12] =	ssyncadd.s32 $0xFFFFE000  }
0x132: {  	[spmem:s2] =	stream.indirect.scatter.add.f32 [tilespmem:s8], [sflag:$0x5], $0x80, s18, s31, $0xb8;
	[tilespmem:$0x1E000] =	vst v63  }
0x133: {  	_ =	swait.ge [sflag:s29], $0x2000  }
0x134: {  	s21 =	smov.u32 s19;
	s18 =	sshra.s32 s20, $0x2;
	[sflag:s29] =	ssyncset.done $0x0  }
0x135: {  	s19 =	sadd.s32 $0x180, s18;
	[sflag:s29] =	ssyncadd.s32 $0xFFFFE000  }
0x136: {  	[tilespmem:s8], [sflag:$0x4] =	stream.indirect.gather [hbm4b:s1+s31], $0x80, s19, s31, $0xb8;
	[tilespmem:$0x1E000] =	vst v63  }
0x137: {  	_ =	swait.ge [sflag:s9], $0x2000  }
0x138: {  	[sflag:s9] =	ssyncset.done $0x0  }
0x139: {  	s20 =	sadd.s32 $0x1000, s18;
	[sflag:s9] =	ssyncadd.s32 $0xFFFFE000  }
0x13a: {  	[spmem:s2] =	stream.indirect.scatter.add.f32 [tilespmem:s28], [sflag:$0x5], $0x80, s20, s31, $0xb8;
	[tilespmem:$0x1E000] =	vst v63  }
0x13b: {  	_ =	swait.ge [sflag:s29], $0x2000  }
0x13c: {  	[sflag:s29] =	ssyncset.done $0x0  }
0x13d: {  	s21 =	sadd.s32 $0x200, s18;
	[sflag:s29] =	ssyncadd.s32 $0xFFFFE000  }
0x13e: {  	[tilespmem:s28], [sflag:$0x1] =	stream.indirect.gather [hbm4b:s1+s31], $0x80, s21, s31, $0xb8;
	[tilespmem:$0x1E000] =	vst v63  }
0x13f: {  	_ =	swait.ge [sflag:s10], $0x2000  }
0x140: {  	[sflag:s10] =	ssyncset.done $0x0  }
0x141: {  	s22 =	sadd.s32 $0x1080, s18;
	[sflag:s10] =	ssyncadd.s32 $0xFFFFE000  }
0x142: {  	[spmem:s2] =	stream.indirect.scatter.add.f32 [tilespmem:s4], [sflag:$0x5], $0x80, s22, s31, $0xb8;
	[tilespmem:$0x1E000] =	vst v63  }
0x143: {  	_ =	swait.ge [sflag:s29], $0x2000  }
0x144: {  	[sflag:s29] =	ssyncset.done $0x0  }
0x145: {  	s20 =	sadd.s32 $0x280, s18;
	[sflag:s29] =	ssyncadd.s32 $0xFFFFE000  }
0x146: {  	[tilespmem:s4], [sflag:$0x2] =	stream.indirect.gather [hbm4b:s1+s31], $0x80, s20, s31, $0xb8;
	[tilespmem:$0x1E000] =	vst v63  }
0x147: {  	_ =	swait.ge [sflag:s11], $0x2000  }
0x148: {  	[sflag:s11] =	ssyncset.done $0x0  }
0x149: {  	s21 =	sadd.s32 $0x1100, s18;
	[sflag:s11] =	ssyncadd.s32 $0xFFFFE000  }
0x14a: {  	[spmem:s2] =	stream.indirect.scatter.add.f32 [tilespmem:s7], [sflag:$0x5], $0x80, s21, s31, $0xb8;
	[tilespmem:$0x1E000] =	vst v63  }
0x14b: {  	_ =	swait.ge [sflag:s29], $0x2000  }
0x14c: {  	[sflag:s29] =	ssyncset.done $0x0  }
0x14d: {  	s22 =	sadd.s32 $0x300, s18;
	[sflag:s29] =	ssyncadd.s32 $0xFFFFE000  }
0x14e: {  	[tilespmem:s7], [sflag:$0x3] =	stream.indirect.gather [hbm4b:s1+s31], $0x80, s22, s31, $0xb8;
	[tilespmem:$0x1E000] =	vst v63  }
0x14f: {  	_ =	swait.ge [sflag:s12], $0x2000  }
0x150: {  	[sflag:s12] =	ssyncset.done $0x0  }
0x151: {  	s19 =	sadd.s32 $0x1180, s18;
	[sflag:s12] =	ssyncadd.s32 $0xFFFFE000  }
0x152: {  	[spmem:s2] =	stream.indirect.scatter.add.f32 [tilespmem:s8], [sflag:$0x5], $0x80, s19, s31, $0xb8;
	[tilespmem:$0x1E000] =	vst v63  }
0x153: {  	_ =	swait.ge [sflag:s29], $0x2000  }
0x154: {  	[sflag:s29] =	ssyncset.done $0x0  }
0x155: {  	[sflag:s29] =	ssyncadd.s32 $0xFFFFE000  }
0x156: {  	[tilespmem:s8], [sflag:$0x4] =	stream.indirect.gather [hbm4b:s1+s31], $0x80, s13, s31, $0xb8;
	[tilespmem:$0x1E000] =	vst v63  }
0x157: {  	_ =	swait.ge [sflag:s9], $0x2000  }
0x158: {  	[sflag:s9] =	ssyncset.done $0x0  }
0x159: {  	[sflag:s9] =	ssyncadd.s32 $0xFFFFE000  }
0x15a: {  	[spmem:s2] =	stream.indirect.scatter.add.f32 [tilespmem:s28], [sflag:$0x5], $0x80, s14, s31, $0xb8;
	[tilespmem:$0x1E000] =	vst v63  }
0x15b: {  	_ =	swait.ge [sflag:s29], $0x2000  }
0x15c: {  	[sflag:s29] =	ssyncset.done $0x0  }
0x15d: {  	[sflag:s29] =	ssyncadd.s32 $0xFFFFE000  }
0x15e: {  	_ =	swait.ge [sflag:s10], $0x2000  }
0x15f: {  	[sflag:s10] =	ssyncset.done $0x0  }
0x160: {  	[sflag:s10] =	ssyncadd.s32 $0xFFFFE000  }
0x161: {  	[spmem:s2] =	stream.indirect.scatter.add.f32 [tilespmem:s4], [sflag:$0x5], $0x80, s15, s31, $0xb8;
	[tilespmem:$0x1E000] =	vst v63  }
0x162: {  	_ =	swait.ge [sflag:s29], $0x2000  }
0x163: {  	[sflag:s29] =	ssyncset.done $0x0  }
0x164: {  	[sflag:s29] =	ssyncadd.s32 $0xFFFFE000  }
0x165: {  	_ =	swait.ge [sflag:s11], $0x2000  }
0x166: {  	[sflag:s11] =	ssyncset.done $0x0  }
0x167: {  	[sflag:s11] =	ssyncadd.s32 $0xFFFFE000  }
0x168: {  	[spmem:s2] =	stream.indirect.scatter.add.f32 [tilespmem:s7], [sflag:$0x5], $0x80, s16, s31, $0xb8;
	[tilespmem:$0x1E000] =	vst v63  }
0x169: {  	_ =	swait.ge [sflag:s29], $0x2000  }
0x16a: {  	[sflag:s29] =	ssyncset.done $0x0  }
0x16b: {  	[sflag:s29] =	ssyncadd.s32 $0xFFFFE000  }
0x16c: {  	_ =	swait.ge [sflag:s12], $0x2000  }
0x16d: {  	[sflag:s12] =	ssyncset.done $0x0  }
0x16e: {  	[sflag:s12] =	ssyncadd.s32 $0xFFFFE000  }
0x16f: {  	[spmem:s2] =	stream.indirect.scatter.add.f32 [tilespmem:s8], [sflag:$0x5], $0x80, s17, s31, $0xb8;
	[tilespmem:$0x1E000] =	vst v63  }
0x170: {  	_ =	swait.ge [sflag:s29], $0x2000  }
0x171: {  	[sflag:s29] =	ssyncset.done $0x0  }
0x172: {  	s20 =	simm.s32 $0x0;
	s21 =	rddreg [dreg:$0x8];
	[sflag:s29] =	ssyncadd.s32 $0xFFFFE000  }
0x173: {  	[tilespmem:s20], [sflag:$0x5] =	stream.linear.gather [hbm4b:s21+s20], $0x1000, $0x38;
	[tilespmem:$0x1E000] =	vst v63  }
0x174: {  	_ =	swait.ge [sflag:s29], $0x1000  }
0x175: {  	[sflag:s29] =	ssyncset.done $0x0  }
0x176: {  	s22 =	rddreg [dreg:$0x9];
	[sflag:s29] =	ssyncadd.s32 $0xFFFFF000  }
0x177: {  	[tilespmem:s30], [sflag:$0x5] =	stream.linear.gather [hbm4b:s22+s20], $0x1000, $0x38;
	[tilespmem:$0x1E000] =	vst v63  }
0x178: {  	_ =	swait.ge [sflag:s29], $0x1000  }
0x179: {  	[sflag:s29] =	ssyncset.done $0x0  }
0x17a: {  	[sflag:s29] =	ssyncadd.s32 $0xFFFFF000  }
0x17b: {  	[tilespmem:s28], [sflag:$0x1] =	stream.indirect.gather [hbm4b:s1+s31], $0x80, s20, s31, $0xb8;
	[tilespmem:$0x1E000] =	vst v63  }
0x17c: {  	_ = 	snop  }
0x17d: {  	[tilespmem:s4], [sflag:$0x2] =	stream.indirect.gather [hbm4b:s1+s31], $0x80, s0, s31, $0xb8;
	[tilespmem:$0x1E000] =	vst v63  }
0x17e: {  	_ = 	snop  }
0x17f: {  	[tilespmem:s7], [sflag:$0x3] =	stream.indirect.gather [hbm4b:s1+s31], $0x80, s6, s31, $0xb8;
	[tilespmem:$0x1E000] =	vst v63  }
0x180: {  	s19 =	simm.s32 $0x180  }
0x181: {  	[tilespmem:s8], [sflag:$0x4] =	stream.indirect.gather [hbm4b:s1+s31], $0x80, s19, s31, $0xb8;
	[tilespmem:$0x1E000] =	vst v63  }
0x182: {  	_ =	swait.ge [sflag:s9], $0x2000  }
0x183: {  	[sflag:s9] =	ssyncset.done $0x0  }
0x184: {  	s20 =	simm.s32 $0x1000;
	[sflag:s9] =	ssyncadd.s32 $0xFFFFE000  }
0x185: {  	[spmem:s2] =	stream.indirect.scatter.add.f32 [tilespmem:s28], [sflag:$0x5], $0x80, s20, s31, $0xb8;
	[tilespmem:$0x1E000] =	vst v63  }
0x186: {  	_ =	swait.ge [sflag:s29], $0x2000  }
0x187: {  	[sflag:s29] =	ssyncset.done $0x0  }
0x188: {  	s21 =	simm.s32 $0x200;
	[sflag:s29] =	ssyncadd.s32 $0xFFFFE000  }
0x189: {  	[tilespmem:s28], [sflag:$0x1] =	stream.indirect.gather [hbm4b:s1+s31], $0x80, s21, s31, $0xb8;
	[tilespmem:$0x1E000] =	vst v63  }
0x18a: {  	_ =	swait.ge [sflag:s10], $0x2000  }
0x18b: {  	[sflag:s10] =	ssyncset.done $0x0  }
0x18c: {  	s22 =	simm.s32 $0x1080;
	[sflag:s10] =	ssyncadd.s32 $0xFFFFE000  }
0x18d: {  	[spmem:s2] =	stream.indirect.scatter.add.f32 [tilespmem:s4], [sflag:$0x5], $0x80, s22, s31, $0xb8;
	[tilespmem:$0x1E000] =	vst v63  }
0x18e: {  	_ =	swait.ge [sflag:s29], $0x2000  }
0x18f: {  	[sflag:s29] =	ssyncset.done $0x0  }
0x190: {  	s19 =	simm.s32 $0x280;
	[sflag:s29] =	ssyncadd.s32 $0xFFFFE000  }
0x191: {  	[tilespmem:s4], [sflag:$0x2] =	stream.indirect.gather [hbm4b:s1+s31], $0x80, s19, s31, $0xb8;
	[tilespmem:$0x1E000] =	vst v63  }
0x192: {  	_ =	swait.ge [sflag:s11], $0x2000  }
0x193: {  	[sflag:s11] =	ssyncset.done $0x0  }
0x194: {  	s20 =	simm.s32 $0x1100;
	[sflag:s11] =	ssyncadd.s32 $0xFFFFE000  }
0x195: {  	[spmem:s2] =	stream.indirect.scatter.add.f32 [tilespmem:s7], [sflag:$0x5], $0x80, s20, s31, $0xb8;
	[tilespmem:$0x1E000] =	vst v63  }
0x196: {  	_ =	swait.ge [sflag:s29], $0x2000  }
0x197: {  	[sflag:s29] =	ssyncset.done $0x0  }
0x198: {  	s21 =	simm.s32 $0x300;
	[sflag:s29] =	ssyncadd.s32 $0xFFFFE000  }
0x199: {  	[tilespmem:s7], [sflag:$0x3] =	stream.indirect.gather [hbm4b:s1+s31], $0x80, s21, s31, $0xb8;
	[tilespmem:$0x1E000] =	vst v63  }
0x19a: {  	_ =	swait.ge [sflag:s12], $0x2000  }
0x19b: {  	[sflag:s12] =	ssyncset.done $0x0  }
0x19c: {  	s22 =	simm.s32 $0x1180;
	[sflag:s12] =	ssyncadd.s32 $0xFFFFE000  }
0x19d: {  	[spmem:s2] =	stream.indirect.scatter.add.f32 [tilespmem:s8], [sflag:$0x5], $0x80, s22, s31, $0xb8;
	[tilespmem:$0x1E000] =	vst v63  }
0x19e: {  	_ =	swait.ge [sflag:s29], $0x2000  }
0x19f: {  	s18 =	simm.s32 $0x200;
	s21 =	simm.s32 $0x1000;
	[sflag:s29] =	ssyncset.done $0x0  }
.LBB2_8:
0x1a0: {  	s22 =	sadd.s32 $0x180, s18  }
0x1a1: {  	[sflag:s29] =	ssyncadd.s32 $0xFFFFE000;
	s20 =	smov.u32 s21;
	s19 =	sadd.s32 $0x800, s21  }
0x1a2: {  	[tilespmem:s8], [sflag:$0x4] =	stream.indirect.gather [hbm4b:s1+s31], $0x80, s22, s31, $0xb8;
	[tilespmem:$0x1E000] =	vst v63  }
0x1a3: {  	p0 =	sne.s32 s21, $0x3000;
	_ =	swait.ge [sflag:s9], $0x2000  }
0x1a4: {  	[sflag:s9] =	ssyncset.done $0x0  }
0x1a5: {  	s21 =	sadd.s32 $0x1000, s18;
	[sflag:s9] =	ssyncadd.s32 $0xFFFFE000  }
0x1a6: {  	[spmem:s2] =	stream.indirect.scatter.add.f32 [tilespmem:s28], [sflag:$0x5], $0x80, s21, s31, $0xb8;
	[tilespmem:$0x1E000] =	vst v63  }
0x1a7: {  	_ =	swait.ge [sflag:s29], $0x2000  }
0x1a8: {  	[sflag:s29] =	ssyncset.done $0x0  }
0x1a9: {  	s21 =	sadd.s32 $0x200, s18;
	[sflag:s29] =	ssyncadd.s32 $0xFFFFE000  }
0x1aa: {  	[tilespmem:s28], [sflag:$0x1] =	stream.indirect.gather [hbm4b:s1+s31], $0x80, s21, s31, $0xb8;
	[tilespmem:$0x1E000] =	vst v63  }
0x1ab: {  	_ =	swait.ge [sflag:s10], $0x2000  }
0x1ac: {  	[sflag:s10] =	ssyncset.done $0x0  }
0x1ad: {  	s21 =	sadd.s32 $0x1080, s18;
	[sflag:s10] =	ssyncadd.s32 $0xFFFFE000  }
0x1ae: {  	[spmem:s2] =	stream.indirect.scatter.add.f32 [tilespmem:s4], [sflag:$0x5], $0x80, s21, s31, $0xb8;
	[tilespmem:$0x1E000] =	vst v63  }
0x1af: {  	_ =	swait.ge [sflag:s29], $0x2000  }
0x1b0: {  	[sflag:s29] =	ssyncset.done $0x0  }
0x1b1: {  	s21 =	sadd.s32 $0x280, s18;
	[sflag:s29] =	ssyncadd.s32 $0xFFFFE000  }
0x1b2: {  	[tilespmem:s4], [sflag:$0x2] =	stream.indirect.gather [hbm4b:s1+s31], $0x80, s21, s31, $0xb8;
	[tilespmem:$0x1E000] =	vst v63  }
0x1b3: {  	_ =	swait.ge [sflag:s11], $0x2000  }
0x1b4: {  	[sflag:s11] =	ssyncset.done $0x0  }
0x1b5: {  	s21 =	sadd.s32 $0x1100, s18;
	[sflag:s11] =	ssyncadd.s32 $0xFFFFE000  }
0x1b6: {  	[spmem:s2] =	stream.indirect.scatter.add.f32 [tilespmem:s7], [sflag:$0x5], $0x80, s21, s31, $0xb8;
	[tilespmem:$0x1E000] =	vst v63  }
0x1b7: {  	_ =	swait.ge [sflag:s29], $0x2000  }
0x1b8: {  	[sflag:s29] =	ssyncset.done $0x0  }
0x1b9: {  	s21 =	sadd.s32 $0x300, s18;
	[sflag:s29] =	ssyncadd.s32 $0xFFFFE000  }
0x1ba: {  	[tilespmem:s7], [sflag:$0x3] =	stream.indirect.gather [hbm4b:s1+s31], $0x80, s21, s31, $0xb8;
	[tilespmem:$0x1E000] =	vst v63  }
0x1bb: {  	_ =	swait.ge [sflag:s12], $0x2000  }
.Ltmp3:
0x1bc: {  	[sflag:s12] =	ssyncset.done $0x0;
	(pc) =	sbr.rel @p0 .LBB2_8-.Ltmp3, $4  }
0x1bd: {  	s18 =	sadd.s32 $0x1180, s18;
	[sflag:s12] =	ssyncadd.s32 $0xFFFFE000  }
0x1be: {  	[spmem:s2] =	stream.indirect.scatter.add.f32 [tilespmem:s8], [sflag:$0x5], $0x80, s18, s31, $0xb8;
	[tilespmem:$0x1E000] =	vst v63  }
0x1bf: {  	_ =	swait.ge [sflag:s29], $0x2000  }
0x1c0: {  	s21 =	smov.u32 s19;
	s18 =	sshra.s32 s20, $0x2;
	[sflag:s29] =	ssyncset.done $0x0  }
0x1c1: {  	s19 =	sadd.s32 $0x180, s18;
	[sflag:s29] =	ssyncadd.s32 $0xFFFFE000  }
0x1c2: {  	[tilespmem:s8], [sflag:$0x4] =	stream.indirect.gather [hbm4b:s1+s31], $0x80, s19, s31, $0xb8;
	[tilespmem:$0x1E000] =	vst v63  }
0x1c3: {  	_ =	swait.ge [sflag:s9], $0x2000  }
0x1c4: {  	[sflag:s9] =	ssyncset.done $0x0  }
0x1c5: {  	s20 =	sadd.s32 $0x1000, s18;
	[sflag:s9] =	ssyncadd.s32 $0xFFFFE000  }
0x1c6: {  	[spmem:s2] =	stream.indirect.scatter.add.f32 [tilespmem:s28], [sflag:$0x5], $0x80, s20, s31, $0xb8;
	[tilespmem:$0x1E000] =	vst v63  }
0x1c7: {  	_ =	swait.ge [sflag:s29], $0x2000  }
0x1c8: {  	[sflag:s29] =	ssyncset.done $0x0  }
0x1c9: {  	s21 =	sadd.s32 $0x200, s18;
	[sflag:s29] =	ssyncadd.s32 $0xFFFFE000  }
0x1ca: {  	[tilespmem:s28], [sflag:$0x1] =	stream.indirect.gather [hbm4b:s1+s31], $0x80, s21, s31, $0xb8;
	[tilespmem:$0x1E000] =	vst v63  }
0x1cb: {  	_ =	swait.ge [sflag:s10], $0x2000  }
0x1cc: {  	[sflag:s10] =	ssyncset.done $0x0  }
0x1cd: {  	s22 =	sadd.s32 $0x1080, s18;
	[sflag:s10] =	ssyncadd.s32 $0xFFFFE000  }
0x1ce: {  	[spmem:s2] =	stream.indirect.scatter.add.f32 [tilespmem:s4], [sflag:$0x5], $0x80, s22, s31, $0xb8;
	[tilespmem:$0x1E000] =	vst v63  }
0x1cf: {  	_ =	swait.ge [sflag:s29], $0x2000  }
0x1d0: {  	[sflag:s29] =	ssyncset.done $0x0  }
0x1d1: {  	s20 =	sadd.s32 $0x280, s18;
	[sflag:s29] =	ssyncadd.s32 $0xFFFFE000  }
0x1d2: {  	[tilespmem:s4], [sflag:$0x2] =	stream.indirect.gather [hbm4b:s1+s31], $0x80, s20, s31, $0xb8;
	[tilespmem:$0x1E000] =	vst v63  }
0x1d3: {  	_ =	swait.ge [sflag:s11], $0x2000  }
0x1d4: {  	[sflag:s11] =	ssyncset.done $0x0  }
0x1d5: {  	s21 =	sadd.s32 $0x1100, s18;
	[sflag:s11] =	ssyncadd.s32 $0xFFFFE000  }
0x1d6: {  	[spmem:s2] =	stream.indirect.scatter.add.f32 [tilespmem:s7], [sflag:$0x5], $0x80, s21, s31, $0xb8;
	[tilespmem:$0x1E000] =	vst v63  }
0x1d7: {  	_ =	swait.ge [sflag:s29], $0x2000  }
0x1d8: {  	[sflag:s29] =	ssyncset.done $0x0  }
0x1d9: {  	s22 =	sadd.s32 $0x300, s18;
	[sflag:s29] =	ssyncadd.s32 $0xFFFFE000  }
0x1da: {  	[tilespmem:s7], [sflag:$0x3] =	stream.indirect.gather [hbm4b:s1+s31], $0x80, s22, s31, $0xb8;
	[tilespmem:$0x1E000] =	vst v63  }
0x1db: {  	_ =	swait.ge [sflag:s12], $0x2000  }
0x1dc: {  	[sflag:s12] =	ssyncset.done $0x0  }
0x1dd: {  	s19 =	sadd.s32 $0x1180, s18;
	[sflag:s12] =	ssyncadd.s32 $0xFFFFE000  }
0x1de: {  	[spmem:s2] =	stream.indirect.scatter.add.f32 [tilespmem:s8], [sflag:$0x5], $0x80, s19, s31, $0xb8;
	[tilespmem:$0x1E000] =	vst v63  }
0x1df: {  	_ =	swait.ge [sflag:s29], $0x2000  }
0x1e0: {  	[sflag:s29] =	ssyncset.done $0x0  }
0x1e1: {  	[sflag:s29] =	ssyncadd.s32 $0xFFFFE000  }
0x1e2: {  	[tilespmem:s8], [sflag:$0x4] =	stream.indirect.gather [hbm4b:s1+s31], $0x80, s13, s31, $0xb8;
	[tilespmem:$0x1E000] =	vst v63  }
0x1e3: {  	_ =	swait.ge [sflag:s9], $0x2000  }
0x1e4: {  	[sflag:s9] =	ssyncset.done $0x0  }
0x1e5: {  	[sflag:s9] =	ssyncadd.s32 $0xFFFFE000  }
0x1e6: {  	[spmem:s2] =	stream.indirect.scatter.add.f32 [tilespmem:s28], [sflag:$0x5], $0x80, s14, s31, $0xb8;
	[tilespmem:$0x1E000] =	vst v63  }
0x1e7: {  	_ =	swait.ge [sflag:s29], $0x2000  }
0x1e8: {  	[sflag:s29] =	ssyncset.done $0x0  }
0x1e9: {  	[sflag:s29] =	ssyncadd.s32 $0xFFFFE000  }
0x1ea: {  	_ =	swait.ge [sflag:s10], $0x2000  }
0x1eb: {  	[sflag:s10] =	ssyncset.done $0x0  }
0x1ec: {  	[sflag:s10] =	ssyncadd.s32 $0xFFFFE000  }
0x1ed: {  	[spmem:s2] =	stream.indirect.scatter.add.f32 [tilespmem:s4], [sflag:$0x5], $0x80, s15, s31, $0xb8;
	[tilespmem:$0x1E000] =	vst v63  }
0x1ee: {  	_ =	swait.ge [sflag:s29], $0x2000  }
0x1ef: {  	[sflag:s29] =	ssyncset.done $0x0  }
0x1f0: {  	[sflag:s29] =	ssyncadd.s32 $0xFFFFE000  }
0x1f1: {  	_ =	swait.ge [sflag:s11], $0x2000  }
0x1f2: {  	[sflag:s11] =	ssyncset.done $0x0  }
0x1f3: {  	[sflag:s11] =	ssyncadd.s32 $0xFFFFE000  }
0x1f4: {  	[spmem:s2] =	stream.indirect.scatter.add.f32 [tilespmem:s7], [sflag:$0x5], $0x80, s16, s31, $0xb8;
	[tilespmem:$0x1E000] =	vst v63  }
0x1f5: {  	_ =	swait.ge [sflag:s29], $0x2000  }
0x1f6: {  	[sflag:s29] =	ssyncset.done $0x0  }
0x1f7: {  	[sflag:s29] =	ssyncadd.s32 $0xFFFFE000  }
0x1f8: {  	_ =	swait.ge [sflag:s12], $0x2000  }
0x1f9: {  	[sflag:s12] =	ssyncset.done $0x0  }
0x1fa: {  	[sflag:s12] =	ssyncadd.s32 $0xFFFFE000  }
0x1fb: {  	[spmem:s2] =	stream.indirect.scatter.add.f32 [tilespmem:s8], [sflag:$0x5], $0x80, s17, s31, $0xb8;
	[tilespmem:$0x1E000] =	vst v63  }
0x1fc: {  	_ =	swait.ge [sflag:s29], $0x2000  }
0x1fd: {  	[sflag:s29] =	ssyncset.done $0x0  }
0x1fe: {  	s20 =	simm.s32 $0x0;
	s21 =	rddreg [dreg:$0xa];
	[sflag:s29] =	ssyncadd.s32 $0xFFFFE000  }
0x1ff: {  	[tilespmem:s20], [sflag:$0x5] =	stream.linear.gather [hbm4b:s21+s20], $0x1000, $0x38;
	[tilespmem:$0x1E000] =	vst v63  }
0x200: {  	_ =	swait.ge [sflag:s29], $0x1000  }
0x201: {  	[sflag:s29] =	ssyncset.done $0x0  }
0x202: {  	s22 =	rddreg [dreg:$0xb];
	[sflag:s29] =	ssyncadd.s32 $0xFFFFF000  }
0x203: {  	[tilespmem:s30], [sflag:$0x5] =	stream.linear.gather [hbm4b:s22+s20], $0x1000, $0x38;
	[tilespmem:$0x1E000] =	vst v63  }
0x204: {  	_ =	swait.ge [sflag:s29], $0x1000  }
0x205: {  	[sflag:s29] =	ssyncset.done $0x0  }
0x206: {  	[sflag:s29] =	ssyncadd.s32 $0xFFFFF000  }
0x207: {  	[tilespmem:s28], [sflag:$0x1] =	stream.indirect.gather [hbm4b:s1+s31], $0x80, s20, s31, $0xb8;
	[tilespmem:$0x1E000] =	vst v63  }
0x208: {  	_ = 	snop  }
0x209: {  	[tilespmem:s4], [sflag:$0x2] =	stream.indirect.gather [hbm4b:s1+s31], $0x80, s0, s31, $0xb8;
	[tilespmem:$0x1E000] =	vst v63  }
0x20a: {  	_ = 	snop  }
0x20b: {  	[tilespmem:s7], [sflag:$0x3] =	stream.indirect.gather [hbm4b:s1+s31], $0x80, s6, s31, $0xb8;
	[tilespmem:$0x1E000] =	vst v63  }
0x20c: {  	s19 =	simm.s32 $0x180  }
0x20d: {  	[tilespmem:s8], [sflag:$0x4] =	stream.indirect.gather [hbm4b:s1+s31], $0x80, s19, s31, $0xb8;
	[tilespmem:$0x1E000] =	vst v63  }
0x20e: {  	_ =	swait.ge [sflag:s9], $0x2000  }
0x20f: {  	[sflag:s9] =	ssyncset.done $0x0  }
0x210: {  	s20 =	simm.s32 $0x1000;
	[sflag:s9] =	ssyncadd.s32 $0xFFFFE000  }
0x211: {  	[spmem:s2] =	stream.indirect.scatter.add.f32 [tilespmem:s28], [sflag:$0x5], $0x80, s20, s31, $0xb8;
	[tilespmem:$0x1E000] =	vst v63  }
0x212: {  	_ =	swait.ge [sflag:s29], $0x2000  }
0x213: {  	[sflag:s29] =	ssyncset.done $0x0  }
0x214: {  	s21 =	simm.s32 $0x200;
	[sflag:s29] =	ssyncadd.s32 $0xFFFFE000  }
0x215: {  	[tilespmem:s28], [sflag:$0x1] =	stream.indirect.gather [hbm4b:s1+s31], $0x80, s21, s31, $0xb8;
	[tilespmem:$0x1E000] =	vst v63  }
0x216: {  	_ =	swait.ge [sflag:s10], $0x2000  }
0x217: {  	[sflag:s10] =	ssyncset.done $0x0  }
0x218: {  	s22 =	simm.s32 $0x1080;
	[sflag:s10] =	ssyncadd.s32 $0xFFFFE000  }
0x219: {  	[spmem:s2] =	stream.indirect.scatter.add.f32 [tilespmem:s4], [sflag:$0x5], $0x80, s22, s31, $0xb8;
	[tilespmem:$0x1E000] =	vst v63  }
0x21a: {  	_ =	swait.ge [sflag:s29], $0x2000  }
0x21b: {  	[sflag:s29] =	ssyncset.done $0x0  }
0x21c: {  	s19 =	simm.s32 $0x280;
	[sflag:s29] =	ssyncadd.s32 $0xFFFFE000  }
0x21d: {  	[tilespmem:s4], [sflag:$0x2] =	stream.indirect.gather [hbm4b:s1+s31], $0x80, s19, s31, $0xb8;
	[tilespmem:$0x1E000] =	vst v63  }
0x21e: {  	_ =	swait.ge [sflag:s11], $0x2000  }
0x21f: {  	[sflag:s11] =	ssyncset.done $0x0  }
0x220: {  	s20 =	simm.s32 $0x1100;
	[sflag:s11] =	ssyncadd.s32 $0xFFFFE000  }
0x221: {  	[spmem:s2] =	stream.indirect.scatter.add.f32 [tilespmem:s7], [sflag:$0x5], $0x80, s20, s31, $0xb8;
	[tilespmem:$0x1E000] =	vst v63  }
0x222: {  	_ =	swait.ge [sflag:s29], $0x2000  }
0x223: {  	[sflag:s29] =	ssyncset.done $0x0  }
0x224: {  	s21 =	simm.s32 $0x300;
	[sflag:s29] =	ssyncadd.s32 $0xFFFFE000  }
0x225: {  	[tilespmem:s7], [sflag:$0x3] =	stream.indirect.gather [hbm4b:s1+s31], $0x80, s21, s31, $0xb8;
	[tilespmem:$0x1E000] =	vst v63  }
0x226: {  	_ =	swait.ge [sflag:s12], $0x2000  }
0x227: {  	[sflag:s12] =	ssyncset.done $0x0  }
0x228: {  	s22 =	simm.s32 $0x1180;
	[sflag:s12] =	ssyncadd.s32 $0xFFFFE000  }
0x229: {  	[spmem:s2] =	stream.indirect.scatter.add.f32 [tilespmem:s8], [sflag:$0x5], $0x80, s22, s31, $0xb8;
	[tilespmem:$0x1E000] =	vst v63  }
0x22a: {  	_ =	swait.ge [sflag:s29], $0x2000  }
0x22b: {  	s18 =	simm.s32 $0x200;
	s21 =	simm.s32 $0x1000;
	[sflag:s29] =	ssyncset.done $0x0  }
.LBB2_10:
0x22c: {  	s22 =	sadd.s32 $0x180, s18  }
0x22d: {  	[sflag:s29] =	ssyncadd.s32 $0xFFFFE000;
	s20 =	smov.u32 s21;
	s19 =	sadd.s32 $0x800, s21  }
0x22e: {  	[tilespmem:s8], [sflag:$0x4] =	stream.indirect.gather [hbm4b:s1+s31], $0x80, s22, s31, $0xb8;
	[tilespmem:$0x1E000] =	vst v63  }
0x22f: {  	p0 =	sne.s32 s21, $0x3000;
	_ =	swait.ge [sflag:s9], $0x2000  }
0x230: {  	[sflag:s9] =	ssyncset.done $0x0  }
0x231: {  	s21 =	sadd.s32 $0x1000, s18;
	[sflag:s9] =	ssyncadd.s32 $0xFFFFE000  }
0x232: {  	[spmem:s2] =	stream.indirect.scatter.add.f32 [tilespmem:s28], [sflag:$0x5], $0x80, s21, s31, $0xb8;
	[tilespmem:$0x1E000] =	vst v63  }
0x233: {  	_ =	swait.ge [sflag:s29], $0x2000  }
0x234: {  	[sflag:s29] =	ssyncset.done $0x0  }
0x235: {  	s21 =	sadd.s32 $0x200, s18;
	[sflag:s29] =	ssyncadd.s32 $0xFFFFE000  }
0x236: {  	[tilespmem:s28], [sflag:$0x1] =	stream.indirect.gather [hbm4b:s1+s31], $0x80, s21, s31, $0xb8;
	[tilespmem:$0x1E000] =	vst v63  }
0x237: {  	_ =	swait.ge [sflag:s10], $0x2000  }
0x238: {  	[sflag:s10] =	ssyncset.done $0x0  }
0x239: {  	s21 =	sadd.s32 $0x1080, s18;
	[sflag:s10] =	ssyncadd.s32 $0xFFFFE000  }
0x23a: {  	[spmem:s2] =	stream.indirect.scatter.add.f32 [tilespmem:s4], [sflag:$0x5], $0x80, s21, s31, $0xb8;
	[tilespmem:$0x1E000] =	vst v63  }
0x23b: {  	_ =	swait.ge [sflag:s29], $0x2000  }
0x23c: {  	[sflag:s29] =	ssyncset.done $0x0  }
0x23d: {  	s21 =	sadd.s32 $0x280, s18;
	[sflag:s29] =	ssyncadd.s32 $0xFFFFE000  }
0x23e: {  	[tilespmem:s4], [sflag:$0x2] =	stream.indirect.gather [hbm4b:s1+s31], $0x80, s21, s31, $0xb8;
	[tilespmem:$0x1E000] =	vst v63  }
0x23f: {  	_ =	swait.ge [sflag:s11], $0x2000  }
0x240: {  	[sflag:s11] =	ssyncset.done $0x0  }
0x241: {  	s21 =	sadd.s32 $0x1100, s18;
	[sflag:s11] =	ssyncadd.s32 $0xFFFFE000  }
0x242: {  	[spmem:s2] =	stream.indirect.scatter.add.f32 [tilespmem:s7], [sflag:$0x5], $0x80, s21, s31, $0xb8;
	[tilespmem:$0x1E000] =	vst v63  }
0x243: {  	_ =	swait.ge [sflag:s29], $0x2000  }
0x244: {  	[sflag:s29] =	ssyncset.done $0x0  }
0x245: {  	s21 =	sadd.s32 $0x300, s18;
	[sflag:s29] =	ssyncadd.s32 $0xFFFFE000  }
0x246: {  	[tilespmem:s7], [sflag:$0x3] =	stream.indirect.gather [hbm4b:s1+s31], $0x80, s21, s31, $0xb8;
	[tilespmem:$0x1E000] =	vst v63  }
0x247: {  	_ =	swait.ge [sflag:s12], $0x2000  }
.Ltmp4:
0x248: {  	[sflag:s12] =	ssyncset.done $0x0;
	(pc) =	sbr.rel @p0 .LBB2_10-.Ltmp4, $4  }
0x249: {  	s18 =	sadd.s32 $0x1180, s18;
	[sflag:s12] =	ssyncadd.s32 $0xFFFFE000  }
0x24a: {  	[spmem:s2] =	stream.indirect.scatter.add.f32 [tilespmem:s8], [sflag:$0x5], $0x80, s18, s31, $0xb8;
	[tilespmem:$0x1E000] =	vst v63  }
0x24b: {  	_ =	swait.ge [sflag:s29], $0x2000  }
0x24c: {  	s21 =	smov.u32 s19;
	s18 =	sshra.s32 s20, $0x2;
	[sflag:s29] =	ssyncset.done $0x0  }
0x24d: {  	s19 =	sadd.s32 $0x180, s18;
	[sflag:s29] =	ssyncadd.s32 $0xFFFFE000  }
0x24e: {  	[tilespmem:s8], [sflag:$0x4] =	stream.indirect.gather [hbm4b:s1+s31], $0x80, s19, s31, $0xb8;
	[tilespmem:$0x1E000] =	vst v63  }
0x24f: {  	_ =	swait.ge [sflag:s9], $0x2000  }
0x250: {  	[sflag:s9] =	ssyncset.done $0x0  }
0x251: {  	s20 =	sadd.s32 $0x1000, s18;
	[sflag:s9] =	ssyncadd.s32 $0xFFFFE000  }
0x252: {  	[spmem:s2] =	stream.indirect.scatter.add.f32 [tilespmem:s28], [sflag:$0x5], $0x80, s20, s31, $0xb8;
	[tilespmem:$0x1E000] =	vst v63  }
0x253: {  	_ =	swait.ge [sflag:s29], $0x2000  }
0x254: {  	[sflag:s29] =	ssyncset.done $0x0  }
0x255: {  	s21 =	sadd.s32 $0x200, s18;
	[sflag:s29] =	ssyncadd.s32 $0xFFFFE000  }
0x256: {  	[tilespmem:s28], [sflag:$0x1] =	stream.indirect.gather [hbm4b:s1+s31], $0x80, s21, s31, $0xb8;
	[tilespmem:$0x1E000] =	vst v63  }
0x257: {  	_ =	swait.ge [sflag:s10], $0x2000  }
0x258: {  	[sflag:s10] =	ssyncset.done $0x0  }
0x259: {  	s22 =	sadd.s32 $0x1080, s18;
	[sflag:s10] =	ssyncadd.s32 $0xFFFFE000  }
0x25a: {  	[spmem:s2] =	stream.indirect.scatter.add.f32 [tilespmem:s4], [sflag:$0x5], $0x80, s22, s31, $0xb8;
	[tilespmem:$0x1E000] =	vst v63  }
0x25b: {  	_ =	swait.ge [sflag:s29], $0x2000  }
0x25c: {  	[sflag:s29] =	ssyncset.done $0x0  }
0x25d: {  	s20 =	sadd.s32 $0x280, s18;
	[sflag:s29] =	ssyncadd.s32 $0xFFFFE000  }
0x25e: {  	[tilespmem:s4], [sflag:$0x2] =	stream.indirect.gather [hbm4b:s1+s31], $0x80, s20, s31, $0xb8;
	[tilespmem:$0x1E000] =	vst v63  }
0x25f: {  	_ =	swait.ge [sflag:s11], $0x2000  }
0x260: {  	[sflag:s11] =	ssyncset.done $0x0  }
0x261: {  	s21 =	sadd.s32 $0x1100, s18;
	[sflag:s11] =	ssyncadd.s32 $0xFFFFE000  }
0x262: {  	[spmem:s2] =	stream.indirect.scatter.add.f32 [tilespmem:s7], [sflag:$0x5], $0x80, s21, s31, $0xb8;
	[tilespmem:$0x1E000] =	vst v63  }
0x263: {  	_ =	swait.ge [sflag:s29], $0x2000  }
0x264: {  	[sflag:s29] =	ssyncset.done $0x0  }
0x265: {  	s22 =	sadd.s32 $0x300, s18;
	[sflag:s29] =	ssyncadd.s32 $0xFFFFE000  }
0x266: {  	[tilespmem:s7], [sflag:$0x3] =	stream.indirect.gather [hbm4b:s1+s31], $0x80, s22, s31, $0xb8;
	[tilespmem:$0x1E000] =	vst v63  }
0x267: {  	_ =	swait.ge [sflag:s12], $0x2000  }
0x268: {  	[sflag:s12] =	ssyncset.done $0x0  }
0x269: {  	s19 =	sadd.s32 $0x1180, s18;
	[sflag:s12] =	ssyncadd.s32 $0xFFFFE000  }
0x26a: {  	[spmem:s2] =	stream.indirect.scatter.add.f32 [tilespmem:s8], [sflag:$0x5], $0x80, s19, s31, $0xb8;
	[tilespmem:$0x1E000] =	vst v63  }
0x26b: {  	_ =	swait.ge [sflag:s29], $0x2000  }
0x26c: {  	[sflag:s29] =	ssyncset.done $0x0  }
0x26d: {  	[sflag:s29] =	ssyncadd.s32 $0xFFFFE000  }
0x26e: {  	[tilespmem:s8], [sflag:$0x4] =	stream.indirect.gather [hbm4b:s1+s31], $0x80, s13, s31, $0xb8;
	[tilespmem:$0x1E000] =	vst v63  }
0x26f: {  	_ =	swait.ge [sflag:s9], $0x2000  }
0x270: {  	[sflag:s9] =	ssyncset.done $0x0  }
0x271: {  	[sflag:s9] =	ssyncadd.s32 $0xFFFFE000  }
0x272: {  	[spmem:s2] =	stream.indirect.scatter.add.f32 [tilespmem:s28], [sflag:$0x5], $0x80, s14, s31, $0xb8;
	[tilespmem:$0x1E000] =	vst v63  }
0x273: {  	_ =	swait.ge [sflag:s29], $0x2000  }
0x274: {  	[sflag:s29] =	ssyncset.done $0x0  }
0x275: {  	[sflag:s29] =	ssyncadd.s32 $0xFFFFE000  }
0x276: {  	_ =	swait.ge [sflag:s10], $0x2000  }
0x277: {  	[sflag:s10] =	ssyncset.done $0x0  }
0x278: {  	[sflag:s10] =	ssyncadd.s32 $0xFFFFE000  }
0x279: {  	[spmem:s2] =	stream.indirect.scatter.add.f32 [tilespmem:s4], [sflag:$0x5], $0x80, s15, s31, $0xb8;
	[tilespmem:$0x1E000] =	vst v63  }
0x27a: {  	_ =	swait.ge [sflag:s29], $0x2000  }
0x27b: {  	[sflag:s29] =	ssyncset.done $0x0  }
0x27c: {  	[sflag:s29] =	ssyncadd.s32 $0xFFFFE000  }
0x27d: {  	_ =	swait.ge [sflag:s11], $0x2000  }
0x27e: {  	[sflag:s11] =	ssyncset.done $0x0  }
0x27f: {  	[sflag:s11] =	ssyncadd.s32 $0xFFFFE000  }
0x280: {  	[spmem:s2] =	stream.indirect.scatter.add.f32 [tilespmem:s7], [sflag:$0x5], $0x80, s16, s31, $0xb8;
	[tilespmem:$0x1E000] =	vst v63  }
0x281: {  	_ =	swait.ge [sflag:s29], $0x2000  }
0x282: {  	[sflag:s29] =	ssyncset.done $0x0  }
0x283: {  	[sflag:s29] =	ssyncadd.s32 $0xFFFFE000  }
0x284: {  	_ =	swait.ge [sflag:s12], $0x2000  }
0x285: {  	[sflag:s12] =	ssyncset.done $0x0  }
0x286: {  	[sflag:s12] =	ssyncadd.s32 $0xFFFFE000  }
0x287: {  	[spmem:s2] =	stream.indirect.scatter.add.f32 [tilespmem:s8], [sflag:$0x5], $0x80, s17, s31, $0xb8;
	[tilespmem:$0x1E000] =	vst v63  }
0x288: {  	_ =	swait.ge [sflag:s29], $0x2000  }
0x289: {  	[sflag:s29] =	ssyncset.done $0x0  }
0x28a: {  	s20 =	simm.s32 $0x0;
	s21 =	rddreg [dreg:$0xc];
	[sflag:s29] =	ssyncadd.s32 $0xFFFFE000  }
0x28b: {  	[tilespmem:s20], [sflag:$0x5] =	stream.linear.gather [hbm4b:s21+s20], $0x1000, $0x38;
	[tilespmem:$0x1E000] =	vst v63  }
0x28c: {  	_ =	swait.ge [sflag:s29], $0x1000  }
0x28d: {  	[sflag:s29] =	ssyncset.done $0x0  }
0x28e: {  	s22 =	rddreg [dreg:$0xd];
	[sflag:s29] =	ssyncadd.s32 $0xFFFFF000  }
0x28f: {  	[tilespmem:s30], [sflag:$0x5] =	stream.linear.gather [hbm4b:s22+s20], $0x1000, $0x38;
	[tilespmem:$0x1E000] =	vst v63  }
0x290: {  	_ =	swait.ge [sflag:s29], $0x1000  }
0x291: {  	[sflag:s29] =	ssyncset.done $0x0  }
0x292: {  	[sflag:s29] =	ssyncadd.s32 $0xFFFFF000  }
0x293: {  	[tilespmem:s28], [sflag:$0x1] =	stream.indirect.gather [hbm4b:s1+s31], $0x80, s20, s31, $0xb8;
	[tilespmem:$0x1E000] =	vst v63  }
0x294: {  	_ = 	snop  }
0x295: {  	[tilespmem:s4], [sflag:$0x2] =	stream.indirect.gather [hbm4b:s1+s31], $0x80, s0, s31, $0xb8;
	[tilespmem:$0x1E000] =	vst v63  }
0x296: {  	_ = 	snop  }
0x297: {  	[tilespmem:s7], [sflag:$0x3] =	stream.indirect.gather [hbm4b:s1+s31], $0x80, s6, s31, $0xb8;
	[tilespmem:$0x1E000] =	vst v63  }
0x298: {  	s19 =	simm.s32 $0x180  }
0x299: {  	[tilespmem:s8], [sflag:$0x4] =	stream.indirect.gather [hbm4b:s1+s31], $0x80, s19, s31, $0xb8;
	[tilespmem:$0x1E000] =	vst v63  }
0x29a: {  	_ =	swait.ge [sflag:s9], $0x2000  }
0x29b: {  	[sflag:s9] =	ssyncset.done $0x0  }
0x29c: {  	s20 =	simm.s32 $0x1000;
	[sflag:s9] =	ssyncadd.s32 $0xFFFFE000  }
0x29d: {  	[spmem:s2] =	stream.indirect.scatter.add.f32 [tilespmem:s28], [sflag:$0x5], $0x80, s20, s31, $0xb8;
	[tilespmem:$0x1E000] =	vst v63  }
0x29e: {  	_ =	swait.ge [sflag:s29], $0x2000  }
0x29f: {  	[sflag:s29] =	ssyncset.done $0x0  }
0x2a0: {  	s21 =	simm.s32 $0x200;
	[sflag:s29] =	ssyncadd.s32 $0xFFFFE000  }
0x2a1: {  	[tilespmem:s28], [sflag:$0x1] =	stream.indirect.gather [hbm4b:s1+s31], $0x80, s21, s31, $0xb8;
	[tilespmem:$0x1E000] =	vst v63  }
0x2a2: {  	_ =	swait.ge [sflag:s10], $0x2000  }
0x2a3: {  	[sflag:s10] =	ssyncset.done $0x0  }
0x2a4: {  	s22 =	simm.s32 $0x1080;
	[sflag:s10] =	ssyncadd.s32 $0xFFFFE000  }
0x2a5: {  	[spmem:s2] =	stream.indirect.scatter.add.f32 [tilespmem:s4], [sflag:$0x5], $0x80, s22, s31, $0xb8;
	[tilespmem:$0x1E000] =	vst v63  }
0x2a6: {  	_ =	swait.ge [sflag:s29], $0x2000  }
0x2a7: {  	[sflag:s29] =	ssyncset.done $0x0  }
0x2a8: {  	s19 =	simm.s32 $0x280;
	[sflag:s29] =	ssyncadd.s32 $0xFFFFE000  }
0x2a9: {  	[tilespmem:s4], [sflag:$0x2] =	stream.indirect.gather [hbm4b:s1+s31], $0x80, s19, s31, $0xb8;
	[tilespmem:$0x1E000] =	vst v63  }
0x2aa: {  	_ =	swait.ge [sflag:s11], $0x2000  }
0x2ab: {  	[sflag:s11] =	ssyncset.done $0x0  }
0x2ac: {  	s20 =	simm.s32 $0x1100;
	[sflag:s11] =	ssyncadd.s32 $0xFFFFE000  }
0x2ad: {  	[spmem:s2] =	stream.indirect.scatter.add.f32 [tilespmem:s7], [sflag:$0x5], $0x80, s20, s31, $0xb8;
	[tilespmem:$0x1E000] =	vst v63  }
0x2ae: {  	_ =	swait.ge [sflag:s29], $0x2000  }
0x2af: {  	[sflag:s29] =	ssyncset.done $0x0  }
0x2b0: {  	s21 =	simm.s32 $0x300;
	[sflag:s29] =	ssyncadd.s32 $0xFFFFE000  }
0x2b1: {  	[tilespmem:s7], [sflag:$0x3] =	stream.indirect.gather [hbm4b:s1+s31], $0x80, s21, s31, $0xb8;
	[tilespmem:$0x1E000] =	vst v63  }
0x2b2: {  	_ =	swait.ge [sflag:s12], $0x2000  }
0x2b3: {  	[sflag:s12] =	ssyncset.done $0x0  }
0x2b4: {  	s22 =	simm.s32 $0x1180;
	[sflag:s12] =	ssyncadd.s32 $0xFFFFE000  }
0x2b5: {  	[spmem:s2] =	stream.indirect.scatter.add.f32 [tilespmem:s8], [sflag:$0x5], $0x80, s22, s31, $0xb8;
	[tilespmem:$0x1E000] =	vst v63  }
0x2b6: {  	_ =	swait.ge [sflag:s29], $0x2000  }
0x2b7: {  	s18 =	simm.s32 $0x200;
	s21 =	simm.s32 $0x1000;
	[sflag:s29] =	ssyncset.done $0x0  }
.LBB2_12:
0x2b8: {  	s22 =	sadd.s32 $0x180, s18  }
0x2b9: {  	[sflag:s29] =	ssyncadd.s32 $0xFFFFE000;
	s20 =	smov.u32 s21;
	s19 =	sadd.s32 $0x800, s21  }
0x2ba: {  	[tilespmem:s8], [sflag:$0x4] =	stream.indirect.gather [hbm4b:s1+s31], $0x80, s22, s31, $0xb8;
	[tilespmem:$0x1E000] =	vst v63  }
0x2bb: {  	p0 =	sne.s32 s21, $0x3000;
	_ =	swait.ge [sflag:s9], $0x2000  }
0x2bc: {  	[sflag:s9] =	ssyncset.done $0x0  }
0x2bd: {  	s21 =	sadd.s32 $0x1000, s18;
	[sflag:s9] =	ssyncadd.s32 $0xFFFFE000  }
0x2be: {  	[spmem:s2] =	stream.indirect.scatter.add.f32 [tilespmem:s28], [sflag:$0x5], $0x80, s21, s31, $0xb8;
	[tilespmem:$0x1E000] =	vst v63  }
0x2bf: {  	_ =	swait.ge [sflag:s29], $0x2000  }
0x2c0: {  	[sflag:s29] =	ssyncset.done $0x0  }
0x2c1: {  	s21 =	sadd.s32 $0x200, s18;
	[sflag:s29] =	ssyncadd.s32 $0xFFFFE000  }
0x2c2: {  	[tilespmem:s28], [sflag:$0x1] =	stream.indirect.gather [hbm4b:s1+s31], $0x80, s21, s31, $0xb8;
	[tilespmem:$0x1E000] =	vst v63  }
0x2c3: {  	_ =	swait.ge [sflag:s10], $0x2000  }
0x2c4: {  	[sflag:s10] =	ssyncset.done $0x0  }
0x2c5: {  	s21 =	sadd.s32 $0x1080, s18;
	[sflag:s10] =	ssyncadd.s32 $0xFFFFE000  }
0x2c6: {  	[spmem:s2] =	stream.indirect.scatter.add.f32 [tilespmem:s4], [sflag:$0x5], $0x80, s21, s31, $0xb8;
	[tilespmem:$0x1E000] =	vst v63  }
0x2c7: {  	_ =	swait.ge [sflag:s29], $0x2000  }
0x2c8: {  	[sflag:s29] =	ssyncset.done $0x0  }
0x2c9: {  	s21 =	sadd.s32 $0x280, s18;
	[sflag:s29] =	ssyncadd.s32 $0xFFFFE000  }
0x2ca: {  	[tilespmem:s4], [sflag:$0x2] =	stream.indirect.gather [hbm4b:s1+s31], $0x80, s21, s31, $0xb8;
	[tilespmem:$0x1E000] =	vst v63  }
0x2cb: {  	_ =	swait.ge [sflag:s11], $0x2000  }
0x2cc: {  	[sflag:s11] =	ssyncset.done $0x0  }
0x2cd: {  	s21 =	sadd.s32 $0x1100, s18;
	[sflag:s11] =	ssyncadd.s32 $0xFFFFE000  }
0x2ce: {  	[spmem:s2] =	stream.indirect.scatter.add.f32 [tilespmem:s7], [sflag:$0x5], $0x80, s21, s31, $0xb8;
	[tilespmem:$0x1E000] =	vst v63  }
0x2cf: {  	_ =	swait.ge [sflag:s29], $0x2000  }
0x2d0: {  	[sflag:s29] =	ssyncset.done $0x0  }
0x2d1: {  	s21 =	sadd.s32 $0x300, s18;
	[sflag:s29] =	ssyncadd.s32 $0xFFFFE000  }
0x2d2: {  	[tilespmem:s7], [sflag:$0x3] =	stream.indirect.gather [hbm4b:s1+s31], $0x80, s21, s31, $0xb8;
	[tilespmem:$0x1E000] =	vst v63  }
0x2d3: {  	_ =	swait.ge [sflag:s12], $0x2000  }
.Ltmp5:
0x2d4: {  	[sflag:s12] =	ssyncset.done $0x0;
	(pc) =	sbr.rel @p0 .LBB2_12-.Ltmp5, $4  }
0x2d5: {  	s18 =	sadd.s32 $0x1180, s18;
	[sflag:s12] =	ssyncadd.s32 $0xFFFFE000  }
0x2d6: {  	[spmem:s2] =	stream.indirect.scatter.add.f32 [tilespmem:s8], [sflag:$0x5], $0x80, s18, s31, $0xb8;
	[tilespmem:$0x1E000] =	vst v63  }
0x2d7: {  	_ =	swait.ge [sflag:s29], $0x2000  }
0x2d8: {  	s21 =	smov.u32 s19;
	s18 =	sshra.s32 s20, $0x2;
	[sflag:s29] =	ssyncset.done $0x0  }
0x2d9: {  	s19 =	sadd.s32 $0x180, s18;
	[sflag:s29] =	ssyncadd.s32 $0xFFFFE000  }
0x2da: {  	[tilespmem:s8], [sflag:$0x4] =	stream.indirect.gather [hbm4b:s1+s31], $0x80, s19, s31, $0xb8;
	[tilespmem:$0x1E000] =	vst v63  }
0x2db: {  	_ =	swait.ge [sflag:s9], $0x2000  }
0x2dc: {  	[sflag:s9] =	ssyncset.done $0x0  }
0x2dd: {  	s20 =	sadd.s32 $0x1000, s18;
	[sflag:s9] =	ssyncadd.s32 $0xFFFFE000  }
0x2de: {  	[spmem:s2] =	stream.indirect.scatter.add.f32 [tilespmem:s28], [sflag:$0x5], $0x80, s20, s31, $0xb8;
	[tilespmem:$0x1E000] =	vst v63  }
0x2df: {  	_ =	swait.ge [sflag:s29], $0x2000  }
0x2e0: {  	[sflag:s29] =	ssyncset.done $0x0  }
0x2e1: {  	s21 =	sadd.s32 $0x200, s18;
	[sflag:s29] =	ssyncadd.s32 $0xFFFFE000  }
0x2e2: {  	[tilespmem:s28], [sflag:$0x1] =	stream.indirect.gather [hbm4b:s1+s31], $0x80, s21, s31, $0xb8;
	[tilespmem:$0x1E000] =	vst v63  }
0x2e3: {  	_ =	swait.ge [sflag:s10], $0x2000  }
0x2e4: {  	[sflag:s10] =	ssyncset.done $0x0  }
0x2e5: {  	s22 =	sadd.s32 $0x1080, s18;
	[sflag:s10] =	ssyncadd.s32 $0xFFFFE000  }
0x2e6: {  	[spmem:s2] =	stream.indirect.scatter.add.f32 [tilespmem:s4], [sflag:$0x5], $0x80, s22, s31, $0xb8;
	[tilespmem:$0x1E000] =	vst v63  }
0x2e7: {  	_ =	swait.ge [sflag:s29], $0x2000  }
0x2e8: {  	[sflag:s29] =	ssyncset.done $0x0  }
0x2e9: {  	s20 =	sadd.s32 $0x280, s18;
	[sflag:s29] =	ssyncadd.s32 $0xFFFFE000  }
0x2ea: {  	[tilespmem:s4], [sflag:$0x2] =	stream.indirect.gather [hbm4b:s1+s31], $0x80, s20, s31, $0xb8;
	[tilespmem:$0x1E000] =	vst v63  }
0x2eb: {  	_ =	swait.ge [sflag:s11], $0x2000  }
0x2ec: {  	[sflag:s11] =	ssyncset.done $0x0  }
0x2ed: {  	s21 =	sadd.s32 $0x1100, s18;
	[sflag:s11] =	ssyncadd.s32 $0xFFFFE000  }
0x2ee: {  	[spmem:s2] =	stream.indirect.scatter.add.f32 [tilespmem:s7], [sflag:$0x5], $0x80, s21, s31, $0xb8;
	[tilespmem:$0x1E000] =	vst v63  }
0x2ef: {  	_ =	swait.ge [sflag:s29], $0x2000  }
0x2f0: {  	[sflag:s29] =	ssyncset.done $0x0  }
0x2f1: {  	s22 =	sadd.s32 $0x300, s18;
	[sflag:s29] =	ssyncadd.s32 $0xFFFFE000  }
0x2f2: {  	[tilespmem:s7], [sflag:$0x3] =	stream.indirect.gather [hbm4b:s1+s31], $0x80, s22, s31, $0xb8;
	[tilespmem:$0x1E000] =	vst v63  }
0x2f3: {  	_ =	swait.ge [sflag:s12], $0x2000  }
0x2f4: {  	[sflag:s12] =	ssyncset.done $0x0  }
0x2f5: {  	s19 =	sadd.s32 $0x1180, s18;
	[sflag:s12] =	ssyncadd.s32 $0xFFFFE000  }
0x2f6: {  	[spmem:s2] =	stream.indirect.scatter.add.f32 [tilespmem:s8], [sflag:$0x5], $0x80, s19, s31, $0xb8;
	[tilespmem:$0x1E000] =	vst v63  }
0x2f7: {  	_ =	swait.ge [sflag:s29], $0x2000  }
0x2f8: {  	[sflag:s29] =	ssyncset.done $0x0  }
0x2f9: {  	[sflag:s29] =	ssyncadd.s32 $0xFFFFE000  }
0x2fa: {  	[tilespmem:s8], [sflag:$0x4] =	stream.indirect.gather [hbm4b:s1+s31], $0x80, s13, s31, $0xb8;
	[tilespmem:$0x1E000] =	vst v63  }
0x2fb: {  	_ =	swait.ge [sflag:s9], $0x2000  }
0x2fc: {  	[sflag:s9] =	ssyncset.done $0x0  }
0x2fd: {  	[sflag:s9] =	ssyncadd.s32 $0xFFFFE000  }
0x2fe: {  	[spmem:s2] =	stream.indirect.scatter.add.f32 [tilespmem:s28], [sflag:$0x5], $0x80, s14, s31, $0xb8;
	[tilespmem:$0x1E000] =	vst v63  }
0x2ff: {  	_ =	swait.ge [sflag:s29], $0x2000  }
0x300: {  	[sflag:s29] =	ssyncset.done $0x0  }
0x301: {  	[sflag:s29] =	ssyncadd.s32 $0xFFFFE000  }
0x302: {  	_ =	swait.ge [sflag:s10], $0x2000  }
0x303: {  	[sflag:s10] =	ssyncset.done $0x0  }
0x304: {  	[sflag:s10] =	ssyncadd.s32 $0xFFFFE000  }
0x305: {  	[spmem:s2] =	stream.indirect.scatter.add.f32 [tilespmem:s4], [sflag:$0x5], $0x80, s15, s31, $0xb8;
	[tilespmem:$0x1E000] =	vst v63  }
0x306: {  	_ =	swait.ge [sflag:s29], $0x2000  }
0x307: {  	[sflag:s29] =	ssyncset.done $0x0  }
0x308: {  	[sflag:s29] =	ssyncadd.s32 $0xFFFFE000  }
0x309: {  	_ =	swait.ge [sflag:s11], $0x2000  }
0x30a: {  	[sflag:s11] =	ssyncset.done $0x0  }
0x30b: {  	[sflag:s11] =	ssyncadd.s32 $0xFFFFE000  }
0x30c: {  	[spmem:s2] =	stream.indirect.scatter.add.f32 [tilespmem:s7], [sflag:$0x5], $0x80, s16, s31, $0xb8;
	[tilespmem:$0x1E000] =	vst v63  }
0x30d: {  	_ =	swait.ge [sflag:s29], $0x2000  }
0x30e: {  	[sflag:s29] =	ssyncset.done $0x0  }
0x30f: {  	[sflag:s29] =	ssyncadd.s32 $0xFFFFE000  }
0x310: {  	_ =	swait.ge [sflag:s12], $0x2000  }
0x311: {  	[sflag:s12] =	ssyncset.done $0x0  }
0x312: {  	[sflag:s12] =	ssyncadd.s32 $0xFFFFE000  }
0x313: {  	[spmem:s2] =	stream.indirect.scatter.add.f32 [tilespmem:s8], [sflag:$0x5], $0x80, s17, s31, $0xb8;
	[tilespmem:$0x1E000] =	vst v63  }
0x314: {  	_ =	swait.ge [sflag:s29], $0x2000  }
0x315: {  	[sflag:s29] =	ssyncset.done $0x0  }
0x316: {  	s20 =	stileid.u32;
	[sflag:s29] =	ssyncadd.s32 $0xFFFFE000  }
0x317: {  	s18 =	sshll.u32 s20, $0x6;
	[bflag:$0x0] =	sbarrier.arrive $0xFFFF  }
0x318: {  	s18 =	sor.u32 $0x1C05, s18;
	s21 =	sshrl.u32 s5, $0x3;
	s20 =	rddreg [dreg:$0xe]  }
0x319: {  	[hbm:s20], [sflag:s18] =	dma.local [spmem:s21], $0x2800  }
0x31a: {  	_ =	swait.ge [sflag:s29], $0x2800  }
0x31b: {  	s3 =	sadd.s32 $0x1, s3;
	s22 =	rddreg [dreg:$0xf]  }
0x31c: {  	p0 =	sne.s32 s3, s22  }
.Ltmp6:
0x31d: {  	_ = 	snop;
	(pc) =	sbr.rel @p0 .LBB2_1-.Ltmp6, $3  }
0x31e: {  	_ =	sdelay $0x1  }
0x31f: {  	[sflag:s29] =	ssyncset.done $0x0  }
0x320: {  	[sflag:s29] =	ssyncadd.s32 $0xFFFFD800  }
0x321: {  	_ =	sfence.sel $0x180000  }
0x322: {  	[bflag:$0x0] =	sbarrier.arrive $0xFFFF  }
0x323: {  	_ =	strace $0x9000004D  }
0x324: {  	s0 =	stileid.u32;
	[bflag:$0x2] =	sbarrier.arrive $0xFFFF  }
0x325: {  	p0 =	sne.s32 s0, $0x0;
	s0 =	rddreg [dreg:$0x3]  }
0x326: {  	s0 =	sadd.s32 @!p0 $0x100000, s0  }
0x327: {  	[sflag:s0] =	ssyncadd.tile.s32 @!p0 $0x1;
	_ =	shalt  }
.Lfunc_end2:
_tile_overlayer_lowered:
.L_overlay_start_2:
0x328: {  	(tag) =	ssettag $0x2  }
0x329: {  	s0 =	rddreg [dreg:$0x0];
	s2 =	stileid.u32  }
0x32a: {  	s1 =	rddreg [dreg:$0x1];
	p0 =	sne.s32 s2, $0x0  }
0x32b: {  	s3 =	rddreg [dreg:$0x2];
	[bflag:$0x3] =	sbarrier.arrive $0xFFFF;
	s2 =	simm.s32 @!p0 $0x1C05  }
0x32c: {  	[timem:s3], [sflag:s2] =	dma.local @!p0 [hbm:s0], s1  }
0x32d: {  	s0 =	simm.s32 @!p0 $0x5  }
0x32e: {  	_ =	swait.ge @!p0 [sflag:s0], s1  }
0x32f: {  	s1 =	ssub.s32 @!p0 $0x0, s1;
	[sflag:s0] =	ssyncset.done @!p0 $0x0  }
0x330: {  	[sflag:s0] =	ssyncadd.s32 @!p0 s1  }
0x331: {  	[bflag:$0x3] =	sbarrier.arrive $0xFFFF  }
0x332: {  	_ =	shalt  }

// kernel: kernel.8.cloned.1.call-start
scs
__scs_entry_jumppad:
0x0: {  	(pc) =	sbr.rel $0x88, $3  }
0x1: {  	(tag) =	ssettag $0x0;
	lr =	simm.s32 $0x1  }
0x2: {  	[smem:$0x3F9D] =	sst lr;
	_ =	strace $0xD0000000  }
0x3: {  	_ = 	snop  }
0x4: {  	_ = 	snop  }
0x5: {  	_ = 	snop  }
0x6: {  	_ = 	snop  }
0x7: {  	_ = 	snop  }
__scs_overlays_trampoline_lowered:
0x8: {  	[smem:$0x3FAC] =	sst s0  }
0x9: {  	[smem:$0x3FAD] =	sst s1  }
0xa: {  	[smem:$0x3FAE] =	sst s2  }
0xb: {  	[smem:$0x3FAF] =	sst s3  }
0xc: {  	[smem:$0x3FB0] =	sst s4  }
0xd: {  	[smem:$0x3FB1] =	sst s5  }
0xe: {  	[smem:$0x3FB2] =	sst s6  }
0xf: {  	[smem:$0x3FB3] =	sst s7  }
0x10: {  	[smem:$0x3FB4] =	sst s8  }
0x11: {  	[smem:$0x3FB5] =	sst s9;
	s0 =	simm.s32 @!p0 $0x0  }
0x12: {  	s1 =	sld [smem:$0x3F9B];
	s0 =	simm.s32 @p0 $0x1  }
0x13: {  	[smem:$0x3FB6] =	sst s0;
	s0 =	simm.s32 @!p1 $0x0  }
0x14: {  	s2 =	sld [smem:$0x3F9A];
	s0 =	simm.s32 @p1 $0x1  }
0x15: {  	[smem:$0x3FB7] =	sst s0;
	s0 =	simm.s32 @!p2 $0x0  }
0x16: {  	s3 =	sld [smem:$0x3FDB];
	s0 =	simm.s32 @p2 $0x1  }
0x17: {  	s4 =	simm.s32 $0x1BF5;
	[smem:$0x3FB9] =	sst s0  }
0x18: {  	s0 =	sld [smem:$0x3F9C];
	_ =	swait.ge [sflag:s4], $0x0  }
0x19: {  	s7 =	sld [smem:$0x3F9D]  }
0x1a: {  	s8 =	sadd.s32 $0xFFFFE003, lr  }
0x1b: {  	s9 =	sadd.s32 $0xFFFFFEF7, lr;
	s5 =	simm.s32 $0xFFFFFFFF;
	p2 =	slt.u32 s8, $0xFFFFF086  }
0x1c: {  	p1 =	slt.u32 s9, $0xF7A;
	s5 =	simm.s32 @!p2 $0x0  }
0x1d: {  	s5 =	simm.s32 @p1 $0x1;
	p0 =	seq.s32 s7, s2  }
0x1e: {  	s7 =	smul.u32 @!p0 $0xF7A, s2;
	p2 =	seq.s32 @!p0 s5, $0x0  }
0x1f: {  	s9 =	smul.u32 $0xF7A, s1;
	s8 =	simm.s32 @!p0 $0x1BF5;
	p2 =	por !p2, p0  }
0x20: {  	[sflag:s8] =	ssyncset.s32 @!p0 $0xFFFFF086;
	s6 =	sadd.s32 @!p0 s3, s7;
	s7 =	simm.s32 @!p0 $0x108  }
0x21: {  	s3 =	sadd.s32 s3, s9;
	s6 =	sadd.s32 @!p0 $0x88, s6;
	s7 =	simm.s32 @p2 $0x1082  }
0x22: {  	[simem:s7], [sflag:s8] =	dma.local @!p0 [hbm:s6], $0xF7A  }
0x23: {  	s9 =	sor.u32 $0xD0000000, s2;
	s6 =	simm.s32 $0x108;
	_ =	swait.ge @!p0 [sflag:s8], $0x0  }
0x24: {  	s3 =	sadd.s32 $0x88, s3;
	s6 =	simm.s32 @!p1 $0x1082;
	[sflag:s4] =	ssyncset.s32 $0xFFFFF086  }
0x25: {  	[simem:s6], [sflag:s4] =	dma.local [hbm:s3], $0xF7A  }
0x26: {  	[smem:$0x3F9D] =	sst s1;
	(tag) =	ssettag s2;
	_ =	strace s9  }
0x27: {  	s1 =	sld [smem:$0x3FAD]  }
0x28: {  	s2 =	sld [smem:$0x3FAE]  }
0x29: {  	s4 =	sld [smem:$0x3FB0]  }
0x2a: {  	p0 =	seq.s32 s5, $0x0;
	s5 =	sld [smem:$0x3FB1]  }
0x2b: {  	s6 =	sld [smem:$0x3FB2]  }
0x2c: {  	s7 =	sld [smem:$0x3FB3]  }
0x2d: {  	s3 =	simm.s32 $0x108;
	s8 =	sld [smem:$0x3FB4]  }
0x2e: {  	s3 =	simm.s32 @!p0 $0x1082;
	s9 =	sld [smem:$0x3FB5]  }
0x2f: {  	lr =	sadd.s32 s0, s3;
	s0 =	sld [smem:$0x3FAC]  }
0x30: {  	s3 =	sld [smem:$0x3FAF]  }
0x31: {  	[smem:$0x3FB8] =	sst s10  }
0x32: {  	s10 =	sld [smem:$0x3FB6];
	_ =	sdelay $0x3  }
0x33: {  	p0 =	seq.s32 s10, $0x1;
	s10 =	sld [smem:$0x3FB8];
	_ =	sdelay $0x3  }
0x34: {  	[smem:$0x3FB8] =	sst s10  }
0x35: {  	s10 =	sld [smem:$0x3FB7];
	_ =	sdelay $0x3  }
0x36: {  	p1 =	seq.s32 s10, $0x1;
	s10 =	sld [smem:$0x3FB8];
	_ =	sdelay $0x3  }
0x37: {  	[smem:$0x3FB8] =	sst s10  }
0x38: {  	s10 =	sld [smem:$0x3FB9]  }
0x39: {  	_ = 	snop;
	(pc) =	sbr.ind lr, $3  }
0x3a: {  	_ = 	snop  }
0x3b: {  	_ = 	snop  }
0x3c: {  	p2 =	seq.s32 s10, $0x1;
	s10 =	sld [smem:$0x3FB8]  }
0x3d: {  	_ =	shalt  }
0x3e: {  	_ =	shalt  }
0x3f: {  	_ =	shalt  }
0x40: {  	_ =	shalt  }
0x41: {  	_ =	shalt  }
0x42: {  	_ =	shalt  }
0x43: {  	_ =	shalt  }
0x44: {  	_ =	shalt  }
0x45: {  	_ =	shalt  }
0x46: {  	_ =	shalt  }
0x47: {  	_ =	shalt  }
0x48: {  	_ =	shalt  }
0x49: {  	_ =	shalt  }
0x4a: {  	_ =	shalt  }
0x4b: {  	_ =	shalt  }
0x4c: {  	_ =	shalt  }
0x4d: {  	_ =	shalt  }
0x4e: {  	_ =	shalt  }
0x4f: {  	_ =	shalt  }
0x50: {  	_ =	shalt  }
0x51: {  	_ =	shalt  }
0x52: {  	_ =	shalt  }
0x53: {  	_ =	shalt  }
0x54: {  	_ =	shalt  }
0x55: {  	_ =	shalt  }
0x56: {  	_ =	shalt  }
0x57: {  	_ =	shalt  }
0x58: {  	_ =	shalt  }
0x59: {  	_ =	shalt  }
0x5a: {  	_ =	shalt  }
0x5b: {  	_ =	shalt  }
0x5c: {  	_ =	shalt  }
0x5d: {  	_ =	shalt  }
0x5e: {  	_ =	shalt  }
0x5f: {  	_ =	shalt  }
0x60: {  	_ =	shalt  }
0x61: {  	_ =	shalt  }
0x62: {  	_ =	shalt  }
0x63: {  	_ =	shalt  }
0x64: {  	_ =	shalt  }
0x65: {  	_ =	shalt  }
0x66: {  	_ =	shalt  }
0x67: {  	_ =	shalt  }
0x68: {  	_ =	shalt  }
0x69: {  	_ =	shalt  }
0x6a: {  	_ =	shalt  }
0x6b: {  	_ =	shalt  }
0x6c: {  	_ =	shalt  }
0x6d: {  	_ =	shalt  }
0x6e: {  	_ =	shalt  }
0x6f: {  	_ =	shalt  }
0x70: {  	_ =	shalt  }
0x71: {  	_ =	shalt  }
0x72: {  	_ =	shalt  }
0x73: {  	_ =	shalt  }
0x74: {  	_ =	shalt  }
0x75: {  	_ =	shalt  }
0x76: {  	_ =	shalt  }
0x77: {  	_ =	shalt  }
0x78: {  	_ =	shalt  }
0x79: {  	_ =	shalt  }
0x7a: {  	_ =	shalt  }
0x7b: {  	_ =	shalt  }
0x7c: {  	_ =	shalt  }
0x7d: {  	_ =	shalt  }
0x7e: {  	_ =	shalt  }
0x7f: {  	_ =	shalt  }
0x80: {  	_ =	shalt  }
0x81: {  	_ =	shalt  }
0x82: {  	_ =	shalt  }
0x83: {  	_ =	shalt  }
0x84: {  	_ =	shalt  }
0x85: {  	_ =	shalt  }
0x86: {  	_ =	shalt  }
0x87: {  	_ =	shalt  }
.Lfunc_end0:
.L_simem_size_0:
called_computation_lowered:
.L_overlay_start_0:
0x88: {  	s2 =	sld [smem:$0x3FD9]  }
0x89: {  	s3 =	sld [smem:$0x3FFE];
	_ =	sdelay $0x1  }
0x8a: {  	s1 =	srdreg.scid  }
0x8b: {  	s0 =	sand.u32 $0x1, s1  }
0x8c: {  	s17 =	sshll.u32 s0, $0xA;
	s2 =	sadd.s32 s3, s2  }
0x8d: {  	s2 =	sadd.s32 s2, s17  }
0x8e: {  	[smem:$0x3FC4] =	sst s2  }
0x8f: {  	_ = 	snop  }
0x90: {  	s2 =	sld [smem:$0x3FD0];
	(tm) =	ssettm $0x1  }
0x91: {  	s18 =	sld [smem:$0x3FFB];
	_ =	sdelay $0x3  }
0x92: {  	_ =	strace s18  }
0x93: {  	s3 =	sld [smem:$0x3FFC];
	_ =	sdelay $0x3  }
0x94: {  	_ =	strace s3  }
0x95: {  	s3 =	sld [smem:$0x3FFD];
	_ =	sdelay $0x3  }
0x96: {  	_ =	strace s3  }
0x97: {  	_ =	strace $0x8FFFFFFF  }
0x98: {  	s19 =	sld [smem:$0x3FDB];
	_ =	sdelay $0x1  }
0x99: {  	s4 =	simm.s32 $_scs_section_size  }
0x9a: {  	s5 =	simm.s32 $_size__tile_overlayer_lowered;
	s6 =	simm.s32 $_tile_overlayer_lowered  }
0x9b: {  	s22 =	simm.s32 $0x1BFF;
	s21 =	sshll.u32 s6, $0x1;
	s3 =	sadd.s32 s4, s19  }
0x9c: {  	s7 =	simm.s32 $0x0;
	s20 =	sshll.u32 s5, $0x1;
	s5 =	sadd.s32 s21, s3  }
0x9d: {  	[timem:s7], [sflag:s22] =	dma.local [hbm:s5], s20  }
0x9e: {  	_ =	swait.ge [sflag:s22], s20  }
0x9f: {  	s4 =	ssub.s32 $0x0, s20;
	[sflag:s22] =	ssyncset.done $0x0  }
0xa0: {  	[sflag:s22] =	ssyncadd.s32 s4;
	_ =	sdelay $0x1  }
0xa1: {  	s23 =	simm.s32 $0x1B8B  }
0xa2: {  	_ =	swait.ge [sflag:s23], $0x1  }
0xa3: {  	[sflag:s23] =	ssyncset.done $0x0  }
0xa4: {  	s25 =	simm.s32 $0x1B8E;
	s24 =	sld [smem:$0x3FFE];
	[sflag:s23] =	ssyncadd.s32 $0xFFFFFFFF  }
0xa5: {  	s26 =	simm.s32 $execute0_lowered;
	[smem:$0x3FD2] =	sst s25  }
0xa6: {  	s5 =	sshll.u32 s26, $0x1;
	_ =	strace $0x80000046;
	[dreg:$0x1] =	wrdreg $0xFFFFFFFF  }
0xa7: {  	s28 =	simm.s32 $_size_execute0_lowered;
	s3 =	sadd.s32 s3, s5;
	[dreg:$0x0] =	wrdreg $0x0  }
0xa8: {  	s5 =	sshll.u32 s28, $0x1;
	[dreg:$0x2] =	wrdreg s3  }
0xa9: {  	[dreg:$0x3] =	wrdreg s5  }
0xaa: {  	[dreg:$0x4] =	wrdreg $0xC0  }
0xab: {  	_ =	task [dreg:s7], $0x5FFFF  }
0xac: {  	[dreg:$0x1] =	wrdreg $0xFFFFFFFF  }
0xad: {  	[dreg:$0x0] =	wrdreg $0x60  }
0xae: {  	[dreg:$0x2] =	wrdreg s2  }
0xaf: {  	[dreg:$0x3] =	wrdreg s24  }
0xb0: {  	[dreg:$0x4] =	wrdreg $0x2A800  }
0xb1: {  	[dreg:$0x5] =	wrdreg $0x9  }
0xb2: {  	_ =	task.clear_ibuf [dreg:s7], $0x6FFFF;
	_ =	strace $0x90000046  }
0xb3: {  	s29 =	simm.s32 $0x9;
	_ =	strace $0x80000048  }
0xb4: {  	_ =	swait.ge [sflag:s29], $0x1  }
0xb5: {  	[sflag:s29] =	ssyncadd.s32 $0xFFFFFFFF  }
0xb6: {  	_ =	strace $0x90000048  }
0xb7: {  	_ =	sfence  }
0xb8: {  	s30 =	sld [smem:$0x0];
	_ =	sdelay $0x2  }
0xb9: {  	s31 =	sshll.u32 s1, $0xD;
	s1 =	sshrl.u32 s1, $0x2  }
0xba: {  	s3 =	sand.u32 $0x4000, s31;
	s1 =	sadd.s32 s1, s30  }
0xbb: {  	s0 =	sor.u32 s3, s0;
	s1 =	sshll.u32 s1, $0x11  }
0xbc: {  	s0 =	sor.u32 s1, s0  }
0xbd: {  	s0 =	sadd.s32 $0x8F2B, s0  }
0xbe: {  	[sflag:s0] =	ssyncadd.remote.s32 $0x1  }
0xbf: {  	_ =	sfence.sel $0xFFFF  }
0xc0: {  	[dreg:$0x0] =	wrdreg $0xFFFFFFFF;
	(pc) =	sbr.abs _section_cstart, $3  }
0xc1: {  	[dreg:$0x1] =	wrdreg $0xFFFFFFFF  }
0xc2: {  	_ =	task.clear_ibuf [dreg:s7], $0x2FFFF;
	_ =	strace $0x9FFFFFFF  }
0xc3: {  	(tm) =	ssettm $0x7FFFFFFF  }
tec
execute0_lowered:
.L_overlay_start_1:
0x0: {  	(tag) =	ssettag $0x1  }
0x1: {  	s5 =	rddreg [dreg:$0x0]  }
0x2: {  	s4 =	rddreg [dreg:$0x1]  }
0x3: {  	s2 =	rddreg [dreg:$0x2]  }
0x4: {  	s0 =	rddreg [dreg:$0x3];
	s3 =	simm.s32 $0x0;
	s6 =	srdreg.scid  }
0x5: {  	s1 =	stileid.u32;
	s13 =	simm.s32 $0x20;
	s14 =	simm.s32 $0x10  }
0x6: {  	s15 =	simm.s32 $0x0;
	[smem:$0x7FF] =	sst s3;
	s7 =	smul.u32 $0x500, s1  }
0x7: {  	s6 =	sand.u32 $0x1, s6;
	s9 =	smul.u32 $0xA00, s1;
	s11 =	sshll.u32 s1, $0x6  }
0x8: {  	_ =	strace $0x80000047;
	s8 =	sshll.u32 s6, $0x7;
	s31 =	sshll.u32 s6, $0x4  }
0x9: {  	s6 =	ssub.s32 $0x2, s6;
	s11 =	sor.u32 $0x1C01, s11;
	s7 =	sor.u32 s8, s7  }
0xa: {  	s8 =	sor.u32 s1, s31;
	s10 =	sshrl.u32 s6, $0x1;
	s9 =	sshrl.u32 s9, $0x2  }
0xb: {  	s7 =	sshrl.u32 s7, $0x3;
	s8 =	smul.u32 $0x500, s8;
	s10 =	ssub.s32 s6, s10  }
0xc: {  	s7 =	sadd.s32 s7, s4;
	s4 =	sadd.s32 s9, s2;
	s9 =	simm.s32 $0x1  }
0xd: {  	s5 =	sadd.s32 s5, s8;
	s6 =	sadd.s32 $0x1A00, s7;
	s7 =	smax.u32 s10, $0x1  }
0xe: {  	v0 =	vimm.f32 $0.0e+00;
	v1 =	vimm.f32 $1.000000000e+00;
	s8 =	simm.s32 $0x2800;
	s10 =	simm.s32 $0x80;
	s12 =	sshrl.u32 s4, $0x3  }
.LBB2_1:
0xf: {  	[tilespmem:$0x2800] =	vst v0  }
0x10: {  	[tilespmem:$0x2810] =	vst v0  }
0x11: {  	[tilespmem:$0x2820] =	vst v0  }
0x12: {  	[tilespmem:$0x2830] =	vst v0  }
0x13: {  	[tilespmem:$0x2840] =	vst v0  }
0x14: {  	[tilespmem:$0x2850] =	vst v0  }
0x15: {  	[tilespmem:$0x2860] =	vst v0  }
0x16: {  	[tilespmem:$0x2870] =	vst v0  }
0x17: {  	[tilespmem:$0x2880] =	vst v0  }
0x18: {  	[tilespmem:$0x2890] =	vst v0  }
0x19: {  	[tilespmem:$0x28A0] =	vst v0  }
0x1a: {  	[tilespmem:$0x28B0] =	vst v0  }
0x1b: {  	[tilespmem:$0x28C0] =	vst v0  }
0x1c: {  	[tilespmem:$0x28D0] =	vst v0  }
0x1d: {  	[tilespmem:$0x28E0] =	vst v0  }
0x1e: {  	[tilespmem:$0x28F0] =	vst v0  }
0x1f: {  	[tilespmem:$0x2900] =	vst v0  }
0x20: {  	[tilespmem:$0x2910] =	vst v0  }
0x21: {  	[tilespmem:$0x2920] =	vst v0  }
0x22: {  	[tilespmem:$0x2930] =	vst v0  }
0x23: {  	[tilespmem:$0x2940] =	vst v0  }
0x24: {  	[tilespmem:$0x2950] =	vst v0  }
0x25: {  	[tilespmem:$0x2960] =	vst v0  }
0x26: {  	[tilespmem:$0x2970] =	vst v0  }
0x27: {  	[tilespmem:$0x2980] =	vst v0  }
0x28: {  	[tilespmem:$0x2990] =	vst v0  }
0x29: {  	[tilespmem:$0x29A0] =	vst v0  }
0x2a: {  	[tilespmem:$0x29B0] =	vst v0  }
0x2b: {  	[tilespmem:$0x29C0] =	vst v0  }
0x2c: {  	[tilespmem:$0x29D0] =	vst v0  }
0x2d: {  	[tilespmem:$0x29E0] =	vst v0  }
0x2e: {  	[tilespmem:$0x29F0] =	vst v0  }
0x2f: {  	[tilespmem:$0x2A00] =	vst v0  }
0x30: {  	[tilespmem:$0x2A10] =	vst v0  }
0x31: {  	[tilespmem:$0x2A20] =	vst v0  }
0x32: {  	[tilespmem:$0x2A30] =	vst v0  }
0x33: {  	[tilespmem:$0x2A40] =	vst v0  }
0x34: {  	[tilespmem:$0x2A50] =	vst v0  }
0x35: {  	[tilespmem:$0x2A60] =	vst v0  }
0x36: {  	[tilespmem:$0x2A70] =	vst v0  }
0x37: {  	[spmem:s4] =	stream.linear.scatter [tilespmem:s8], [sflag:$0x1], $0x280, $0x38;
	[tilespmem:$0x2D00] =	vst v63  }
0x38: {  	_ =	swait.ge [sflag:s9], $0x280  }
0x39: {  	[sflag:s9] =	ssyncset.done $0x0  }
0x3a: {  	[sflag:s9] =	ssyncadd.s32 $0xFFFFFD80  }
0x3b: {  	[tilespmem:s3], [sflag:$0x1] =	stream.linear.gather [hbm4b:s5+s3], $0x2800, $0x38;
	[tilespmem:$0x2D00] =	vst v63  }
0x3c: {  	_ =	swait.ge [sflag:s9], $0x2800  }
0x3d: {  	[sflag:s9] =	ssyncset.done $0x0  }
0x3e: {  	[sflag:s9] =	ssyncadd.s32 $0xFFFFD800  }
0x3f: {  	[tilespmem:$0x2800] =	vst v1  }
0x40: {  	[tilespmem:$0x2810] =	vst v1  }
0x41: {  	[tilespmem:$0x2820] =	vst v1  }
0x42: {  	[tilespmem:$0x2830] =	vst v1  }
0x43: {  	[tilespmem:$0x2840] =	vst v1  }
0x44: {  	[tilespmem:$0x2850] =	vst v1  }
0x45: {  	[tilespmem:$0x2860] =	vst v1  }
0x46: {  	[tilespmem:$0x2870] =	vst v1  }
0x47: {  	s16 =	simm.s32 $0x0;
	[bflag:$0x0] =	sbarrier.arrive $0xFFFF  }
0x48: {  	[spmem:s2] =	stream.indirect.scatter.add.f32 [tilespmem:s8], [sflag:$0x1], $0x1, s16, s10, $0xb8;
	[tilespmem:$0x2D00] =	vst v63  }
0x49: {  	_ =	swait.ge [sflag:s9], $0x80  }
0x4a: {  	s16 =	simm.s32 $0x200;
	[sflag:s9] =	ssyncset.done $0x0  }
.LBB2_2:
0x4b: {  	s17 =	sshra.s32 s16, $0x2;
	[sflag:s9] =	ssyncadd.s32 $0xFFFFFF80;
	p0 =	sne.s32 s16, $0x9E00  }
0x4c: {  	[spmem:s2] =	stream.indirect.scatter.add.f32 [tilespmem:s8], [sflag:$0x1], $0x1, s17, s10, $0xb8;
	[tilespmem:$0x2D00] =	vst v63  }
.Ltmp0:
0x4d: {  	_ = 	snop;
	(pc) =	sbr.rel @p0 .LBB2_2-.Ltmp0, $4  }
0x4e: {  	_ = 	snop  }
0x4f: {  	s16 =	sadd.s32 $0x200, s16  }
0x50: {  	_ =	swait.ge [sflag:s9], $0x80  }
0x51: {  	[sflag:s9] =	ssyncset.done $0x0  }
0x52: {  	s15 =	sadd.s32 $0x1, s15  }
0x53: {  	[sflag:s9] =	ssyncadd.s32 $0xFFFFFF80;
	p0 =	sne.s32 s15, s7  }
.Ltmp1:
0x54: {  	[bflag:$0x0] =	sbarrier.arrive $0xFFFF;
	(pc) =	sbr.rel @p0 .LBB2_1-.Ltmp1, $4  }
0x55: {  	[hbm:s6@s13], [sflag:s11] =	dma.strided [spmem:s12@s14], $0x50, s9, $0x10   }
0x56: {  	_ =	swait.ge [sflag:s9], $0x50  }
0x57: {  	[sflag:s9] =	ssyncset.done $0x0  }
0x58: {  	[sflag:s9] =	ssyncadd.s32 $0xFFFFFFB0  }
0x59: {  	_ =	sfence.sel $0x180000  }
0x5a: {  	[bflag:$0x0] =	sbarrier.arrive $0xFFFF  }
0x5b: {  	p0 =	sne.s32 s1, $0x0;
	_ =	strace $0x90000047  }
0x5c: {  	s0 =	sadd.s32 @!p0 $0x100000, s0;
	[bflag:$0x2] =	sbarrier.arrive $0xFFFF  }
0x5d: {  	[sflag:s0] =	ssyncadd.tile.s32 @!p0 $0x1;
	_ =	shalt  }
.Lfunc_end2:
_tile_overlayer_lowered:
.L_overlay_start_2:
0x5e: {  	(tag) =	ssettag $0x2  }
0x5f: {  	s0 =	rddreg [dreg:$0x0];
	s2 =	stileid.u32  }
0x60: {  	s1 =	rddreg [dreg:$0x1];
	p0 =	sne.s32 s2, $0x0  }
0x61: {  	s3 =	rddreg [dreg:$0x2];
	[bflag:$0x3] =	sbarrier.arrive $0xFFFF;
	s2 =	simm.s32 @!p0 $0x1C01  }
0x62: {  	[timem:s3], [sflag:s2] =	dma.local @!p0 [hbm:s0], s1  }
0x63: {  	s0 =	simm.s32 @!p0 $0x1  }
0x64: {  	_ =	swait.ge @!p0 [sflag:s0], s1  }
0x65: {  	s1 =	ssub.s32 @!p0 $0x0, s1;
	[sflag:s0] =	ssyncset.done @!p0 $0x0  }
0x66: {  	[sflag:s0] =	ssyncadd.s32 @!p0 s1  }
0x67: {  	[bflag:$0x3] =	sbarrier.arrive $0xFFFF  }
0x68: {  	_ =	shalt  }

</sc_bundles>
